<compile_context>
chip_gen: v7x
topology: tpu7x:2x2x1
jax: 0.10.2.dev20260603
libtpu: 0.0.44.dev20260713+nightly
codegen_flags: <defaults>
</compile_context>

<pallas_src>
import functools

import jax
import jax.numpy as jnp
from jax import lax
from jax.experimental import pallas as pl
from jax.experimental.pallas import tpu as pltpu
from jax.experimental.pallas import tpu_sc as plsc

N = 10000
E = 320000
D = 128
DE = 144
NEG = 0.2
NC, NS = 2, 16
NW = NC * NS
EPT = E // NW
K = 64
SUP = 4
NSUP = 40
CH = SUP * NSUP
NPT = N // NS
NP = 10240
BLK1 = 1024
BLK = 1000


MAXPOS = NP - 128


def _tc1_body(x_ref, w_ref, wb_ref, aw_ref, ab_ref,
              hext_ref, st_ref, sn_ref, smax_ref):
    i = pl.program_id(0)
    hb = lax.dot_general(
        x_ref[...], w_ref[...], (((1,), (1,)), ((), ())),
        preferred_element_type=jnp.float32,
        precision=lax.Precision.HIGHEST) + wb_ref[...]
    extra = (lax.broadcasted_iota(jnp.int32, (BLK1, DE - D), 1) == 0)
    hext_ref[...] = jnp.concatenate([hb, extra.astype(jnp.float32)], axis=1)
    sv = lax.dot_general(
        aw_ref[...], hb, (((1,), (1,)), ((), ())),
        preferred_element_type=jnp.float32,
        precision=lax.Precision.HIGHEST) + ab_ref[...]
    st_ref[...] = sv[0]
    sn_ref[...] = sv[1]
    row = i * BLK1 + lax.broadcasted_iota(jnp.int32, (2, BLK1), 1)
    svm = jnp.where(row < N, sv, -jnp.inf)
    bmax = jnp.max(svm, axis=1)

    @pl.when(i == 0)
    def _():
        smax_ref[0] = -jnp.inf
        smax_ref[1] = -jnp.inf

    smax_ref[0] = jnp.maximum(smax_ref[0], bmax[0])
    smax_ref[1] = jnp.maximum(smax_ref[1], bmax[1])

    @pl.when(i == NP // BLK1 - 1)
    def _():
        off = pl.multiple_of(MAXPOS - i * BLK1, 128)
        st_ref[pl.ds(off, 128)] = jnp.full((128,), smax_ref[0], jnp.float32)
        sn_ref[pl.ds(off, 128)] = jnp.full((128,), smax_ref[1], jnp.float32)


def _tc2_body(agg_ref, hext_ref, g_ref, b_ref, o_ref):
    a = agg_ref[0] + agg_ref[1]
    den = a[:, D:D + 1] + 1e-16
    xx = a[:, :D] / den + hext_ref[:, :D]
    xx = jnp.where(xx > 0, xx, jnp.exp(jnp.minimum(xx, 0.0)) - 1.0)
    mean = jnp.mean(xx, axis=1, keepdims=True)
    xc = xx - mean
    var = jnp.mean(xc * xc, axis=1, keepdims=True)
    y = xc * lax.rsqrt(var + 1e-5)
    o_ref[...] = y * g_ref[...] + b_ref[...]


def _sc_body(tgt_hbm, nbr_hbm, st_hbm, sn_hbm, hext_hbm, out_hbm,
             s_t, s_n, c16_v,
             tA, nA, pA, tB, nB, pB, hbuf0, hbuf1, agg,
             semiA, semiB, semh0, semh1):
    cid = lax.axis_index("c")
    sid = lax.axis_index("s")

    pltpu.sync_copy(st_hbm.at[pl.ds(0, N)], s_t)
    pltpu.sync_copy(sn_hbm.at[pl.ds(0, N)], s_n)

    pltpu.sync_copy(st_hbm.at[pl.ds(MAXPOS, 16)], c16_v)
    cbt = c16_v[...]
    pltpu.sync_copy(sn_hbm.at[pl.ds(MAXPOS, 16)], c16_v)
    cb = cbt + c16_v[...]
    C = jnp.where(cb > 0, cb, NEG * cb)

    def issue_idx(ss, t_b, n_b, semi):
        pltpu.async_copy(tgt_hbm.at[cid, sid, pl.ds(ss * SUP, SUP)], t_b, semi)
        pltpu.async_copy(nbr_hbm.at[cid, sid, pl.ds(ss * SUP, SUP)], n_b, semi)

    def wait_idx(ss, t_b, n_b, semi):
        pltpu.make_async_copy(
            tgt_hbm.at[cid, sid, pl.ds(ss * SUP, SUP)], t_b, semi).wait()
        pltpu.make_async_copy(
            nbr_hbm.at[cid, sid, pl.ds(ss * SUP, SUP)], n_b, semi).wait()

    def compute_p(ss, t_b, n_b, p_b):
        for cc in range(SUP):
            for g in range(K // 16):
                sl = pl.ds(g * 16, 16)
                e = (plsc.load_gather(s_t, [t_b[cc, sl]])
                     + plsc.load_gather(s_n, [n_b[cc, sl]]))
                e = jnp.where(e > 0, e, NEG * e)
                p = jnp.exp(e - C)
                eidx = (ss * (SUP * K) + (cc * K + g * 16)
                        + lax.iota(jnp.int32, 16))
                p_b[cc, sl] = jnp.where(eidx < EPT, p, 0.0)

    def issue_hext(n_b, cc, hbuf, semh):
        pltpu.async_copy(hext_hbm.at[n_b.at[cc]], hbuf, semh)

    def wait_hext(n_b, cc, hbuf, semh):
        pltpu.make_async_copy(hext_hbm.at[n_b.at[cc]], hbuf, semh).wait()

    def scale(p_b, cc, hbuf):
        cc16 = jnp.full((16,), cc, jnp.int32)

        def body(k, carry):
            pk = plsc.load_gather(p_b, [cc16, jnp.full((16,), k, jnp.int32)])
            for m in range(DE // 16):
                sl = pl.ds(m * 16, 16)
                hbuf[k, sl] = hbuf[k, sl] * pk
            return carry

        lax.fori_loop(0, K, body, 0)

    def scatter(t_b, cc, hbuf):
        pltpu.sync_copy(hbuf, agg.at[t_b.at[cc]], add=True)

    zero16 = jnp.zeros((16,), jnp.float32)

    def zrow(r, carry):
        for m in range(DE // 16):
            hbuf0[r, pl.ds(m * 16, 16)] = zero16
        return carry

    lax.fori_loop(0, K, zrow, 0)
    base = sid * NPT
    for i in range(NPT // K):
        pltpu.sync_copy(hbuf0.at[pl.ds(0, K)],
                        agg.at[pl.ds(base + i * K, K)])
    rem = NPT - (NPT // K) * K
    if rem:
        pltpu.sync_copy(hbuf0.at[pl.ds(0, rem)],
                        agg.at[pl.ds(base + NPT - rem, rem)])

    issue_idx(0, tA, nA, semiA)
    issue_idx(1, tB, nB, semiB)
    wait_idx(0, tA, nA, semiA)
    compute_p(0, tA, nA, pA)
    issue_hext(nA, 0, hbuf0, semh0)
    issue_hext(nA, 1, hbuf1, semh1)

    plsc.subcore_barrier()

    hbufs = ((hbuf0, semh0), (hbuf1, semh1))

    def run_super(sc, cur, nxt, semi_cur, semi_nxt):
        t_c, n_c, p_c = cur
        t_n, n_n, p_n = nxt
        for cc in (0, 1):
            hbuf, semh = hbufs[cc]
            wait_hext(n_c, cc, hbuf, semh)
            scale(p_c, cc, hbuf)
            scatter(t_c, cc, hbuf)
            issue_hext(n_c, cc + 2, hbuf, semh)
        nxt_exists = sc + 1 < NSUP

        @pl.when(nxt_exists)
        def _():
            wait_idx(sc + 1, t_n, n_n, semi_nxt)

        for cc in (2, 3):
            hbuf, semh = hbufs[cc % 2]
            wait_hext(n_c, cc, hbuf, semh)
            scale(p_c, cc, hbuf)
            scatter(t_c, cc, hbuf)

            @pl.when(nxt_exists)
            def _():
                issue_hext(n_n, cc - 2, hbuf, semh)

        @pl.when(nxt_exists)
        def _():
            compute_p(sc + 1, t_n, n_n, p_n)

        @pl.when(sc + 2 < NSUP)
        def _():
            issue_idx(sc + 2, t_c, n_c, semi_cur)

    bufsA = (tA, nA, pA)
    bufsB = (tB, nB, pB)

    def outer(j, carry):
        run_super(2 * j, bufsA, bufsB, semiA, semiB)
        run_super(2 * j + 1, bufsB, bufsA, semiB, semiA)
        return carry

    lax.fori_loop(0, NSUP // 2, outer, 0)

    plsc.subcore_barrier()
    pltpu.sync_copy(agg.at[pl.ds(base, NPT)],
                    out_hbm.at[cid, pl.ds(base, NPT)])


@functools.lru_cache(maxsize=1)
def _sc_edge_phase():
    mesh = plsc.VectorSubcoreMesh(core_axis_name="c", subcore_axis_name="s")
    return pl.kernel(
        _sc_body,
        out_type=jax.ShapeDtypeStruct((NC, N, DE), jnp.float32),
        mesh=mesh,
        compiler_params=pltpu.CompilerParams(use_tc_tiling_on_sc=False,
                                             needs_layout_passes=False),
        scratch_types=[
            pltpu.VMEM((N,), jnp.float32),
            pltpu.VMEM((N,), jnp.float32),
            pltpu.VMEM((16,), jnp.float32),
            pltpu.VMEM((SUP, K), jnp.int32),
            pltpu.VMEM((SUP, K), jnp.int32),
            pltpu.VMEM((SUP, K), jnp.float32),
            pltpu.VMEM((SUP, K), jnp.int32),
            pltpu.VMEM((SUP, K), jnp.int32),
            pltpu.VMEM((SUP, K), jnp.float32),
            pltpu.VMEM((K, DE), jnp.float32),
            pltpu.VMEM((K, DE), jnp.float32),
            pltpu.VMEM_SHARED((N, DE), jnp.float32),
            pltpu.SemaphoreType.DMA,
            pltpu.SemaphoreType.DMA,
            pltpu.SemaphoreType.DMA,
            pltpu.SemaphoreType.DMA,
        ],
    )


def kernel(node_features, edge_index, w_weight, w_bias, attn_weight,
           attn_bias, ln_gamma, ln_beta):
    x = node_features.astype(jnp.float32)
    tgt = edge_index[0].astype(jnp.int32).reshape(NW, EPT)
    nbr = edge_index[1].astype(jnp.int32).reshape(NW, EPT)
    pad = CH * K - EPT
    tgt4 = jnp.pad(tgt, ((0, 0), (0, pad))).reshape(NC, NS, CH, K)
    nbr4 = jnp.pad(nbr, ((0, 0), (0, pad))).reshape(NC, NS, CH, K)
    aw2 = attn_weight.reshape(2, D).astype(jnp.float32)
    ab2 = jnp.stack([attn_bias[0].astype(jnp.float32),
                     jnp.zeros((), jnp.float32)]).reshape(2, 1)
    wb = w_bias.reshape(1, D).astype(jnp.float32)

    xp = jnp.pad(x, ((0, NP - N), (0, 0)))
    hext, s_t, s_n = pl.pallas_call(
        _tc1_body,
        grid=(NP // BLK1,),
        in_specs=[
            pl.BlockSpec((BLK1, D), lambda i: (i, 0)),
            pl.BlockSpec((D, D), lambda i: (0, 0)),
            pl.BlockSpec((1, D), lambda i: (0, 0)),
            pl.BlockSpec((2, D), lambda i: (0, 0)),
            pl.BlockSpec((2, 1), lambda i: (0, 0)),
        ],
        out_specs=[
            pl.BlockSpec((BLK1, DE), lambda i: (i, 0)),
            pl.BlockSpec((BLK1,), lambda i: (i,)),
            pl.BlockSpec((BLK1,), lambda i: (i,)),
        ],
        out_shape=[
            jax.ShapeDtypeStruct((NP, DE), jnp.float32),
            jax.ShapeDtypeStruct((NP,), jnp.float32),
            jax.ShapeDtypeStruct((NP,), jnp.float32),
        ],
        scratch_shapes=[pltpu.SMEM((2,), jnp.float32)],
    )(xp, w_weight.astype(jnp.float32), wb, aw2, ab2)

    agg = _sc_edge_phase()(tgt4, nbr4, s_t, s_n, hext)

    out = pl.pallas_call(
        _tc2_body,
        grid=(N // BLK,),
        in_specs=[
            pl.BlockSpec((2, BLK, DE), lambda i: (0, i, 0)),
            pl.BlockSpec((BLK, DE), lambda i: (i, 0)),
            pl.BlockSpec((1, D), lambda i: (0, 0)),
            pl.BlockSpec((1, D), lambda i: (0, 0)),
        ],
        out_specs=pl.BlockSpec((BLK, D), lambda i: (i, 0)),
        out_shape=jax.ShapeDtypeStruct((N, D), jnp.float32),
    )(agg, hext, ln_gamma.reshape(1, D).astype(jnp.float32),
      ln_beta.reshape(1, D).astype(jnp.float32))
    return out

# --- scband reference (transcript-rebuilt; emitter-appended) ---
"""Pipeline reference for scband-graph-attention-layer-skip-45028437131375 (READ-ONLY COPY).

The authoritative reference and input builder live on the scoring server;
editing this copy changes nothing except your own understanding.
"""

import jax, jax.numpy as jnp
import numpy as np

N_NODES = 10000
N_EDGES = 320000
D_FEAT = 128
D_HID = 128
NEG_SLOPE = 0.2


def setup_inputs(seed: int = 0) -> dict:
    key = jax.random.key(seed)
    ks = jax.random.split(key, 8)
    node_features = jax.random.normal(ks[0], (N_NODES, D_FEAT), dtype=jnp.float32)
    edge_index = jax.random.randint(ks[1], (2, N_EDGES), 0, N_NODES, dtype=jnp.int64)
    # Linear w: (D_FEAT -> D_HID), torch layout weight [out, in]
    w_weight = jax.random.normal(ks[2], (D_HID, D_FEAT), dtype=jnp.float32) * (1.0 / np.sqrt(D_FEAT))
    w_bias = jax.random.normal(ks[3], (D_HID,), dtype=jnp.float32) * 0.01
    # Linear attn: (2*D_HID -> 1)
    attn_weight = jax.random.normal(ks[4], (1, 2 * D_HID), dtype=jnp.float32) * (1.0 / np.sqrt(2 * D_HID))
    attn_bias = jax.random.normal(ks[5], (1,), dtype=jnp.float32) * 0.01
    ln_gamma = jnp.ones((D_HID,), dtype=jnp.float32)
    ln_beta = jnp.zeros((D_HID,), dtype=jnp.float32)
    return {
        'node_features': node_features,
        'edge_index': edge_index,
        'w_weight': w_weight,
        'w_bias': w_bias,
        'attn_weight': attn_weight,
        'attn_bias': attn_bias,
        'ln_gamma': ln_gamma,
        'ln_beta': ln_beta,
    }


def reference(node_features, edge_index, w_weight, w_bias, attn_weight, attn_bias, ln_gamma, ln_beta):
    n_nodes = node_features.shape[0]
    h = node_features @ w_weight.T + w_bias  # [N, D_HID]
    target_nodes = edge_index[0]
    neighbor_nodes = edge_index[1]
    h_i = jnp.take(h, target_nodes, axis=0)
    h_j = jnp.take(h, neighbor_nodes, axis=0)
    h_concat = jnp.concatenate([h_i, h_j], axis=-1)  # [E, 2*D_HID]
    eij = h_concat @ attn_weight.T + attn_bias  # [E, 1]
    eij = jax.nn.leaky_relu(eij, negative_slope=NEG_SLOPE)
    # scatter_softmax over edges grouped by target node (dropout p=0 -> identity)
    seg_max = jax.ops.segment_max(eij, target_nodes, num_segments=n_nodes)
    seg_max = jnp.where(jnp.isfinite(seg_max), seg_max, 0.0)
    e_exp = jnp.exp(eij - jnp.take(seg_max, target_nodes, axis=0))
    denom = jax.ops.segment_sum(e_exp, target_nodes, num_segments=n_nodes)
    alpha = e_exp / (jnp.take(denom, target_nodes, axis=0) + 1e-16)  # [E, 1]
    message = alpha * h_j  # [E, D_HID]
    aggregated = jax.ops.segment_sum(message, target_nodes, num_segments=n_nodes)
    out = aggregated + h  # skip connection
    out = jax.nn.elu(out)
    # LayerNorm over last dim (eps=1e-5, matching torch default)
    mean = jnp.mean(out, axis=-1, keepdims=True)
    var = jnp.var(out, axis=-1, keepdims=True)
    out = (out - mean) / jnp.sqrt(var + 1e-5)
    return out * ln_gamma + ln_beta

if __name__ == "__main__":
    import jax
    _d = setup_inputs()
    print(jax.jit(kernel)(*tuple(_d.values())))

</pallas_src>

<mosaic_0001>
#map = affine_map<(d0, d1) -> (0, 0, 0, 0)>
#map1 = affine_map<(d0, d1) -> (0)>
#map2 = affine_map<(d0, d1) -> (0, 0)>
#map3 = affine_map<(d0, d1) -> (0, 0, 0)>
module attributes {stable_mosaic.version = 14 : i64} {
  func.func @_sc_body(%arg0: i32, %arg1: i32, %arg2: memref<2x16x160x64xi32, #tpu.memory_space<hbm>>, %arg3: memref<2x16x160x64xi32, #tpu.memory_space<hbm>>, %arg4: memref<10240xf32, #tpu.memory_space<hbm>>, %arg5: memref<10240xf32, #tpu.memory_space<hbm>>, %arg6: memref<10240x144xf32, #tpu.memory_space<hbm>>, %arg7: memref<2x10000x144xf32, #tpu.memory_space<hbm>>, %arg8: memref<10000xf32, #tpu.memory_space<vmem>>, %arg9: memref<10000xf32, #tpu.memory_space<vmem>>, %arg10: memref<16xf32, #tpu.memory_space<vmem>>, %arg11: memref<4x64xi32, #tpu.memory_space<vmem>>, %arg12: memref<4x64xi32, #tpu.memory_space<vmem>>, %arg13: memref<4x64xf32, #tpu.memory_space<vmem>>, %arg14: memref<4x64xi32, #tpu.memory_space<vmem>>, %arg15: memref<4x64xi32, #tpu.memory_space<vmem>>, %arg16: memref<4x64xf32, #tpu.memory_space<vmem>>, %arg17: memref<64x144xf32, #tpu.memory_space<vmem>>, %arg18: memref<64x144xf32, #tpu.memory_space<vmem>>, %arg19: memref<10000x144xf32, #tpu.memory_space<vmem_shared>>, %arg20: memref<!tpu.dma_semaphore, #tpu.memory_space<semaphore_mem>>, %arg21: memref<!tpu.dma_semaphore, #tpu.memory_space<semaphore_mem>>, %arg22: memref<!tpu.dma_semaphore, #tpu.memory_space<semaphore_mem>>, %arg23: memref<!tpu.dma_semaphore, #tpu.memory_space<semaphore_mem>>) attributes {dimension_semantics = [#tpu.dimension_semantics<core_parallel>, #tpu.dimension_semantics<subcore_parallel>], iteration_bounds = array<i64: 2, 16>, scalar_prefetch = 0 : i64, scratch_operands = 16 : i64, tpu.core_type = #tpu.core_type<sc_vector_subcore>, window_params = [{transform_indices = #map}, {transform_indices = #map}, {transform_indices = #map1}, {transform_indices = #map1}, {transform_indices = #map2}, {transform_indices = #map3}]} {
    "tpu.region"() ({
      %run_scoped3A = tpu.sem_alloc : memref<!tpu.dma_semaphore, #tpu.memory_space<semaphore_mem>>
      %dma_start3A_641 = arith.constant 0 : i32
      %dma_start3A_642 = tpu.memref_slice %arg4[%dma_start3A_641] : memref<10240xf32, #tpu.memory_space<hbm>> -> memref<10000xf32, #tpu.memory_space<hbm>>
      %dma_start3A_643 = arith.constant 0 : i32
      %dma_start3A_644 = tpu.memref_slice %arg4[%dma_start3A_643] : memref<10240xf32, #tpu.memory_space<hbm>> -> memref<10000xf32, #tpu.memory_space<hbm>>
      tpu.enqueue_dma source(%dma_start3A_644 : memref<10000xf32, #tpu.memory_space<hbm>>) target(%arg8 : memref<10000xf32, #tpu.memory_space<vmem>>) target_semaphore(%run_scoped3A : memref<!tpu.dma_semaphore, #tpu.memory_space<semaphore_mem>>)
      %dma_wait3A_645 = arith.constant 0 : i32
      %dma_wait3A_646 = tpu.memref_slice %arg4[%dma_wait3A_645] : memref<10240xf32, #tpu.memory_space<hbm>> -> memref<10000xf32, #tpu.memory_space<hbm>>
      %dma_wait3A_647 = arith.constant 0 : i32
      %dma_wait3A_648 = tpu.memref_slice %arg4[%dma_wait3A_647] : memref<10240xf32, #tpu.memory_space<hbm>> -> memref<10000xf32, #tpu.memory_space<hbm>>
      tpu.wait_dma2 semaphore(%run_scoped3A : memref<!tpu.dma_semaphore, #tpu.memory_space<semaphore_mem>>) src(%dma_wait3A_648 : memref<10000xf32, #tpu.memory_space<hbm>>) dst(%arg8 : memref<10000xf32, #tpu.memory_space<vmem>>)
      tpu.yield
    }) : () -> ()
    "tpu.region"() ({
      %run_scoped3A = tpu.sem_alloc : memref<!tpu.dma_semaphore, #tpu.memory_space<semaphore_mem>>
      %dma_start3A_641 = arith.constant 0 : i32
      %dma_start3A_642 = tpu.memref_slice %arg5[%dma_start3A_641] : memref<10240xf32, #tpu.memory_space<hbm>> -> memref<10000xf32, #tpu.memory_space<hbm>>
      %dma_start3A_643 = arith.constant 0 : i32
      %dma_start3A_644 = tpu.memref_slice %arg5[%dma_start3A_643] : memref<10240xf32, #tpu.memory_space<hbm>> -> memref<10000xf32, #tpu.memory_space<hbm>>
      tpu.enqueue_dma source(%dma_start3A_644 : memref<10000xf32, #tpu.memory_space<hbm>>) target(%arg9 : memref<10000xf32, #tpu.memory_space<vmem>>) target_semaphore(%run_scoped3A : memref<!tpu.dma_semaphore, #tpu.memory_space<semaphore_mem>>)
      %dma_wait3A_645 = arith.constant 0 : i32
      %dma_wait3A_646 = tpu.memref_slice %arg5[%dma_wait3A_645] : memref<10240xf32, #tpu.memory_space<hbm>> -> memref<10000xf32, #tpu.memory_space<hbm>>
      %dma_wait3A_647 = arith.constant 0 : i32
      %dma_wait3A_648 = tpu.memref_slice %arg5[%dma_wait3A_647] : memref<10240xf32, #tpu.memory_space<hbm>> -> memref<10000xf32, #tpu.memory_space<hbm>>
      tpu.wait_dma2 semaphore(%run_scoped3A : memref<!tpu.dma_semaphore, #tpu.memory_space<semaphore_mem>>) src(%dma_wait3A_648 : memref<10000xf32, #tpu.memory_space<hbm>>) dst(%arg9 : memref<10000xf32, #tpu.memory_space<vmem>>)
      tpu.yield
    }) : () -> ()
    "tpu.region"() ({
      %run_scoped3A = tpu.sem_alloc : memref<!tpu.dma_semaphore, #tpu.memory_space<semaphore_mem>>
      %dma_start3A_641 = arith.constant 10112 : i32
      %dma_start3A_642 = tpu.memref_slice %arg4[%dma_start3A_641] : memref<10240xf32, #tpu.memory_space<hbm>> -> memref<16xf32, #tpu.memory_space<hbm>>
      %dma_start3A_643 = arith.constant 10112 : i32
      %dma_start3A_644 = tpu.memref_slice %arg4[%dma_start3A_643] : memref<10240xf32, #tpu.memory_space<hbm>> -> memref<16xf32, #tpu.memory_space<hbm>>
      tpu.enqueue_dma source(%dma_start3A_644 : memref<16xf32, #tpu.memory_space<hbm>>) target(%arg10 : memref<16xf32, #tpu.memory_space<vmem>>) target_semaphore(%run_scoped3A : memref<!tpu.dma_semaphore, #tpu.memory_space<semaphore_mem>>)
      %dma_wait3A_645 = arith.constant 10112 : i32
      %dma_wait3A_646 = tpu.memref_slice %arg4[%dma_wait3A_645] : memref<10240xf32, #tpu.memory_space<hbm>> -> memref<16xf32, #tpu.memory_space<hbm>>
      %dma_wait3A_647 = arith.constant 10112 : i32
      %dma_wait3A_648 = tpu.memref_slice %arg4[%dma_wait3A_647] : memref<10240xf32, #tpu.memory_space<hbm>> -> memref<16xf32, #tpu.memory_space<hbm>>
      tpu.wait_dma2 semaphore(%run_scoped3A : memref<!tpu.dma_semaphore, #tpu.memory_space<semaphore_mem>>) src(%dma_wait3A_648 : memref<16xf32, #tpu.memory_space<hbm>>) dst(%arg10 : memref<16xf32, #tpu.memory_space<vmem>>)
      tpu.yield
    }) : () -> ()
    %get3A = arith.constant 0 : index
    %get3A_0 = tpu.vector_load %arg10[%get3A] {strides = array<i32>} : memref<16xf32, #tpu.memory_space<vmem>>, vector<16xf32>,
    "tpu.region"() ({
      %run_scoped3A = tpu.sem_alloc : memref<!tpu.dma_semaphore, #tpu.memory_space<semaphore_mem>>
      %dma_start3A_641 = arith.constant 10112 : i32
      %dma_start3A_642 = tpu.memref_slice %arg5[%dma_start3A_641] : memref<10240xf32, #tpu.memory_space<hbm>> -> memref<16xf32, #tpu.memory_space<hbm>>
      %dma_start3A_643 = arith.constant 10112 : i32
      %dma_start3A_644 = tpu.memref_slice %arg5[%dma_start3A_643] : memref<10240xf32, #tpu.memory_space<hbm>> -> memref<16xf32, #tpu.memory_space<hbm>>
      tpu.enqueue_dma source(%dma_start3A_644 : memref<16xf32, #tpu.memory_space<hbm>>) target(%arg10 : memref<16xf32, #tpu.memory_space<vmem>>) target_semaphore(%run_scoped3A : memref<!tpu.dma_semaphore, #tpu.memory_space<semaphore_mem>>)
      %dma_wait3A_645 = arith.constant 10112 : i32
      %dma_wait3A_646 = tpu.memref_slice %arg5[%dma_wait3A_645] : memref<10240xf32, #tpu.memory_space<hbm>> -> memref<16xf32, #tpu.memory_space<hbm>>
      %dma_wait3A_647 = arith.constant 10112 : i32
      %dma_wait3A_648 = tpu.memref_slice %arg5[%dma_wait3A_647] : memref<10240xf32, #tpu.memory_space<hbm>> -> memref<16xf32, #tpu.memory_space<hbm>>
      tpu.wait_dma2 semaphore(%run_scoped3A : memref<!tpu.dma_semaphore, #tpu.memory_space<semaphore_mem>>) src(%dma_wait3A_648 : memref<16xf32, #tpu.memory_space<hbm>>) dst(%arg10 : memref<16xf32, #tpu.memory_space<vmem>>)
      tpu.yield
    }) : () -> ()
    %get3A_1 = arith.constant 0 : index
    %get3A_2 = tpu.vector_load %arg10[%get3A_1] {strides = array<i32>} : memref<16xf32, #tpu.memory_space<vmem>>, vector<16xf32>,
    %add3A = arith.addf %get3A_0, %get3A_2 : vector<16xf32>
    %gt3A = arith.constant 0.000000e+00 : f32
    %gt3A_3 = vector.broadcast %gt3A : f32 to vector<16xf32>
    %gt3A_4 = arith.cmpf ogt, %add3A, %gt3A_3 : vector<16xf32>
    %mul3A = arith.constant 2.000000e-01 : f32
    %mul3A_5 = vector.broadcast %mul3A : f32 to vector<16xf32>
    %mul3A_6 = arith.mulf %mul3A_5, %add3A : vector<16xf32>
    %select_n3A = arith.select %gt3A_4, %add3A, %mul3A_6 : vector<16xi1>, vector<16xf32>
    %broadcast_in_dim3A = arith.constant 0.000000e+00 : f32
    %broadcast_in_dim3A_7 = vector.broadcast %broadcast_in_dim3A : f32 to vector<16xf32>
    %scan3A = arith.constant 0 : i32
    %scan3A_8 = arith.constant 0 : i32
    %scan3A_9 = arith.constant 64 : i32
    %scan3A_10 = arith.addi %scan3A_8, %scan3A_9 : i32
    %scan3A_11 = arith.constant 1 : i32
    scf.for %scan3A_641 = %scan3A_8 to %scan3A_10 step %scan3A_11  : i32 {
      %swap3A_642 = arith.index_cast %scan3A_641 : i32 to index
      %swap3A_643 = arith.constant 0 : index
      %swap3A_644 = tpu.vector_load %arg17[%swap3A_642, %swap3A_643] {strides = array<i32>} : memref<64x144xf32, #tpu.memory_space<vmem>>, vector<16xf32>,
      tpu.vector_store %arg17[%swap3A_642, %swap3A_643], %broadcast_in_dim3A_7 {strides = array<i32>} : memref<64x144xf32, #tpu.memory_space<vmem>>, vector<16xf32>,
      %swap3A_645 = arith.index_cast %scan3A_641 : i32 to index
      %swap3A_646 = arith.constant 16 : index
      %swap3A_647 = tpu.vector_load %arg17[%swap3A_645, %swap3A_646] {strides = array<i32>} : memref<64x144xf32, #tpu.memory_space<vmem>>, vector<16xf32>,
      tpu.vector_store %arg17[%swap3A_645, %swap3A_646], %broadcast_in_dim3A_7 {strides = array<i32>} : memref<64x144xf32, #tpu.memory_space<vmem>>, vector<16xf32>,
      %swap3A_648 = arith.index_cast %scan3A_641 : i32 to index
      %swap3A_649 = arith.constant 32 : index
      %swap3A_650 = tpu.vector_load %arg17[%swap3A_648, %swap3A_649] {strides = array<i32>} : memref<64x144xf32, #tpu.memory_space<vmem>>, vector<16xf32>,
      tpu.vector_store %arg17[%swap3A_648, %swap3A_649], %broadcast_in_dim3A_7 {strides = array<i32>} : memref<64x144xf32, #tpu.memory_space<vmem>>, vector<16xf32>,
      %swap3A_651 = arith.index_cast %scan3A_641 : i32 to index
      %swap3A_652 = arith.constant 48 : index
      %swap3A_653 = tpu.vector_load %arg17[%swap3A_651, %swap3A_652] {strides = array<i32>} : memref<64x144xf32, #tpu.memory_space<vmem>>, vector<16xf32>,
      tpu.vector_store %arg17[%swap3A_651, %swap3A_652], %broadcast_in_dim3A_7 {strides = array<i32>} : memref<64x144xf32, #tpu.memory_space<vmem>>, vector<16xf32>,
      %swap3A_654 = arith.index_cast %scan3A_641 : i32 to index
      %swap3A_655 = arith.constant 64 : index
      %swap3A_656 = tpu.vector_load %arg17[%swap3A_654, %swap3A_655] {strides = array<i32>} : memref<64x144xf32, #tpu.memory_space<vmem>>, vector<16xf32>,
      tpu.vector_store %arg17[%swap3A_654, %swap3A_655], %broadcast_in_dim3A_7 {strides = array<i32>} : memref<64x144xf32, #tpu.memory_space<vmem>>, vector<16xf32>,
      %swap3A_657 = arith.index_cast %scan3A_641 : i32 to index
      %swap3A_658 = arith.constant 80 : index
      %swap3A_659 = tpu.vector_load %arg17[%swap3A_657, %swap3A_658] {strides = array<i32>} : memref<64x144xf32, #tpu.memory_space<vmem>>, vector<16xf32>,
      tpu.vector_store %arg17[%swap3A_657, %swap3A_658], %broadcast_in_dim3A_7 {strides = array<i32>} : memref<64x144xf32, #tpu.memory_space<vmem>>, vector<16xf32>,
      %swap3A_660 = arith.index_cast %scan3A_641 : i32 to index
      %swap3A_661 = arith.constant 96 : index
      %swap3A_662 = tpu.vector_load %arg17[%swap3A_660, %swap3A_661] {strides = array<i32>} : memref<64x144xf32, #tpu.memory_space<vmem>>, vector<16xf32>,
      tpu.vector_store %arg17[%swap3A_660, %swap3A_661], %broadcast_in_dim3A_7 {strides = array<i32>} : memref<64x144xf32, #tpu.memory_space<vmem>>, vector<16xf32>,
      %swap3A_663 = arith.index_cast %scan3A_641 : i32 to index
      %swap3A_664 = arith.constant 112 : index
      %swap3A_665 = tpu.vector_load %arg17[%swap3A_663, %swap3A_664] {strides = array<i32>} : memref<64x144xf32, #tpu.memory_space<vmem>>, vector<16xf32>,
      tpu.vector_store %arg17[%swap3A_663, %swap3A_664], %broadcast_in_dim3A_7 {strides = array<i32>} : memref<64x144xf32, #tpu.memory_space<vmem>>, vector<16xf32>,
      %swap3A_666 = arith.index_cast %scan3A_641 : i32 to index
      %swap3A_667 = arith.constant 128 : index
      %swap3A_668 = tpu.vector_load %arg17[%swap3A_666, %swap3A_667] {strides = array<i32>} : memref<64x144xf32, #tpu.memory_space<vmem>>, vector<16xf32>,
      tpu.vector_store %arg17[%swap3A_666, %swap3A_667], %broadcast_in_dim3A_7 {strides = array<i32>} : memref<64x144xf32, #tpu.memory_space<vmem>>, vector<16xf32>,
    }
    %scan3A_12 = arith.constant 64 : i32
    %mul3A_13 = arith.constant 625 : i32
    %mul3A_14 = arith.muli %arg1, %mul3A_13 : i32
    %add3A_15 = arith.constant 0 : i32
    %add3A_16 = arith.addi %mul3A_14, %add3A_15 : i32
    "tpu.region"() ({
      %run_scoped3A = tpu.sem_alloc : memref<!tpu.dma_semaphore, #tpu.memory_space<semaphore_mem>>
      %dma_start3A_641 = arith.constant 0 : i32
      %dma_start3A_642 = arith.constant 0 : i32
      %dma_start3A_643 = tpu.memref_slice %arg17[%dma_start3A_641, %dma_start3A_642] : memref<64x144xf32, #tpu.memory_space<vmem>> -> memref<64x144xf32, #tpu.memory_space<vmem>>
      %dma_start3A_644 = arith.constant 0 : i32
      %dma_start3A_645 = tpu.memref_slice %arg19[%add3A_16, %dma_start3A_644] : memref<10000x144xf32, #tpu.memory_space<vmem_shared>> -> memref<64x144xf32, #tpu.memory_space<vmem_shared>>
      %dma_start3A_646 = arith.constant 0 : i32
      %dma_start3A_647 = tpu.memref_slice %arg19[%add3A_16, %dma_start3A_646] : memref<10000x144xf32, #tpu.memory_space<vmem_shared>> -> memref<64x144xf32, #tpu.memory_space<vmem_shared>>
      %dma_start3A_648 = arith.constant 0 : i32
      %dma_start3A_649 = arith.constant 0 : i32
      %dma_start3A_650 = tpu.memref_slice %arg17[%dma_start3A_648, %dma_start3A_649] : memref<64x144xf32, #tpu.memory_space<vmem>> -> memref<64x144xf32, #tpu.memory_space<vmem>>
      tpu.enqueue_dma source(%dma_start3A_650 : memref<64x144xf32, #tpu.memory_space<vmem>>) target(%dma_start3A_647 : memref<64x144xf32, #tpu.memory_space<vmem_shared>>) target_semaphore(%run_scoped3A : memref<!tpu.dma_semaphore, #tpu.memory_space<semaphore_mem>>)
      %dma_wait3A_651 = arith.constant 0 : i32
      %dma_wait3A_652 = arith.constant 0 : i32
      %dma_wait3A_653 = tpu.memref_slice %arg17[%dma_wait3A_651, %dma_wait3A_652] : memref<64x144xf32, #tpu.memory_space<vmem>> -> memref<64x144xf32, #tpu.memory_space<vmem>>
      %dma_wait3A_654 = arith.constant 0 : i32
      %dma_wait3A_655 = tpu.memref_slice %arg19[%add3A_16, %dma_wait3A_654] : memref<10000x144xf32, #tpu.memory_space<vmem_shared>> -> memref<64x144xf32, #tpu.memory_space<vmem_shared>>
      %dma_wait3A_656 = arith.constant 0 : i32
      %dma_wait3A_657 = tpu.memref_slice %arg19[%add3A_16, %dma_wait3A_656] : memref<10000x144xf32, #tpu.memory_space<vmem_shared>> -> memref<64x144xf32, #tpu.memory_space<vmem_shared>>
      %dma_wait3A_658 = arith.constant 0 : i32
      %dma_wait3A_659 = arith.constant 0 : i32
      %dma_wait3A_660 = tpu.memref_slice %arg17[%dma_wait3A_658, %dma_wait3A_659] : memref<64x144xf32, #tpu.memory_space<vmem>> -> memref<64x144xf32, #tpu.memory_space<vmem>>
      tpu.wait_dma2 semaphore(%run_scoped3A : memref<!tpu.dma_semaphore, #tpu.memory_space<semaphore_mem>>) src(%dma_wait3A_660 : memref<64x144xf32, #tpu.memory_space<vmem>>) dst(%dma_wait3A_657 : memref<64x144xf32, #tpu.memory_space<vmem_shared>>)
      tpu.yield
    }) : () -> ()
    %add3A_17 = arith.constant 64 : i32
    %add3A_18 = arith.addi %mul3A_14, %add3A_17 : i32
    "tpu.region"() ({
      %run_scoped3A = tpu.sem_alloc : memref<!tpu.dma_semaphore, #tpu.memory_space<semaphore_mem>>
      %dma_start3A_641 = arith.constant 0 : i32
      %dma_start3A_642 = arith.constant 0 : i32
      %dma_start3A_643 = tpu.memref_slice %arg17[%dma_start3A_641, %dma_start3A_642] : memref<64x144xf32, #tpu.memory_space<vmem>> -> memref<64x144xf32, #tpu.memory_space<vmem>>
      %dma_start3A_644 = arith.constant 0 : i32
      %dma_start3A_645 = tpu.memref_slice %arg19[%add3A_18, %dma_start3A_644] : memref<10000x144xf32, #tpu.memory_space<vmem_shared>> -> memref<64x144xf32, #tpu.memory_space<vmem_shared>>
      %dma_start3A_646 = arith.constant 0 : i32
      %dma_start3A_647 = tpu.memref_slice %arg19[%add3A_18, %dma_start3A_646] : memref<10000x144xf32, #tpu.memory_space<vmem_shared>> -> memref<64x144xf32, #tpu.memory_space<vmem_shared>>
      %dma_start3A_648 = arith.constant 0 : i32
      %dma_start3A_649 = arith.constant 0 : i32
      %dma_start3A_650 = tpu.memref_slice %arg17[%dma_start3A_648, %dma_start3A_649] : memref<64x144xf32, #tpu.memory_space<vmem>> -> memref<64x144xf32, #tpu.memory_space<vmem>>
      tpu.enqueue_dma source(%dma_start3A_650 : memref<64x144xf32, #tpu.memory_space<vmem>>) target(%dma_start3A_647 : memref<64x144xf32, #tpu.memory_space<vmem_shared>>) target_semaphore(%run_scoped3A : memref<!tpu.dma_semaphore, #tpu.memory_space<semaphore_mem>>)
      %dma_wait3A_651 = arith.constant 0 : i32
      %dma_wait3A_652 = arith.constant 0 : i32
      %dma_wait3A_653 = tpu.memref_slice %arg17[%dma_wait3A_651, %dma_wait3A_652] : memref<64x144xf32, #tpu.memory_space<vmem>> -> memref<64x144xf32, #tpu.memory_space<vmem>>
      %dma_wait3A_654 = arith.constant 0 : i32
      %dma_wait3A_655 = tpu.memref_slice %arg19[%add3A_18, %dma_wait3A_654] : memref<10000x144xf32, #tpu.memory_space<vmem_shared>> -> memref<64x144xf32, #tpu.memory_space<vmem_shared>>
      %dma_wait3A_656 = arith.constant 0 : i32
      %dma_wait3A_657 = tpu.memref_slice %arg19[%add3A_18, %dma_wait3A_656] : memref<10000x144xf32, #tpu.memory_space<vmem_shared>> -> memref<64x144xf32, #tpu.memory_space<vmem_shared>>
      %dma_wait3A_658 = arith.constant 0 : i32
      %dma_wait3A_659 = arith.constant 0 : i32
      %dma_wait3A_660 = tpu.memref_slice %arg17[%dma_wait3A_658, %dma_wait3A_659] : memref<64x144xf32, #tpu.memory_space<vmem>> -> memref<64x144xf32, #tpu.memory_space<vmem>>
      tpu.wait_dma2 semaphore(%run_scoped3A : memref<!tpu.dma_semaphore, #tpu.memory_space<semaphore_mem>>) src(%dma_wait3A_660 : memref<64x144xf32, #tpu.memory_space<vmem>>) dst(%dma_wait3A_657 : memref<64x144xf32, #tpu.memory_space<vmem_shared>>)
      tpu.yield
    }) : () -> ()
    %add3A_19 = arith.constant 128 : i32
    %add3A_20 = arith.addi %mul3A_14, %add3A_19 : i32
    "tpu.region"() ({
      %run_scoped3A = tpu.sem_alloc : memref<!tpu.dma_semaphore, #tpu.memory_space<semaphore_mem>>
      %dma_start3A_641 = arith.constant 0 : i32
      %dma_start3A_642 = arith.constant 0 : i32
      %dma_start3A_643 = tpu.memref_slice %arg17[%dma_start3A_641, %dma_start3A_642] : memref<64x144xf32, #tpu.memory_space<vmem>> -> memref<64x144xf32, #tpu.memory_space<vmem>>
      %dma_start3A_644 = arith.constant 0 : i32
      %dma_start3A_645 = tpu.memref_slice %arg19[%add3A_20, %dma_start3A_644] : memref<10000x144xf32, #tpu.memory_space<vmem_shared>> -> memref<64x144xf32, #tpu.memory_space<vmem_shared>>
      %dma_start3A_646 = arith.constant 0 : i32
      %dma_start3A_647 = tpu.memref_slice %arg19[%add3A_20, %dma_start3A_646] : memref<10000x144xf32, #tpu.memory_space<vmem_shared>> -> memref<64x144xf32, #tpu.memory_space<vmem_shared>>
      %dma_start3A_648 = arith.constant 0 : i32
      %dma_start3A_649 = arith.constant 0 : i32
      %dma_start3A_650 = tpu.memref_slice %arg17[%dma_start3A_648, %dma_start3A_649] : memref<64x144xf32, #tpu.memory_space<vmem>> -> memref<64x144xf32, #tpu.memory_space<vmem>>
      tpu.enqueue_dma source(%dma_start3A_650 : memref<64x144xf32, #tpu.memory_space<vmem>>) target(%dma_start3A_647 : memref<64x144xf32, #tpu.memory_space<vmem_shared>>) target_semaphore(%run_scoped3A : memref<!tpu.dma_semaphore, #tpu.memory_space<semaphore_mem>>)
      %dma_wait3A_651 = arith.constant 0 : i32
      %dma_wait3A_652 = arith.constant 0 : i32
      %dma_wait3A_653 = tpu.memref_slice %arg17[%dma_wait3A_651, %dma_wait3A_652] : memref<64x144xf32, #tpu.memory_space<vmem>> -> memref<64x144xf32, #tpu.memory_space<vmem>>
      %dma_wait3A_654 = arith.constant 0 : i32
      %dma_wait3A_655 = tpu.memref_slice %arg19[%add3A_20, %dma_wait3A_654] : memref<10000x144xf32, #tpu.memory_space<vmem_shared>> -> memref<64x144xf32, #tpu.memory_space<vmem_shared>>
      %dma_wait3A_656 = arith.constant 0 : i32
      %dma_wait3A_657 = tpu.memref_slice %arg19[%add3A_20, %dma_wait3A_656] : memref<10000x144xf32, #tpu.memory_space<vmem_shared>> -> memref<64x144xf32, #tpu.memory_space<vmem_shared>>
      %dma_wait3A_658 = arith.constant 0 : i32
      %dma_wait3A_659 = arith.constant 0 : i32
      %dma_wait3A_660 = tpu.memref_slice %arg17[%dma_wait3A_658, %dma_wait3A_659] : memref<64x144xf32, #tpu.memory_space<vmem>> -> memref<64x144xf32, #tpu.memory_space<vmem>>
      tpu.wait_dma2 semaphore(%run_scoped3A : memref<!tpu.dma_semaphore, #tpu.memory_space<semaphore_mem>>) src(%dma_wait3A_660 : memref<64x144xf32, #tpu.memory_space<vmem>>) dst(%dma_wait3A_657 : memref<64x144xf32, #tpu.memory_space<vmem_shared>>)
      tpu.yield
    }) : () -> ()
    %add3A_21 = arith.constant 192 : i32
    %add3A_22 = arith.addi %mul3A_14, %add3A_21 : i32
    "tpu.region"() ({
      %run_scoped3A = tpu.sem_alloc : memref<!tpu.dma_semaphore, #tpu.memory_space<semaphore_mem>>
      %dma_start3A_641 = arith.constant 0 : i32
      %dma_start3A_642 = arith.constant 0 : i32
      %dma_start3A_643 = tpu.memref_slice %arg17[%dma_start3A_641, %dma_start3A_642] : memref<64x144xf32, #tpu.memory_space<vmem>> -> memref<64x144xf32, #tpu.memory_space<vmem>>
      %dma_start3A_644 = arith.constant 0 : i32
      %dma_start3A_645 = tpu.memref_slice %arg19[%add3A_22, %dma_start3A_644] : memref<10000x144xf32, #tpu.memory_space<vmem_shared>> -> memref<64x144xf32, #tpu.memory_space<vmem_shared>>
      %dma_start3A_646 = arith.constant 0 : i32
      %dma_start3A_647 = tpu.memref_slice %arg19[%add3A_22, %dma_start3A_646] : memref<10000x144xf32, #tpu.memory_space<vmem_shared>> -> memref<64x144xf32, #tpu.memory_space<vmem_shared>>
      %dma_start3A_648 = arith.constant 0 : i32
      %dma_start3A_649 = arith.constant 0 : i32
      %dma_start3A_650 = tpu.memref_slice %arg17[%dma_start3A_648, %dma_start3A_649] : memref<64x144xf32, #tpu.memory_space<vmem>> -> memref<64x144xf32, #tpu.memory_space<vmem>>
      tpu.enqueue_dma source(%dma_start3A_650 : memref<64x144xf32, #tpu.memory_space<vmem>>) target(%dma_start3A_647 : memref<64x144xf32, #tpu.memory_space<vmem_shared>>) target_semaphore(%run_scoped3A : memref<!tpu.dma_semaphore, #tpu.memory_space<semaphore_mem>>)
      %dma_wait3A_651 = arith.constant 0 : i32
      %dma_wait3A_652 = arith.constant 0 : i32
      %dma_wait3A_653 = tpu.memref_slice %arg17[%dma_wait3A_651, %dma_wait3A_652] : memref<64x144xf32, #tpu.memory_space<vmem>> -> memref<64x144xf32, #tpu.memory_space<vmem>>
      %dma_wait3A_654 = arith.constant 0 : i32
      %dma_wait3A_655 = tpu.memref_slice %arg19[%add3A_22, %dma_wait3A_654] : memref<10000x144xf32, #tpu.memory_space<vmem_shared>> -> memref<64x144xf32, #tpu.memory_space<vmem_shared>>
      %dma_wait3A_656 = arith.constant 0 : i32
      %dma_wait3A_657 = tpu.memref_slice %arg19[%add3A_22, %dma_wait3A_656] : memref<10000x144xf32, #tpu.memory_space<vmem_shared>> -> memref<64x144xf32, #tpu.memory_space<vmem_shared>>
      %dma_wait3A_658 = arith.constant 0 : i32
      %dma_wait3A_659 = arith.constant 0 : i32
      %dma_wait3A_660 = tpu.memref_slice %arg17[%dma_wait3A_658, %dma_wait3A_659] : memref<64x144xf32, #tpu.memory_space<vmem>> -> memref<64x144xf32, #tpu.memory_space<vmem>>
      tpu.wait_dma2 semaphore(%run_scoped3A : memref<!tpu.dma_semaphore, #tpu.memory_space<semaphore_mem>>) src(%dma_wait3A_660 : memref<64x144xf32, #tpu.memory_space<vmem>>) dst(%dma_wait3A_657 : memref<64x144xf32, #tpu.memory_space<vmem_shared>>)
      tpu.yield
    }) : () -> ()
    %add3A_23 = arith.constant 256 : i32
    %add3A_24 = arith.addi %mul3A_14, %add3A_23 : i32
    "tpu.region"() ({
      %run_scoped3A = tpu.sem_alloc : memref<!tpu.dma_semaphore, #tpu.memory_space<semaphore_mem>>
      %dma_start3A_641 = arith.constant 0 : i32
      %dma_start3A_642 = arith.constant 0 : i32
      %dma_start3A_643 = tpu.memref_slice %arg17[%dma_start3A_641, %dma_start3A_642] : memref<64x144xf32, #tpu.memory_space<vmem>> -> memref<64x144xf32, #tpu.memory_space<vmem>>
      %dma_start3A_644 = arith.constant 0 : i32
      %dma_start3A_645 = tpu.memref_slice %arg19[%add3A_24, %dma_start3A_644] : memref<10000x144xf32, #tpu.memory_space<vmem_shared>> -> memref<64x144xf32, #tpu.memory_space<vmem_shared>>
      %dma_start3A_646 = arith.constant 0 : i32
      %dma_start3A_647 = tpu.memref_slice %arg19[%add3A_24, %dma_start3A_646] : memref<10000x144xf32, #tpu.memory_space<vmem_shared>> -> memref<64x144xf32, #tpu.memory_space<vmem_shared>>
      %dma_start3A_648 = arith.constant 0 : i32
      %dma_start3A_649 = arith.constant 0 : i32
      %dma_start3A_650 = tpu.memref_slice %arg17[%dma_start3A_648, %dma_start3A_649] : memref<64x144xf32, #tpu.memory_space<vmem>> -> memref<64x144xf32, #tpu.memory_space<vmem>>
      tpu.enqueue_dma source(%dma_start3A_650 : memref<64x144xf32, #tpu.memory_space<vmem>>) target(%dma_start3A_647 : memref<64x144xf32, #tpu.memory_space<vmem_shared>>) target_semaphore(%run_scoped3A : memref<!tpu.dma_semaphore, #tpu.memory_space<semaphore_mem>>)
      %dma_wait3A_651 = arith.constant 0 : i32
      %dma_wait3A_652 = arith.constant 0 : i32
      %dma_wait3A_653 = tpu.memref_slice %arg17[%dma_wait3A_651, %dma_wait3A_652] : memref<64x144xf32, #tpu.memory_space<vmem>> -> memref<64x144xf32, #tpu.memory_space<vmem>>
      %dma_wait3A_654 = arith.constant 0 : i32
      %dma_wait3A_655 = tpu.memref_slice %arg19[%add3A_24, %dma_wait3A_654] : memref<10000x144xf32, #tpu.memory_space<vmem_shared>> -> memref<64x144xf32, #tpu.memory_space<vmem_shared>>
      %dma_wait3A_656 = arith.constant 0 : i32
      %dma_wait3A_657 = tpu.memref_slice %arg19[%add3A_24, %dma_wait3A_656] : memref<10000x144xf32, #tpu.memory_space<vmem_shared>> -> memref<64x144xf32, #tpu.memory_space<vmem_shared>>
      %dma_wait3A_658 = arith.constant 0 : i32
      %dma_wait3A_659 = arith.constant 0 : i32
      %dma_wait3A_660 = tpu.memref_slice %arg17[%dma_wait3A_658, %dma_wait3A_659] : memref<64x144xf32, #tpu.memory_space<vmem>> -> memref<64x144xf32, #tpu.memory_space<vmem>>
      tpu.wait_dma2 semaphore(%run_scoped3A : memref<!tpu.dma_semaphore, #tpu.memory_space<semaphore_mem>>) src(%dma_wait3A_660 : memref<64x144xf32, #tpu.memory_space<vmem>>) dst(%dma_wait3A_657 : memref<64x144xf32, #tpu.memory_space<vmem_shared>>)
      tpu.yield
    }) : () -> ()
    %add3A_25 = arith.constant 320 : i32
    %add3A_26 = arith.addi %mul3A_14, %add3A_25 : i32
    "tpu.region"() ({
      %run_scoped3A = tpu.sem_alloc : memref<!tpu.dma_semaphore, #tpu.memory_space<semaphore_mem>>
      %dma_start3A_641 = arith.constant 0 : i32
      %dma_start3A_642 = arith.constant 0 : i32
      %dma_start3A_643 = tpu.memref_slice %arg17[%dma_start3A_641, %dma_start3A_642] : memref<64x144xf32, #tpu.memory_space<vmem>> -> memref<64x144xf32, #tpu.memory_space<vmem>>
      %dma_start3A_644 = arith.constant 0 : i32
      %dma_start3A_645 = tpu.memref_slice %arg19[%add3A_26, %dma_start3A_644] : memref<10000x144xf32, #tpu.memory_space<vmem_shared>> -> memref<64x144xf32, #tpu.memory_space<vmem_shared>>
      %dma_start3A_646 = arith.constant 0 : i32
      %dma_start3A_647 = tpu.memref_slice %arg19[%add3A_26, %dma_start3A_646] : memref<10000x144xf32, #tpu.memory_space<vmem_shared>> -> memref<64x144xf32, #tpu.memory_space<vmem_shared>>
      %dma_start3A_648 = arith.constant 0 : i32
      %dma_start3A_649 = arith.constant 0 : i32
      %dma_start3A_650 = tpu.memref_slice %arg17[%dma_start3A_648, %dma_start3A_649] : memref<64x144xf32, #tpu.memory_space<vmem>> -> memref<64x144xf32, #tpu.memory_space<vmem>>
      tpu.enqueue_dma source(%dma_start3A_650 : memref<64x144xf32, #tpu.memory_space<vmem>>) target(%dma_start3A_647 : memref<64x144xf32, #tpu.memory_space<vmem_shared>>) target_semaphore(%run_scoped3A : memref<!tpu.dma_semaphore, #tpu.memory_space<semaphore_mem>>)
      %dma_wait3A_651 = arith.constant 0 : i32
      %dma_wait3A_652 = arith.constant 0 : i32
      %dma_wait3A_653 = tpu.memref_slice %arg17[%dma_wait3A_651, %dma_wait3A_652] : memref<64x144xf32, #tpu.memory_space<vmem>> -> memref<64x144xf32, #tpu.memory_space<vmem>>
      %dma_wait3A_654 = arith.constant 0 : i32
      %dma_wait3A_655 = tpu.memref_slice %arg19[%add3A_26, %dma_wait3A_654] : memref<10000x144xf32, #tpu.memory_space<vmem_shared>> -> memref<64x144xf32, #tpu.memory_space<vmem_shared>>
      %dma_wait3A_656 = arith.constant 0 : i32
      %dma_wait3A_657 = tpu.memref_slice %arg19[%add3A_26, %dma_wait3A_656] : memref<10000x144xf32, #tpu.memory_space<vmem_shared>> -> memref<64x144xf32, #tpu.memory_space<vmem_shared>>
      %dma_wait3A_658 = arith.constant 0 : i32
      %dma_wait3A_659 = arith.constant 0 : i32
      %dma_wait3A_660 = tpu.memref_slice %arg17[%dma_wait3A_658, %dma_wait3A_659] : memref<64x144xf32, #tpu.memory_space<vmem>> -> memref<64x144xf32, #tpu.memory_space<vmem>>
      tpu.wait_dma2 semaphore(%run_scoped3A : memref<!tpu.dma_semaphore, #tpu.memory_space<semaphore_mem>>) src(%dma_wait3A_660 : memref<64x144xf32, #tpu.memory_space<vmem>>) dst(%dma_wait3A_657 : memref<64x144xf32, #tpu.memory_space<vmem_shared>>)
      tpu.yield
    }) : () -> ()
    %add3A_27 = arith.constant 384 : i32
    %add3A_28 = arith.addi %mul3A_14, %add3A_27 : i32
    "tpu.region"() ({
      %run_scoped3A = tpu.sem_alloc : memref<!tpu.dma_semaphore, #tpu.memory_space<semaphore_mem>>
      %dma_start3A_641 = arith.constant 0 : i32
      %dma_start3A_642 = arith.constant 0 : i32
      %dma_start3A_643 = tpu.memref_slice %arg17[%dma_start3A_641, %dma_start3A_642] : memref<64x144xf32, #tpu.memory_space<vmem>> -> memref<64x144xf32, #tpu.memory_space<vmem>>
      %dma_start3A_644 = arith.constant 0 : i32
      %dma_start3A_645 = tpu.memref_slice %arg19[%add3A_28, %dma_start3A_644] : memref<10000x144xf32, #tpu.memory_space<vmem_shared>> -> memref<64x144xf32, #tpu.memory_space<vmem_shared>>
      %dma_start3A_646 = arith.constant 0 : i32
      %dma_start3A_647 = tpu.memref_slice %arg19[%add3A_28, %dma_start3A_646] : memref<10000x144xf32, #tpu.memory_space<vmem_shared>> -> memref<64x144xf32, #tpu.memory_space<vmem_shared>>
      %dma_start3A_648 = arith.constant 0 : i32
      %dma_start3A_649 = arith.constant 0 : i32
      %dma_start3A_650 = tpu.memref_slice %arg17[%dma_start3A_648, %dma_start3A_649] : memref<64x144xf32, #tpu.memory_space<vmem>> -> memref<64x144xf32, #tpu.memory_space<vmem>>
      tpu.enqueue_dma source(%dma_start3A_650 : memref<64x144xf32, #tpu.memory_space<vmem>>) target(%dma_start3A_647 : memref<64x144xf32, #tpu.memory_space<vmem_shared>>) target_semaphore(%run_scoped3A : memref<!tpu.dma_semaphore, #tpu.memory_space<semaphore_mem>>)
      %dma_wait3A_651 = arith.constant 0 : i32
      %dma_wait3A_652 = arith.constant 0 : i32
      %dma_wait3A_653 = tpu.memref_slice %arg17[%dma_wait3A_651, %dma_wait3A_652] : memref<64x144xf32, #tpu.memory_space<vmem>> -> memref<64x144xf32, #tpu.memory_space<vmem>>
      %dma_wait3A_654 = arith.constant 0 : i32
      %dma_wait3A_655 = tpu.memref_slice %arg19[%add3A_28, %dma_wait3A_654] : memref<10000x144xf32, #tpu.memory_space<vmem_shared>> -> memref<64x144xf32, #tpu.memory_space<vmem_shared>>
      %dma_wait3A_656 = arith.constant 0 : i32
      %dma_wait3A_657 = tpu.memref_slice %arg19[%add3A_28, %dma_wait3A_656] : memref<10000x144xf32, #tpu.memory_space<vmem_shared>> -> memref<64x144xf32, #tpu.memory_space<vmem_shared>>
      %dma_wait3A_658 = arith.constant 0 : i32
      %dma_wait3A_659 = arith.constant 0 : i32
      %dma_wait3A_660 = tpu.memref_slice %arg17[%dma_wait3A_658, %dma_wait3A_659] : memref<64x144xf32, #tpu.memory_space<vmem>> -> memref<64x144xf32, #tpu.memory_space<vmem>>
      tpu.wait_dma2 semaphore(%run_scoped3A : memref<!tpu.dma_semaphore, #tpu.memory_space<semaphore_mem>>) src(%dma_wait3A_660 : memref<64x144xf32, #tpu.memory_space<vmem>>) dst(%dma_wait3A_657 : memref<64x144xf32, #tpu.memory_space<vmem_shared>>)
      tpu.yield
    }) : () -> ()
    %add3A_29 = arith.constant 448 : i32
    %add3A_30 = arith.addi %mul3A_14, %add3A_29 : i32
    "tpu.region"() ({
      %run_scoped3A = tpu.sem_alloc : memref<!tpu.dma_semaphore, #tpu.memory_space<semaphore_mem>>
      %dma_start3A_641 = arith.constant 0 : i32
      %dma_start3A_642 = arith.constant 0 : i32
      %dma_start3A_643 = tpu.memref_slice %arg17[%dma_start3A_641, %dma_start3A_642] : memref<64x144xf32, #tpu.memory_space<vmem>> -> memref<64x144xf32, #tpu.memory_space<vmem>>
      %dma_start3A_644 = arith.constant 0 : i32
      %dma_start3A_645 = tpu.memref_slice %arg19[%add3A_30, %dma_start3A_644] : memref<10000x144xf32, #tpu.memory_space<vmem_shared>> -> memref<64x144xf32, #tpu.memory_space<vmem_shared>>
      %dma_start3A_646 = arith.constant 0 : i32
      %dma_start3A_647 = tpu.memref_slice %arg19[%add3A_30, %dma_start3A_646] : memref<10000x144xf32, #tpu.memory_space<vmem_shared>> -> memref<64x144xf32, #tpu.memory_space<vmem_shared>>
      %dma_start3A_648 = arith.constant 0 : i32
      %dma_start3A_649 = arith.constant 0 : i32
      %dma_start3A_650 = tpu.memref_slice %arg17[%dma_start3A_648, %dma_start3A_649] : memref<64x144xf32, #tpu.memory_space<vmem>> -> memref<64x144xf32, #tpu.memory_space<vmem>>
      tpu.enqueue_dma source(%dma_start3A_650 : memref<64x144xf32, #tpu.memory_space<vmem>>) target(%dma_start3A_647 : memref<64x144xf32, #tpu.memory_space<vmem_shared>>) target_semaphore(%run_scoped3A : memref<!tpu.dma_semaphore, #tpu.memory_space<semaphore_mem>>)
      %dma_wait3A_651 = arith.constant 0 : i32
      %dma_wait3A_652 = arith.constant 0 : i32
      %dma_wait3A_653 = tpu.memref_slice %arg17[%dma_wait3A_651, %dma_wait3A_652] : memref<64x144xf32, #tpu.memory_space<vmem>> -> memref<64x144xf32, #tpu.memory_space<vmem>>
      %dma_wait3A_654 = arith.constant 0 : i32
      %dma_wait3A_655 = tpu.memref_slice %arg19[%add3A_30, %dma_wait3A_654] : memref<10000x144xf32, #tpu.memory_space<vmem_shared>> -> memref<64x144xf32, #tpu.memory_space<vmem_shared>>
      %dma_wait3A_656 = arith.constant 0 : i32
      %dma_wait3A_657 = tpu.memref_slice %arg19[%add3A_30, %dma_wait3A_656] : memref<10000x144xf32, #tpu.memory_space<vmem_shared>> -> memref<64x144xf32, #tpu.memory_space<vmem_shared>>
      %dma_wait3A_658 = arith.constant 0 : i32
      %dma_wait3A_659 = arith.constant 0 : i32
      %dma_wait3A_660 = tpu.memref_slice %arg17[%dma_wait3A_658, %dma_wait3A_659] : memref<64x144xf32, #tpu.memory_space<vmem>> -> memref<64x144xf32, #tpu.memory_space<vmem>>
      tpu.wait_dma2 semaphore(%run_scoped3A : memref<!tpu.dma_semaphore, #tpu.memory_space<semaphore_mem>>) src(%dma_wait3A_660 : memref<64x144xf32, #tpu.memory_space<vmem>>) dst(%dma_wait3A_657 : memref<64x144xf32, #tpu.memory_space<vmem_shared>>)
      tpu.yield
    }) : () -> ()
    %add3A_31 = arith.constant 512 : i32
    %add3A_32 = arith.addi %mul3A_14, %add3A_31 : i32
    "tpu.region"() ({
      %run_scoped3A = tpu.sem_alloc : memref<!tpu.dma_semaphore, #tpu.memory_space<semaphore_mem>>
      %dma_start3A_641 = arith.constant 0 : i32
      %dma_start3A_642 = arith.constant 0 : i32
      %dma_start3A_643 = tpu.memref_slice %arg17[%dma_start3A_641, %dma_start3A_642] : memref<64x144xf32, #tpu.memory_space<vmem>> -> memref<64x144xf32, #tpu.memory_space<vmem>>
      %dma_start3A_644 = arith.constant 0 : i32
      %dma_start3A_645 = tpu.memref_slice %arg19[%add3A_32, %dma_start3A_644] : memref<10000x144xf32, #tpu.memory_space<vmem_shared>> -> memref<64x144xf32, #tpu.memory_space<vmem_shared>>
      %dma_start3A_646 = arith.constant 0 : i32
      %dma_start3A_647 = tpu.memref_slice %arg19[%add3A_32, %dma_start3A_646] : memref<10000x144xf32, #tpu.memory_space<vmem_shared>> -> memref<64x144xf32, #tpu.memory_space<vmem_shared>>
      %dma_start3A_648 = arith.constant 0 : i32
      %dma_start3A_649 = arith.constant 0 : i32
      %dma_start3A_650 = tpu.memref_slice %arg17[%dma_start3A_648, %dma_start3A_649] : memref<64x144xf32, #tpu.memory_space<vmem>> -> memref<64x144xf32, #tpu.memory_space<vmem>>
      tpu.enqueue_dma source(%dma_start3A_650 : memref<64x144xf32, #tpu.memory_space<vmem>>) target(%dma_start3A_647 : memref<64x144xf32, #tpu.memory_space<vmem_shared>>) target_semaphore(%run_scoped3A : memref<!tpu.dma_semaphore, #tpu.memory_space<semaphore_mem>>)
      %dma_wait3A_651 = arith.constant 0 : i32
      %dma_wait3A_652 = arith.constant 0 : i32
      %dma_wait3A_653 = tpu.memref_slice %arg17[%dma_wait3A_651, %dma_wait3A_652] : memref<64x144xf32, #tpu.memory_space<vmem>> -> memref<64x144xf32, #tpu.memory_space<vmem>>
      %dma_wait3A_654 = arith.constant 0 : i32
      %dma_wait3A_655 = tpu.memref_slice %arg19[%add3A_32, %dma_wait3A_654] : memref<10000x144xf32, #tpu.memory_space<vmem_shared>> -> memref<64x144xf32, #tpu.memory_space<vmem_shared>>
      %dma_wait3A_656 = arith.constant 0 : i32
      %dma_wait3A_657 = tpu.memref_slice %arg19[%add3A_32, %dma_wait3A_656] : memref<10000x144xf32, #tpu.memory_space<vmem_shared>> -> memref<64x144xf32, #tpu.memory_space<vmem_shared>>
      %dma_wait3A_658 = arith.constant 0 : i32
      %dma_wait3A_659 = arith.constant 0 : i32
      %dma_wait3A_660 = tpu.memref_slice %arg17[%dma_wait3A_658, %dma_wait3A_659] : memref<64x144xf32, #tpu.memory_space<vmem>> -> memref<64x144xf32, #tpu.memory_space<vmem>>
      tpu.wait_dma2 semaphore(%run_scoped3A : memref<!tpu.dma_semaphore, #tpu.memory_space<semaphore_mem>>) src(%dma_wait3A_660 : memref<64x144xf32, #tpu.memory_space<vmem>>) dst(%dma_wait3A_657 : memref<64x144xf32, #tpu.memory_space<vmem_shared>>)
      tpu.yield
    }) : () -> ()
    %add3A_33 = arith.constant 625 : i32
    %add3A_34 = arith.addi %mul3A_14, %add3A_33 : i32
    %sub3A = arith.constant 49 : i32
    %sub3A_35 = arith.subi %add3A_34, %sub3A : i32
    "tpu.region"() ({
      %run_scoped3A = tpu.sem_alloc : memref<!tpu.dma_semaphore, #tpu.memory_space<semaphore_mem>>
      %dma_start3A_641 = arith.constant 0 : i32
      %dma_start3A_642 = arith.constant 0 : i32
      %dma_start3A_643 = tpu.memref_slice %arg17[%dma_start3A_641, %dma_start3A_642] : memref<64x144xf32, #tpu.memory_space<vmem>> -> memref<49x144xf32, #tpu.memory_space<vmem>>
      %dma_start3A_644 = arith.constant 0 : i32
      %dma_start3A_645 = tpu.memref_slice %arg19[%sub3A_35, %dma_start3A_644] : memref<10000x144xf32, #tpu.memory_space<vmem_shared>> -> memref<49x144xf32, #tpu.memory_space<vmem_shared>>
      %dma_start3A_646 = arith.constant 0 : i32
      %dma_start3A_647 = tpu.memref_slice %arg19[%sub3A_35, %dma_start3A_646] : memref<10000x144xf32, #tpu.memory_space<vmem_shared>> -> memref<49x144xf32, #tpu.memory_space<vmem_shared>>
      %dma_start3A_648 = arith.constant 0 : i32
      %dma_start3A_649 = arith.constant 0 : i32
      %dma_start3A_650 = tpu.memref_slice %arg17[%dma_start3A_648, %dma_start3A_649] : memref<64x144xf32, #tpu.memory_space<vmem>> -> memref<49x144xf32, #tpu.memory_space<vmem>>
      tpu.enqueue_dma source(%dma_start3A_650 : memref<49x144xf32, #tpu.memory_space<vmem>>) target(%dma_start3A_647 : memref<49x144xf32, #tpu.memory_space<vmem_shared>>) target_semaphore(%run_scoped3A : memref<!tpu.dma_semaphore, #tpu.memory_space<semaphore_mem>>)
      %dma_wait3A_651 = arith.constant 0 : i32
      %dma_wait3A_652 = arith.constant 0 : i32
      %dma_wait3A_653 = tpu.memref_slice %arg17[%dma_wait3A_651, %dma_wait3A_652] : memref<64x144xf32, #tpu.memory_space<vmem>> -> memref<49x144xf32, #tpu.memory_space<vmem>>
      %dma_wait3A_654 = arith.constant 0 : i32
      %dma_wait3A_655 = tpu.memref_slice %arg19[%sub3A_35, %dma_wait3A_654] : memref<10000x144xf32, #tpu.memory_space<vmem_shared>> -> memref<49x144xf32, #tpu.memory_space<vmem_shared>>
      %dma_wait3A_656 = arith.constant 0 : i32
      %dma_wait3A_657 = tpu.memref_slice %arg19[%sub3A_35, %dma_wait3A_656] : memref<10000x144xf32, #tpu.memory_space<vmem_shared>> -> memref<49x144xf32, #tpu.memory_space<vmem_shared>>
      %dma_wait3A_658 = arith.constant 0 : i32
      %dma_wait3A_659 = arith.constant 0 : i32
      %dma_wait3A_660 = tpu.memref_slice %arg17[%dma_wait3A_658, %dma_wait3A_659] : memref<64x144xf32, #tpu.memory_space<vmem>> -> memref<49x144xf32, #tpu.memory_space<vmem>>
      tpu.wait_dma2 semaphore(%run_scoped3A : memref<!tpu.dma_semaphore, #tpu.memory_space<semaphore_mem>>) src(%dma_wait3A_660 : memref<49x144xf32, #tpu.memory_space<vmem>>) dst(%dma_wait3A_657 : memref<49x144xf32, #tpu.memory_space<vmem_shared>>)
      tpu.yield
    }) : () -> ()
    %dma_start3A = arith.constant 0 : i32
    %dma_start3A_36 = arith.constant 0 : i32
    %dma_start3A_37 = tpu.memref_slice %arg2[%arg0, %arg1, %dma_start3A, %dma_start3A_36] : memref<2x16x160x64xi32, #tpu.memory_space<hbm>> -> memref<1x1x4x64xi32, #tpu.memory_space<hbm>>
    %dma_start3A_38 = tpu.memref_squeeze %dma_start3A_37 : memref<1x1x4x64xi32, #tpu.memory_space<hbm>> -> memref<4x64xi32, #tpu.memory_space<hbm>>
    %dma_start3A_39 = arith.constant 0 : i32
    %dma_start3A_40 = arith.constant 0 : i32
    %dma_start3A_41 = tpu.memref_slice %arg2[%arg0, %arg1, %dma_start3A_39, %dma_start3A_40] : memref<2x16x160x64xi32, #tpu.memory_space<hbm>> -> memref<1x1x4x64xi32, #tpu.memory_space<hbm>>
    %dma_start3A_42 = tpu.memref_squeeze %dma_start3A_41 : memref<1x1x4x64xi32, #tpu.memory_space<hbm>> -> memref<4x64xi32, #tpu.memory_space<hbm>>
    tpu.enqueue_dma source(%dma_start3A_42 : memref<4x64xi32, #tpu.memory_space<hbm>>) target(%arg11 : memref<4x64xi32, #tpu.memory_space<vmem>>) target_semaphore(%arg20 : memref<!tpu.dma_semaphore, #tpu.memory_space<semaphore_mem>>)
    %dma_start3A_43 = arith.constant 0 : i32
    %dma_start3A_44 = arith.constant 0 : i32
    %dma_start3A_45 = tpu.memref_slice %arg3[%arg0, %arg1, %dma_start3A_43, %dma_start3A_44] : memref<2x16x160x64xi32, #tpu.memory_space<hbm>> -> memref<1x1x4x64xi32, #tpu.memory_space<hbm>>
    %dma_start3A_46 = tpu.memref_squeeze %dma_start3A_45 : memref<1x1x4x64xi32, #tpu.memory_space<hbm>> -> memref<4x64xi32, #tpu.memory_space<hbm>>
    %dma_start3A_47 = arith.constant 0 : i32
    %dma_start3A_48 = arith.constant 0 : i32
    %dma_start3A_49 = tpu.memref_slice %arg3[%arg0, %arg1, %dma_start3A_47, %dma_start3A_48] : memref<2x16x160x64xi32, #tpu.memory_space<hbm>> -> memref<1x1x4x64xi32, #tpu.memory_space<hbm>>
    %dma_start3A_50 = tpu.memref_squeeze %dma_start3A_49 : memref<1x1x4x64xi32, #tpu.memory_space<hbm>> -> memref<4x64xi32, #tpu.memory_space<hbm>>
    tpu.enqueue_dma source(%dma_start3A_50 : memref<4x64xi32, #tpu.memory_space<hbm>>) target(%arg12 : memref<4x64xi32, #tpu.memory_space<vmem>>) target_semaphore(%arg20 : memref<!tpu.dma_semaphore, #tpu.memory_space<semaphore_mem>>)
    %dma_start3A_51 = arith.constant 4 : i32
    %dma_start3A_52 = arith.constant 0 : i32
    %dma_start3A_53 = tpu.memref_slice %arg2[%arg0, %arg1, %dma_start3A_51, %dma_start3A_52] : memref<2x16x160x64xi32, #tpu.memory_space<hbm>> -> memref<1x1x4x64xi32, #tpu.memory_space<hbm>>
    %dma_start3A_54 = tpu.memref_squeeze %dma_start3A_53 : memref<1x1x4x64xi32, #tpu.memory_space<hbm>> -> memref<4x64xi32, #tpu.memory_space<hbm>>
    %dma_start3A_55 = arith.constant 4 : i32
    %dma_start3A_56 = arith.constant 0 : i32
    %dma_start3A_57 = tpu.memref_slice %arg2[%arg0, %arg1, %dma_start3A_55, %dma_start3A_56] : memref<2x16x160x64xi32, #tpu.memory_space<hbm>> -> memref<1x1x4x64xi32, #tpu.memory_space<hbm>>
    %dma_start3A_58 = tpu.memref_squeeze %dma_start3A_57 : memref<1x1x4x64xi32, #tpu.memory_space<hbm>> -> memref<4x64xi32, #tpu.memory_space<hbm>>
    tpu.enqueue_dma source(%dma_start3A_58 : memref<4x64xi32, #tpu.memory_space<hbm>>) target(%arg14 : memref<4x64xi32, #tpu.memory_space<vmem>>) target_semaphore(%arg21 : memref<!tpu.dma_semaphore, #tpu.memory_space<semaphore_mem>>)
    %dma_start3A_59 = arith.constant 4 : i32
    %dma_start3A_60 = arith.constant 0 : i32
    %dma_start3A_61 = tpu.memref_slice %arg3[%arg0, %arg1, %dma_start3A_59, %dma_start3A_60] : memref<2x16x160x64xi32, #tpu.memory_space<hbm>> -> memref<1x1x4x64xi32, #tpu.memory_space<hbm>>
    %dma_start3A_62 = tpu.memref_squeeze %dma_start3A_61 : memref<1x1x4x64xi32, #tpu.memory_space<hbm>> -> memref<4x64xi32, #tpu.memory_space<hbm>>
    %dma_start3A_63 = arith.constant 4 : i32
    %dma_start3A_64 = arith.constant 0 : i32
    %dma_start3A_65 = tpu.memref_slice %arg3[%arg0, %arg1, %dma_start3A_63, %dma_start3A_64] : memref<2x16x160x64xi32, #tpu.memory_space<hbm>> -> memref<1x1x4x64xi32, #tpu.memory_space<hbm>>
    %dma_start3A_66 = tpu.memref_squeeze %dma_start3A_65 : memref<1x1x4x64xi32, #tpu.memory_space<hbm>> -> memref<4x64xi32, #tpu.memory_space<hbm>>
    tpu.enqueue_dma source(%dma_start3A_66 : memref<4x64xi32, #tpu.memory_space<hbm>>) target(%arg15 : memref<4x64xi32, #tpu.memory_space<vmem>>) target_semaphore(%arg21 : memref<!tpu.dma_semaphore, #tpu.memory_space<semaphore_mem>>)
    %dma_wait3A = arith.constant 0 : i32
    %dma_wait3A_67 = arith.constant 0 : i32
    %dma_wait3A_68 = tpu.memref_slice %arg2[%arg0, %arg1, %dma_wait3A, %dma_wait3A_67] : memref<2x16x160x64xi32, #tpu.memory_space<hbm>> -> memref<1x1x4x64xi32, #tpu.memory_space<hbm>>
    %dma_wait3A_69 = tpu.memref_squeeze %dma_wait3A_68 : memref<1x1x4x64xi32, #tpu.memory_space<hbm>> -> memref<4x64xi32, #tpu.memory_space<hbm>>
    %dma_wait3A_70 = arith.constant 0 : i32
    %dma_wait3A_71 = arith.constant 0 : i32
    %dma_wait3A_72 = tpu.memref_slice %arg2[%arg0, %arg1, %dma_wait3A_70, %dma_wait3A_71] : memref<2x16x160x64xi32, #tpu.memory_space<hbm>> -> memref<1x1x4x64xi32, #tpu.memory_space<hbm>>
    %dma_wait3A_73 = tpu.memref_squeeze %dma_wait3A_72 : memref<1x1x4x64xi32, #tpu.memory_space<hbm>> -> memref<4x64xi32, #tpu.memory_space<hbm>>
    tpu.wait_dma2 semaphore(%arg20 : memref<!tpu.dma_semaphore, #tpu.memory_space<semaphore_mem>>) src(%dma_wait3A_73 : memref<4x64xi32, #tpu.memory_space<hbm>>) dst(%arg11 : memref<4x64xi32, #tpu.memory_space<vmem>>)
    %dma_wait3A_74 = arith.constant 0 : i32
    %dma_wait3A_75 = arith.constant 0 : i32
    %dma_wait3A_76 = tpu.memref_slice %arg3[%arg0, %arg1, %dma_wait3A_74, %dma_wait3A_75] : memref<2x16x160x64xi32, #tpu.memory_space<hbm>> -> memref<1x1x4x64xi32, #tpu.memory_space<hbm>>
    %dma_wait3A_77 = tpu.memref_squeeze %dma_wait3A_76 : memref<1x1x4x64xi32, #tpu.memory_space<hbm>> -> memref<4x64xi32, #tpu.memory_space<hbm>>
    %dma_wait3A_78 = arith.constant 0 : i32
    %dma_wait3A_79 = arith.constant 0 : i32
    %dma_wait3A_80 = tpu.memref_slice %arg3[%arg0, %arg1, %dma_wait3A_78, %dma_wait3A_79] : memref<2x16x160x64xi32, #tpu.memory_space<hbm>> -> memref<1x1x4x64xi32, #tpu.memory_space<hbm>>
    %dma_wait3A_81 = tpu.memref_squeeze %dma_wait3A_80 : memref<1x1x4x64xi32, #tpu.memory_space<hbm>> -> memref<4x64xi32, #tpu.memory_space<hbm>>
    tpu.wait_dma2 semaphore(%arg20 : memref<!tpu.dma_semaphore, #tpu.memory_space<semaphore_mem>>) src(%dma_wait3A_81 : memref<4x64xi32, #tpu.memory_space<hbm>>) dst(%arg12 : memref<4x64xi32, #tpu.memory_space<vmem>>)
    %get3A_82 = arith.constant 0 : i32
    %get3A_83 = arith.index_cast %get3A_82 : i32 to index
    %get3A_84 = arith.constant 0 : index
    %get3A_85 = tpu.vector_load %arg11[%get3A_83, %get3A_84] {strides = array<i32>} : memref<4x64xi32, #tpu.memory_space<vmem>>, vector<16xi32>,
    %gather3A = tpu.vector_load_idx %arg8[%get3A_85] : memref<10000xf32, #tpu.memory_space<vmem>>[vector<16xi32>], vector<16xf32>,
    %get3A_86 = arith.constant 0 : i32
    %get3A_87 = arith.index_cast %get3A_86 : i32 to index
    %get3A_88 = arith.constant 0 : index
    %get3A_89 = tpu.vector_load %arg12[%get3A_87, %get3A_88] {strides = array<i32>} : memref<4x64xi32, #tpu.memory_space<vmem>>, vector<16xi32>,
    %gather3A_90 = tpu.vector_load_idx %arg9[%get3A_89] : memref<10000xf32, #tpu.memory_space<vmem>>[vector<16xi32>], vector<16xf32>,
    %add3A_91 = arith.addf %gather3A, %gather3A_90 : vector<16xf32>
    %gt3A_92 = arith.constant 0.000000e+00 : f32
    %gt3A_93 = vector.broadcast %gt3A_92 : f32 to vector<16xf32>
    %gt3A_94 = arith.cmpf ogt, %add3A_91, %gt3A_93 : vector<16xf32>
    %mul3A_95 = arith.constant 2.000000e-01 : f32
    %mul3A_96 = vector.broadcast %mul3A_95 : f32 to vector<16xf32>
    %mul3A_97 = arith.mulf %mul3A_96, %add3A_91 : vector<16xf32>
    %select_n3A_98 = arith.select %gt3A_94, %add3A_91, %mul3A_97 : vector<16xi1>, vector<16xf32>
    %sub3A_99 = arith.subf %select_n3A_98, %select_n3A : vector<16xf32>
    %exp3A = math.exp %sub3A_99 : vector<16xf32>
    %iota3A = tpu.iota {dimensions = array<i32: 0>} : vector<16xi32>
    %add3A_100 = arith.constant 0 : i32
    %add3A_101 = vector.broadcast %add3A_100 : i32 to vector<16xi32>
    %add3A_102 = arith.addi %add3A_101, %iota3A : vector<16xi32>
    %lt3A = arith.constant 10000 : i32
    %lt3A_103 = vector.broadcast %lt3A : i32 to vector<16xi32>
    %lt3A_104 = arith.cmpi slt, %add3A_102, %lt3A_103 : vector<16xi32>
    %jit3A = arith.constant 0.000000e+00 : f32
    %broadcast_in_dim3A_105 = vector.broadcast %jit3A : f32 to vector<16xf32>
    %select_n3A_106 = arith.select %lt3A_104, %exp3A, %broadcast_in_dim3A_105 : vector<16xi1>, vector<16xf32>
    %swap3A = arith.constant 0 : i32
    %swap3A_107 = arith.index_cast %swap3A : i32 to index
    %swap3A_108 = arith.constant 0 : index
    %swap3A_109 = tpu.vector_load %arg13[%swap3A_107, %swap3A_108] {strides = array<i32>} : memref<4x64xf32, #tpu.memory_space<vmem>>, vector<16xf32>,
    tpu.vector_store %arg13[%swap3A_107, %swap3A_108], %select_n3A_106 {strides = array<i32>} : memref<4x64xf32, #tpu.memory_space<vmem>>, vector<16xf32>,
    %get3A_110 = arith.constant 0 : i32
    %get3A_111 = arith.index_cast %get3A_110 : i32 to index
    %get3A_112 = arith.constant 16 : index
    %get3A_113 = tpu.vector_load %arg11[%get3A_111, %get3A_112] {strides = array<i32>} : memref<4x64xi32, #tpu.memory_space<vmem>>, vector<16xi32>,
    %gather3A_114 = tpu.vector_load_idx %arg8[%get3A_113] : memref<10000xf32, #tpu.memory_space<vmem>>[vector<16xi32>], vector<16xf32>,
    %get3A_115 = arith.constant 0 : i32
    %get3A_116 = arith.index_cast %get3A_115 : i32 to index
    %get3A_117 = arith.constant 16 : index
    %get3A_118 = tpu.vector_load %arg12[%get3A_116, %get3A_117] {strides = array<i32>} : memref<4x64xi32, #tpu.memory_space<vmem>>, vector<16xi32>,
    %gather3A_119 = tpu.vector_load_idx %arg9[%get3A_118] : memref<10000xf32, #tpu.memory_space<vmem>>[vector<16xi32>], vector<16xf32>,
    %add3A_120 = arith.addf %gather3A_114, %gather3A_119 : vector<16xf32>
    %gt3A_121 = arith.constant 0.000000e+00 : f32
    %gt3A_122 = vector.broadcast %gt3A_121 : f32 to vector<16xf32>
    %gt3A_123 = arith.cmpf ogt, %add3A_120, %gt3A_122 : vector<16xf32>
    %mul3A_124 = arith.constant 2.000000e-01 : f32
    %mul3A_125 = vector.broadcast %mul3A_124 : f32 to vector<16xf32>
    %mul3A_126 = arith.mulf %mul3A_125, %add3A_120 : vector<16xf32>
    %select_n3A_127 = arith.select %gt3A_123, %add3A_120, %mul3A_126 : vector<16xi1>, vector<16xf32>
    %sub3A_128 = arith.subf %select_n3A_127, %select_n3A : vector<16xf32>
    %exp3A_129 = math.exp %sub3A_128 : vector<16xf32>
    %iota3A_130 = tpu.iota {dimensions = array<i32: 0>} : vector<16xi32>
    %add3A_131 = arith.constant 16 : i32
    %add3A_132 = vector.broadcast %add3A_131 : i32 to vector<16xi32>
    %add3A_133 = arith.addi %add3A_132, %iota3A_130 : vector<16xi32>
    %lt3A_134 = arith.constant 10000 : i32
    %lt3A_135 = vector.broadcast %lt3A_134 : i32 to vector<16xi32>
    %lt3A_136 = arith.cmpi slt, %add3A_133, %lt3A_135 : vector<16xi32>
    %jit3A_137 = arith.constant 0.000000e+00 : f32
    %broadcast_in_dim3A_138 = vector.broadcast %jit3A_137 : f32 to vector<16xf32>
    %select_n3A_139 = arith.select %lt3A_136, %exp3A_129, %broadcast_in_dim3A_138 : vector<16xi1>, vector<16xf32>
    %swap3A_140 = arith.constant 0 : i32
    %swap3A_141 = arith.index_cast %swap3A_140 : i32 to index
    %swap3A_142 = arith.constant 16 : index
    %swap3A_143 = tpu.vector_load %arg13[%swap3A_141, %swap3A_142] {strides = array<i32>} : memref<4x64xf32, #tpu.memory_space<vmem>>, vector<16xf32>,
    tpu.vector_store %arg13[%swap3A_141, %swap3A_142], %select_n3A_139 {strides = array<i32>} : memref<4x64xf32, #tpu.memory_space<vmem>>, vector<16xf32>,
    %get3A_144 = arith.constant 0 : i32
    %get3A_145 = arith.index_cast %get3A_144 : i32 to index
    %get3A_146 = arith.constant 32 : index
    %get3A_147 = tpu.vector_load %arg11[%get3A_145, %get3A_146] {strides = array<i32>} : memref<4x64xi32, #tpu.memory_space<vmem>>, vector<16xi32>,
    %gather3A_148 = tpu.vector_load_idx %arg8[%get3A_147] : memref<10000xf32, #tpu.memory_space<vmem>>[vector<16xi32>], vector<16xf32>,
    %get3A_149 = arith.constant 0 : i32
    %get3A_150 = arith.index_cast %get3A_149 : i32 to index
    %get3A_151 = arith.constant 32 : index
    %get3A_152 = tpu.vector_load %arg12[%get3A_150, %get3A_151] {strides = array<i32>} : memref<4x64xi32, #tpu.memory_space<vmem>>, vector<16xi32>,
    %gather3A_153 = tpu.vector_load_idx %arg9[%get3A_152] : memref<10000xf32, #tpu.memory_space<vmem>>[vector<16xi32>], vector<16xf32>,
    %add3A_154 = arith.addf %gather3A_148, %gather3A_153 : vector<16xf32>
    %gt3A_155 = arith.constant 0.000000e+00 : f32
    %gt3A_156 = vector.broadcast %gt3A_155 : f32 to vector<16xf32>
    %gt3A_157 = arith.cmpf ogt, %add3A_154, %gt3A_156 : vector<16xf32>
    %mul3A_158 = arith.constant 2.000000e-01 : f32
    %mul3A_159 = vector.broadcast %mul3A_158 : f32 to vector<16xf32>
    %mul3A_160 = arith.mulf %mul3A_159, %add3A_154 : vector<16xf32>
    %select_n3A_161 = arith.select %gt3A_157, %add3A_154, %mul3A_160 : vector<16xi1>, vector<16xf32>
    %sub3A_162 = arith.subf %select_n3A_161, %select_n3A : vector<16xf32>
    %exp3A_163 = math.exp %sub3A_162 : vector<16xf32>
    %iota3A_164 = tpu.iota {dimensions = array<i32: 0>} : vector<16xi32>
    %add3A_165 = arith.constant 32 : i32
    %add3A_166 = vector.broadcast %add3A_165 : i32 to vector<16xi32>
    %add3A_167 = arith.addi %add3A_166, %iota3A_164 : vector<16xi32>
    %lt3A_168 = arith.constant 10000 : i32
    %lt3A_169 = vector.broadcast %lt3A_168 : i32 to vector<16xi32>
    %lt3A_170 = arith.cmpi slt, %add3A_167, %lt3A_169 : vector<16xi32>
    %jit3A_171 = arith.constant 0.000000e+00 : f32
    %broadcast_in_dim3A_172 = vector.broadcast %jit3A_171 : f32 to vector<16xf32>
    %select_n3A_173 = arith.select %lt3A_170, %exp3A_163, %broadcast_in_dim3A_172 : vector<16xi1>, vector<16xf32>
    %swap3A_174 = arith.constant 0 : i32
    %swap3A_175 = arith.index_cast %swap3A_174 : i32 to index
    %swap3A_176 = arith.constant 32 : index
    %swap3A_177 = tpu.vector_load %arg13[%swap3A_175, %swap3A_176] {strides = array<i32>} : memref<4x64xf32, #tpu.memory_space<vmem>>, vector<16xf32>,
    tpu.vector_store %arg13[%swap3A_175, %swap3A_176], %select_n3A_173 {strides = array<i32>} : memref<4x64xf32, #tpu.memory_space<vmem>>, vector<16xf32>,
    %get3A_178 = arith.constant 0 : i32
    %get3A_179 = arith.index_cast %get3A_178 : i32 to index
    %get3A_180 = arith.constant 48 : index
    %get3A_181 = tpu.vector_load %arg11[%get3A_179, %get3A_180] {strides = array<i32>} : memref<4x64xi32, #tpu.memory_space<vmem>>, vector<16xi32>,
    %gather3A_182 = tpu.vector_load_idx %arg8[%get3A_181] : memref<10000xf32, #tpu.memory_space<vmem>>[vector<16xi32>], vector<16xf32>,
    %get3A_183 = arith.constant 0 : i32
    %get3A_184 = arith.index_cast %get3A_183 : i32 to index
    %get3A_185 = arith.constant 48 : index
    %get3A_186 = tpu.vector_load %arg12[%get3A_184, %get3A_185] {strides = array<i32>} : memref<4x64xi32, #tpu.memory_space<vmem>>, vector<16xi32>,
    %gather3A_187 = tpu.vector_load_idx %arg9[%get3A_186] : memref<10000xf32, #tpu.memory_space<vmem>>[vector<16xi32>], vector<16xf32>,
    %add3A_188 = arith.addf %gather3A_182, %gather3A_187 : vector<16xf32>
    %gt3A_189 = arith.constant 0.000000e+00 : f32
    %gt3A_190 = vector.broadcast %gt3A_189 : f32 to vector<16xf32>
    %gt3A_191 = arith.cmpf ogt, %add3A_188, %gt3A_190 : vector<16xf32>
    %mul3A_192 = arith.constant 2.000000e-01 : f32
    %mul3A_193 = vector.broadcast %mul3A_192 : f32 to vector<16xf32>
    %mul3A_194 = arith.mulf %mul3A_193, %add3A_188 : vector<16xf32>
    %select_n3A_195 = arith.select %gt3A_191, %add3A_188, %mul3A_194 : vector<16xi1>, vector<16xf32>
    %sub3A_196 = arith.subf %select_n3A_195, %select_n3A : vector<16xf32>
    %exp3A_197 = math.exp %sub3A_196 : vector<16xf32>
    %iota3A_198 = tpu.iota {dimensions = array<i32: 0>} : vector<16xi32>
    %add3A_199 = arith.constant 48 : i32
    %add3A_200 = vector.broadcast %add3A_199 : i32 to vector<16xi32>
    %add3A_201 = arith.addi %add3A_200, %iota3A_198 : vector<16xi32>
    %lt3A_202 = arith.constant 10000 : i32
    %lt3A_203 = vector.broadcast %lt3A_202 : i32 to vector<16xi32>
    %lt3A_204 = arith.cmpi slt, %add3A_201, %lt3A_203 : vector<16xi32>
    %jit3A_205 = arith.constant 0.000000e+00 : f32
    %broadcast_in_dim3A_206 = vector.broadcast %jit3A_205 : f32 to vector<16xf32>
    %select_n3A_207 = arith.select %lt3A_204, %exp3A_197, %broadcast_in_dim3A_206 : vector<16xi1>, vector<16xf32>
    %swap3A_208 = arith.constant 0 : i32
    %swap3A_209 = arith.index_cast %swap3A_208 : i32 to index
    %swap3A_210 = arith.constant 48 : index
    %swap3A_211 = tpu.vector_load %arg13[%swap3A_209, %swap3A_210] {strides = array<i32>} : memref<4x64xf32, #tpu.memory_space<vmem>>, vector<16xf32>,
    tpu.vector_store %arg13[%swap3A_209, %swap3A_210], %select_n3A_207 {strides = array<i32>} : memref<4x64xf32, #tpu.memory_space<vmem>>, vector<16xf32>,
    %get3A_212 = arith.constant 1 : i32
    %get3A_213 = arith.index_cast %get3A_212 : i32 to index
    %get3A_214 = arith.constant 0 : index
    %get3A_215 = tpu.vector_load %arg11[%get3A_213, %get3A_214] {strides = array<i32>} : memref<4x64xi32, #tpu.memory_space<vmem>>, vector<16xi32>,
    %gather3A_216 = tpu.vector_load_idx %arg8[%get3A_215] : memref<10000xf32, #tpu.memory_space<vmem>>[vector<16xi32>], vector<16xf32>,
    %get3A_217 = arith.constant 1 : i32
    %get3A_218 = arith.index_cast %get3A_217 : i32 to index
    %get3A_219 = arith.constant 0 : index
    %get3A_220 = tpu.vector_load %arg12[%get3A_218, %get3A_219] {strides = array<i32>} : memref<4x64xi32, #tpu.memory_space<vmem>>, vector<16xi32>,
    %gather3A_221 = tpu.vector_load_idx %arg9[%get3A_220] : memref<10000xf32, #tpu.memory_space<vmem>>[vector<16xi32>], vector<16xf32>,
    %add3A_222 = arith.addf %gather3A_216, %gather3A_221 : vector<16xf32>
    %gt3A_223 = arith.constant 0.000000e+00 : f32
    %gt3A_224 = vector.broadcast %gt3A_223 : f32 to vector<16xf32>
    %gt3A_225 = arith.cmpf ogt, %add3A_222, %gt3A_224 : vector<16xf32>
    %mul3A_226 = arith.constant 2.000000e-01 : f32
    %mul3A_227 = vector.broadcast %mul3A_226 : f32 to vector<16xf32>
    %mul3A_228 = arith.mulf %mul3A_227, %add3A_222 : vector<16xf32>
    %select_n3A_229 = arith.select %gt3A_225, %add3A_222, %mul3A_228 : vector<16xi1>, vector<16xf32>
    %sub3A_230 = arith.subf %select_n3A_229, %select_n3A : vector<16xf32>
    %exp3A_231 = math.exp %sub3A_230 : vector<16xf32>
    %iota3A_232 = tpu.iota {dimensions = array<i32: 0>} : vector<16xi32>
    %add3A_233 = arith.constant 64 : i32
    %add3A_234 = vector.broadcast %add3A_233 : i32 to vector<16xi32>
    %add3A_235 = arith.addi %add3A_234, %iota3A_232 : vector<16xi32>
    %lt3A_236 = arith.constant 10000 : i32
    %lt3A_237 = vector.broadcast %lt3A_236 : i32 to vector<16xi32>
    %lt3A_238 = arith.cmpi slt, %add3A_235, %lt3A_237 : vector<16xi32>
    %jit3A_239 = arith.constant 0.000000e+00 : f32
    %broadcast_in_dim3A_240 = vector.broadcast %jit3A_239 : f32 to vector<16xf32>
    %select_n3A_241 = arith.select %lt3A_238, %exp3A_231, %broadcast_in_dim3A_240 : vector<16xi1>, vector<16xf32>
    %swap3A_242 = arith.constant 1 : i32
    %swap3A_243 = arith.index_cast %swap3A_242 : i32 to index
    %swap3A_244 = arith.constant 0 : index
    %swap3A_245 = tpu.vector_load %arg13[%swap3A_243, %swap3A_244] {strides = array<i32>} : memref<4x64xf32, #tpu.memory_space<vmem>>, vector<16xf32>,
    tpu.vector_store %arg13[%swap3A_243, %swap3A_244], %select_n3A_241 {strides = array<i32>} : memref<4x64xf32, #tpu.memory_space<vmem>>, vector<16xf32>,
    %get3A_246 = arith.constant 1 : i32
    %get3A_247 = arith.index_cast %get3A_246 : i32 to index
    %get3A_248 = arith.constant 16 : index
    %get3A_249 = tpu.vector_load %arg11[%get3A_247, %get3A_248] {strides = array<i32>} : memref<4x64xi32, #tpu.memory_space<vmem>>, vector<16xi32>,
    %gather3A_250 = tpu.vector_load_idx %arg8[%get3A_249] : memref<10000xf32, #tpu.memory_space<vmem>>[vector<16xi32>], vector<16xf32>,
    %get3A_251 = arith.constant 1 : i32
    %get3A_252 = arith.index_cast %get3A_251 : i32 to index
    %get3A_253 = arith.constant 16 : index
    %get3A_254 = tpu.vector_load %arg12[%get3A_252, %get3A_253] {strides = array<i32>} : memref<4x64xi32, #tpu.memory_space<vmem>>, vector<16xi32>,
    %gather3A_255 = tpu.vector_load_idx %arg9[%get3A_254] : memref<10000xf32, #tpu.memory_space<vmem>>[vector<16xi32>], vector<16xf32>,
    %add3A_256 = arith.addf %gather3A_250, %gather3A_255 : vector<16xf32>
    %gt3A_257 = arith.constant 0.000000e+00 : f32
    %gt3A_258 = vector.broadcast %gt3A_257 : f32 to vector<16xf32>
    %gt3A_259 = arith.cmpf ogt, %add3A_256, %gt3A_258 : vector<16xf32>
    %mul3A_260 = arith.constant 2.000000e-01 : f32
    %mul3A_261 = vector.broadcast %mul3A_260 : f32 to vector<16xf32>
    %mul3A_262 = arith.mulf %mul3A_261, %add3A_256 : vector<16xf32>
    %select_n3A_263 = arith.select %gt3A_259, %add3A_256, %mul3A_262 : vector<16xi1>, vector<16xf32>
    %sub3A_264 = arith.subf %select_n3A_263, %select_n3A : vector<16xf32>
    %exp3A_265 = math.exp %sub3A_264 : vector<16xf32>
    %iota3A_266 = tpu.iota {dimensions = array<i32: 0>} : vector<16xi32>
    %add3A_267 = arith.constant 80 : i32
    %add3A_268 = vector.broadcast %add3A_267 : i32 to vector<16xi32>
    %add3A_269 = arith.addi %add3A_268, %iota3A_266 : vector<16xi32>
    %lt3A_270 = arith.constant 10000 : i32
    %lt3A_271 = vector.broadcast %lt3A_270 : i32 to vector<16xi32>
    %lt3A_272 = arith.cmpi slt, %add3A_269, %lt3A_271 : vector<16xi32>
    %jit3A_273 = arith.constant 0.000000e+00 : f32
    %broadcast_in_dim3A_274 = vector.broadcast %jit3A_273 : f32 to vector<16xf32>
    %select_n3A_275 = arith.select %lt3A_272, %exp3A_265, %broadcast_in_dim3A_274 : vector<16xi1>, vector<16xf32>
    %swap3A_276 = arith.constant 1 : i32
    %swap3A_277 = arith.index_cast %swap3A_276 : i32 to index
    %swap3A_278 = arith.constant 16 : index
    %swap3A_279 = tpu.vector_load %arg13[%swap3A_277, %swap3A_278] {strides = array<i32>} : memref<4x64xf32, #tpu.memory_space<vmem>>, vector<16xf32>,
    tpu.vector_store %arg13[%swap3A_277, %swap3A_278], %select_n3A_275 {strides = array<i32>} : memref<4x64xf32, #tpu.memory_space<vmem>>, vector<16xf32>,
    %get3A_280 = arith.constant 1 : i32
    %get3A_281 = arith.index_cast %get3A_280 : i32 to index
    %get3A_282 = arith.constant 32 : index
    %get3A_283 = tpu.vector_load %arg11[%get3A_281, %get3A_282] {strides = array<i32>} : memref<4x64xi32, #tpu.memory_space<vmem>>, vector<16xi32>,
    %gather3A_284 = tpu.vector_load_idx %arg8[%get3A_283] : memref<10000xf32, #tpu.memory_space<vmem>>[vector<16xi32>], vector<16xf32>,
    %get3A_285 = arith.constant 1 : i32
    %get3A_286 = arith.index_cast %get3A_285 : i32 to index
    %get3A_287 = arith.constant 32 : index
    %get3A_288 = tpu.vector_load %arg12[%get3A_286, %get3A_287] {strides = array<i32>} : memref<4x64xi32, #tpu.memory_space<vmem>>, vector<16xi32>,
    %gather3A_289 = tpu.vector_load_idx %arg9[%get3A_288] : memref<10000xf32, #tpu.memory_space<vmem>>[vector<16xi32>], vector<16xf32>,
    %add3A_290 = arith.addf %gather3A_284, %gather3A_289 : vector<16xf32>
    %gt3A_291 = arith.constant 0.000000e+00 : f32
    %gt3A_292 = vector.broadcast %gt3A_291 : f32 to vector<16xf32>
    %gt3A_293 = arith.cmpf ogt, %add3A_290, %gt3A_292 : vector<16xf32>
    %mul3A_294 = arith.constant 2.000000e-01 : f32
    %mul3A_295 = vector.broadcast %mul3A_294 : f32 to vector<16xf32>
    %mul3A_296 = arith.mulf %mul3A_295, %add3A_290 : vector<16xf32>
    %select_n3A_297 = arith.select %gt3A_293, %add3A_290, %mul3A_296 : vector<16xi1>, vector<16xf32>
    %sub3A_298 = arith.subf %select_n3A_297, %select_n3A : vector<16xf32>
    %exp3A_299 = math.exp %sub3A_298 : vector<16xf32>
    %iota3A_300 = tpu.iota {dimensions = array<i32: 0>} : vector<16xi32>
    %add3A_301 = arith.constant 96 : i32
    %add3A_302 = vector.broadcast %add3A_301 : i32 to vector<16xi32>
    %add3A_303 = arith.addi %add3A_302, %iota3A_300 : vector<16xi32>
    %lt3A_304 = arith.constant 10000 : i32
    %lt3A_305 = vector.broadcast %lt3A_304 : i32 to vector<16xi32>
    %lt3A_306 = arith.cmpi slt, %add3A_303, %lt3A_305 : vector<16xi32>
    %jit3A_307 = arith.constant 0.000000e+00 : f32
    %broadcast_in_dim3A_308 = vector.broadcast %jit3A_307 : f32 to vector<16xf32>
    %select_n3A_309 = arith.select %lt3A_306, %exp3A_299, %broadcast_in_dim3A_308 : vector<16xi1>, vector<16xf32>
    %swap3A_310 = arith.constant 1 : i32
    %swap3A_311 = arith.index_cast %swap3A_310 : i32 to index
    %swap3A_312 = arith.constant 32 : index
    %swap3A_313 = tpu.vector_load %arg13[%swap3A_311, %swap3A_312] {strides = array<i32>} : memref<4x64xf32, #tpu.memory_space<vmem>>, vector<16xf32>,
    tpu.vector_store %arg13[%swap3A_311, %swap3A_312], %select_n3A_309 {strides = array<i32>} : memref<4x64xf32, #tpu.memory_space<vmem>>, vector<16xf32>,
    %get3A_314 = arith.constant 1 : i32
    %get3A_315 = arith.index_cast %get3A_314 : i32 to index
    %get3A_316 = arith.constant 48 : index
    %get3A_317 = tpu.vector_load %arg11[%get3A_315, %get3A_316] {strides = array<i32>} : memref<4x64xi32, #tpu.memory_space<vmem>>, vector<16xi32>,
    %gather3A_318 = tpu.vector_load_idx %arg8[%get3A_317] : memref<10000xf32, #tpu.memory_space<vmem>>[vector<16xi32>], vector<16xf32>,
    %get3A_319 = arith.constant 1 : i32
    %get3A_320 = arith.index_cast %get3A_319 : i32 to index
    %get3A_321 = arith.constant 48 : index
    %get3A_322 = tpu.vector_load %arg12[%get3A_320, %get3A_321] {strides = array<i32>} : memref<4x64xi32, #tpu.memory_space<vmem>>, vector<16xi32>,
    %gather3A_323 = tpu.vector_load_idx %arg9[%get3A_322] : memref<10000xf32, #tpu.memory_space<vmem>>[vector<16xi32>], vector<16xf32>,
    %add3A_324 = arith.addf %gather3A_318, %gather3A_323 : vector<16xf32>
    %gt3A_325 = arith.constant 0.000000e+00 : f32
    %gt3A_326 = vector.broadcast %gt3A_325 : f32 to vector<16xf32>
    %gt3A_327 = arith.cmpf ogt, %add3A_324, %gt3A_326 : vector<16xf32>
    %mul3A_328 = arith.constant 2.000000e-01 : f32
    %mul3A_329 = vector.broadcast %mul3A_328 : f32 to vector<16xf32>
    %mul3A_330 = arith.mulf %mul3A_329, %add3A_324 : vector<16xf32>
    %select_n3A_331 = arith.select %gt3A_327, %add3A_324, %mul3A_330 : vector<16xi1>, vector<16xf32>
    %sub3A_332 = arith.subf %select_n3A_331, %select_n3A : vector<16xf32>
    %exp3A_333 = math.exp %sub3A_332 : vector<16xf32>
    %iota3A_334 = tpu.iota {dimensions = array<i32: 0>} : vector<16xi32>
    %add3A_335 = arith.constant 112 : i32
    %add3A_336 = vector.broadcast %add3A_335 : i32 to vector<16xi32>
    %add3A_337 = arith.addi %add3A_336, %iota3A_334 : vector<16xi32>
    %lt3A_338 = arith.constant 10000 : i32
    %lt3A_339 = vector.broadcast %lt3A_338 : i32 to vector<16xi32>
    %lt3A_340 = arith.cmpi slt, %add3A_337, %lt3A_339 : vector<16xi32>
    %jit3A_341 = arith.constant 0.000000e+00 : f32
    %broadcast_in_dim3A_342 = vector.broadcast %jit3A_341 : f32 to vector<16xf32>
    %select_n3A_343 = arith.select %lt3A_340, %exp3A_333, %broadcast_in_dim3A_342 : vector<16xi1>, vector<16xf32>
    %swap3A_344 = arith.constant 1 : i32
    %swap3A_345 = arith.index_cast %swap3A_344 : i32 to index
    %swap3A_346 = arith.constant 48 : index
    %swap3A_347 = tpu.vector_load %arg13[%swap3A_345, %swap3A_346] {strides = array<i32>} : memref<4x64xf32, #tpu.memory_space<vmem>>, vector<16xf32>,
    tpu.vector_store %arg13[%swap3A_345, %swap3A_346], %select_n3A_343 {strides = array<i32>} : memref<4x64xf32, #tpu.memory_space<vmem>>, vector<16xf32>,
    %get3A_348 = arith.constant 2 : i32
    %get3A_349 = arith.index_cast %get3A_348 : i32 to index
    %get3A_350 = arith.constant 0 : index
    %get3A_351 = tpu.vector_load %arg11[%get3A_349, %get3A_350] {strides = array<i32>} : memref<4x64xi32, #tpu.memory_space<vmem>>, vector<16xi32>,
    %gather3A_352 = tpu.vector_load_idx %arg8[%get3A_351] : memref<10000xf32, #tpu.memory_space<vmem>>[vector<16xi32>], vector<16xf32>,
    %get3A_353 = arith.constant 2 : i32
    %get3A_354 = arith.index_cast %get3A_353 : i32 to index
    %get3A_355 = arith.constant 0 : index
    %get3A_356 = tpu.vector_load %arg12[%get3A_354, %get3A_355] {strides = array<i32>} : memref<4x64xi32, #tpu.memory_space<vmem>>, vector<16xi32>,
    %gather3A_357 = tpu.vector_load_idx %arg9[%get3A_356] : memref<10000xf32, #tpu.memory_space<vmem>>[vector<16xi32>], vector<16xf32>,
    %add3A_358 = arith.addf %gather3A_352, %gather3A_357 : vector<16xf32>
    %gt3A_359 = arith.constant 0.000000e+00 : f32
    %gt3A_360 = vector.broadcast %gt3A_359 : f32 to vector<16xf32>
    %gt3A_361 = arith.cmpf ogt, %add3A_358, %gt3A_360 : vector<16xf32>
    %mul3A_362 = arith.constant 2.000000e-01 : f32
    %mul3A_363 = vector.broadcast %mul3A_362 : f32 to vector<16xf32>
    %mul3A_364 = arith.mulf %mul3A_363, %add3A_358 : vector<16xf32>
    %select_n3A_365 = arith.select %gt3A_361, %add3A_358, %mul3A_364 : vector<16xi1>, vector<16xf32>
    %sub3A_366 = arith.subf %select_n3A_365, %select_n3A : vector<16xf32>
    %exp3A_367 = math.exp %sub3A_366 : vector<16xf32>
    %iota3A_368 = tpu.iota {dimensions = array<i32: 0>} : vector<16xi32>
    %add3A_369 = arith.constant 128 : i32
    %add3A_370 = vector.broadcast %add3A_369 : i32 to vector<16xi32>
    %add3A_371 = arith.addi %add3A_370, %iota3A_368 : vector<16xi32>
    %lt3A_372 = arith.constant 10000 : i32
    %lt3A_373 = vector.broadcast %lt3A_372 : i32 to vector<16xi32>
    %lt3A_374 = arith.cmpi slt, %add3A_371, %lt3A_373 : vector<16xi32>
    %jit3A_375 = arith.constant 0.000000e+00 : f32
    %broadcast_in_dim3A_376 = vector.broadcast %jit3A_375 : f32 to vector<16xf32>
    %select_n3A_377 = arith.select %lt3A_374, %exp3A_367, %broadcast_in_dim3A_376 : vector<16xi1>, vector<16xf32>
    %swap3A_378 = arith.constant 2 : i32
    %swap3A_379 = arith.index_cast %swap3A_378 : i32 to index
    %swap3A_380 = arith.constant 0 : index
    %swap3A_381 = tpu.vector_load %arg13[%swap3A_379, %swap3A_380] {strides = array<i32>} : memref<4x64xf32, #tpu.memory_space<vmem>>, vector<16xf32>,
    tpu.vector_store %arg13[%swap3A_379, %swap3A_380], %select_n3A_377 {strides = array<i32>} : memref<4x64xf32, #tpu.memory_space<vmem>>, vector<16xf32>,
    %get3A_382 = arith.constant 2 : i32
    %get3A_383 = arith.index_cast %get3A_382 : i32 to index
    %get3A_384 = arith.constant 16 : index
    %get3A_385 = tpu.vector_load %arg11[%get3A_383, %get3A_384] {strides = array<i32>} : memref<4x64xi32, #tpu.memory_space<vmem>>, vector<16xi32>,
    %gather3A_386 = tpu.vector_load_idx %arg8[%get3A_385] : memref<10000xf32, #tpu.memory_space<vmem>>[vector<16xi32>], vector<16xf32>,
    %get3A_387 = arith.constant 2 : i32
    %get3A_388 = arith.index_cast %get3A_387 : i32 to index
    %get3A_389 = arith.constant 16 : index
    %get3A_390 = tpu.vector_load %arg12[%get3A_388, %get3A_389] {strides = array<i32>} : memref<4x64xi32, #tpu.memory_space<vmem>>, vector<16xi32>,
    %gather3A_391 = tpu.vector_load_idx %arg9[%get3A_390] : memref<10000xf32, #tpu.memory_space<vmem>>[vector<16xi32>], vector<16xf32>,
    %add3A_392 = arith.addf %gather3A_386, %gather3A_391 : vector<16xf32>
    %gt3A_393 = arith.constant 0.000000e+00 : f32
    %gt3A_394 = vector.broadcast %gt3A_393 : f32 to vector<16xf32>
    %gt3A_395 = arith.cmpf ogt, %add3A_392, %gt3A_394 : vector<16xf32>
    %mul3A_396 = arith.constant 2.000000e-01 : f32
    %mul3A_397 = vector.broadcast %mul3A_396 : f32 to vector<16xf32>
    %mul3A_398 = arith.mulf %mul3A_397, %add3A_392 : vector<16xf32>
    %select_n3A_399 = arith.select %gt3A_395, %add3A_392, %mul3A_398 : vector<16xi1>, vector<16xf32>
    %sub3A_400 = arith.subf %select_n3A_399, %select_n3A : vector<16xf32>
    %exp3A_401 = math.exp %sub3A_400 : vector<16xf32>
    %iota3A_402 = tpu.iota {dimensions = array<i32: 0>} : vector<16xi32>
    %add3A_403 = arith.constant 144 : i32
    %add3A_404 = vector.broadcast %add3A_403 : i32 to vector<16xi32>
    %add3A_405 = arith.addi %add3A_404, %iota3A_402 : vector<16xi32>
    %lt3A_406 = arith.constant 10000 : i32
    %lt3A_407 = vector.broadcast %lt3A_406 : i32 to vector<16xi32>
    %lt3A_408 = arith.cmpi slt, %add3A_405, %lt3A_407 : vector<16xi32>
    %jit3A_409 = arith.constant 0.000000e+00 : f32
    %broadcast_in_dim3A_410 = vector.broadcast %jit3A_409 : f32 to vector<16xf32>
    %select_n3A_411 = arith.select %lt3A_408, %exp3A_401, %broadcast_in_dim3A_410 : vector<16xi1>, vector<16xf32>
    %swap3A_412 = arith.constant 2 : i32
    %swap3A_413 = arith.index_cast %swap3A_412 : i32 to index
    %swap3A_414 = arith.constant 16 : index
    %swap3A_415 = tpu.vector_load %arg13[%swap3A_413, %swap3A_414] {strides = array<i32>} : memref<4x64xf32, #tpu.memory_space<vmem>>, vector<16xf32>,
    tpu.vector_store %arg13[%swap3A_413, %swap3A_414], %select_n3A_411 {strides = array<i32>} : memref<4x64xf32, #tpu.memory_space<vmem>>, vector<16xf32>,
    %get3A_416 = arith.constant 2 : i32
    %get3A_417 = arith.index_cast %get3A_416 : i32 to index
    %get3A_418 = arith.constant 32 : index
    %get3A_419 = tpu.vector_load %arg11[%get3A_417, %get3A_418] {strides = array<i32>} : memref<4x64xi32, #tpu.memory_space<vmem>>, vector<16xi32>,
    %gather3A_420 = tpu.vector_load_idx %arg8[%get3A_419] : memref<10000xf32, #tpu.memory_space<vmem>>[vector<16xi32>], vector<16xf32>,
    %get3A_421 = arith.constant 2 : i32
    %get3A_422 = arith.index_cast %get3A_421 : i32 to index
    %get3A_423 = arith.constant 32 : index
    %get3A_424 = tpu.vector_load %arg12[%get3A_422, %get3A_423] {strides = array<i32>} : memref<4x64xi32, #tpu.memory_space<vmem>>, vector<16xi32>,
    %gather3A_425 = tpu.vector_load_idx %arg9[%get3A_424] : memref<10000xf32, #tpu.memory_space<vmem>>[vector<16xi32>], vector<16xf32>,
    %add3A_426 = arith.addf %gather3A_420, %gather3A_425 : vector<16xf32>
    %gt3A_427 = arith.constant 0.000000e+00 : f32
    %gt3A_428 = vector.broadcast %gt3A_427 : f32 to vector<16xf32>
    %gt3A_429 = arith.cmpf ogt, %add3A_426, %gt3A_428 : vector<16xf32>
    %mul3A_430 = arith.constant 2.000000e-01 : f32
    %mul3A_431 = vector.broadcast %mul3A_430 : f32 to vector<16xf32>
    %mul3A_432 = arith.mulf %mul3A_431, %add3A_426 : vector<16xf32>
    %select_n3A_433 = arith.select %gt3A_429, %add3A_426, %mul3A_432 : vector<16xi1>, vector<16xf32>
    %sub3A_434 = arith.subf %select_n3A_433, %select_n3A : vector<16xf32>
    %exp3A_435 = math.exp %sub3A_434 : vector<16xf32>
    %iota3A_436 = tpu.iota {dimensions = array<i32: 0>} : vector<16xi32>
    %add3A_437 = arith.constant 160 : i32
    %add3A_438 = vector.broadcast %add3A_437 : i32 to vector<16xi32>
    %add3A_439 = arith.addi %add3A_438, %iota3A_436 : vector<16xi32>
    %lt3A_440 = arith.constant 10000 : i32
    %lt3A_441 = vector.broadcast %lt3A_440 : i32 to vector<16xi32>
    %lt3A_442 = arith.cmpi slt, %add3A_439, %lt3A_441 : vector<16xi32>
    %jit3A_443 = arith.constant 0.000000e+00 : f32
    %broadcast_in_dim3A_444 = vector.broadcast %jit3A_443 : f32 to vector<16xf32>
    %select_n3A_445 = arith.select %lt3A_442, %exp3A_435, %broadcast_in_dim3A_444 : vector<16xi1>, vector<16xf32>
    %swap3A_446 = arith.constant 2 : i32
    %swap3A_447 = arith.index_cast %swap3A_446 : i32 to index
    %swap3A_448 = arith.constant 32 : index
    %swap3A_449 = tpu.vector_load %arg13[%swap3A_447, %swap3A_448] {strides = array<i32>} : memref<4x64xf32, #tpu.memory_space<vmem>>, vector<16xf32>,
    tpu.vector_store %arg13[%swap3A_447, %swap3A_448], %select_n3A_445 {strides = array<i32>} : memref<4x64xf32, #tpu.memory_space<vmem>>, vector<16xf32>,
    %get3A_450 = arith.constant 2 : i32
    %get3A_451 = arith.index_cast %get3A_450 : i32 to index
    %get3A_452 = arith.constant 48 : index
    %get3A_453 = tpu.vector_load %arg11[%get3A_451, %get3A_452] {strides = array<i32>} : memref<4x64xi32, #tpu.memory_space<vmem>>, vector<16xi32>,
    %gather3A_454 = tpu.vector_load_idx %arg8[%get3A_453] : memref<10000xf32, #tpu.memory_space<vmem>>[vector<16xi32>], vector<16xf32>,
    %get3A_455 = arith.constant 2 : i32
    %get3A_456 = arith.index_cast %get3A_455 : i32 to index
    %get3A_457 = arith.constant 48 : index
    %get3A_458 = tpu.vector_load %arg12[%get3A_456, %get3A_457] {strides = array<i32>} : memref<4x64xi32, #tpu.memory_space<vmem>>, vector<16xi32>,
    %gather3A_459 = tpu.vector_load_idx %arg9[%get3A_458] : memref<10000xf32, #tpu.memory_space<vmem>>[vector<16xi32>], vector<16xf32>,
    %add3A_460 = arith.addf %gather3A_454, %gather3A_459 : vector<16xf32>
    %gt3A_461 = arith.constant 0.000000e+00 : f32
    %gt3A_462 = vector.broadcast %gt3A_461 : f32 to vector<16xf32>
    %gt3A_463 = arith.cmpf ogt, %add3A_460, %gt3A_462 : vector<16xf32>
    %mul3A_464 = arith.constant 2.000000e-01 : f32
    %mul3A_465 = vector.broadcast %mul3A_464 : f32 to vector<16xf32>
    %mul3A_466 = arith.mulf %mul3A_465, %add3A_460 : vector<16xf32>
    %select_n3A_467 = arith.select %gt3A_463, %add3A_460, %mul3A_466 : vector<16xi1>, vector<16xf32>
    %sub3A_468 = arith.subf %select_n3A_467, %select_n3A : vector<16xf32>
    %exp3A_469 = math.exp %sub3A_468 : vector<16xf32>
    %iota3A_470 = tpu.iota {dimensions = array<i32: 0>} : vector<16xi32>
    %add3A_471 = arith.constant 176 : i32
    %add3A_472 = vector.broadcast %add3A_471 : i32 to vector<16xi32>
    %add3A_473 = arith.addi %add3A_472, %iota3A_470 : vector<16xi32>
    %lt3A_474 = arith.constant 10000 : i32
    %lt3A_475 = vector.broadcast %lt3A_474 : i32 to vector<16xi32>
    %lt3A_476 = arith.cmpi slt, %add3A_473, %lt3A_475 : vector<16xi32>
    %jit3A_477 = arith.constant 0.000000e+00 : f32
    %broadcast_in_dim3A_478 = vector.broadcast %jit3A_477 : f32 to vector<16xf32>
    %select_n3A_479 = arith.select %lt3A_476, %exp3A_469, %broadcast_in_dim3A_478 : vector<16xi1>, vector<16xf32>
    %swap3A_480 = arith.constant 2 : i32
    %swap3A_481 = arith.index_cast %swap3A_480 : i32 to index
    %swap3A_482 = arith.constant 48 : index
    %swap3A_483 = tpu.vector_load %arg13[%swap3A_481, %swap3A_482] {strides = array<i32>} : memref<4x64xf32, #tpu.memory_space<vmem>>, vector<16xf32>,
    tpu.vector_store %arg13[%swap3A_481, %swap3A_482], %select_n3A_479 {strides = array<i32>} : memref<4x64xf32, #tpu.memory_space<vmem>>, vector<16xf32>,
    %get3A_484 = arith.constant 3 : i32
    %get3A_485 = arith.index_cast %get3A_484 : i32 to index
    %get3A_486 = arith.constant 0 : index
    %get3A_487 = tpu.vector_load %arg11[%get3A_485, %get3A_486] {strides = array<i32>} : memref<4x64xi32, #tpu.memory_space<vmem>>, vector<16xi32>,
    %gather3A_488 = tpu.vector_load_idx %arg8[%get3A_487] : memref<10000xf32, #tpu.memory_space<vmem>>[vector<16xi32>], vector<16xf32>,
    %get3A_489 = arith.constant 3 : i32
    %get3A_490 = arith.index_cast %get3A_489 : i32 to index
    %get3A_491 = arith.constant 0 : index
    %get3A_492 = tpu.vector_load %arg12[%get3A_490, %get3A_491] {strides = array<i32>} : memref<4x64xi32, #tpu.memory_space<vmem>>, vector<16xi32>,
    %gather3A_493 = tpu.vector_load_idx %arg9[%get3A_492] : memref<10000xf32, #tpu.memory_space<vmem>>[vector<16xi32>], vector<16xf32>,
    %add3A_494 = arith.addf %gather3A_488, %gather3A_493 : vector<16xf32>
    %gt3A_495 = arith.constant 0.000000e+00 : f32
    %gt3A_496 = vector.broadcast %gt3A_495 : f32 to vector<16xf32>
    %gt3A_497 = arith.cmpf ogt, %add3A_494, %gt3A_496 : vector<16xf32>
    %mul3A_498 = arith.constant 2.000000e-01 : f32
    %mul3A_499 = vector.broadcast %mul3A_498 : f32 to vector<16xf32>
    %mul3A_500 = arith.mulf %mul3A_499, %add3A_494 : vector<16xf32>
    %select_n3A_501 = arith.select %gt3A_497, %add3A_494, %mul3A_500 : vector<16xi1>, vector<16xf32>
    %sub3A_502 = arith.subf %select_n3A_501, %select_n3A : vector<16xf32>
    %exp3A_503 = math.exp %sub3A_502 : vector<16xf32>
    %iota3A_504 = tpu.iota {dimensions = array<i32: 0>} : vector<16xi32>
    %add3A_505 = arith.constant 192 : i32
    %add3A_506 = vector.broadcast %add3A_505 : i32 to vector<16xi32>
    %add3A_507 = arith.addi %add3A_506, %iota3A_504 : vector<16xi32>
    %lt3A_508 = arith.constant 10000 : i32
    %lt3A_509 = vector.broadcast %lt3A_508 : i32 to vector<16xi32>
    %lt3A_510 = arith.cmpi slt, %add3A_507, %lt3A_509 : vector<16xi32>
    %jit3A_511 = arith.constant 0.000000e+00 : f32
    %broadcast_in_dim3A_512 = vector.broadcast %jit3A_511 : f32 to vector<16xf32>
    %select_n3A_513 = arith.select %lt3A_510, %exp3A_503, %broadcast_in_dim3A_512 : vector<16xi1>, vector<16xf32>
    %swap3A_514 = arith.constant 3 : i32
    %swap3A_515 = arith.index_cast %swap3A_514 : i32 to index
    %swap3A_516 = arith.constant 0 : index
    %swap3A_517 = tpu.vector_load %arg13[%swap3A_515, %swap3A_516] {strides = array<i32>} : memref<4x64xf32, #tpu.memory_space<vmem>>, vector<16xf32>,
    tpu.vector_store %arg13[%swap3A_515, %swap3A_516], %select_n3A_513 {strides = array<i32>} : memref<4x64xf32, #tpu.memory_space<vmem>>, vector<16xf32>,
    %get3A_518 = arith.constant 3 : i32
    %get3A_519 = arith.index_cast %get3A_518 : i32 to index
    %get3A_520 = arith.constant 16 : index
    %get3A_521 = tpu.vector_load %arg11[%get3A_519, %get3A_520] {strides = array<i32>} : memref<4x64xi32, #tpu.memory_space<vmem>>, vector<16xi32>,
    %gather3A_522 = tpu.vector_load_idx %arg8[%get3A_521] : memref<10000xf32, #tpu.memory_space<vmem>>[vector<16xi32>], vector<16xf32>,
    %get3A_523 = arith.constant 3 : i32
    %get3A_524 = arith.index_cast %get3A_523 : i32 to index
    %get3A_525 = arith.constant 16 : index
    %get3A_526 = tpu.vector_load %arg12[%get3A_524, %get3A_525] {strides = array<i32>} : memref<4x64xi32, #tpu.memory_space<vmem>>, vector<16xi32>,
    %gather3A_527 = tpu.vector_load_idx %arg9[%get3A_526] : memref<10000xf32, #tpu.memory_space<vmem>>[vector<16xi32>], vector<16xf32>,
    %add3A_528 = arith.addf %gather3A_522, %gather3A_527 : vector<16xf32>
    %gt3A_529 = arith.constant 0.000000e+00 : f32
    %gt3A_530 = vector.broadcast %gt3A_529 : f32 to vector<16xf32>
    %gt3A_531 = arith.cmpf ogt, %add3A_528, %gt3A_530 : vector<16xf32>
    %mul3A_532 = arith.constant 2.000000e-01 : f32
    %mul3A_533 = vector.broadcast %mul3A_532 : f32 to vector<16xf32>
    %mul3A_534 = arith.mulf %mul3A_533, %add3A_528 : vector<16xf32>
    %select_n3A_535 = arith.select %gt3A_531, %add3A_528, %mul3A_534 : vector<16xi1>, vector<16xf32>
    %sub3A_536 = arith.subf %select_n3A_535, %select_n3A : vector<16xf32>
    %exp3A_537 = math.exp %sub3A_536 : vector<16xf32>
    %iota3A_538 = tpu.iota {dimensions = array<i32: 0>} : vector<16xi32>
    %add3A_539 = arith.constant 208 : i32
    %add3A_540 = vector.broadcast %add3A_539 : i32 to vector<16xi32>
    %add3A_541 = arith.addi %add3A_540, %iota3A_538 : vector<16xi32>
    %lt3A_542 = arith.constant 10000 : i32
    %lt3A_543 = vector.broadcast %lt3A_542 : i32 to vector<16xi32>
    %lt3A_544 = arith.cmpi slt, %add3A_541, %lt3A_543 : vector<16xi32>
    %jit3A_545 = arith.constant 0.000000e+00 : f32
    %broadcast_in_dim3A_546 = vector.broadcast %jit3A_545 : f32 to vector<16xf32>
    %select_n3A_547 = arith.select %lt3A_544, %exp3A_537, %broadcast_in_dim3A_546 : vector<16xi1>, vector<16xf32>
    %swap3A_548 = arith.constant 3 : i32
    %swap3A_549 = arith.index_cast %swap3A_548 : i32 to index
    %swap3A_550 = arith.constant 16 : index
    %swap3A_551 = tpu.vector_load %arg13[%swap3A_549, %swap3A_550] {strides = array<i32>} : memref<4x64xf32, #tpu.memory_space<vmem>>, vector<16xf32>,
    tpu.vector_store %arg13[%swap3A_549, %swap3A_550], %select_n3A_547 {strides = array<i32>} : memref<4x64xf32, #tpu.memory_space<vmem>>, vector<16xf32>,
    %get3A_552 = arith.constant 3 : i32
    %get3A_553 = arith.index_cast %get3A_552 : i32 to index
    %get3A_554 = arith.constant 32 : index
    %get3A_555 = tpu.vector_load %arg11[%get3A_553, %get3A_554] {strides = array<i32>} : memref<4x64xi32, #tpu.memory_space<vmem>>, vector<16xi32>,
    %gather3A_556 = tpu.vector_load_idx %arg8[%get3A_555] : memref<10000xf32, #tpu.memory_space<vmem>>[vector<16xi32>], vector<16xf32>,
    %get3A_557 = arith.constant 3 : i32
    %get3A_558 = arith.index_cast %get3A_557 : i32 to index
    %get3A_559 = arith.constant 32 : index
    %get3A_560 = tpu.vector_load %arg12[%get3A_558, %get3A_559] {strides = array<i32>} : memref<4x64xi32, #tpu.memory_space<vmem>>, vector<16xi32>,
    %gather3A_561 = tpu.vector_load_idx %arg9[%get3A_560] : memref<10000xf32, #tpu.memory_space<vmem>>[vector<16xi32>], vector<16xf32>,
    %add3A_562 = arith.addf %gather3A_556, %gather3A_561 : vector<16xf32>
    %gt3A_563 = arith.constant 0.000000e+00 : f32
    %gt3A_564 = vector.broadcast %gt3A_563 : f32 to vector<16xf32>
    %gt3A_565 = arith.cmpf ogt, %add3A_562, %gt3A_564 : vector<16xf32>
    %mul3A_566 = arith.constant 2.000000e-01 : f32
    %mul3A_567 = vector.broadcast %mul3A_566 : f32 to vector<16xf32>
    %mul3A_568 = arith.mulf %mul3A_567, %add3A_562 : vector<16xf32>
    %select_n3A_569 = arith.select %gt3A_565, %add3A_562, %mul3A_568 : vector<16xi1>, vector<16xf32>
    %sub3A_570 = arith.subf %select_n3A_569, %select_n3A : vector<16xf32>
    %exp3A_571 = math.exp %sub3A_570 : vector<16xf32>
    %iota3A_572 = tpu.iota {dimensions = array<i32: 0>} : vector<16xi32>
    %add3A_573 = arith.constant 224 : i32
    %add3A_574 = vector.broadcast %add3A_573 : i32 to vector<16xi32>
    %add3A_575 = arith.addi %add3A_574, %iota3A_572 : vector<16xi32>
    %lt3A_576 = arith.constant 10000 : i32
    %lt3A_577 = vector.broadcast %lt3A_576 : i32 to vector<16xi32>
    %lt3A_578 = arith.cmpi slt, %add3A_575, %lt3A_577 : vector<16xi32>
    %jit3A_579 = arith.constant 0.000000e+00 : f32
    %broadcast_in_dim3A_580 = vector.broadcast %jit3A_579 : f32 to vector<16xf32>
    %select_n3A_581 = arith.select %lt3A_578, %exp3A_571, %broadcast_in_dim3A_580 : vector<16xi1>, vector<16xf32>
    %swap3A_582 = arith.constant 3 : i32
    %swap3A_583 = arith.index_cast %swap3A_582 : i32 to index
    %swap3A_584 = arith.constant 32 : index
    %swap3A_585 = tpu.vector_load %arg13[%swap3A_583, %swap3A_584] {strides = array<i32>} : memref<4x64xf32, #tpu.memory_space<vmem>>, vector<16xf32>,
    tpu.vector_store %arg13[%swap3A_583, %swap3A_584], %select_n3A_581 {strides = array<i32>} : memref<4x64xf32, #tpu.memory_space<vmem>>, vector<16xf32>,
    %get3A_586 = arith.constant 3 : i32
    %get3A_587 = arith.index_cast %get3A_586 : i32 to index
    %get3A_588 = arith.constant 48 : index
    %get3A_589 = tpu.vector_load %arg11[%get3A_587, %get3A_588] {strides = array<i32>} : memref<4x64xi32, #tpu.memory_space<vmem>>, vector<16xi32>,
    %gather3A_590 = tpu.vector_load_idx %arg8[%get3A_589] : memref<10000xf32, #tpu.memory_space<vmem>>[vector<16xi32>], vector<16xf32>,
    %get3A_591 = arith.constant 3 : i32
    %get3A_592 = arith.index_cast %get3A_591 : i32 to index
    %get3A_593 = arith.constant 48 : index
    %get3A_594 = tpu.vector_load %arg12[%get3A_592, %get3A_593] {strides = array<i32>} : memref<4x64xi32, #tpu.memory_space<vmem>>, vector<16xi32>,
    %gather3A_595 = tpu.vector_load_idx %arg9[%get3A_594] : memref<10000xf32, #tpu.memory_space<vmem>>[vector<16xi32>], vector<16xf32>,
    %add3A_596 = arith.addf %gather3A_590, %gather3A_595 : vector<16xf32>
    %gt3A_597 = arith.constant 0.000000e+00 : f32
    %gt3A_598 = vector.broadcast %gt3A_597 : f32 to vector<16xf32>
    %gt3A_599 = arith.cmpf ogt, %add3A_596, %gt3A_598 : vector<16xf32>
    %mul3A_600 = arith.constant 2.000000e-01 : f32
    %mul3A_601 = vector.broadcast %mul3A_600 : f32 to vector<16xf32>
    %mul3A_602 = arith.mulf %mul3A_601, %add3A_596 : vector<16xf32>
    %select_n3A_603 = arith.select %gt3A_599, %add3A_596, %mul3A_602 : vector<16xi1>, vector<16xf32>
    %sub3A_604 = arith.subf %select_n3A_603, %select_n3A : vector<16xf32>
    %exp3A_605 = math.exp %sub3A_604 : vector<16xf32>
    %iota3A_606 = tpu.iota {dimensions = array<i32: 0>} : vector<16xi32>
    %add3A_607 = arith.constant 240 : i32
    %add3A_608 = vector.broadcast %add3A_607 : i32 to vector<16xi32>
    %add3A_609 = arith.addi %add3A_608, %iota3A_606 : vector<16xi32>
    %lt3A_610 = arith.constant 10000 : i32
    %lt3A_611 = vector.broadcast %lt3A_610 : i32 to vector<16xi32>
    %lt3A_612 = arith.cmpi slt, %add3A_609, %lt3A_611 : vector<16xi32>
    %jit3A_613 = arith.constant 0.000000e+00 : f32
    %broadcast_in_dim3A_614 = vector.broadcast %jit3A_613 : f32 to vector<16xf32>
    %select_n3A_615 = arith.select %lt3A_612, %exp3A_605, %broadcast_in_dim3A_614 : vector<16xi1>, vector<16xf32>
    %swap3A_616 = arith.constant 3 : i32
    %swap3A_617 = arith.index_cast %swap3A_616 : i32 to index
    %swap3A_618 = arith.constant 48 : index
    %swap3A_619 = tpu.vector_load %arg13[%swap3A_617, %swap3A_618] {strides = array<i32>} : memref<4x64xf32, #tpu.memory_space<vmem>>, vector<16xf32>,
    tpu.vector_store %arg13[%swap3A_617, %swap3A_618], %select_n3A_615 {strides = array<i32>} : memref<4x64xf32, #tpu.memory_space<vmem>>, vector<16xf32>,
    %dma_start3A_620 = arith.constant 0 : i32
    %dma_start3A_621 = arith.constant 0 : i32
    %dma_start3A_622 = tpu.memref_slice %arg12[%dma_start3A_620, %dma_start3A_621] : memref<4x64xi32, #tpu.memory_space<vmem>> -> memref<1x64xi32, #tpu.memory_space<vmem>>
    %dma_start3A_623 = tpu.memref_squeeze %dma_start3A_622 : memref<1x64xi32, #tpu.memory_space<vmem>> -> memref<64xi32, #tpu.memory_space<vmem>>
    %dma_start3A_624 = arith.constant 0 : i32
    %dma_start3A_625 = arith.constant 0 : i32
    %dma_start3A_626 = tpu.memref_slice %arg6[%dma_start3A_624, %dma_start3A_625] : memref<10240x144xf32, #tpu.memory_space<hbm>> -> memref<10240x144xf32, #tpu.memory_space<hbm>>
    tpu.enqueue_indirect_dma source(%dma_start3A_626 : memref<10240x144xf32, #tpu.memory_space<hbm>>) target(%arg17 : memref<64x144xf32, #tpu.memory_space<vmem>>) offsets(%dma_start3A_623 : memref<64xi32, #tpu.memory_space<vmem>>) semaphore(%arg22 : memref<!tpu.dma_semaphore, #tpu.memory_space<semaphore_mem>>)
    %dma_start3A_627 = arith.constant 1 : i32
    %dma_start3A_628 = arith.constant 0 : i32
    %dma_start3A_629 = tpu.memref_slice %arg12[%dma_start3A_627, %dma_start3A_628] : memref<4x64xi32, #tpu.memory_space<vmem>> -> memref<1x64xi32, #tpu.memory_space<vmem>>
    %dma_start3A_630 = tpu.memref_squeeze %dma_start3A_629 : memref<1x64xi32, #tpu.memory_space<vmem>> -> memref<64xi32, #tpu.memory_space<vmem>>
    %dma_start3A_631 = arith.constant 0 : i32
    %dma_start3A_632 = arith.constant 0 : i32
    %dma_start3A_633 = tpu.memref_slice %arg6[%dma_start3A_631, %dma_start3A_632] : memref<10240x144xf32, #tpu.memory_space<hbm>> -> memref<10240x144xf32, #tpu.memory_space<hbm>>
    tpu.enqueue_indirect_dma source(%dma_start3A_633 : memref<10240x144xf32, #tpu.memory_space<hbm>>) target(%arg18 : memref<64x144xf32, #tpu.memory_space<vmem>>) offsets(%dma_start3A_630 : memref<64xi32, #tpu.memory_space<vmem>>) semaphore(%arg23 : memref<!tpu.dma_semaphore, #tpu.memory_space<semaphore_mem>>)
    %barrier3A = arith.constant 0 : index
    tpu.barrier barrier_id(%barrier3A)
    %scan3A_634 = arith.constant 0 : i32
    %scan3A_635 = arith.constant 0 : i32
    %scan3A_636 = arith.constant 20 : i32
    %scan3A_637 = arith.addi %scan3A_635, %scan3A_636 : i32
    %scan3A_638 = arith.constant 1 : i32
    scf.for %scan3A_641 = %scan3A_635 to %scan3A_637 step %scan3A_638  : i32 {
      %mul3A_642 = arith.constant 2 : i32
      %mul3A_643 = arith.muli %mul3A_642, %scan3A_641 : i32
      %dma_wait3A_644 = arith.constant 0 : i32
      %dma_wait3A_645 = arith.constant 0 : i32
      %dma_wait3A_646 = tpu.memref_slice %arg12[%dma_wait3A_644, %dma_wait3A_645] : memref<4x64xi32, #tpu.memory_space<vmem>> -> memref<1x64xi32, #tpu.memory_space<vmem>>
      %dma_wait3A_647 = tpu.memref_squeeze %dma_wait3A_646 : memref<1x64xi32, #tpu.memory_space<vmem>> -> memref<64xi32, #tpu.memory_space<vmem>>
      %dma_wait3A_648 = arith.constant 0 : i32
      %dma_wait3A_649 = arith.constant 0 : i32
      %dma_wait3A_650 = tpu.memref_slice %arg6[%dma_wait3A_648, %dma_wait3A_649] : memref<10240x144xf32, #tpu.memory_space<hbm>> -> memref<10240x144xf32, #tpu.memory_space<hbm>>
      tpu.wait_indirect_dma semaphore(%arg22 : memref<!tpu.dma_semaphore, #tpu.memory_space<semaphore_mem>>) src(%dma_wait3A_650 : memref<10240x144xf32, #tpu.memory_space<hbm>>) dst(%arg17 : memref<64x144xf32, #tpu.memory_space<vmem>>)
      %broadcast_in_dim3A_651 = arith.constant 0 : i32
      %broadcast_in_dim3A_652 = vector.broadcast %broadcast_in_dim3A_651 : i32 to vector<16xi32>
      %scan3A_653 = arith.constant 0 : i32
      %scan3A_654 = arith.constant 0 : i32
      %scan3A_655 = arith.constant 64 : i32
      %scan3A_656 = arith.addi %scan3A_654, %scan3A_655 : i32
      %scan3A_657 = arith.constant 1 : i32
      scf.for %scan3A_847 = %scan3A_654 to %scan3A_656 step %scan3A_657  : i32 {
        %broadcast_in_dim3A_848 = vector.broadcast %scan3A_847 : i32 to vector<16xi32>
        %gather3A_849 = tpu.vector_load_idx %arg13[%broadcast_in_dim3A_652, %broadcast_in_dim3A_848] : memref<4x64xf32, #tpu.memory_space<vmem>>[vector<16xi32>, vector<16xi32>], vector<16xf32>,
        %get3A_850 = arith.index_cast %scan3A_847 : i32 to index
        %get3A_851 = arith.constant 0 : index
        %get3A_852 = tpu.vector_load %arg17[%get3A_850, %get3A_851] {strides = array<i32>} : memref<64x144xf32, #tpu.memory_space<vmem>>, vector<16xf32>,
        %mul3A_853 = arith.mulf %get3A_852, %gather3A_849 : vector<16xf32>
        %swap3A_854 = arith.index_cast %scan3A_847 : i32 to index
        %swap3A_855 = arith.constant 0 : index
        %swap3A_856 = tpu.vector_load %arg17[%swap3A_854, %swap3A_855] {strides = array<i32>} : memref<64x144xf32, #tpu.memory_space<vmem>>, vector<16xf32>,
        tpu.vector_store %arg17[%swap3A_854, %swap3A_855], %mul3A_853 {strides = array<i32>} : memref<64x144xf32, #tpu.memory_space<vmem>>, vector<16xf32>,
        %get3A_857 = arith.index_cast %scan3A_847 : i32 to index
        %get3A_858 = arith.constant 16 : index
        %get3A_859 = tpu.vector_load %arg17[%get3A_857, %get3A_858] {strides = array<i32>} : memref<64x144xf32, #tpu.memory_space<vmem>>, vector<16xf32>,
        %mul3A_860 = arith.mulf %get3A_859, %gather3A_849 : vector<16xf32>
        %swap3A_861 = arith.index_cast %scan3A_847 : i32 to index
        %swap3A_862 = arith.constant 16 : index
        %swap3A_863 = tpu.vector_load %arg17[%swap3A_861, %swap3A_862] {strides = array<i32>} : memref<64x144xf32, #tpu.memory_space<vmem>>, vector<16xf32>,
        tpu.vector_store %arg17[%swap3A_861, %swap3A_862], %mul3A_860 {strides = array<i32>} : memref<64x144xf32, #tpu.memory_space<vmem>>, vector<16xf32>,
        %get3A_864 = arith.index_cast %scan3A_847 : i32 to index
        %get3A_865 = arith.constant 32 : index
        %get3A_866 = tpu.vector_load %arg17[%get3A_864, %get3A_865] {strides = array<i32>} : memref<64x144xf32, #tpu.memory_space<vmem>>, vector<16xf32>,
        %mul3A_867 = arith.mulf %get3A_866, %gather3A_849 : vector<16xf32>
        %swap3A_868 = arith.index_cast %scan3A_847 : i32 to index
        %swap3A_869 = arith.constant 32 : index
        %swap3A_870 = tpu.vector_load %arg17[%swap3A_868, %swap3A_869] {strides = array<i32>} : memref<64x144xf32, #tpu.memory_space<vmem>>, vector<16xf32>,
        tpu.vector_store %arg17[%swap3A_868, %swap3A_869], %mul3A_867 {strides = array<i32>} : memref<64x144xf32, #tpu.memory_space<vmem>>, vector<16xf32>,
        %get3A_871 = arith.index_cast %scan3A_847 : i32 to index
        %get3A_872 = arith.constant 48 : index
        %get3A_873 = tpu.vector_load %arg17[%get3A_871, %get3A_872] {strides = array<i32>} : memref<64x144xf32, #tpu.memory_space<vmem>>, vector<16xf32>,
        %mul3A_874 = arith.mulf %get3A_873, %gather3A_849 : vector<16xf32>
        %swap3A_875 = arith.index_cast %scan3A_847 : i32 to index
        %swap3A_876 = arith.constant 48 : index
        %swap3A_877 = tpu.vector_load %arg17[%swap3A_875, %swap3A_876] {strides = array<i32>} : memref<64x144xf32, #tpu.memory_space<vmem>>, vector<16xf32>,
        tpu.vector_store %arg17[%swap3A_875, %swap3A_876], %mul3A_874 {strides = array<i32>} : memref<64x144xf32, #tpu.memory_space<vmem>>, vector<16xf32>,
        %get3A_878 = arith.index_cast %scan3A_847 : i32 to index
        %get3A_879 = arith.constant 64 : index
        %get3A_880 = tpu.vector_load %arg17[%get3A_878, %get3A_879] {strides = array<i32>} : memref<64x144xf32, #tpu.memory_space<vmem>>, vector<16xf32>,
        %mul3A_881 = arith.mulf %get3A_880, %gather3A_849 : vector<16xf32>
        %swap3A_882 = arith.index_cast %scan3A_847 : i32 to index
        %swap3A_883 = arith.constant 64 : index
        %swap3A_884 = tpu.vector_load %arg17[%swap3A_882, %swap3A_883] {strides = array<i32>} : memref<64x144xf32, #tpu.memory_space<vmem>>, vector<16xf32>,
        tpu.vector_store %arg17[%swap3A_882, %swap3A_883], %mul3A_881 {strides = array<i32>} : memref<64x144xf32, #tpu.memory_space<vmem>>, vector<16xf32>,
        %get3A_885 = arith.index_cast %scan3A_847 : i32 to index
        %get3A_886 = arith.constant 80 : index
        %get3A_887 = tpu.vector_load %arg17[%get3A_885, %get3A_886] {strides = array<i32>} : memref<64x144xf32, #tpu.memory_space<vmem>>, vector<16xf32>,
        %mul3A_888 = arith.mulf %get3A_887, %gather3A_849 : vector<16xf32>
        %swap3A_889 = arith.index_cast %scan3A_847 : i32 to index
        %swap3A_890 = arith.constant 80 : index
        %swap3A_891 = tpu.vector_load %arg17[%swap3A_889, %swap3A_890] {strides = array<i32>} : memref<64x144xf32, #tpu.memory_space<vmem>>, vector<16xf32>,
        tpu.vector_store %arg17[%swap3A_889, %swap3A_890], %mul3A_888 {strides = array<i32>} : memref<64x144xf32, #tpu.memory_space<vmem>>, vector<16xf32>,
        %get3A_892 = arith.index_cast %scan3A_847 : i32 to index
        %get3A_893 = arith.constant 96 : index
        %get3A_894 = tpu.vector_load %arg17[%get3A_892, %get3A_893] {strides = array<i32>} : memref<64x144xf32, #tpu.memory_space<vmem>>, vector<16xf32>,
        %mul3A_895 = arith.mulf %get3A_894, %gather3A_849 : vector<16xf32>
        %swap3A_896 = arith.index_cast %scan3A_847 : i32 to index
        %swap3A_897 = arith.constant 96 : index
        %swap3A_898 = tpu.vector_load %arg17[%swap3A_896, %swap3A_897] {strides = array<i32>} : memref<64x144xf32, #tpu.memory_space<vmem>>, vector<16xf32>,
        tpu.vector_store %arg17[%swap3A_896, %swap3A_897], %mul3A_895 {strides = array<i32>} : memref<64x144xf32, #tpu.memory_space<vmem>>, vector<16xf32>,
        %get3A_899 = arith.index_cast %scan3A_847 : i32 to index
        %get3A_900 = arith.constant 112 : index
        %get3A_901 = tpu.vector_load %arg17[%get3A_899, %get3A_900] {strides = array<i32>} : memref<64x144xf32, #tpu.memory_space<vmem>>, vector<16xf32>,
        %mul3A_902 = arith.mulf %get3A_901, %gather3A_849 : vector<16xf32>
        %swap3A_903 = arith.index_cast %scan3A_847 : i32 to index
        %swap3A_904 = arith.constant 112 : index
        %swap3A_905 = tpu.vector_load %arg17[%swap3A_903, %swap3A_904] {strides = array<i32>} : memref<64x144xf32, #tpu.memory_space<vmem>>, vector<16xf32>,
        tpu.vector_store %arg17[%swap3A_903, %swap3A_904], %mul3A_902 {strides = array<i32>} : memref<64x144xf32, #tpu.memory_space<vmem>>, vector<16xf32>,
        %get3A_906 = arith.index_cast %scan3A_847 : i32 to index
        %get3A_907 = arith.constant 128 : index
        %get3A_908 = tpu.vector_load %arg17[%get3A_906, %get3A_907] {strides = array<i32>} : memref<64x144xf32, #tpu.memory_space<vmem>>, vector<16xf32>,
        %mul3A_909 = arith.mulf %get3A_908, %gather3A_849 : vector<16xf32>
        %swap3A_910 = arith.index_cast %scan3A_847 : i32 to index
        %swap3A_911 = arith.constant 128 : index
        %swap3A_912 = tpu.vector_load %arg17[%swap3A_910, %swap3A_911] {strides = array<i32>} : memref<64x144xf32, #tpu.memory_space<vmem>>, vector<16xf32>,
        tpu.vector_store %arg17[%swap3A_910, %swap3A_911], %mul3A_909 {strides = array<i32>} : memref<64x144xf32, #tpu.memory_space<vmem>>, vector<16xf32>,
      }
      %scan3A_658 = arith.constant 64 : i32
      %run_scoped3A = arith.constant 0 : i32
      "tpu.region"() ({
        %run_scoped3A_847 = tpu.sem_alloc : memref<!tpu.dma_semaphore, #tpu.memory_space<semaphore_mem>>
        %dma_start3A_848 = arith.constant 0 : i32
        %dma_start3A_849 = tpu.memref_slice %arg11[%run_scoped3A, %dma_start3A_848] : memref<4x64xi32, #tpu.memory_space<vmem>> -> memref<1x64xi32, #tpu.memory_space<vmem>>
        %dma_start3A_850 = tpu.memref_squeeze %dma_start3A_849 : memref<1x64xi32, #tpu.memory_space<vmem>> -> memref<64xi32, #tpu.memory_space<vmem>>
        %dma_start3A_851 = arith.constant 0 : i32
        %dma_start3A_852 = arith.constant 0 : i32
        %dma_start3A_853 = tpu.memref_slice %arg19[%dma_start3A_851, %dma_start3A_852] : memref<10000x144xf32, #tpu.memory_space<vmem_shared>> -> memref<10000x144xf32, #tpu.memory_space<vmem_shared>>
        tpu.enqueue_indirect_dma source(%arg17 : memref<64x144xf32, #tpu.memory_space<vmem>>) target(%dma_start3A_853 : memref<10000x144xf32, #tpu.memory_space<vmem_shared>>) offsets(%dma_start3A_850 : memref<64xi32, #tpu.memory_space<vmem>>) semaphore(%run_scoped3A_847 : memref<!tpu.dma_semaphore, #tpu.memory_space<semaphore_mem>>) {add = true}
        %dma_wait3A_854 = arith.constant 0 : i32
        %dma_wait3A_855 = tpu.memref_slice %arg11[%run_scoped3A, %dma_wait3A_854] : memref<4x64xi32, #tpu.memory_space<vmem>> -> memref<1x64xi32, #tpu.memory_space<vmem>>
        %dma_wait3A_856 = tpu.memref_squeeze %dma_wait3A_855 : memref<1x64xi32, #tpu.memory_space<vmem>> -> memref<64xi32, #tpu.memory_space<vmem>>
        %dma_wait3A_857 = arith.constant 0 : i32
        %dma_wait3A_858 = arith.constant 0 : i32
        %dma_wait3A_859 = tpu.memref_slice %arg19[%dma_wait3A_857, %dma_wait3A_858] : memref<10000x144xf32, #tpu.memory_space<vmem_shared>> -> memref<10000x144xf32, #tpu.memory_space<vmem_shared>>
        tpu.wait_indirect_dma semaphore(%run_scoped3A_847 : memref<!tpu.dma_semaphore, #tpu.memory_space<semaphore_mem>>) src(%arg17 : memref<64x144xf32, #tpu.memory_space<vmem>>) dst(%dma_wait3A_859 : memref<10000x144xf32, #tpu.memory_space<vmem_shared>>)
        tpu.yield
      }) : () -> ()
      %dma_start3A_659 = arith.constant 2 : i32
      %dma_start3A_660 = arith.constant 0 : i32
      %dma_start3A_661 = tpu.memref_slice %arg12[%dma_start3A_659, %dma_start3A_660] : memref<4x64xi32, #tpu.memory_space<vmem>> -> memref<1x64xi32, #tpu.memory_space<vmem>>
      %dma_start3A_662 = tpu.memref_squeeze %dma_start3A_661 : memref<1x64xi32, #tpu.memory_space<vmem>> -> memref<64xi32, #tpu.memory_space<vmem>>
      %dma_start3A_663 = arith.constant 0 : i32
      %dma_start3A_664 = arith.constant 0 : i32
      %dma_start3A_665 = tpu.memref_slice %arg6[%dma_start3A_663, %dma_start3A_664] : memref<10240x144xf32, #tpu.memory_space<hbm>> -> memref<10240x144xf32, #tpu.memory_space<hbm>>
      tpu.enqueue_indirect_dma source(%dma_start3A_665 : memref<10240x144xf32, #tpu.memory_space<hbm>>) target(%arg17 : memref<64x144xf32, #tpu.memory_space<vmem>>) offsets(%dma_start3A_662 : memref<64xi32, #tpu.memory_space<vmem>>) semaphore(%arg22 : memref<!tpu.dma_semaphore, #tpu.memory_space<semaphore_mem>>)
      %dma_wait3A_666 = arith.constant 1 : i32
      %dma_wait3A_667 = arith.constant 0 : i32
      %dma_wait3A_668 = tpu.memref_slice %arg12[%dma_wait3A_666, %dma_wait3A_667] : memref<4x64xi32, #tpu.memory_space<vmem>> -> memref<1x64xi32, #tpu.memory_space<vmem>>
      %dma_wait3A_669 = tpu.memref_squeeze %dma_wait3A_668 : memref<1x64xi32, #tpu.memory_space<vmem>> -> memref<64xi32, #tpu.memory_space<vmem>>
      %dma_wait3A_670 = arith.constant 0 : i32
      %dma_wait3A_671 = arith.constant 0 : i32
      %dma_wait3A_672 = tpu.memref_slice %arg6[%dma_wait3A_670, %dma_wait3A_671] : memref<10240x144xf32, #tpu.memory_space<hbm>> -> memref<10240x144xf32, #tpu.memory_space<hbm>>
      tpu.wait_indirect_dma semaphore(%arg23 : memref<!tpu.dma_semaphore, #tpu.memory_space<semaphore_mem>>) src(%dma_wait3A_672 : memref<10240x144xf32, #tpu.memory_space<hbm>>) dst(%arg18 : memref<64x144xf32, #tpu.memory_space<vmem>>)
      %broadcast_in_dim3A_673 = arith.constant 1 : i32
      %broadcast_in_dim3A_674 = vector.broadcast %broadcast_in_dim3A_673 : i32 to vector<16xi32>
      %scan3A_675 = arith.constant 0 : i32
      %scan3A_676 = arith.constant 0 : i32
      %scan3A_677 = arith.constant 64 : i32
      %scan3A_678 = arith.addi %scan3A_676, %scan3A_677 : i32
      %scan3A_679 = arith.constant 1 : i32
      scf.for %scan3A_847 = %scan3A_676 to %scan3A_678 step %scan3A_679  : i32 {
        %broadcast_in_dim3A_848 = vector.broadcast %scan3A_847 : i32 to vector<16xi32>
        %gather3A_849 = tpu.vector_load_idx %arg13[%broadcast_in_dim3A_674, %broadcast_in_dim3A_848] : memref<4x64xf32, #tpu.memory_space<vmem>>[vector<16xi32>, vector<16xi32>], vector<16xf32>,
        %get3A_850 = arith.index_cast %scan3A_847 : i32 to index
        %get3A_851 = arith.constant 0 : index
        %get3A_852 = tpu.vector_load %arg18[%get3A_850, %get3A_851] {strides = array<i32>} : memref<64x144xf32, #tpu.memory_space<vmem>>, vector<16xf32>,
        %mul3A_853 = arith.mulf %get3A_852, %gather3A_849 : vector<16xf32>
        %swap3A_854 = arith.index_cast %scan3A_847 : i32 to index
        %swap3A_855 = arith.constant 0 : index
        %swap3A_856 = tpu.vector_load %arg18[%swap3A_854, %swap3A_855] {strides = array<i32>} : memref<64x144xf32, #tpu.memory_space<vmem>>, vector<16xf32>,
        tpu.vector_store %arg18[%swap3A_854, %swap3A_855], %mul3A_853 {strides = array<i32>} : memref<64x144xf32, #tpu.memory_space<vmem>>, vector<16xf32>,
        %get3A_857 = arith.index_cast %scan3A_847 : i32 to index
        %get3A_858 = arith.constant 16 : index
        %get3A_859 = tpu.vector_load %arg18[%get3A_857, %get3A_858] {strides = array<i32>} : memref<64x144xf32, #tpu.memory_space<vmem>>, vector<16xf32>,
        %mul3A_860 = arith.mulf %get3A_859, %gather3A_849 : vector<16xf32>
        %swap3A_861 = arith.index_cast %scan3A_847 : i32 to index
        %swap3A_862 = arith.constant 16 : index
        %swap3A_863 = tpu.vector_load %arg18[%swap3A_861, %swap3A_862] {strides = array<i32>} : memref<64x144xf32, #tpu.memory_space<vmem>>, vector<16xf32>,
        tpu.vector_store %arg18[%swap3A_861, %swap3A_862], %mul3A_860 {strides = array<i32>} : memref<64x144xf32, #tpu.memory_space<vmem>>, vector<16xf32>,
        %get3A_864 = arith.index_cast %scan3A_847 : i32 to index
        %get3A_865 = arith.constant 32 : index
        %get3A_866 = tpu.vector_load %arg18[%get3A_864, %get3A_865] {strides = array<i32>} : memref<64x144xf32, #tpu.memory_space<vmem>>, vector<16xf32>,
        %mul3A_867 = arith.mulf %get3A_866, %gather3A_849 : vector<16xf32>
        %swap3A_868 = arith.index_cast %scan3A_847 : i32 to index
        %swap3A_869 = arith.constant 32 : index
        %swap3A_870 = tpu.vector_load %arg18[%swap3A_868, %swap3A_869] {strides = array<i32>} : memref<64x144xf32, #tpu.memory_space<vmem>>, vector<16xf32>,
        tpu.vector_store %arg18[%swap3A_868, %swap3A_869], %mul3A_867 {strides = array<i32>} : memref<64x144xf32, #tpu.memory_space<vmem>>, vector<16xf32>,
        %get3A_871 = arith.index_cast %scan3A_847 : i32 to index
        %get3A_872 = arith.constant 48 : index
        %get3A_873 = tpu.vector_load %arg18[%get3A_871, %get3A_872] {strides = array<i32>} : memref<64x144xf32, #tpu.memory_space<vmem>>, vector<16xf32>,
        %mul3A_874 = arith.mulf %get3A_873, %gather3A_849 : vector<16xf32>
        %swap3A_875 = arith.index_cast %scan3A_847 : i32 to index
        %swap3A_876 = arith.constant 48 : index
        %swap3A_877 = tpu.vector_load %arg18[%swap3A_875, %swap3A_876] {strides = array<i32>} : memref<64x144xf32, #tpu.memory_space<vmem>>, vector<16xf32>,
        tpu.vector_store %arg18[%swap3A_875, %swap3A_876], %mul3A_874 {strides = array<i32>} : memref<64x144xf32, #tpu.memory_space<vmem>>, vector<16xf32>,
        %get3A_878 = arith.index_cast %scan3A_847 : i32 to index
        %get3A_879 = arith.constant 64 : index
        %get3A_880 = tpu.vector_load %arg18[%get3A_878, %get3A_879] {strides = array<i32>} : memref<64x144xf32, #tpu.memory_space<vmem>>, vector<16xf32>,
        %mul3A_881 = arith.mulf %get3A_880, %gather3A_849 : vector<16xf32>
        %swap3A_882 = arith.index_cast %scan3A_847 : i32 to index
        %swap3A_883 = arith.constant 64 : index
        %swap3A_884 = tpu.vector_load %arg18[%swap3A_882, %swap3A_883] {strides = array<i32>} : memref<64x144xf32, #tpu.memory_space<vmem>>, vector<16xf32>,
        tpu.vector_store %arg18[%swap3A_882, %swap3A_883], %mul3A_881 {strides = array<i32>} : memref<64x144xf32, #tpu.memory_space<vmem>>, vector<16xf32>,
        %get3A_885 = arith.index_cast %scan3A_847 : i32 to index
        %get3A_886 = arith.constant 80 : index
        %get3A_887 = tpu.vector_load %arg18[%get3A_885, %get3A_886] {strides = array<i32>} : memref<64x144xf32, #tpu.memory_space<vmem>>, vector<16xf32>,
        %mul3A_888 = arith.mulf %get3A_887, %gather3A_849 : vector<16xf32>
        %swap3A_889 = arith.index_cast %scan3A_847 : i32 to index
        %swap3A_890 = arith.constant 80 : index
        %swap3A_891 = tpu.vector_load %arg18[%swap3A_889, %swap3A_890] {strides = array<i32>} : memref<64x144xf32, #tpu.memory_space<vmem>>, vector<16xf32>,
        tpu.vector_store %arg18[%swap3A_889, %swap3A_890], %mul3A_888 {strides = array<i32>} : memref<64x144xf32, #tpu.memory_space<vmem>>, vector<16xf32>,
        %get3A_892 = arith.index_cast %scan3A_847 : i32 to index
        %get3A_893 = arith.constant 96 : index
        %get3A_894 = tpu.vector_load %arg18[%get3A_892, %get3A_893] {strides = array<i32>} : memref<64x144xf32, #tpu.memory_space<vmem>>, vector<16xf32>,
        %mul3A_895 = arith.mulf %get3A_894, %gather3A_849 : vector<16xf32>
        %swap3A_896 = arith.index_cast %scan3A_847 : i32 to index
        %swap3A_897 = arith.constant 96 : index
        %swap3A_898 = tpu.vector_load %arg18[%swap3A_896, %swap3A_897] {strides = array<i32>} : memref<64x144xf32, #tpu.memory_space<vmem>>, vector<16xf32>,
        tpu.vector_store %arg18[%swap3A_896, %swap3A_897], %mul3A_895 {strides = array<i32>} : memref<64x144xf32, #tpu.memory_space<vmem>>, vector<16xf32>,
        %get3A_899 = arith.index_cast %scan3A_847 : i32 to index
        %get3A_900 = arith.constant 112 : index
        %get3A_901 = tpu.vector_load %arg18[%get3A_899, %get3A_900] {strides = array<i32>} : memref<64x144xf32, #tpu.memory_space<vmem>>, vector<16xf32>,
        %mul3A_902 = arith.mulf %get3A_901, %gather3A_849 : vector<16xf32>
        %swap3A_903 = arith.index_cast %scan3A_847 : i32 to index
        %swap3A_904 = arith.constant 112 : index
        %swap3A_905 = tpu.vector_load %arg18[%swap3A_903, %swap3A_904] {strides = array<i32>} : memref<64x144xf32, #tpu.memory_space<vmem>>, vector<16xf32>,
        tpu.vector_store %arg18[%swap3A_903, %swap3A_904], %mul3A_902 {strides = array<i32>} : memref<64x144xf32, #tpu.memory_space<vmem>>, vector<16xf32>,
        %get3A_906 = arith.index_cast %scan3A_847 : i32 to index
        %get3A_907 = arith.constant 128 : index
        %get3A_908 = tpu.vector_load %arg18[%get3A_906, %get3A_907] {strides = array<i32>} : memref<64x144xf32, #tpu.memory_space<vmem>>, vector<16xf32>,
        %mul3A_909 = arith.mulf %get3A_908, %gather3A_849 : vector<16xf32>
        %swap3A_910 = arith.index_cast %scan3A_847 : i32 to index
        %swap3A_911 = arith.constant 128 : index
        %swap3A_912 = tpu.vector_load %arg18[%swap3A_910, %swap3A_911] {strides = array<i32>} : memref<64x144xf32, #tpu.memory_space<vmem>>, vector<16xf32>,
        tpu.vector_store %arg18[%swap3A_910, %swap3A_911], %mul3A_909 {strides = array<i32>} : memref<64x144xf32, #tpu.memory_space<vmem>>, vector<16xf32>,
      }
      %scan3A_680 = arith.constant 64 : i32
      %run_scoped3A_681 = arith.constant 1 : i32
      "tpu.region"() ({
        %run_scoped3A_847 = tpu.sem_alloc : memref<!tpu.dma_semaphore, #tpu.memory_space<semaphore_mem>>
        %dma_start3A_848 = arith.constant 0 : i32
        %dma_start3A_849 = tpu.memref_slice %arg11[%run_scoped3A_681, %dma_start3A_848] : memref<4x64xi32, #tpu.memory_space<vmem>> -> memref<1x64xi32, #tpu.memory_space<vmem>>
        %dma_start3A_850 = tpu.memref_squeeze %dma_start3A_849 : memref<1x64xi32, #tpu.memory_space<vmem>> -> memref<64xi32, #tpu.memory_space<vmem>>
        %dma_start3A_851 = arith.constant 0 : i32
        %dma_start3A_852 = arith.constant 0 : i32
        %dma_start3A_853 = tpu.memref_slice %arg19[%dma_start3A_851, %dma_start3A_852] : memref<10000x144xf32, #tpu.memory_space<vmem_shared>> -> memref<10000x144xf32, #tpu.memory_space<vmem_shared>>
        tpu.enqueue_indirect_dma source(%arg18 : memref<64x144xf32, #tpu.memory_space<vmem>>) target(%dma_start3A_853 : memref<10000x144xf32, #tpu.memory_space<vmem_shared>>) offsets(%dma_start3A_850 : memref<64xi32, #tpu.memory_space<vmem>>) semaphore(%run_scoped3A_847 : memref<!tpu.dma_semaphore, #tpu.memory_space<semaphore_mem>>) {add = true}
        %dma_wait3A_854 = arith.constant 0 : i32
        %dma_wait3A_855 = tpu.memref_slice %arg11[%run_scoped3A_681, %dma_wait3A_854] : memref<4x64xi32, #tpu.memory_space<vmem>> -> memref<1x64xi32, #tpu.memory_space<vmem>>
        %dma_wait3A_856 = tpu.memref_squeeze %dma_wait3A_855 : memref<1x64xi32, #tpu.memory_space<vmem>> -> memref<64xi32, #tpu.memory_space<vmem>>
        %dma_wait3A_857 = arith.constant 0 : i32
        %dma_wait3A_858 = arith.constant 0 : i32
        %dma_wait3A_859 = tpu.memref_slice %arg19[%dma_wait3A_857, %dma_wait3A_858] : memref<10000x144xf32, #tpu.memory_space<vmem_shared>> -> memref<10000x144xf32, #tpu.memory_space<vmem_shared>>
        tpu.wait_indirect_dma semaphore(%run_scoped3A_847 : memref<!tpu.dma_semaphore, #tpu.memory_space<semaphore_mem>>) src(%arg18 : memref<64x144xf32, #tpu.memory_space<vmem>>) dst(%dma_wait3A_859 : memref<10000x144xf32, #tpu.memory_space<vmem_shared>>)
        tpu.yield
      }) : () -> ()
      %dma_start3A_682 = arith.constant 3 : i32
      %dma_start3A_683 = arith.constant 0 : i32
      %dma_start3A_684 = tpu.memref_slice %arg12[%dma_start3A_682, %dma_start3A_683] : memref<4x64xi32, #tpu.memory_space<vmem>> -> memref<1x64xi32, #tpu.memory_space<vmem>>
      %dma_start3A_685 = tpu.memref_squeeze %dma_start3A_684 : memref<1x64xi32, #tpu.memory_space<vmem>> -> memref<64xi32, #tpu.memory_space<vmem>>
      %dma_start3A_686 = arith.constant 0 : i32
      %dma_start3A_687 = arith.constant 0 : i32
      %dma_start3A_688 = tpu.memref_slice %arg6[%dma_start3A_686, %dma_start3A_687] : memref<10240x144xf32, #tpu.memory_space<hbm>> -> memref<10240x144xf32, #tpu.memory_space<hbm>>
      tpu.enqueue_indirect_dma source(%dma_start3A_688 : memref<10240x144xf32, #tpu.memory_space<hbm>>) target(%arg18 : memref<64x144xf32, #tpu.memory_space<vmem>>) offsets(%dma_start3A_685 : memref<64xi32, #tpu.memory_space<vmem>>) semaphore(%arg23 : memref<!tpu.dma_semaphore, #tpu.memory_space<semaphore_mem>>)
      %add3A_689 = arith.constant 1 : i32
      %add3A_690 = arith.addi %mul3A_643, %add3A_689 : i32
      %lt3A_691 = arith.constant 40 : i32
      %lt3A_692 = arith.cmpi slt, %add3A_690, %lt3A_691 : i32
      %convert_element_type3A = arith.extui %lt3A_692 : i1 to i32
      %cond3A = arith.constant 0 : i32
      %cond3A_693 = arith.cmpi ne, %convert_element_type3A, %cond3A : i32
      scf.if %cond3A_693 {
        %add3A_847 = arith.constant 1 : i32
        %add3A_848 = arith.addi %mul3A_643, %add3A_847 : i32
        %mul3A_849 = arith.constant 4 : i32
        %mul3A_850 = arith.muli %add3A_848, %mul3A_849 : i32
        %dma_wait3A_851 = arith.constant 0 : i32
        %dma_wait3A_852 = tpu.memref_slice %arg2[%arg0, %arg1, %mul3A_850, %dma_wait3A_851] : memref<2x16x160x64xi32, #tpu.memory_space<hbm>> -> memref<1x1x4x64xi32, #tpu.memory_space<hbm>>
        %dma_wait3A_853 = tpu.memref_squeeze %dma_wait3A_852 : memref<1x1x4x64xi32, #tpu.memory_space<hbm>> -> memref<4x64xi32, #tpu.memory_space<hbm>>
        %dma_wait3A_854 = arith.constant 0 : i32
        %dma_wait3A_855 = tpu.memref_slice %arg2[%arg0, %arg1, %mul3A_850, %dma_wait3A_854] : memref<2x16x160x64xi32, #tpu.memory_space<hbm>> -> memref<1x1x4x64xi32, #tpu.memory_space<hbm>>
        %dma_wait3A_856 = tpu.memref_squeeze %dma_wait3A_855 : memref<1x1x4x64xi32, #tpu.memory_space<hbm>> -> memref<4x64xi32, #tpu.memory_space<hbm>>
        tpu.wait_dma2 semaphore(%arg21 : memref<!tpu.dma_semaphore, #tpu.memory_space<semaphore_mem>>) src(%dma_wait3A_856 : memref<4x64xi32, #tpu.memory_space<hbm>>) dst(%arg14 : memref<4x64xi32, #tpu.memory_space<vmem>>)
        %mul3A_857 = arith.constant 4 : i32
        %mul3A_858 = arith.muli %add3A_848, %mul3A_857 : i32
        %dma_wait3A_859 = arith.constant 0 : i32
        %dma_wait3A_860 = tpu.memref_slice %arg3[%arg0, %arg1, %mul3A_858, %dma_wait3A_859] : memref<2x16x160x64xi32, #tpu.memory_space<hbm>> -> memref<1x1x4x64xi32, #tpu.memory_space<hbm>>
        %dma_wait3A_861 = tpu.memref_squeeze %dma_wait3A_860 : memref<1x1x4x64xi32, #tpu.memory_space<hbm>> -> memref<4x64xi32, #tpu.memory_space<hbm>>
        %dma_wait3A_862 = arith.constant 0 : i32
        %dma_wait3A_863 = tpu.memref_slice %arg3[%arg0, %arg1, %mul3A_858, %dma_wait3A_862] : memref<2x16x160x64xi32, #tpu.memory_space<hbm>> -> memref<1x1x4x64xi32, #tpu.memory_space<hbm>>
        %dma_wait3A_864 = tpu.memref_squeeze %dma_wait3A_863 : memref<1x1x4x64xi32, #tpu.memory_space<hbm>> -> memref<4x64xi32, #tpu.memory_space<hbm>>
        tpu.wait_dma2 semaphore(%arg21 : memref<!tpu.dma_semaphore, #tpu.memory_space<semaphore_mem>>) src(%dma_wait3A_864 : memref<4x64xi32, #tpu.memory_space<hbm>>) dst(%arg15 : memref<4x64xi32, #tpu.memory_space<vmem>>)
      } else {
      }
      %dma_wait3A_694 = arith.constant 2 : i32
      %dma_wait3A_695 = arith.constant 0 : i32
      %dma_wait3A_696 = tpu.memref_slice %arg12[%dma_wait3A_694, %dma_wait3A_695] : memref<4x64xi32, #tpu.memory_space<vmem>> -> memref<1x64xi32, #tpu.memory_space<vmem>>
      %dma_wait3A_697 = tpu.memref_squeeze %dma_wait3A_696 : memref<1x64xi32, #tpu.memory_space<vmem>> -> memref<64xi32, #tpu.memory_space<vmem>>
      %dma_wait3A_698 = arith.constant 0 : i32
      %dma_wait3A_699 = arith.constant 0 : i32
      %dma_wait3A_700 = tpu.memref_slice %arg6[%dma_wait3A_698, %dma_wait3A_699] : memref<10240x144xf32, #tpu.memory_space<hbm>> -> memref<10240x144xf32, #tpu.memory_space<hbm>>
      tpu.wait_indirect_dma semaphore(%arg22 : memref<!tpu.dma_semaphore, #tpu.memory_space<semaphore_mem>>) src(%dma_wait3A_700 : memref<10240x144xf32, #tpu.memory_space<hbm>>) dst(%arg17 : memref<64x144xf32, #tpu.memory_space<vmem>>)
      %broadcast_in_dim3A_701 = arith.constant 2 : i32
      %broadcast_in_dim3A_702 = vector.broadcast %broadcast_in_dim3A_701 : i32 to vector<16xi32>
      %scan3A_703 = arith.constant 0 : i32
      %scan3A_704 = arith.constant 0 : i32
      %scan3A_705 = arith.constant 64 : i32
      %scan3A_706 = arith.addi %scan3A_704, %scan3A_705 : i32
      %scan3A_707 = arith.constant 1 : i32
      scf.for %scan3A_847 = %scan3A_704 to %scan3A_706 step %scan3A_707  : i32 {
        %broadcast_in_dim3A_848 = vector.broadcast %scan3A_847 : i32 to vector<16xi32>
        %gather3A_849 = tpu.vector_load_idx %arg13[%broadcast_in_dim3A_702, %broadcast_in_dim3A_848] : memref<4x64xf32, #tpu.memory_space<vmem>>[vector<16xi32>, vector<16xi32>], vector<16xf32>,
        %get3A_850 = arith.index_cast %scan3A_847 : i32 to index
        %get3A_851 = arith.constant 0 : index
        %get3A_852 = tpu.vector_load %arg17[%get3A_850, %get3A_851] {strides = array<i32>} : memref<64x144xf32, #tpu.memory_space<vmem>>, vector<16xf32>,
        %mul3A_853 = arith.mulf %get3A_852, %gather3A_849 : vector<16xf32>
        %swap3A_854 = arith.index_cast %scan3A_847 : i32 to index
        %swap3A_855 = arith.constant 0 : index
        %swap3A_856 = tpu.vector_load %arg17[%swap3A_854, %swap3A_855] {strides = array<i32>} : memref<64x144xf32, #tpu.memory_space<vmem>>, vector<16xf32>,
        tpu.vector_store %arg17[%swap3A_854, %swap3A_855], %mul3A_853 {strides = array<i32>} : memref<64x144xf32, #tpu.memory_space<vmem>>, vector<16xf32>,
        %get3A_857 = arith.index_cast %scan3A_847 : i32 to index
        %get3A_858 = arith.constant 16 : index
        %get3A_859 = tpu.vector_load %arg17[%get3A_857, %get3A_858] {strides = array<i32>} : memref<64x144xf32, #tpu.memory_space<vmem>>, vector<16xf32>,
        %mul3A_860 = arith.mulf %get3A_859, %gather3A_849 : vector<16xf32>
        %swap3A_861 = arith.index_cast %scan3A_847 : i32 to index
        %swap3A_862 = arith.constant 16 : index
        %swap3A_863 = tpu.vector_load %arg17[%swap3A_861, %swap3A_862] {strides = array<i32>} : memref<64x144xf32, #tpu.memory_space<vmem>>, vector<16xf32>,
        tpu.vector_store %arg17[%swap3A_861, %swap3A_862], %mul3A_860 {strides = array<i32>} : memref<64x144xf32, #tpu.memory_space<vmem>>, vector<16xf32>,
        %get3A_864 = arith.index_cast %scan3A_847 : i32 to index
        %get3A_865 = arith.constant 32 : index
        %get3A_866 = tpu.vector_load %arg17[%get3A_864, %get3A_865] {strides = array<i32>} : memref<64x144xf32, #tpu.memory_space<vmem>>, vector<16xf32>,
        %mul3A_867 = arith.mulf %get3A_866, %gather3A_849 : vector<16xf32>
        %swap3A_868 = arith.index_cast %scan3A_847 : i32 to index
        %swap3A_869 = arith.constant 32 : index
        %swap3A_870 = tpu.vector_load %arg17[%swap3A_868, %swap3A_869] {strides = array<i32>} : memref<64x144xf32, #tpu.memory_space<vmem>>, vector<16xf32>,
        tpu.vector_store %arg17[%swap3A_868, %swap3A_869], %mul3A_867 {strides = array<i32>} : memref<64x144xf32, #tpu.memory_space<vmem>>, vector<16xf32>,
        %get3A_871 = arith.index_cast %scan3A_847 : i32 to index
        %get3A_872 = arith.constant 48 : index
        %get3A_873 = tpu.vector_load %arg17[%get3A_871, %get3A_872] {strides = array<i32>} : memref<64x144xf32, #tpu.memory_space<vmem>>, vector<16xf32>,
        %mul3A_874 = arith.mulf %get3A_873, %gather3A_849 : vector<16xf32>
        %swap3A_875 = arith.index_cast %scan3A_847 : i32 to index
        %swap3A_876 = arith.constant 48 : index
        %swap3A_877 = tpu.vector_load %arg17[%swap3A_875, %swap3A_876] {strides = array<i32>} : memref<64x144xf32, #tpu.memory_space<vmem>>, vector<16xf32>,
        tpu.vector_store %arg17[%swap3A_875, %swap3A_876], %mul3A_874 {strides = array<i32>} : memref<64x144xf32, #tpu.memory_space<vmem>>, vector<16xf32>,
        %get3A_878 = arith.index_cast %scan3A_847 : i32 to index
        %get3A_879 = arith.constant 64 : index
        %get3A_880 = tpu.vector_load %arg17[%get3A_878, %get3A_879] {strides = array<i32>} : memref<64x144xf32, #tpu.memory_space<vmem>>, vector<16xf32>,
        %mul3A_881 = arith.mulf %get3A_880, %gather3A_849 : vector<16xf32>
        %swap3A_882 = arith.index_cast %scan3A_847 : i32 to index
        %swap3A_883 = arith.constant 64 : index
        %swap3A_884 = tpu.vector_load %arg17[%swap3A_882, %swap3A_883] {strides = array<i32>} : memref<64x144xf32, #tpu.memory_space<vmem>>, vector<16xf32>,
        tpu.vector_store %arg17[%swap3A_882, %swap3A_883], %mul3A_881 {strides = array<i32>} : memref<64x144xf32, #tpu.memory_space<vmem>>, vector<16xf32>,
        %get3A_885 = arith.index_cast %scan3A_847 : i32 to index
        %get3A_886 = arith.constant 80 : index
        %get3A_887 = tpu.vector_load %arg17[%get3A_885, %get3A_886] {strides = array<i32>} : memref<64x144xf32, #tpu.memory_space<vmem>>, vector<16xf32>,
        %mul3A_888 = arith.mulf %get3A_887, %gather3A_849 : vector<16xf32>
        %swap3A_889 = arith.index_cast %scan3A_847 : i32 to index
        %swap3A_890 = arith.constant 80 : index
        %swap3A_891 = tpu.vector_load %arg17[%swap3A_889, %swap3A_890] {strides = array<i32>} : memref<64x144xf32, #tpu.memory_space<vmem>>, vector<16xf32>,
        tpu.vector_store %arg17[%swap3A_889, %swap3A_890], %mul3A_888 {strides = array<i32>} : memref<64x144xf32, #tpu.memory_space<vmem>>, vector<16xf32>,
        %get3A_892 = arith.index_cast %scan3A_847 : i32 to index
        %get3A_893 = arith.constant 96 : index
        %get3A_894 = tpu.vector_load %arg17[%get3A_892, %get3A_893] {strides = array<i32>} : memref<64x144xf32, #tpu.memory_space<vmem>>, vector<16xf32>,
        %mul3A_895 = arith.mulf %get3A_894, %gather3A_849 : vector<16xf32>
        %swap3A_896 = arith.index_cast %scan3A_847 : i32 to index
        %swap3A_897 = arith.constant 96 : index
        %swap3A_898 = tpu.vector_load %arg17[%swap3A_896, %swap3A_897] {strides = array<i32>} : memref<64x144xf32, #tpu.memory_space<vmem>>, vector<16xf32>,
        tpu.vector_store %arg17[%swap3A_896, %swap3A_897], %mul3A_895 {strides = array<i32>} : memref<64x144xf32, #tpu.memory_space<vmem>>, vector<16xf32>,
        %get3A_899 = arith.index_cast %scan3A_847 : i32 to index
        %get3A_900 = arith.constant 112 : index
        %get3A_901 = tpu.vector_load %arg17[%get3A_899, %get3A_900] {strides = array<i32>} : memref<64x144xf32, #tpu.memory_space<vmem>>, vector<16xf32>,
        %mul3A_902 = arith.mulf %get3A_901, %gather3A_849 : vector<16xf32>
        %swap3A_903 = arith.index_cast %scan3A_847 : i32 to index
        %swap3A_904 = arith.constant 112 : index
        %swap3A_905 = tpu.vector_load %arg17[%swap3A_903, %swap3A_904] {strides = array<i32>} : memref<64x144xf32, #tpu.memory_space<vmem>>, vector<16xf32>,
        tpu.vector_store %arg17[%swap3A_903, %swap3A_904], %mul3A_902 {strides = array<i32>} : memref<64x144xf32, #tpu.memory_space<vmem>>, vector<16xf32>,
        %get3A_906 = arith.index_cast %scan3A_847 : i32 to index
        %get3A_907 = arith.constant 128 : index
        %get3A_908 = tpu.vector_load %arg17[%get3A_906, %get3A_907] {strides = array<i32>} : memref<64x144xf32, #tpu.memory_space<vmem>>, vector<16xf32>,
        %mul3A_909 = arith.mulf %get3A_908, %gather3A_849 : vector<16xf32>
        %swap3A_910 = arith.index_cast %scan3A_847 : i32 to index
        %swap3A_911 = arith.constant 128 : index
        %swap3A_912 = tpu.vector_load %arg17[%swap3A_910, %swap3A_911] {strides = array<i32>} : memref<64x144xf32, #tpu.memory_space<vmem>>, vector<16xf32>,
        tpu.vector_store %arg17[%swap3A_910, %swap3A_911], %mul3A_909 {strides = array<i32>} : memref<64x144xf32, #tpu.memory_space<vmem>>, vector<16xf32>,
      }
      %scan3A_708 = arith.constant 64 : i32
      %run_scoped3A_709 = arith.constant 2 : i32
      "tpu.region"() ({
        %run_scoped3A_847 = tpu.sem_alloc : memref<!tpu.dma_semaphore, #tpu.memory_space<semaphore_mem>>
        %dma_start3A_848 = arith.constant 0 : i32
        %dma_start3A_849 = tpu.memref_slice %arg11[%run_scoped3A_709, %dma_start3A_848] : memref<4x64xi32, #tpu.memory_space<vmem>> -> memref<1x64xi32, #tpu.memory_space<vmem>>
        %dma_start3A_850 = tpu.memref_squeeze %dma_start3A_849 : memref<1x64xi32, #tpu.memory_space<vmem>> -> memref<64xi32, #tpu.memory_space<vmem>>
        %dma_start3A_851 = arith.constant 0 : i32
        %dma_start3A_852 = arith.constant 0 : i32
        %dma_start3A_853 = tpu.memref_slice %arg19[%dma_start3A_851, %dma_start3A_852] : memref<10000x144xf32, #tpu.memory_space<vmem_shared>> -> memref<10000x144xf32, #tpu.memory_space<vmem_shared>>
        tpu.enqueue_indirect_dma source(%arg17 : memref<64x144xf32, #tpu.memory_space<vmem>>) target(%dma_start3A_853 : memref<10000x144xf32, #tpu.memory_space<vmem_shared>>) offsets(%dma_start3A_850 : memref<64xi32, #tpu.memory_space<vmem>>) semaphore(%run_scoped3A_847 : memref<!tpu.dma_semaphore, #tpu.memory_space<semaphore_mem>>) {add = true}
        %dma_wait3A_854 = arith.constant 0 : i32
        %dma_wait3A_855 = tpu.memref_slice %arg11[%run_scoped3A_709, %dma_wait3A_854] : memref<4x64xi32, #tpu.memory_space<vmem>> -> memref<1x64xi32, #tpu.memory_space<vmem>>
        %dma_wait3A_856 = tpu.memref_squeeze %dma_wait3A_855 : memref<1x64xi32, #tpu.memory_space<vmem>> -> memref<64xi32, #tpu.memory_space<vmem>>
        %dma_wait3A_857 = arith.constant 0 : i32
        %dma_wait3A_858 = arith.constant 0 : i32
        %dma_wait3A_859 = tpu.memref_slice %arg19[%dma_wait3A_857, %dma_wait3A_858] : memref<10000x144xf32, #tpu.memory_space<vmem_shared>> -> memref<10000x144xf32, #tpu.memory_space<vmem_shared>>
        tpu.wait_indirect_dma semaphore(%run_scoped3A_847 : memref<!tpu.dma_semaphore, #tpu.memory_space<semaphore_mem>>) src(%arg17 : memref<64x144xf32, #tpu.memory_space<vmem>>) dst(%dma_wait3A_859 : memref<10000x144xf32, #tpu.memory_space<vmem_shared>>)
        tpu.yield
      }) : () -> ()
      %convert_element_type3A_710 = arith.extui %lt3A_692 : i1 to i32
      %cond3A_711 = arith.constant 0 : i32
      %cond3A_712 = arith.cmpi ne, %convert_element_type3A_710, %cond3A_711 : i32
      scf.if %cond3A_712 {
        %dma_start3A_847 = arith.constant 0 : i32
        %dma_start3A_848 = arith.constant 0 : i32
        %dma_start3A_849 = tpu.memref_slice %arg15[%dma_start3A_847, %dma_start3A_848] : memref<4x64xi32, #tpu.memory_space<vmem>> -> memref<1x64xi32, #tpu.memory_space<vmem>>
        %dma_start3A_850 = tpu.memref_squeeze %dma_start3A_849 : memref<1x64xi32, #tpu.memory_space<vmem>> -> memref<64xi32, #tpu.memory_space<vmem>>
        %dma_start3A_851 = arith.constant 0 : i32
        %dma_start3A_852 = arith.constant 0 : i32
        %dma_start3A_853 = tpu.memref_slice %arg6[%dma_start3A_851, %dma_start3A_852] : memref<10240x144xf32, #tpu.memory_space<hbm>> -> memref<10240x144xf32, #tpu.memory_space<hbm>>
        tpu.enqueue_indirect_dma source(%dma_start3A_853 : memref<10240x144xf32, #tpu.memory_space<hbm>>) target(%arg17 : memref<64x144xf32, #tpu.memory_space<vmem>>) offsets(%dma_start3A_850 : memref<64xi32, #tpu.memory_space<vmem>>) semaphore(%arg22 : memref<!tpu.dma_semaphore, #tpu.memory_space<semaphore_mem>>)
      } else {
      }
      %dma_wait3A_713 = arith.constant 3 : i32
      %dma_wait3A_714 = arith.constant 0 : i32
      %dma_wait3A_715 = tpu.memref_slice %arg12[%dma_wait3A_713, %dma_wait3A_714] : memref<4x64xi32, #tpu.memory_space<vmem>> -> memref<1x64xi32, #tpu.memory_space<vmem>>
      %dma_wait3A_716 = tpu.memref_squeeze %dma_wait3A_715 : memref<1x64xi32, #tpu.memory_space<vmem>> -> memref<64xi32, #tpu.memory_space<vmem>>
      %dma_wait3A_717 = arith.constant 0 : i32
      %dma_wait3A_718 = arith.constant 0 : i32
      %dma_wait3A_719 = tpu.memref_slice %arg6[%dma_wait3A_717, %dma_wait3A_718] : memref<10240x144xf32, #tpu.memory_space<hbm>> -> memref<10240x144xf32, #tpu.memory_space<hbm>>
      tpu.wait_indirect_dma semaphore(%arg23 : memref<!tpu.dma_semaphore, #tpu.memory_space<semaphore_mem>>) src(%dma_wait3A_719 : memref<10240x144xf32, #tpu.memory_space<hbm>>) dst(%arg18 : memref<64x144xf32, #tpu.memory_space<vmem>>)
      %broadcast_in_dim3A_720 = arith.constant 3 : i32
      %broadcast_in_dim3A_721 = vector.broadcast %broadcast_in_dim3A_720 : i32 to vector<16xi32>
      %scan3A_722 = arith.constant 0 : i32
      %scan3A_723 = arith.constant 0 : i32
      %scan3A_724 = arith.constant 64 : i32
      %scan3A_725 = arith.addi %scan3A_723, %scan3A_724 : i32
      %scan3A_726 = arith.constant 1 : i32
      scf.for %scan3A_847 = %scan3A_723 to %scan3A_725 step %scan3A_726  : i32 {
        %broadcast_in_dim3A_848 = vector.broadcast %scan3A_847 : i32 to vector<16xi32>
        %gather3A_849 = tpu.vector_load_idx %arg13[%broadcast_in_dim3A_721, %broadcast_in_dim3A_848] : memref<4x64xf32, #tpu.memory_space<vmem>>[vector<16xi32>, vector<16xi32>], vector<16xf32>,
        %get3A_850 = arith.index_cast %scan3A_847 : i32 to index
        %get3A_851 = arith.constant 0 : index
        %get3A_852 = tpu.vector_load %arg18[%get3A_850, %get3A_851] {strides = array<i32>} : memref<64x144xf32, #tpu.memory_space<vmem>>, vector<16xf32>,
        %mul3A_853 = arith.mulf %get3A_852, %gather3A_849 : vector<16xf32>
        %swap3A_854 = arith.index_cast %scan3A_847 : i32 to index
        %swap3A_855 = arith.constant 0 : index
        %swap3A_856 = tpu.vector_load %arg18[%swap3A_854, %swap3A_855] {strides = array<i32>} : memref<64x144xf32, #tpu.memory_space<vmem>>, vector<16xf32>,
        tpu.vector_store %arg18[%swap3A_854, %swap3A_855], %mul3A_853 {strides = array<i32>} : memref<64x144xf32, #tpu.memory_space<vmem>>, vector<16xf32>,
        %get3A_857 = arith.index_cast %scan3A_847 : i32 to index
        %get3A_858 = arith.constant 16 : index
        %get3A_859 = tpu.vector_load %arg18[%get3A_857, %get3A_858] {strides = array<i32>} : memref<64x144xf32, #tpu.memory_space<vmem>>, vector<16xf32>,
        %mul3A_860 = arith.mulf %get3A_859, %gather3A_849 : vector<16xf32>
        %swap3A_861 = arith.index_cast %scan3A_847 : i32 to index
        %swap3A_862 = arith.constant 16 : index
        %swap3A_863 = tpu.vector_load %arg18[%swap3A_861, %swap3A_862] {strides = array<i32>} : memref<64x144xf32, #tpu.memory_space<vmem>>, vector<16xf32>,
        tpu.vector_store %arg18[%swap3A_861, %swap3A_862], %mul3A_860 {strides = array<i32>} : memref<64x144xf32, #tpu.memory_space<vmem>>, vector<16xf32>,
        %get3A_864 = arith.index_cast %scan3A_847 : i32 to index
        %get3A_865 = arith.constant 32 : index
        %get3A_866 = tpu.vector_load %arg18[%get3A_864, %get3A_865] {strides = array<i32>} : memref<64x144xf32, #tpu.memory_space<vmem>>, vector<16xf32>,
        %mul3A_867 = arith.mulf %get3A_866, %gather3A_849 : vector<16xf32>
        %swap3A_868 = arith.index_cast %scan3A_847 : i32 to index
        %swap3A_869 = arith.constant 32 : index
        %swap3A_870 = tpu.vector_load %arg18[%swap3A_868, %swap3A_869] {strides = array<i32>} : memref<64x144xf32, #tpu.memory_space<vmem>>, vector<16xf32>,
        tpu.vector_store %arg18[%swap3A_868, %swap3A_869], %mul3A_867 {strides = array<i32>} : memref<64x144xf32, #tpu.memory_space<vmem>>, vector<16xf32>,
        %get3A_871 = arith.index_cast %scan3A_847 : i32 to index
        %get3A_872 = arith.constant 48 : index
        %get3A_873 = tpu.vector_load %arg18[%get3A_871, %get3A_872] {strides = array<i32>} : memref<64x144xf32, #tpu.memory_space<vmem>>, vector<16xf32>,
        %mul3A_874 = arith.mulf %get3A_873, %gather3A_849 : vector<16xf32>
        %swap3A_875 = arith.index_cast %scan3A_847 : i32 to index
        %swap3A_876 = arith.constant 48 : index
        %swap3A_877 = tpu.vector_load %arg18[%swap3A_875, %swap3A_876] {strides = array<i32>} : memref<64x144xf32, #tpu.memory_space<vmem>>, vector<16xf32>,
        tpu.vector_store %arg18[%swap3A_875, %swap3A_876], %mul3A_874 {strides = array<i32>} : memref<64x144xf32, #tpu.memory_space<vmem>>, vector<16xf32>,
        %get3A_878 = arith.index_cast %scan3A_847 : i32 to index
        %get3A_879 = arith.constant 64 : index
        %get3A_880 = tpu.vector_load %arg18[%get3A_878, %get3A_879] {strides = array<i32>} : memref<64x144xf32, #tpu.memory_space<vmem>>, vector<16xf32>,
        %mul3A_881 = arith.mulf %get3A_880, %gather3A_849 : vector<16xf32>
        %swap3A_882 = arith.index_cast %scan3A_847 : i32 to index
        %swap3A_883 = arith.constant 64 : index
        %swap3A_884 = tpu.vector_load %arg18[%swap3A_882, %swap3A_883] {strides = array<i32>} : memref<64x144xf32, #tpu.memory_space<vmem>>, vector<16xf32>,
        tpu.vector_store %arg18[%swap3A_882, %swap3A_883], %mul3A_881 {strides = array<i32>} : memref<64x144xf32, #tpu.memory_space<vmem>>, vector<16xf32>,
        %get3A_885 = arith.index_cast %scan3A_847 : i32 to index
        %get3A_886 = arith.constant 80 : index
        %get3A_887 = tpu.vector_load %arg18[%get3A_885, %get3A_886] {strides = array<i32>} : memref<64x144xf32, #tpu.memory_space<vmem>>, vector<16xf32>,
        %mul3A_888 = arith.mulf %get3A_887, %gather3A_849 : vector<16xf32>
        %swap3A_889 = arith.index_cast %scan3A_847 : i32 to index
        %swap3A_890 = arith.constant 80 : index
        %swap3A_891 = tpu.vector_load %arg18[%swap3A_889, %swap3A_890] {strides = array<i32>} : memref<64x144xf32, #tpu.memory_space<vmem>>, vector<16xf32>,
        tpu.vector_store %arg18[%swap3A_889, %swap3A_890], %mul3A_888 {strides = array<i32>} : memref<64x144xf32, #tpu.memory_space<vmem>>, vector<16xf32>,
        %get3A_892 = arith.index_cast %scan3A_847 : i32 to index
        %get3A_893 = arith.constant 96 : index
        %get3A_894 = tpu.vector_load %arg18[%get3A_892, %get3A_893] {strides = array<i32>} : memref<64x144xf32, #tpu.memory_space<vmem>>, vector<16xf32>,
        %mul3A_895 = arith.mulf %get3A_894, %gather3A_849 : vector<16xf32>
        %swap3A_896 = arith.index_cast %scan3A_847 : i32 to index
        %swap3A_897 = arith.constant 96 : index
        %swap3A_898 = tpu.vector_load %arg18[%swap3A_896, %swap3A_897] {strides = array<i32>} : memref<64x144xf32, #tpu.memory_space<vmem>>, vector<16xf32>,
        tpu.vector_store %arg18[%swap3A_896, %swap3A_897], %mul3A_895 {strides = array<i32>} : memref<64x144xf32, #tpu.memory_space<vmem>>, vector<16xf32>,
        %get3A_899 = arith.index_cast %scan3A_847 : i32 to index
        %get3A_900 = arith.constant 112 : index
        %get3A_901 = tpu.vector_load %arg18[%get3A_899, %get3A_900] {strides = array<i32>} : memref<64x144xf32, #tpu.memory_space<vmem>>, vector<16xf32>,
        %mul3A_902 = arith.mulf %get3A_901, %gather3A_849 : vector<16xf32>
        %swap3A_903 = arith.index_cast %scan3A_847 : i32 to index
        %swap3A_904 = arith.constant 112 : index
        %swap3A_905 = tpu.vector_load %arg18[%swap3A_903, %swap3A_904] {strides = array<i32>} : memref<64x144xf32, #tpu.memory_space<vmem>>, vector<16xf32>,
        tpu.vector_store %arg18[%swap3A_903, %swap3A_904], %mul3A_902 {strides = array<i32>} : memref<64x144xf32, #tpu.memory_space<vmem>>, vector<16xf32>,
        %get3A_906 = arith.index_cast %scan3A_847 : i32 to index
        %get3A_907 = arith.constant 128 : index
        %get3A_908 = tpu.vector_load %arg18[%get3A_906, %get3A_907] {strides = array<i32>} : memref<64x144xf32, #tpu.memory_space<vmem>>, vector<16xf32>,
        %mul3A_909 = arith.mulf %get3A_908, %gather3A_849 : vector<16xf32>
        %swap3A_910 = arith.index_cast %scan3A_847 : i32 to index
        %swap3A_911 = arith.constant 128 : index
        %swap3A_912 = tpu.vector_load %arg18[%swap3A_910, %swap3A_911] {strides = array<i32>} : memref<64x144xf32, #tpu.memory_space<vmem>>, vector<16xf32>,
        tpu.vector_store %arg18[%swap3A_910, %swap3A_911], %mul3A_909 {strides = array<i32>} : memref<64x144xf32, #tpu.memory_space<vmem>>, vector<16xf32>,
      }
      %scan3A_727 = arith.constant 64 : i32
      %run_scoped3A_728 = arith.constant 3 : i32
      "tpu.region"() ({
        %run_scoped3A_847 = tpu.sem_alloc : memref<!tpu.dma_semaphore, #tpu.memory_space<semaphore_mem>>
        %dma_start3A_848 = arith.constant 0 : i32
        %dma_start3A_849 = tpu.memref_slice %arg11[%run_scoped3A_728, %dma_start3A_848] : memref<4x64xi32, #tpu.memory_space<vmem>> -> memref<1x64xi32, #tpu.memory_space<vmem>>
        %dma_start3A_850 = tpu.memref_squeeze %dma_start3A_849 : memref<1x64xi32, #tpu.memory_space<vmem>> -> memref<64xi32, #tpu.memory_space<vmem>>
        %dma_start3A_851 = arith.constant 0 : i32
        %dma_start3A_852 = arith.constant 0 : i32
        %dma_start3A_853 = tpu.memref_slice %arg19[%dma_start3A_851, %dma_start3A_852] : memref<10000x144xf32, #tpu.memory_space<vmem_shared>> -> memref<10000x144xf32, #tpu.memory_space<vmem_shared>>
        tpu.enqueue_indirect_dma source(%arg18 : memref<64x144xf32, #tpu.memory_space<vmem>>) target(%dma_start3A_853 : memref<10000x144xf32, #tpu.memory_space<vmem_shared>>) offsets(%dma_start3A_850 : memref<64xi32, #tpu.memory_space<vmem>>) semaphore(%run_scoped3A_847 : memref<!tpu.dma_semaphore, #tpu.memory_space<semaphore_mem>>) {add = true}
        %dma_wait3A_854 = arith.constant 0 : i32
        %dma_wait3A_855 = tpu.memref_slice %arg11[%run_scoped3A_728, %dma_wait3A_854] : memref<4x64xi32, #tpu.memory_space<vmem>> -> memref<1x64xi32, #tpu.memory_space<vmem>>
        %dma_wait3A_856 = tpu.memref_squeeze %dma_wait3A_855 : memref<1x64xi32, #tpu.memory_space<vmem>> -> memref<64xi32, #tpu.memory_space<vmem>>
        %dma_wait3A_857 = arith.constant 0 : i32
        %dma_wait3A_858 = arith.constant 0 : i32
        %dma_wait3A_859 = tpu.memref_slice %arg19[%dma_wait3A_857, %dma_wait3A_858] : memref<10000x144xf32, #tpu.memory_space<vmem_shared>> -> memref<10000x144xf32, #tpu.memory_space<vmem_shared>>
        tpu.wait_indirect_dma semaphore(%run_scoped3A_847 : memref<!tpu.dma_semaphore, #tpu.memory_space<semaphore_mem>>) src(%arg18 : memref<64x144xf32, #tpu.memory_space<vmem>>) dst(%dma_wait3A_859 : memref<10000x144xf32, #tpu.memory_space<vmem_shared>>)
        tpu.yield
      }) : () -> ()
      %convert_element_type3A_729 = arith.extui %lt3A_692 : i1 to i32
      %cond3A_730 = arith.constant 0 : i32
      %cond3A_731 = arith.cmpi ne, %convert_element_type3A_729, %cond3A_730 : i32
      scf.if %cond3A_731 {
        %dma_start3A_847 = arith.constant 1 : i32
        %dma_start3A_848 = arith.constant 0 : i32
        %dma_start3A_849 = tpu.memref_slice %arg15[%dma_start3A_847, %dma_start3A_848] : memref<4x64xi32, #tpu.memory_space<vmem>> -> memref<1x64xi32, #tpu.memory_space<vmem>>
        %dma_start3A_850 = tpu.memref_squeeze %dma_start3A_849 : memref<1x64xi32, #tpu.memory_space<vmem>> -> memref<64xi32, #tpu.memory_space<vmem>>
        %dma_start3A_851 = arith.constant 0 : i32
        %dma_start3A_852 = arith.constant 0 : i32
        %dma_start3A_853 = tpu.memref_slice %arg6[%dma_start3A_851, %dma_start3A_852] : memref<10240x144xf32, #tpu.memory_space<hbm>> -> memref<10240x144xf32, #tpu.memory_space<hbm>>
        tpu.enqueue_indirect_dma source(%dma_start3A_853 : memref<10240x144xf32, #tpu.memory_space<hbm>>) target(%arg18 : memref<64x144xf32, #tpu.memory_space<vmem>>) offsets(%dma_start3A_850 : memref<64xi32, #tpu.memory_space<vmem>>) semaphore(%arg23 : memref<!tpu.dma_semaphore, #tpu.memory_space<semaphore_mem>>)
      } else {
      }
      %convert_element_type3A_732 = arith.extui %lt3A_692 : i1 to i32
      %cond3A_733 = arith.constant 0 : i32
      %cond3A_734 = arith.cmpi ne, %convert_element_type3A_732, %cond3A_733 : i32
      scf.if %cond3A_734 {
        %add3A_847 = arith.constant 1 : i32
        %add3A_848 = arith.addi %mul3A_643, %add3A_847 : i32
        %get3A_849 = arith.constant 0 : i32
        %get3A_850 = arith.index_cast %get3A_849 : i32 to index
        %get3A_851 = arith.constant 0 : index
        %get3A_852 = tpu.vector_load %arg14[%get3A_850, %get3A_851] {strides = array<i32>} : memref<4x64xi32, #tpu.memory_space<vmem>>, vector<16xi32>,
        %gather3A_853 = tpu.vector_load_idx %arg8[%get3A_852] : memref<10000xf32, #tpu.memory_space<vmem>>[vector<16xi32>], vector<16xf32>,
        %get3A_854 = arith.constant 0 : i32
        %get3A_855 = arith.index_cast %get3A_854 : i32 to index
        %get3A_856 = arith.constant 0 : index
        %get3A_857 = tpu.vector_load %arg15[%get3A_855, %get3A_856] {strides = array<i32>} : memref<4x64xi32, #tpu.memory_space<vmem>>, vector<16xi32>,
        %gather3A_858 = tpu.vector_load_idx %arg9[%get3A_857] : memref<10000xf32, #tpu.memory_space<vmem>>[vector<16xi32>], vector<16xf32>,
        %add3A_859 = arith.addf %gather3A_853, %gather3A_858 : vector<16xf32>
        %gt3A_860 = arith.constant 0.000000e+00 : f32
        %gt3A_861 = vector.broadcast %gt3A_860 : f32 to vector<16xf32>
        %gt3A_862 = arith.cmpf ogt, %add3A_859, %gt3A_861 : vector<16xf32>
        %mul3A_863 = arith.constant 2.000000e-01 : f32
        %mul3A_864 = vector.broadcast %mul3A_863 : f32 to vector<16xf32>
        %mul3A_865 = arith.mulf %mul3A_864, %add3A_859 : vector<16xf32>
        %select_n3A_866 = arith.select %gt3A_862, %add3A_859, %mul3A_865 : vector<16xi1>, vector<16xf32>
        %sub3A_867 = arith.subf %select_n3A_866, %select_n3A : vector<16xf32>
        %exp3A_868 = math.exp %sub3A_867 : vector<16xf32>
        %mul3A_869 = arith.constant 256 : i32
        %mul3A_870 = arith.muli %add3A_848, %mul3A_869 : i32
        %add3A_871 = arith.constant 0 : i32
        %add3A_872 = arith.addi %mul3A_870, %add3A_871 : i32
        %iota3A_873 = tpu.iota {dimensions = array<i32: 0>} : vector<16xi32>
        %add3A_874 = vector.broadcast %add3A_872 : i32 to vector<16xi32>
        %add3A_875 = arith.addi %add3A_874, %iota3A_873 : vector<16xi32>
        %lt3A_876 = arith.constant 10000 : i32
        %lt3A_877 = vector.broadcast %lt3A_876 : i32 to vector<16xi32>
        %lt3A_878 = arith.cmpi slt, %add3A_875, %lt3A_877 : vector<16xi32>
        %jit3A_879 = arith.constant 0.000000e+00 : f32
        %broadcast_in_dim3A_880 = vector.broadcast %jit3A_879 : f32 to vector<16xf32>
        %select_n3A_881 = arith.select %lt3A_878, %exp3A_868, %broadcast_in_dim3A_880 : vector<16xi1>, vector<16xf32>
        %swap3A_882 = arith.constant 0 : i32
        %swap3A_883 = arith.index_cast %swap3A_882 : i32 to index
        %swap3A_884 = arith.constant 0 : index
        %swap3A_885 = tpu.vector_load %arg16[%swap3A_883, %swap3A_884] {strides = array<i32>} : memref<4x64xf32, #tpu.memory_space<vmem>>, vector<16xf32>,
        tpu.vector_store %arg16[%swap3A_883, %swap3A_884], %select_n3A_881 {strides = array<i32>} : memref<4x64xf32, #tpu.memory_space<vmem>>, vector<16xf32>,
        %get3A_886 = arith.constant 0 : i32
        %get3A_887 = arith.index_cast %get3A_886 : i32 to index
        %get3A_888 = arith.constant 16 : index
        %get3A_889 = tpu.vector_load %arg14[%get3A_887, %get3A_888] {strides = array<i32>} : memref<4x64xi32, #tpu.memory_space<vmem>>, vector<16xi32>,
        %gather3A_890 = tpu.vector_load_idx %arg8[%get3A_889] : memref<10000xf32, #tpu.memory_space<vmem>>[vector<16xi32>], vector<16xf32>,
        %get3A_891 = arith.constant 0 : i32
        %get3A_892 = arith.index_cast %get3A_891 : i32 to index
        %get3A_893 = arith.constant 16 : index
        %get3A_894 = tpu.vector_load %arg15[%get3A_892, %get3A_893] {strides = array<i32>} : memref<4x64xi32, #tpu.memory_space<vmem>>, vector<16xi32>,
        %gather3A_895 = tpu.vector_load_idx %arg9[%get3A_894] : memref<10000xf32, #tpu.memory_space<vmem>>[vector<16xi32>], vector<16xf32>,
        %add3A_896 = arith.addf %gather3A_890, %gather3A_895 : vector<16xf32>
        %gt3A_897 = arith.constant 0.000000e+00 : f32
        %gt3A_898 = vector.broadcast %gt3A_897 : f32 to vector<16xf32>
        %gt3A_899 = arith.cmpf ogt, %add3A_896, %gt3A_898 : vector<16xf32>
        %mul3A_900 = arith.constant 2.000000e-01 : f32
        %mul3A_901 = vector.broadcast %mul3A_900 : f32 to vector<16xf32>
        %mul3A_902 = arith.mulf %mul3A_901, %add3A_896 : vector<16xf32>
        %select_n3A_903 = arith.select %gt3A_899, %add3A_896, %mul3A_902 : vector<16xi1>, vector<16xf32>
        %sub3A_904 = arith.subf %select_n3A_903, %select_n3A : vector<16xf32>
        %exp3A_905 = math.exp %sub3A_904 : vector<16xf32>
        %mul3A_906 = arith.constant 256 : i32
        %mul3A_907 = arith.muli %add3A_848, %mul3A_906 : i32
        %add3A_908 = arith.constant 16 : i32
        %add3A_909 = arith.addi %mul3A_907, %add3A_908 : i32
        %iota3A_910 = tpu.iota {dimensions = array<i32: 0>} : vector<16xi32>
        %add3A_911 = vector.broadcast %add3A_909 : i32 to vector<16xi32>
        %add3A_912 = arith.addi %add3A_911, %iota3A_910 : vector<16xi32>
        %lt3A_913 = arith.constant 10000 : i32
        %lt3A_914 = vector.broadcast %lt3A_913 : i32 to vector<16xi32>
        %lt3A_915 = arith.cmpi slt, %add3A_912, %lt3A_914 : vector<16xi32>
        %jit3A_916 = arith.constant 0.000000e+00 : f32
        %broadcast_in_dim3A_917 = vector.broadcast %jit3A_916 : f32 to vector<16xf32>
        %select_n3A_918 = arith.select %lt3A_915, %exp3A_905, %broadcast_in_dim3A_917 : vector<16xi1>, vector<16xf32>
        %swap3A_919 = arith.constant 0 : i32
        %swap3A_920 = arith.index_cast %swap3A_919 : i32 to index
        %swap3A_921 = arith.constant 16 : index
        %swap3A_922 = tpu.vector_load %arg16[%swap3A_920, %swap3A_921] {strides = array<i32>} : memref<4x64xf32, #tpu.memory_space<vmem>>, vector<16xf32>,
        tpu.vector_store %arg16[%swap3A_920, %swap3A_921], %select_n3A_918 {strides = array<i32>} : memref<4x64xf32, #tpu.memory_space<vmem>>, vector<16xf32>,
        %get3A_923 = arith.constant 0 : i32
        %get3A_924 = arith.index_cast %get3A_923 : i32 to index
        %get3A_925 = arith.constant 32 : index
        %get3A_926 = tpu.vector_load %arg14[%get3A_924, %get3A_925] {strides = array<i32>} : memref<4x64xi32, #tpu.memory_space<vmem>>, vector<16xi32>,
        %gather3A_927 = tpu.vector_load_idx %arg8[%get3A_926] : memref<10000xf32, #tpu.memory_space<vmem>>[vector<16xi32>], vector<16xf32>,
        %get3A_928 = arith.constant 0 : i32
        %get3A_929 = arith.index_cast %get3A_928 : i32 to index
        %get3A_930 = arith.constant 32 : index
        %get3A_931 = tpu.vector_load %arg15[%get3A_929, %get3A_930] {strides = array<i32>} : memref<4x64xi32, #tpu.memory_space<vmem>>, vector<16xi32>,
        %gather3A_932 = tpu.vector_load_idx %arg9[%get3A_931] : memref<10000xf32, #tpu.memory_space<vmem>>[vector<16xi32>], vector<16xf32>,
        %add3A_933 = arith.addf %gather3A_927, %gather3A_932 : vector<16xf32>
        %gt3A_934 = arith.constant 0.000000e+00 : f32
        %gt3A_935 = vector.broadcast %gt3A_934 : f32 to vector<16xf32>
        %gt3A_936 = arith.cmpf ogt, %add3A_933, %gt3A_935 : vector<16xf32>
        %mul3A_937 = arith.constant 2.000000e-01 : f32
        %mul3A_938 = vector.broadcast %mul3A_937 : f32 to vector<16xf32>
        %mul3A_939 = arith.mulf %mul3A_938, %add3A_933 : vector<16xf32>
        %select_n3A_940 = arith.select %gt3A_936, %add3A_933, %mul3A_939 : vector<16xi1>, vector<16xf32>
        %sub3A_941 = arith.subf %select_n3A_940, %select_n3A : vector<16xf32>
        %exp3A_942 = math.exp %sub3A_941 : vector<16xf32>
        %mul3A_943 = arith.constant 256 : i32
        %mul3A_944 = arith.muli %add3A_848, %mul3A_943 : i32
        %add3A_945 = arith.constant 32 : i32
        %add3A_946 = arith.addi %mul3A_944, %add3A_945 : i32
        %iota3A_947 = tpu.iota {dimensions = array<i32: 0>} : vector<16xi32>
        %add3A_948 = vector.broadcast %add3A_946 : i32 to vector<16xi32>
        %add3A_949 = arith.addi %add3A_948, %iota3A_947 : vector<16xi32>
        %lt3A_950 = arith.constant 10000 : i32
        %lt3A_951 = vector.broadcast %lt3A_950 : i32 to vector<16xi32>
        %lt3A_952 = arith.cmpi slt, %add3A_949, %lt3A_951 : vector<16xi32>
        %jit3A_953 = arith.constant 0.000000e+00 : f32
        %broadcast_in_dim3A_954 = vector.broadcast %jit3A_953 : f32 to vector<16xf32>
        %select_n3A_955 = arith.select %lt3A_952, %exp3A_942, %broadcast_in_dim3A_954 : vector<16xi1>, vector<16xf32>
        %swap3A_956 = arith.constant 0 : i32
        %swap3A_957 = arith.index_cast %swap3A_956 : i32 to index
        %swap3A_958 = arith.constant 32 : index
        %swap3A_959 = tpu.vector_load %arg16[%swap3A_957, %swap3A_958] {strides = array<i32>} : memref<4x64xf32, #tpu.memory_space<vmem>>, vector<16xf32>,
        tpu.vector_store %arg16[%swap3A_957, %swap3A_958], %select_n3A_955 {strides = array<i32>} : memref<4x64xf32, #tpu.memory_space<vmem>>, vector<16xf32>,
        %get3A_960 = arith.constant 0 : i32
        %get3A_961 = arith.index_cast %get3A_960 : i32 to index
        %get3A_962 = arith.constant 48 : index
        %get3A_963 = tpu.vector_load %arg14[%get3A_961, %get3A_962] {strides = array<i32>} : memref<4x64xi32, #tpu.memory_space<vmem>>, vector<16xi32>,
        %gather3A_964 = tpu.vector_load_idx %arg8[%get3A_963] : memref<10000xf32, #tpu.memory_space<vmem>>[vector<16xi32>], vector<16xf32>,
        %get3A_965 = arith.constant 0 : i32
        %get3A_966 = arith.index_cast %get3A_965 : i32 to index
        %get3A_967 = arith.constant 48 : index
        %get3A_968 = tpu.vector_load %arg15[%get3A_966, %get3A_967] {strides = array<i32>} : memref<4x64xi32, #tpu.memory_space<vmem>>, vector<16xi32>,
        %gather3A_969 = tpu.vector_load_idx %arg9[%get3A_968] : memref<10000xf32, #tpu.memory_space<vmem>>[vector<16xi32>], vector<16xf32>,
        %add3A_970 = arith.addf %gather3A_964, %gather3A_969 : vector<16xf32>
        %gt3A_971 = arith.constant 0.000000e+00 : f32
        %gt3A_972 = vector.broadcast %gt3A_971 : f32 to vector<16xf32>
        %gt3A_973 = arith.cmpf ogt, %add3A_970, %gt3A_972 : vector<16xf32>
        %mul3A_974 = arith.constant 2.000000e-01 : f32
        %mul3A_975 = vector.broadcast %mul3A_974 : f32 to vector<16xf32>
        %mul3A_976 = arith.mulf %mul3A_975, %add3A_970 : vector<16xf32>
        %select_n3A_977 = arith.select %gt3A_973, %add3A_970, %mul3A_976 : vector<16xi1>, vector<16xf32>
        %sub3A_978 = arith.subf %select_n3A_977, %select_n3A : vector<16xf32>
        %exp3A_979 = math.exp %sub3A_978 : vector<16xf32>
        %mul3A_980 = arith.constant 256 : i32
        %mul3A_981 = arith.muli %add3A_848, %mul3A_980 : i32
        %add3A_982 = arith.constant 48 : i32
        %add3A_983 = arith.addi %mul3A_981, %add3A_982 : i32
        %iota3A_984 = tpu.iota {dimensions = array<i32: 0>} : vector<16xi32>
        %add3A_985 = vector.broadcast %add3A_983 : i32 to vector<16xi32>
        %add3A_986 = arith.addi %add3A_985, %iota3A_984 : vector<16xi32>
        %lt3A_987 = arith.constant 10000 : i32
        %lt3A_988 = vector.broadcast %lt3A_987 : i32 to vector<16xi32>
        %lt3A_989 = arith.cmpi slt, %add3A_986, %lt3A_988 : vector<16xi32>
        %jit3A_990 = arith.constant 0.000000e+00 : f32
        %broadcast_in_dim3A_991 = vector.broadcast %jit3A_990 : f32 to vector<16xf32>
        %select_n3A_992 = arith.select %lt3A_989, %exp3A_979, %broadcast_in_dim3A_991 : vector<16xi1>, vector<16xf32>
        %swap3A_993 = arith.constant 0 : i32
        %swap3A_994 = arith.index_cast %swap3A_993 : i32 to index
        %swap3A_995 = arith.constant 48 : index
        %swap3A_996 = tpu.vector_load %arg16[%swap3A_994, %swap3A_995] {strides = array<i32>} : memref<4x64xf32, #tpu.memory_space<vmem>>, vector<16xf32>,
        tpu.vector_store %arg16[%swap3A_994, %swap3A_995], %select_n3A_992 {strides = array<i32>} : memref<4x64xf32, #tpu.memory_space<vmem>>, vector<16xf32>,
        %get3A_997 = arith.constant 1 : i32
        %get3A_998 = arith.index_cast %get3A_997 : i32 to index
        %get3A_999 = arith.constant 0 : index
        %get3A_1000 = tpu.vector_load %arg14[%get3A_998, %get3A_999] {strides = array<i32>} : memref<4x64xi32, #tpu.memory_space<vmem>>, vector<16xi32>,
        %gather3A_1001 = tpu.vector_load_idx %arg8[%get3A_1000] : memref<10000xf32, #tpu.memory_space<vmem>>[vector<16xi32>], vector<16xf32>,
        %get3A_1002 = arith.constant 1 : i32
        %get3A_1003 = arith.index_cast %get3A_1002 : i32 to index
        %get3A_1004 = arith.constant 0 : index
        %get3A_1005 = tpu.vector_load %arg15[%get3A_1003, %get3A_1004] {strides = array<i32>} : memref<4x64xi32, #tpu.memory_space<vmem>>, vector<16xi32>,
        %gather3A_1006 = tpu.vector_load_idx %arg9[%get3A_1005] : memref<10000xf32, #tpu.memory_space<vmem>>[vector<16xi32>], vector<16xf32>,
        %add3A_1007 = arith.addf %gather3A_1001, %gather3A_1006 : vector<16xf32>
        %gt3A_1008 = arith.constant 0.000000e+00 : f32
        %gt3A_1009 = vector.broadcast %gt3A_1008 : f32 to vector<16xf32>
        %gt3A_1010 = arith.cmpf ogt, %add3A_1007, %gt3A_1009 : vector<16xf32>
        %mul3A_1011 = arith.constant 2.000000e-01 : f32
        %mul3A_1012 = vector.broadcast %mul3A_1011 : f32 to vector<16xf32>
        %mul3A_1013 = arith.mulf %mul3A_1012, %add3A_1007 : vector<16xf32>
        %select_n3A_1014 = arith.select %gt3A_1010, %add3A_1007, %mul3A_1013 : vector<16xi1>, vector<16xf32>
        %sub3A_1015 = arith.subf %select_n3A_1014, %select_n3A : vector<16xf32>
        %exp3A_1016 = math.exp %sub3A_1015 : vector<16xf32>
        %mul3A_1017 = arith.constant 256 : i32
        %mul3A_1018 = arith.muli %add3A_848, %mul3A_1017 : i32
        %add3A_1019 = arith.constant 64 : i32
        %add3A_1020 = arith.addi %mul3A_1018, %add3A_1019 : i32
        %iota3A_1021 = tpu.iota {dimensions = array<i32: 0>} : vector<16xi32>
        %add3A_1022 = vector.broadcast %add3A_1020 : i32 to vector<16xi32>
        %add3A_1023 = arith.addi %add3A_1022, %iota3A_1021 : vector<16xi32>
        %lt3A_1024 = arith.constant 10000 : i32
        %lt3A_1025 = vector.broadcast %lt3A_1024 : i32 to vector<16xi32>
        %lt3A_1026 = arith.cmpi slt, %add3A_1023, %lt3A_1025 : vector<16xi32>
        %jit3A_1027 = arith.constant 0.000000e+00 : f32
        %broadcast_in_dim3A_1028 = vector.broadcast %jit3A_1027 : f32 to vector<16xf32>
        %select_n3A_1029 = arith.select %lt3A_1026, %exp3A_1016, %broadcast_in_dim3A_1028 : vector<16xi1>, vector<16xf32>
        %swap3A_1030 = arith.constant 1 : i32
        %swap3A_1031 = arith.index_cast %swap3A_1030 : i32 to index
        %swap3A_1032 = arith.constant 0 : index
        %swap3A_1033 = tpu.vector_load %arg16[%swap3A_1031, %swap3A_1032] {strides = array<i32>} : memref<4x64xf32, #tpu.memory_space<vmem>>, vector<16xf32>,
        tpu.vector_store %arg16[%swap3A_1031, %swap3A_1032], %select_n3A_1029 {strides = array<i32>} : memref<4x64xf32, #tpu.memory_space<vmem>>, vector<16xf32>,
        %get3A_1034 = arith.constant 1 : i32
        %get3A_1035 = arith.index_cast %get3A_1034 : i32 to index
        %get3A_1036 = arith.constant 16 : index
        %get3A_1037 = tpu.vector_load %arg14[%get3A_1035, %get3A_1036] {strides = array<i32>} : memref<4x64xi32, #tpu.memory_space<vmem>>, vector<16xi32>,
        %gather3A_1038 = tpu.vector_load_idx %arg8[%get3A_1037] : memref<10000xf32, #tpu.memory_space<vmem>>[vector<16xi32>], vector<16xf32>,
        %get3A_1039 = arith.constant 1 : i32
        %get3A_1040 = arith.index_cast %get3A_1039 : i32 to index
        %get3A_1041 = arith.constant 16 : index
        %get3A_1042 = tpu.vector_load %arg15[%get3A_1040, %get3A_1041] {strides = array<i32>} : memref<4x64xi32, #tpu.memory_space<vmem>>, vector<16xi32>,
        %gather3A_1043 = tpu.vector_load_idx %arg9[%get3A_1042] : memref<10000xf32, #tpu.memory_space<vmem>>[vector<16xi32>], vector<16xf32>,
        %add3A_1044 = arith.addf %gather3A_1038, %gather3A_1043 : vector<16xf32>
        %gt3A_1045 = arith.constant 0.000000e+00 : f32
        %gt3A_1046 = vector.broadcast %gt3A_1045 : f32 to vector<16xf32>
        %gt3A_1047 = arith.cmpf ogt, %add3A_1044, %gt3A_1046 : vector<16xf32>
        %mul3A_1048 = arith.constant 2.000000e-01 : f32
        %mul3A_1049 = vector.broadcast %mul3A_1048 : f32 to vector<16xf32>
        %mul3A_1050 = arith.mulf %mul3A_1049, %add3A_1044 : vector<16xf32>
        %select_n3A_1051 = arith.select %gt3A_1047, %add3A_1044, %mul3A_1050 : vector<16xi1>, vector<16xf32>
        %sub3A_1052 = arith.subf %select_n3A_1051, %select_n3A : vector<16xf32>
        %exp3A_1053 = math.exp %sub3A_1052 : vector<16xf32>
        %mul3A_1054 = arith.constant 256 : i32
        %mul3A_1055 = arith.muli %add3A_848, %mul3A_1054 : i32
        %add3A_1056 = arith.constant 80 : i32
        %add3A_1057 = arith.addi %mul3A_1055, %add3A_1056 : i32
        %iota3A_1058 = tpu.iota {dimensions = array<i32: 0>} : vector<16xi32>
        %add3A_1059 = vector.broadcast %add3A_1057 : i32 to vector<16xi32>
        %add3A_1060 = arith.addi %add3A_1059, %iota3A_1058 : vector<16xi32>
        %lt3A_1061 = arith.constant 10000 : i32
        %lt3A_1062 = vector.broadcast %lt3A_1061 : i32 to vector<16xi32>
        %lt3A_1063 = arith.cmpi slt, %add3A_1060, %lt3A_1062 : vector<16xi32>
        %jit3A_1064 = arith.constant 0.000000e+00 : f32
        %broadcast_in_dim3A_1065 = vector.broadcast %jit3A_1064 : f32 to vector<16xf32>
        %select_n3A_1066 = arith.select %lt3A_1063, %exp3A_1053, %broadcast_in_dim3A_1065 : vector<16xi1>, vector<16xf32>
        %swap3A_1067 = arith.constant 1 : i32
        %swap3A_1068 = arith.index_cast %swap3A_1067 : i32 to index
        %swap3A_1069 = arith.constant 16 : index
        %swap3A_1070 = tpu.vector_load %arg16[%swap3A_1068, %swap3A_1069] {strides = array<i32>} : memref<4x64xf32, #tpu.memory_space<vmem>>, vector<16xf32>,
        tpu.vector_store %arg16[%swap3A_1068, %swap3A_1069], %select_n3A_1066 {strides = array<i32>} : memref<4x64xf32, #tpu.memory_space<vmem>>, vector<16xf32>,
        %get3A_1071 = arith.constant 1 : i32
        %get3A_1072 = arith.index_cast %get3A_1071 : i32 to index
        %get3A_1073 = arith.constant 32 : index
        %get3A_1074 = tpu.vector_load %arg14[%get3A_1072, %get3A_1073] {strides = array<i32>} : memref<4x64xi32, #tpu.memory_space<vmem>>, vector<16xi32>,
        %gather3A_1075 = tpu.vector_load_idx %arg8[%get3A_1074] : memref<10000xf32, #tpu.memory_space<vmem>>[vector<16xi32>], vector<16xf32>,
        %get3A_1076 = arith.constant 1 : i32
        %get3A_1077 = arith.index_cast %get3A_1076 : i32 to index
        %get3A_1078 = arith.constant 32 : index
        %get3A_1079 = tpu.vector_load %arg15[%get3A_1077, %get3A_1078] {strides = array<i32>} : memref<4x64xi32, #tpu.memory_space<vmem>>, vector<16xi32>,
        %gather3A_1080 = tpu.vector_load_idx %arg9[%get3A_1079] : memref<10000xf32, #tpu.memory_space<vmem>>[vector<16xi32>], vector<16xf32>,
        %add3A_1081 = arith.addf %gather3A_1075, %gather3A_1080 : vector<16xf32>
        %gt3A_1082 = arith.constant 0.000000e+00 : f32
        %gt3A_1083 = vector.broadcast %gt3A_1082 : f32 to vector<16xf32>
        %gt3A_1084 = arith.cmpf ogt, %add3A_1081, %gt3A_1083 : vector<16xf32>
        %mul3A_1085 = arith.constant 2.000000e-01 : f32
        %mul3A_1086 = vector.broadcast %mul3A_1085 : f32 to vector<16xf32>
        %mul3A_1087 = arith.mulf %mul3A_1086, %add3A_1081 : vector<16xf32>
        %select_n3A_1088 = arith.select %gt3A_1084, %add3A_1081, %mul3A_1087 : vector<16xi1>, vector<16xf32>
        %sub3A_1089 = arith.subf %select_n3A_1088, %select_n3A : vector<16xf32>
        %exp3A_1090 = math.exp %sub3A_1089 : vector<16xf32>
        %mul3A_1091 = arith.constant 256 : i32
        %mul3A_1092 = arith.muli %add3A_848, %mul3A_1091 : i32
        %add3A_1093 = arith.constant 96 : i32
        %add3A_1094 = arith.addi %mul3A_1092, %add3A_1093 : i32
        %iota3A_1095 = tpu.iota {dimensions = array<i32: 0>} : vector<16xi32>
        %add3A_1096 = vector.broadcast %add3A_1094 : i32 to vector<16xi32>
        %add3A_1097 = arith.addi %add3A_1096, %iota3A_1095 : vector<16xi32>
        %lt3A_1098 = arith.constant 10000 : i32
        %lt3A_1099 = vector.broadcast %lt3A_1098 : i32 to vector<16xi32>
        %lt3A_1100 = arith.cmpi slt, %add3A_1097, %lt3A_1099 : vector<16xi32>
        %jit3A_1101 = arith.constant 0.000000e+00 : f32
        %broadcast_in_dim3A_1102 = vector.broadcast %jit3A_1101 : f32 to vector<16xf32>
        %select_n3A_1103 = arith.select %lt3A_1100, %exp3A_1090, %broadcast_in_dim3A_1102 : vector<16xi1>, vector<16xf32>
        %swap3A_1104 = arith.constant 1 : i32
        %swap3A_1105 = arith.index_cast %swap3A_1104 : i32 to index
        %swap3A_1106 = arith.constant 32 : index
        %swap3A_1107 = tpu.vector_load %arg16[%swap3A_1105, %swap3A_1106] {strides = array<i32>} : memref<4x64xf32, #tpu.memory_space<vmem>>, vector<16xf32>,
        tpu.vector_store %arg16[%swap3A_1105, %swap3A_1106], %select_n3A_1103 {strides = array<i32>} : memref<4x64xf32, #tpu.memory_space<vmem>>, vector<16xf32>,
        %get3A_1108 = arith.constant 1 : i32
        %get3A_1109 = arith.index_cast %get3A_1108 : i32 to index
        %get3A_1110 = arith.constant 48 : index
        %get3A_1111 = tpu.vector_load %arg14[%get3A_1109, %get3A_1110] {strides = array<i32>} : memref<4x64xi32, #tpu.memory_space<vmem>>, vector<16xi32>,
        %gather3A_1112 = tpu.vector_load_idx %arg8[%get3A_1111] : memref<10000xf32, #tpu.memory_space<vmem>>[vector<16xi32>], vector<16xf32>,
        %get3A_1113 = arith.constant 1 : i32
        %get3A_1114 = arith.index_cast %get3A_1113 : i32 to index
        %get3A_1115 = arith.constant 48 : index
        %get3A_1116 = tpu.vector_load %arg15[%get3A_1114, %get3A_1115] {strides = array<i32>} : memref<4x64xi32, #tpu.memory_space<vmem>>, vector<16xi32>,
        %gather3A_1117 = tpu.vector_load_idx %arg9[%get3A_1116] : memref<10000xf32, #tpu.memory_space<vmem>>[vector<16xi32>], vector<16xf32>,
        %add3A_1118 = arith.addf %gather3A_1112, %gather3A_1117 : vector<16xf32>
        %gt3A_1119 = arith.constant 0.000000e+00 : f32
        %gt3A_1120 = vector.broadcast %gt3A_1119 : f32 to vector<16xf32>
        %gt3A_1121 = arith.cmpf ogt, %add3A_1118, %gt3A_1120 : vector<16xf32>
        %mul3A_1122 = arith.constant 2.000000e-01 : f32
        %mul3A_1123 = vector.broadcast %mul3A_1122 : f32 to vector<16xf32>
        %mul3A_1124 = arith.mulf %mul3A_1123, %add3A_1118 : vector<16xf32>
        %select_n3A_1125 = arith.select %gt3A_1121, %add3A_1118, %mul3A_1124 : vector<16xi1>, vector<16xf32>
        %sub3A_1126 = arith.subf %select_n3A_1125, %select_n3A : vector<16xf32>
        %exp3A_1127 = math.exp %sub3A_1126 : vector<16xf32>
        %mul3A_1128 = arith.constant 256 : i32
        %mul3A_1129 = arith.muli %add3A_848, %mul3A_1128 : i32
        %add3A_1130 = arith.constant 112 : i32
        %add3A_1131 = arith.addi %mul3A_1129, %add3A_1130 : i32
        %iota3A_1132 = tpu.iota {dimensions = array<i32: 0>} : vector<16xi32>
        %add3A_1133 = vector.broadcast %add3A_1131 : i32 to vector<16xi32>
        %add3A_1134 = arith.addi %add3A_1133, %iota3A_1132 : vector<16xi32>
        %lt3A_1135 = arith.constant 10000 : i32
        %lt3A_1136 = vector.broadcast %lt3A_1135 : i32 to vector<16xi32>
        %lt3A_1137 = arith.cmpi slt, %add3A_1134, %lt3A_1136 : vector<16xi32>
        %jit3A_1138 = arith.constant 0.000000e+00 : f32
        %broadcast_in_dim3A_1139 = vector.broadcast %jit3A_1138 : f32 to vector<16xf32>
        %select_n3A_1140 = arith.select %lt3A_1137, %exp3A_1127, %broadcast_in_dim3A_1139 : vector<16xi1>, vector<16xf32>
        %swap3A_1141 = arith.constant 1 : i32
        %swap3A_1142 = arith.index_cast %swap3A_1141 : i32 to index
        %swap3A_1143 = arith.constant 48 : index
        %swap3A_1144 = tpu.vector_load %arg16[%swap3A_1142, %swap3A_1143] {strides = array<i32>} : memref<4x64xf32, #tpu.memory_space<vmem>>, vector<16xf32>,
        tpu.vector_store %arg16[%swap3A_1142, %swap3A_1143], %select_n3A_1140 {strides = array<i32>} : memref<4x64xf32, #tpu.memory_space<vmem>>, vector<16xf32>,
        %get3A_1145 = arith.constant 2 : i32
        %get3A_1146 = arith.index_cast %get3A_1145 : i32 to index
        %get3A_1147 = arith.constant 0 : index
        %get3A_1148 = tpu.vector_load %arg14[%get3A_1146, %get3A_1147] {strides = array<i32>} : memref<4x64xi32, #tpu.memory_space<vmem>>, vector<16xi32>,
        %gather3A_1149 = tpu.vector_load_idx %arg8[%get3A_1148] : memref<10000xf32, #tpu.memory_space<vmem>>[vector<16xi32>], vector<16xf32>,
        %get3A_1150 = arith.constant 2 : i32
        %get3A_1151 = arith.index_cast %get3A_1150 : i32 to index
        %get3A_1152 = arith.constant 0 : index
        %get3A_1153 = tpu.vector_load %arg15[%get3A_1151, %get3A_1152] {strides = array<i32>} : memref<4x64xi32, #tpu.memory_space<vmem>>, vector<16xi32>,
        %gather3A_1154 = tpu.vector_load_idx %arg9[%get3A_1153] : memref<10000xf32, #tpu.memory_space<vmem>>[vector<16xi32>], vector<16xf32>,
        %add3A_1155 = arith.addf %gather3A_1149, %gather3A_1154 : vector<16xf32>
        %gt3A_1156 = arith.constant 0.000000e+00 : f32
        %gt3A_1157 = vector.broadcast %gt3A_1156 : f32 to vector<16xf32>
        %gt3A_1158 = arith.cmpf ogt, %add3A_1155, %gt3A_1157 : vector<16xf32>
        %mul3A_1159 = arith.constant 2.000000e-01 : f32
        %mul3A_1160 = vector.broadcast %mul3A_1159 : f32 to vector<16xf32>
        %mul3A_1161 = arith.mulf %mul3A_1160, %add3A_1155 : vector<16xf32>
        %select_n3A_1162 = arith.select %gt3A_1158, %add3A_1155, %mul3A_1161 : vector<16xi1>, vector<16xf32>
        %sub3A_1163 = arith.subf %select_n3A_1162, %select_n3A : vector<16xf32>
        %exp3A_1164 = math.exp %sub3A_1163 : vector<16xf32>
        %mul3A_1165 = arith.constant 256 : i32
        %mul3A_1166 = arith.muli %add3A_848, %mul3A_1165 : i32
        %add3A_1167 = arith.constant 128 : i32
        %add3A_1168 = arith.addi %mul3A_1166, %add3A_1167 : i32
        %iota3A_1169 = tpu.iota {dimensions = array<i32: 0>} : vector<16xi32>
        %add3A_1170 = vector.broadcast %add3A_1168 : i32 to vector<16xi32>
        %add3A_1171 = arith.addi %add3A_1170, %iota3A_1169 : vector<16xi32>
        %lt3A_1172 = arith.constant 10000 : i32
        %lt3A_1173 = vector.broadcast %lt3A_1172 : i32 to vector<16xi32>
        %lt3A_1174 = arith.cmpi slt, %add3A_1171, %lt3A_1173 : vector<16xi32>
        %jit3A_1175 = arith.constant 0.000000e+00 : f32
        %broadcast_in_dim3A_1176 = vector.broadcast %jit3A_1175 : f32 to vector<16xf32>
        %select_n3A_1177 = arith.select %lt3A_1174, %exp3A_1164, %broadcast_in_dim3A_1176 : vector<16xi1>, vector<16xf32>
        %swap3A_1178 = arith.constant 2 : i32
        %swap3A_1179 = arith.index_cast %swap3A_1178 : i32 to index
        %swap3A_1180 = arith.constant 0 : index
        %swap3A_1181 = tpu.vector_load %arg16[%swap3A_1179, %swap3A_1180] {strides = array<i32>} : memref<4x64xf32, #tpu.memory_space<vmem>>, vector<16xf32>,
        tpu.vector_store %arg16[%swap3A_1179, %swap3A_1180], %select_n3A_1177 {strides = array<i32>} : memref<4x64xf32, #tpu.memory_space<vmem>>, vector<16xf32>,
        %get3A_1182 = arith.constant 2 : i32
        %get3A_1183 = arith.index_cast %get3A_1182 : i32 to index
        %get3A_1184 = arith.constant 16 : index
        %get3A_1185 = tpu.vector_load %arg14[%get3A_1183, %get3A_1184] {strides = array<i32>} : memref<4x64xi32, #tpu.memory_space<vmem>>, vector<16xi32>,
        %gather3A_1186 = tpu.vector_load_idx %arg8[%get3A_1185] : memref<10000xf32, #tpu.memory_space<vmem>>[vector<16xi32>], vector<16xf32>,
        %get3A_1187 = arith.constant 2 : i32
        %get3A_1188 = arith.index_cast %get3A_1187 : i32 to index
        %get3A_1189 = arith.constant 16 : index
        %get3A_1190 = tpu.vector_load %arg15[%get3A_1188, %get3A_1189] {strides = array<i32>} : memref<4x64xi32, #tpu.memory_space<vmem>>, vector<16xi32>,
        %gather3A_1191 = tpu.vector_load_idx %arg9[%get3A_1190] : memref<10000xf32, #tpu.memory_space<vmem>>[vector<16xi32>], vector<16xf32>,
        %add3A_1192 = arith.addf %gather3A_1186, %gather3A_1191 : vector<16xf32>
        %gt3A_1193 = arith.constant 0.000000e+00 : f32
        %gt3A_1194 = vector.broadcast %gt3A_1193 : f32 to vector<16xf32>
        %gt3A_1195 = arith.cmpf ogt, %add3A_1192, %gt3A_1194 : vector<16xf32>
        %mul3A_1196 = arith.constant 2.000000e-01 : f32
        %mul3A_1197 = vector.broadcast %mul3A_1196 : f32 to vector<16xf32>
        %mul3A_1198 = arith.mulf %mul3A_1197, %add3A_1192 : vector<16xf32>
        %select_n3A_1199 = arith.select %gt3A_1195, %add3A_1192, %mul3A_1198 : vector<16xi1>, vector<16xf32>
        %sub3A_1200 = arith.subf %select_n3A_1199, %select_n3A : vector<16xf32>
        %exp3A_1201 = math.exp %sub3A_1200 : vector<16xf32>
        %mul3A_1202 = arith.constant 256 : i32
        %mul3A_1203 = arith.muli %add3A_848, %mul3A_1202 : i32
        %add3A_1204 = arith.constant 144 : i32
        %add3A_1205 = arith.addi %mul3A_1203, %add3A_1204 : i32
        %iota3A_1206 = tpu.iota {dimensions = array<i32: 0>} : vector<16xi32>
        %add3A_1207 = vector.broadcast %add3A_1205 : i32 to vector<16xi32>
        %add3A_1208 = arith.addi %add3A_1207, %iota3A_1206 : vector<16xi32>
        %lt3A_1209 = arith.constant 10000 : i32
        %lt3A_1210 = vector.broadcast %lt3A_1209 : i32 to vector<16xi32>
        %lt3A_1211 = arith.cmpi slt, %add3A_1208, %lt3A_1210 : vector<16xi32>
        %jit3A_1212 = arith.constant 0.000000e+00 : f32
        %broadcast_in_dim3A_1213 = vector.broadcast %jit3A_1212 : f32 to vector<16xf32>
        %select_n3A_1214 = arith.select %lt3A_1211, %exp3A_1201, %broadcast_in_dim3A_1213 : vector<16xi1>, vector<16xf32>
        %swap3A_1215 = arith.constant 2 : i32
        %swap3A_1216 = arith.index_cast %swap3A_1215 : i32 to index
        %swap3A_1217 = arith.constant 16 : index
        %swap3A_1218 = tpu.vector_load %arg16[%swap3A_1216, %swap3A_1217] {strides = array<i32>} : memref<4x64xf32, #tpu.memory_space<vmem>>, vector<16xf32>,
        tpu.vector_store %arg16[%swap3A_1216, %swap3A_1217], %select_n3A_1214 {strides = array<i32>} : memref<4x64xf32, #tpu.memory_space<vmem>>, vector<16xf32>,
        %get3A_1219 = arith.constant 2 : i32
        %get3A_1220 = arith.index_cast %get3A_1219 : i32 to index
        %get3A_1221 = arith.constant 32 : index
        %get3A_1222 = tpu.vector_load %arg14[%get3A_1220, %get3A_1221] {strides = array<i32>} : memref<4x64xi32, #tpu.memory_space<vmem>>, vector<16xi32>,
        %gather3A_1223 = tpu.vector_load_idx %arg8[%get3A_1222] : memref<10000xf32, #tpu.memory_space<vmem>>[vector<16xi32>], vector<16xf32>,
        %get3A_1224 = arith.constant 2 : i32
        %get3A_1225 = arith.index_cast %get3A_1224 : i32 to index
        %get3A_1226 = arith.constant 32 : index
        %get3A_1227 = tpu.vector_load %arg15[%get3A_1225, %get3A_1226] {strides = array<i32>} : memref<4x64xi32, #tpu.memory_space<vmem>>, vector<16xi32>,
        %gather3A_1228 = tpu.vector_load_idx %arg9[%get3A_1227] : memref<10000xf32, #tpu.memory_space<vmem>>[vector<16xi32>], vector<16xf32>,
        %add3A_1229 = arith.addf %gather3A_1223, %gather3A_1228 : vector<16xf32>
        %gt3A_1230 = arith.constant 0.000000e+00 : f32
        %gt3A_1231 = vector.broadcast %gt3A_1230 : f32 to vector<16xf32>
        %gt3A_1232 = arith.cmpf ogt, %add3A_1229, %gt3A_1231 : vector<16xf32>
        %mul3A_1233 = arith.constant 2.000000e-01 : f32
        %mul3A_1234 = vector.broadcast %mul3A_1233 : f32 to vector<16xf32>
        %mul3A_1235 = arith.mulf %mul3A_1234, %add3A_1229 : vector<16xf32>
        %select_n3A_1236 = arith.select %gt3A_1232, %add3A_1229, %mul3A_1235 : vector<16xi1>, vector<16xf32>
        %sub3A_1237 = arith.subf %select_n3A_1236, %select_n3A : vector<16xf32>
        %exp3A_1238 = math.exp %sub3A_1237 : vector<16xf32>
        %mul3A_1239 = arith.constant 256 : i32
        %mul3A_1240 = arith.muli %add3A_848, %mul3A_1239 : i32
        %add3A_1241 = arith.constant 160 : i32
        %add3A_1242 = arith.addi %mul3A_1240, %add3A_1241 : i32
        %iota3A_1243 = tpu.iota {dimensions = array<i32: 0>} : vector<16xi32>
        %add3A_1244 = vector.broadcast %add3A_1242 : i32 to vector<16xi32>
        %add3A_1245 = arith.addi %add3A_1244, %iota3A_1243 : vector<16xi32>
        %lt3A_1246 = arith.constant 10000 : i32
        %lt3A_1247 = vector.broadcast %lt3A_1246 : i32 to vector<16xi32>
        %lt3A_1248 = arith.cmpi slt, %add3A_1245, %lt3A_1247 : vector<16xi32>
        %jit3A_1249 = arith.constant 0.000000e+00 : f32
        %broadcast_in_dim3A_1250 = vector.broadcast %jit3A_1249 : f32 to vector<16xf32>
        %select_n3A_1251 = arith.select %lt3A_1248, %exp3A_1238, %broadcast_in_dim3A_1250 : vector<16xi1>, vector<16xf32>
        %swap3A_1252 = arith.constant 2 : i32
        %swap3A_1253 = arith.index_cast %swap3A_1252 : i32 to index
        %swap3A_1254 = arith.constant 32 : index
        %swap3A_1255 = tpu.vector_load %arg16[%swap3A_1253, %swap3A_1254] {strides = array<i32>} : memref<4x64xf32, #tpu.memory_space<vmem>>, vector<16xf32>,
        tpu.vector_store %arg16[%swap3A_1253, %swap3A_1254], %select_n3A_1251 {strides = array<i32>} : memref<4x64xf32, #tpu.memory_space<vmem>>, vector<16xf32>,
        %get3A_1256 = arith.constant 2 : i32
        %get3A_1257 = arith.index_cast %get3A_1256 : i32 to index
        %get3A_1258 = arith.constant 48 : index
        %get3A_1259 = tpu.vector_load %arg14[%get3A_1257, %get3A_1258] {strides = array<i32>} : memref<4x64xi32, #tpu.memory_space<vmem>>, vector<16xi32>,
        %gather3A_1260 = tpu.vector_load_idx %arg8[%get3A_1259] : memref<10000xf32, #tpu.memory_space<vmem>>[vector<16xi32>], vector<16xf32>,
        %get3A_1261 = arith.constant 2 : i32
        %get3A_1262 = arith.index_cast %get3A_1261 : i32 to index
        %get3A_1263 = arith.constant 48 : index
        %get3A_1264 = tpu.vector_load %arg15[%get3A_1262, %get3A_1263] {strides = array<i32>} : memref<4x64xi32, #tpu.memory_space<vmem>>, vector<16xi32>,
        %gather3A_1265 = tpu.vector_load_idx %arg9[%get3A_1264] : memref<10000xf32, #tpu.memory_space<vmem>>[vector<16xi32>], vector<16xf32>,
        %add3A_1266 = arith.addf %gather3A_1260, %gather3A_1265 : vector<16xf32>
        %gt3A_1267 = arith.constant 0.000000e+00 : f32
        %gt3A_1268 = vector.broadcast %gt3A_1267 : f32 to vector<16xf32>
        %gt3A_1269 = arith.cmpf ogt, %add3A_1266, %gt3A_1268 : vector<16xf32>
        %mul3A_1270 = arith.constant 2.000000e-01 : f32
        %mul3A_1271 = vector.broadcast %mul3A_1270 : f32 to vector<16xf32>
        %mul3A_1272 = arith.mulf %mul3A_1271, %add3A_1266 : vector<16xf32>
        %select_n3A_1273 = arith.select %gt3A_1269, %add3A_1266, %mul3A_1272 : vector<16xi1>, vector<16xf32>
        %sub3A_1274 = arith.subf %select_n3A_1273, %select_n3A : vector<16xf32>
        %exp3A_1275 = math.exp %sub3A_1274 : vector<16xf32>
        %mul3A_1276 = arith.constant 256 : i32
        %mul3A_1277 = arith.muli %add3A_848, %mul3A_1276 : i32
        %add3A_1278 = arith.constant 176 : i32
        %add3A_1279 = arith.addi %mul3A_1277, %add3A_1278 : i32
        %iota3A_1280 = tpu.iota {dimensions = array<i32: 0>} : vector<16xi32>
        %add3A_1281 = vector.broadcast %add3A_1279 : i32 to vector<16xi32>
        %add3A_1282 = arith.addi %add3A_1281, %iota3A_1280 : vector<16xi32>
        %lt3A_1283 = arith.constant 10000 : i32
        %lt3A_1284 = vector.broadcast %lt3A_1283 : i32 to vector<16xi32>
        %lt3A_1285 = arith.cmpi slt, %add3A_1282, %lt3A_1284 : vector<16xi32>
        %jit3A_1286 = arith.constant 0.000000e+00 : f32
        %broadcast_in_dim3A_1287 = vector.broadcast %jit3A_1286 : f32 to vector<16xf32>
        %select_n3A_1288 = arith.select %lt3A_1285, %exp3A_1275, %broadcast_in_dim3A_1287 : vector<16xi1>, vector<16xf32>
        %swap3A_1289 = arith.constant 2 : i32
        %swap3A_1290 = arith.index_cast %swap3A_1289 : i32 to index
        %swap3A_1291 = arith.constant 48 : index
        %swap3A_1292 = tpu.vector_load %arg16[%swap3A_1290, %swap3A_1291] {strides = array<i32>} : memref<4x64xf32, #tpu.memory_space<vmem>>, vector<16xf32>,
        tpu.vector_store %arg16[%swap3A_1290, %swap3A_1291], %select_n3A_1288 {strides = array<i32>} : memref<4x64xf32, #tpu.memory_space<vmem>>, vector<16xf32>,
        %get3A_1293 = arith.constant 3 : i32
        %get3A_1294 = arith.index_cast %get3A_1293 : i32 to index
        %get3A_1295 = arith.constant 0 : index
        %get3A_1296 = tpu.vector_load %arg14[%get3A_1294, %get3A_1295] {strides = array<i32>} : memref<4x64xi32, #tpu.memory_space<vmem>>, vector<16xi32>,
        %gather3A_1297 = tpu.vector_load_idx %arg8[%get3A_1296] : memref<10000xf32, #tpu.memory_space<vmem>>[vector<16xi32>], vector<16xf32>,
        %get3A_1298 = arith.constant 3 : i32
        %get3A_1299 = arith.index_cast %get3A_1298 : i32 to index
        %get3A_1300 = arith.constant 0 : index
        %get3A_1301 = tpu.vector_load %arg15[%get3A_1299, %get3A_1300] {strides = array<i32>} : memref<4x64xi32, #tpu.memory_space<vmem>>, vector<16xi32>,
        %gather3A_1302 = tpu.vector_load_idx %arg9[%get3A_1301] : memref<10000xf32, #tpu.memory_space<vmem>>[vector<16xi32>], vector<16xf32>,
        %add3A_1303 = arith.addf %gather3A_1297, %gather3A_1302 : vector<16xf32>
        %gt3A_1304 = arith.constant 0.000000e+00 : f32
        %gt3A_1305 = vector.broadcast %gt3A_1304 : f32 to vector<16xf32>
        %gt3A_1306 = arith.cmpf ogt, %add3A_1303, %gt3A_1305 : vector<16xf32>
        %mul3A_1307 = arith.constant 2.000000e-01 : f32
        %mul3A_1308 = vector.broadcast %mul3A_1307 : f32 to vector<16xf32>
        %mul3A_1309 = arith.mulf %mul3A_1308, %add3A_1303 : vector<16xf32>
        %select_n3A_1310 = arith.select %gt3A_1306, %add3A_1303, %mul3A_1309 : vector<16xi1>, vector<16xf32>
        %sub3A_1311 = arith.subf %select_n3A_1310, %select_n3A : vector<16xf32>
        %exp3A_1312 = math.exp %sub3A_1311 : vector<16xf32>
        %mul3A_1313 = arith.constant 256 : i32
        %mul3A_1314 = arith.muli %add3A_848, %mul3A_1313 : i32
        %add3A_1315 = arith.constant 192 : i32
        %add3A_1316 = arith.addi %mul3A_1314, %add3A_1315 : i32
        %iota3A_1317 = tpu.iota {dimensions = array<i32: 0>} : vector<16xi32>
        %add3A_1318 = vector.broadcast %add3A_1316 : i32 to vector<16xi32>
        %add3A_1319 = arith.addi %add3A_1318, %iota3A_1317 : vector<16xi32>
        %lt3A_1320 = arith.constant 10000 : i32
        %lt3A_1321 = vector.broadcast %lt3A_1320 : i32 to vector<16xi32>
        %lt3A_1322 = arith.cmpi slt, %add3A_1319, %lt3A_1321 : vector<16xi32>
        %jit3A_1323 = arith.constant 0.000000e+00 : f32
        %broadcast_in_dim3A_1324 = vector.broadcast %jit3A_1323 : f32 to vector<16xf32>
        %select_n3A_1325 = arith.select %lt3A_1322, %exp3A_1312, %broadcast_in_dim3A_1324 : vector<16xi1>, vector<16xf32>
        %swap3A_1326 = arith.constant 3 : i32
        %swap3A_1327 = arith.index_cast %swap3A_1326 : i32 to index
        %swap3A_1328 = arith.constant 0 : index
        %swap3A_1329 = tpu.vector_load %arg16[%swap3A_1327, %swap3A_1328] {strides = array<i32>} : memref<4x64xf32, #tpu.memory_space<vmem>>, vector<16xf32>,
        tpu.vector_store %arg16[%swap3A_1327, %swap3A_1328], %select_n3A_1325 {strides = array<i32>} : memref<4x64xf32, #tpu.memory_space<vmem>>, vector<16xf32>,
        %get3A_1330 = arith.constant 3 : i32
        %get3A_1331 = arith.index_cast %get3A_1330 : i32 to index
        %get3A_1332 = arith.constant 16 : index
        %get3A_1333 = tpu.vector_load %arg14[%get3A_1331, %get3A_1332] {strides = array<i32>} : memref<4x64xi32, #tpu.memory_space<vmem>>, vector<16xi32>,
        %gather3A_1334 = tpu.vector_load_idx %arg8[%get3A_1333] : memref<10000xf32, #tpu.memory_space<vmem>>[vector<16xi32>], vector<16xf32>,
        %get3A_1335 = arith.constant 3 : i32
        %get3A_1336 = arith.index_cast %get3A_1335 : i32 to index
        %get3A_1337 = arith.constant 16 : index
        %get3A_1338 = tpu.vector_load %arg15[%get3A_1336, %get3A_1337] {strides = array<i32>} : memref<4x64xi32, #tpu.memory_space<vmem>>, vector<16xi32>,
        %gather3A_1339 = tpu.vector_load_idx %arg9[%get3A_1338] : memref<10000xf32, #tpu.memory_space<vmem>>[vector<16xi32>], vector<16xf32>,
        %add3A_1340 = arith.addf %gather3A_1334, %gather3A_1339 : vector<16xf32>
        %gt3A_1341 = arith.constant 0.000000e+00 : f32
        %gt3A_1342 = vector.broadcast %gt3A_1341 : f32 to vector<16xf32>
        %gt3A_1343 = arith.cmpf ogt, %add3A_1340, %gt3A_1342 : vector<16xf32>
        %mul3A_1344 = arith.constant 2.000000e-01 : f32
        %mul3A_1345 = vector.broadcast %mul3A_1344 : f32 to vector<16xf32>
        %mul3A_1346 = arith.mulf %mul3A_1345, %add3A_1340 : vector<16xf32>
        %select_n3A_1347 = arith.select %gt3A_1343, %add3A_1340, %mul3A_1346 : vector<16xi1>, vector<16xf32>
        %sub3A_1348 = arith.subf %select_n3A_1347, %select_n3A : vector<16xf32>
        %exp3A_1349 = math.exp %sub3A_1348 : vector<16xf32>
        %mul3A_1350 = arith.constant 256 : i32
        %mul3A_1351 = arith.muli %add3A_848, %mul3A_1350 : i32
        %add3A_1352 = arith.constant 208 : i32
        %add3A_1353 = arith.addi %mul3A_1351, %add3A_1352 : i32
        %iota3A_1354 = tpu.iota {dimensions = array<i32: 0>} : vector<16xi32>
        %add3A_1355 = vector.broadcast %add3A_1353 : i32 to vector<16xi32>
        %add3A_1356 = arith.addi %add3A_1355, %iota3A_1354 : vector<16xi32>
        %lt3A_1357 = arith.constant 10000 : i32
        %lt3A_1358 = vector.broadcast %lt3A_1357 : i32 to vector<16xi32>
        %lt3A_1359 = arith.cmpi slt, %add3A_1356, %lt3A_1358 : vector<16xi32>
        %jit3A_1360 = arith.constant 0.000000e+00 : f32
        %broadcast_in_dim3A_1361 = vector.broadcast %jit3A_1360 : f32 to vector<16xf32>
        %select_n3A_1362 = arith.select %lt3A_1359, %exp3A_1349, %broadcast_in_dim3A_1361 : vector<16xi1>, vector<16xf32>
        %swap3A_1363 = arith.constant 3 : i32
        %swap3A_1364 = arith.index_cast %swap3A_1363 : i32 to index
        %swap3A_1365 = arith.constant 16 : index
        %swap3A_1366 = tpu.vector_load %arg16[%swap3A_1364, %swap3A_1365] {strides = array<i32>} : memref<4x64xf32, #tpu.memory_space<vmem>>, vector<16xf32>,
        tpu.vector_store %arg16[%swap3A_1364, %swap3A_1365], %select_n3A_1362 {strides = array<i32>} : memref<4x64xf32, #tpu.memory_space<vmem>>, vector<16xf32>,
        %get3A_1367 = arith.constant 3 : i32
        %get3A_1368 = arith.index_cast %get3A_1367 : i32 to index
        %get3A_1369 = arith.constant 32 : index
        %get3A_1370 = tpu.vector_load %arg14[%get3A_1368, %get3A_1369] {strides = array<i32>} : memref<4x64xi32, #tpu.memory_space<vmem>>, vector<16xi32>,
        %gather3A_1371 = tpu.vector_load_idx %arg8[%get3A_1370] : memref<10000xf32, #tpu.memory_space<vmem>>[vector<16xi32>], vector<16xf32>,
        %get3A_1372 = arith.constant 3 : i32
        %get3A_1373 = arith.index_cast %get3A_1372 : i32 to index
        %get3A_1374 = arith.constant 32 : index
        %get3A_1375 = tpu.vector_load %arg15[%get3A_1373, %get3A_1374] {strides = array<i32>} : memref<4x64xi32, #tpu.memory_space<vmem>>, vector<16xi32>,
        %gather3A_1376 = tpu.vector_load_idx %arg9[%get3A_1375] : memref<10000xf32, #tpu.memory_space<vmem>>[vector<16xi32>], vector<16xf32>,
        %add3A_1377 = arith.addf %gather3A_1371, %gather3A_1376 : vector<16xf32>
        %gt3A_1378 = arith.constant 0.000000e+00 : f32
        %gt3A_1379 = vector.broadcast %gt3A_1378 : f32 to vector<16xf32>
        %gt3A_1380 = arith.cmpf ogt, %add3A_1377, %gt3A_1379 : vector<16xf32>
        %mul3A_1381 = arith.constant 2.000000e-01 : f32
        %mul3A_1382 = vector.broadcast %mul3A_1381 : f32 to vector<16xf32>
        %mul3A_1383 = arith.mulf %mul3A_1382, %add3A_1377 : vector<16xf32>
        %select_n3A_1384 = arith.select %gt3A_1380, %add3A_1377, %mul3A_1383 : vector<16xi1>, vector<16xf32>
        %sub3A_1385 = arith.subf %select_n3A_1384, %select_n3A : vector<16xf32>
        %exp3A_1386 = math.exp %sub3A_1385 : vector<16xf32>
        %mul3A_1387 = arith.constant 256 : i32
        %mul3A_1388 = arith.muli %add3A_848, %mul3A_1387 : i32
        %add3A_1389 = arith.constant 224 : i32
        %add3A_1390 = arith.addi %mul3A_1388, %add3A_1389 : i32
        %iota3A_1391 = tpu.iota {dimensions = array<i32: 0>} : vector<16xi32>
        %add3A_1392 = vector.broadcast %add3A_1390 : i32 to vector<16xi32>
        %add3A_1393 = arith.addi %add3A_1392, %iota3A_1391 : vector<16xi32>
        %lt3A_1394 = arith.constant 10000 : i32
        %lt3A_1395 = vector.broadcast %lt3A_1394 : i32 to vector<16xi32>
        %lt3A_1396 = arith.cmpi slt, %add3A_1393, %lt3A_1395 : vector<16xi32>
        %jit3A_1397 = arith.constant 0.000000e+00 : f32
        %broadcast_in_dim3A_1398 = vector.broadcast %jit3A_1397 : f32 to vector<16xf32>
        %select_n3A_1399 = arith.select %lt3A_1396, %exp3A_1386, %broadcast_in_dim3A_1398 : vector<16xi1>, vector<16xf32>
        %swap3A_1400 = arith.constant 3 : i32
        %swap3A_1401 = arith.index_cast %swap3A_1400 : i32 to index
        %swap3A_1402 = arith.constant 32 : index
        %swap3A_1403 = tpu.vector_load %arg16[%swap3A_1401, %swap3A_1402] {strides = array<i32>} : memref<4x64xf32, #tpu.memory_space<vmem>>, vector<16xf32>,
        tpu.vector_store %arg16[%swap3A_1401, %swap3A_1402], %select_n3A_1399 {strides = array<i32>} : memref<4x64xf32, #tpu.memory_space<vmem>>, vector<16xf32>,
        %get3A_1404 = arith.constant 3 : i32
        %get3A_1405 = arith.index_cast %get3A_1404 : i32 to index
        %get3A_1406 = arith.constant 48 : index
        %get3A_1407 = tpu.vector_load %arg14[%get3A_1405, %get3A_1406] {strides = array<i32>} : memref<4x64xi32, #tpu.memory_space<vmem>>, vector<16xi32>,
        %gather3A_1408 = tpu.vector_load_idx %arg8[%get3A_1407] : memref<10000xf32, #tpu.memory_space<vmem>>[vector<16xi32>], vector<16xf32>,
        %get3A_1409 = arith.constant 3 : i32
        %get3A_1410 = arith.index_cast %get3A_1409 : i32 to index
        %get3A_1411 = arith.constant 48 : index
        %get3A_1412 = tpu.vector_load %arg15[%get3A_1410, %get3A_1411] {strides = array<i32>} : memref<4x64xi32, #tpu.memory_space<vmem>>, vector<16xi32>,
        %gather3A_1413 = tpu.vector_load_idx %arg9[%get3A_1412] : memref<10000xf32, #tpu.memory_space<vmem>>[vector<16xi32>], vector<16xf32>,
        %add3A_1414 = arith.addf %gather3A_1408, %gather3A_1413 : vector<16xf32>
        %gt3A_1415 = arith.constant 0.000000e+00 : f32
        %gt3A_1416 = vector.broadcast %gt3A_1415 : f32 to vector<16xf32>
        %gt3A_1417 = arith.cmpf ogt, %add3A_1414, %gt3A_1416 : vector<16xf32>
        %mul3A_1418 = arith.constant 2.000000e-01 : f32
        %mul3A_1419 = vector.broadcast %mul3A_1418 : f32 to vector<16xf32>
        %mul3A_1420 = arith.mulf %mul3A_1419, %add3A_1414 : vector<16xf32>
        %select_n3A_1421 = arith.select %gt3A_1417, %add3A_1414, %mul3A_1420 : vector<16xi1>, vector<16xf32>
        %sub3A_1422 = arith.subf %select_n3A_1421, %select_n3A : vector<16xf32>
        %exp3A_1423 = math.exp %sub3A_1422 : vector<16xf32>
        %mul3A_1424 = arith.constant 256 : i32
        %mul3A_1425 = arith.muli %add3A_848, %mul3A_1424 : i32
        %add3A_1426 = arith.constant 240 : i32
        %add3A_1427 = arith.addi %mul3A_1425, %add3A_1426 : i32
        %iota3A_1428 = tpu.iota {dimensions = array<i32: 0>} : vector<16xi32>
        %add3A_1429 = vector.broadcast %add3A_1427 : i32 to vector<16xi32>
        %add3A_1430 = arith.addi %add3A_1429, %iota3A_1428 : vector<16xi32>
        %lt3A_1431 = arith.constant 10000 : i32
        %lt3A_1432 = vector.broadcast %lt3A_1431 : i32 to vector<16xi32>
        %lt3A_1433 = arith.cmpi slt, %add3A_1430, %lt3A_1432 : vector<16xi32>
        %jit3A_1434 = arith.constant 0.000000e+00 : f32
        %broadcast_in_dim3A_1435 = vector.broadcast %jit3A_1434 : f32 to vector<16xf32>
        %select_n3A_1436 = arith.select %lt3A_1433, %exp3A_1423, %broadcast_in_dim3A_1435 : vector<16xi1>, vector<16xf32>
        %swap3A_1437 = arith.constant 3 : i32
        %swap3A_1438 = arith.index_cast %swap3A_1437 : i32 to index
        %swap3A_1439 = arith.constant 48 : index
        %swap3A_1440 = tpu.vector_load %arg16[%swap3A_1438, %swap3A_1439] {strides = array<i32>} : memref<4x64xf32, #tpu.memory_space<vmem>>, vector<16xf32>,
        tpu.vector_store %arg16[%swap3A_1438, %swap3A_1439], %select_n3A_1436 {strides = array<i32>} : memref<4x64xf32, #tpu.memory_space<vmem>>, vector<16xf32>,
      } else {
      }
      %add3A_735 = arith.constant 2 : i32
      %add3A_736 = arith.addi %mul3A_643, %add3A_735 : i32
      %lt3A_737 = arith.constant 40 : i32
      %lt3A_738 = arith.cmpi slt, %add3A_736, %lt3A_737 : i32
      %convert_element_type3A_739 = arith.extui %lt3A_738 : i1 to i32
      %cond3A_740 = arith.constant 0 : i32
      %cond3A_741 = arith.cmpi ne, %convert_element_type3A_739, %cond3A_740 : i32
      scf.if %cond3A_741 {
        %add3A_847 = arith.constant 2 : i32
        %add3A_848 = arith.addi %mul3A_643, %add3A_847 : i32
        %mul3A_849 = arith.constant 4 : i32
        %mul3A_850 = arith.muli %add3A_848, %mul3A_849 : i32
        %dma_start3A_851 = arith.constant 0 : i32
        %dma_start3A_852 = tpu.memref_slice %arg2[%arg0, %arg1, %mul3A_850, %dma_start3A_851] : memref<2x16x160x64xi32, #tpu.memory_space<hbm>> -> memref<1x1x4x64xi32, #tpu.memory_space<hbm>>
        %dma_start3A_853 = tpu.memref_squeeze %dma_start3A_852 : memref<1x1x4x64xi32, #tpu.memory_space<hbm>> -> memref<4x64xi32, #tpu.memory_space<hbm>>
        %dma_start3A_854 = arith.constant 0 : i32
        %dma_start3A_855 = tpu.memref_slice %arg2[%arg0, %arg1, %mul3A_850, %dma_start3A_854] : memref<2x16x160x64xi32, #tpu.memory_space<hbm>> -> memref<1x1x4x64xi32, #tpu.memory_space<hbm>>
        %dma_start3A_856 = tpu.memref_squeeze %dma_start3A_855 : memref<1x1x4x64xi32, #tpu.memory_space<hbm>> -> memref<4x64xi32, #tpu.memory_space<hbm>>
        tpu.enqueue_dma source(%dma_start3A_856 : memref<4x64xi32, #tpu.memory_space<hbm>>) target(%arg11 : memref<4x64xi32, #tpu.memory_space<vmem>>) target_semaphore(%arg20 : memref<!tpu.dma_semaphore, #tpu.memory_space<semaphore_mem>>)
        %mul3A_857 = arith.constant 4 : i32
        %mul3A_858 = arith.muli %add3A_848, %mul3A_857 : i32
        %dma_start3A_859 = arith.constant 0 : i32
        %dma_start3A_860 = tpu.memref_slice %arg3[%arg0, %arg1, %mul3A_858, %dma_start3A_859] : memref<2x16x160x64xi32, #tpu.memory_space<hbm>> -> memref<1x1x4x64xi32, #tpu.memory_space<hbm>>
        %dma_start3A_861 = tpu.memref_squeeze %dma_start3A_860 : memref<1x1x4x64xi32, #tpu.memory_space<hbm>> -> memref<4x64xi32, #tpu.memory_space<hbm>>
        %dma_start3A_862 = arith.constant 0 : i32
        %dma_start3A_863 = tpu.memref_slice %arg3[%arg0, %arg1, %mul3A_858, %dma_start3A_862] : memref<2x16x160x64xi32, #tpu.memory_space<hbm>> -> memref<1x1x4x64xi32, #tpu.memory_space<hbm>>
        %dma_start3A_864 = tpu.memref_squeeze %dma_start3A_863 : memref<1x1x4x64xi32, #tpu.memory_space<hbm>> -> memref<4x64xi32, #tpu.memory_space<hbm>>
        tpu.enqueue_dma source(%dma_start3A_864 : memref<4x64xi32, #tpu.memory_space<hbm>>) target(%arg12 : memref<4x64xi32, #tpu.memory_space<vmem>>) target_semaphore(%arg20 : memref<!tpu.dma_semaphore, #tpu.memory_space<semaphore_mem>>)
      } else {
      }
      %mul3A_742 = arith.constant 2 : i32
      %mul3A_743 = arith.muli %mul3A_742, %scan3A_641 : i32
      %add3A_744 = arith.constant 1 : i32
      %add3A_745 = arith.addi %mul3A_743, %add3A_744 : i32
      %dma_wait3A_746 = arith.constant 0 : i32
      %dma_wait3A_747 = arith.constant 0 : i32
      %dma_wait3A_748 = tpu.memref_slice %arg15[%dma_wait3A_746, %dma_wait3A_747] : memref<4x64xi32, #tpu.memory_space<vmem>> -> memref<1x64xi32, #tpu.memory_space<vmem>>
      %dma_wait3A_749 = tpu.memref_squeeze %dma_wait3A_748 : memref<1x64xi32, #tpu.memory_space<vmem>> -> memref<64xi32, #tpu.memory_space<vmem>>
      %dma_wait3A_750 = arith.constant 0 : i32
      %dma_wait3A_751 = arith.constant 0 : i32
      %dma_wait3A_752 = tpu.memref_slice %arg6[%dma_wait3A_750, %dma_wait3A_751] : memref<10240x144xf32, #tpu.memory_space<hbm>> -> memref<10240x144xf32, #tpu.memory_space<hbm>>
      tpu.wait_indirect_dma semaphore(%arg22 : memref<!tpu.dma_semaphore, #tpu.memory_space<semaphore_mem>>) src(%dma_wait3A_752 : memref<10240x144xf32, #tpu.memory_space<hbm>>) dst(%arg17 : memref<64x144xf32, #tpu.memory_space<vmem>>)
      %broadcast_in_dim3A_753 = arith.constant 0 : i32
      %broadcast_in_dim3A_754 = vector.broadcast %broadcast_in_dim3A_753 : i32 to vector<16xi32>
      %scan3A_755 = arith.constant 0 : i32
      %scan3A_756 = arith.constant 0 : i32
      %scan3A_757 = arith.constant 64 : i32
      %scan3A_758 = arith.addi %scan3A_756, %scan3A_757 : i32
      %scan3A_759 = arith.constant 1 : i32
      scf.for %scan3A_847 = %scan3A_756 to %scan3A_758 step %scan3A_759  : i32 {
        %broadcast_in_dim3A_848 = vector.broadcast %scan3A_847 : i32 to vector<16xi32>
        %gather3A_849 = tpu.vector_load_idx %arg16[%broadcast_in_dim3A_754, %broadcast_in_dim3A_848] : memref<4x64xf32, #tpu.memory_space<vmem>>[vector<16xi32>, vector<16xi32>], vector<16xf32>,
        %get3A_850 = arith.index_cast %scan3A_847 : i32 to index
        %get3A_851 = arith.constant 0 : index
        %get3A_852 = tpu.vector_load %arg17[%get3A_850, %get3A_851] {strides = array<i32>} : memref<64x144xf32, #tpu.memory_space<vmem>>, vector<16xf32>,
        %mul3A_853 = arith.mulf %get3A_852, %gather3A_849 : vector<16xf32>
        %swap3A_854 = arith.index_cast %scan3A_847 : i32 to index
        %swap3A_855 = arith.constant 0 : index
        %swap3A_856 = tpu.vector_load %arg17[%swap3A_854, %swap3A_855] {strides = array<i32>} : memref<64x144xf32, #tpu.memory_space<vmem>>, vector<16xf32>,
        tpu.vector_store %arg17[%swap3A_854, %swap3A_855], %mul3A_853 {strides = array<i32>} : memref<64x144xf32, #tpu.memory_space<vmem>>, vector<16xf32>,
        %get3A_857 = arith.index_cast %scan3A_847 : i32 to index
        %get3A_858 = arith.constant 16 : index
        %get3A_859 = tpu.vector_load %arg17[%get3A_857, %get3A_858] {strides = array<i32>} : memref<64x144xf32, #tpu.memory_space<vmem>>, vector<16xf32>,
        %mul3A_860 = arith.mulf %get3A_859, %gather3A_849 : vector<16xf32>
        %swap3A_861 = arith.index_cast %scan3A_847 : i32 to index
        %swap3A_862 = arith.constant 16 : index
        %swap3A_863 = tpu.vector_load %arg17[%swap3A_861, %swap3A_862] {strides = array<i32>} : memref<64x144xf32, #tpu.memory_space<vmem>>, vector<16xf32>,
        tpu.vector_store %arg17[%swap3A_861, %swap3A_862], %mul3A_860 {strides = array<i32>} : memref<64x144xf32, #tpu.memory_space<vmem>>, vector<16xf32>,
        %get3A_864 = arith.index_cast %scan3A_847 : i32 to index
        %get3A_865 = arith.constant 32 : index
        %get3A_866 = tpu.vector_load %arg17[%get3A_864, %get3A_865] {strides = array<i32>} : memref<64x144xf32, #tpu.memory_space<vmem>>, vector<16xf32>,
        %mul3A_867 = arith.mulf %get3A_866, %gather3A_849 : vector<16xf32>
        %swap3A_868 = arith.index_cast %scan3A_847 : i32 to index
        %swap3A_869 = arith.constant 32 : index
        %swap3A_870 = tpu.vector_load %arg17[%swap3A_868, %swap3A_869] {strides = array<i32>} : memref<64x144xf32, #tpu.memory_space<vmem>>, vector<16xf32>,
        tpu.vector_store %arg17[%swap3A_868, %swap3A_869], %mul3A_867 {strides = array<i32>} : memref<64x144xf32, #tpu.memory_space<vmem>>, vector<16xf32>,
        %get3A_871 = arith.index_cast %scan3A_847 : i32 to index
        %get3A_872 = arith.constant 48 : index
        %get3A_873 = tpu.vector_load %arg17[%get3A_871, %get3A_872] {strides = array<i32>} : memref<64x144xf32, #tpu.memory_space<vmem>>, vector<16xf32>,
        %mul3A_874 = arith.mulf %get3A_873, %gather3A_849 : vector<16xf32>
        %swap3A_875 = arith.index_cast %scan3A_847 : i32 to index
        %swap3A_876 = arith.constant 48 : index
        %swap3A_877 = tpu.vector_load %arg17[%swap3A_875, %swap3A_876] {strides = array<i32>} : memref<64x144xf32, #tpu.memory_space<vmem>>, vector<16xf32>,
        tpu.vector_store %arg17[%swap3A_875, %swap3A_876], %mul3A_874 {strides = array<i32>} : memref<64x144xf32, #tpu.memory_space<vmem>>, vector<16xf32>,
        %get3A_878 = arith.index_cast %scan3A_847 : i32 to index
        %get3A_879 = arith.constant 64 : index
        %get3A_880 = tpu.vector_load %arg17[%get3A_878, %get3A_879] {strides = array<i32>} : memref<64x144xf32, #tpu.memory_space<vmem>>, vector<16xf32>,
        %mul3A_881 = arith.mulf %get3A_880, %gather3A_849 : vector<16xf32>
        %swap3A_882 = arith.index_cast %scan3A_847 : i32 to index
        %swap3A_883 = arith.constant 64 : index
        %swap3A_884 = tpu.vector_load %arg17[%swap3A_882, %swap3A_883] {strides = array<i32>} : memref<64x144xf32, #tpu.memory_space<vmem>>, vector<16xf32>,
        tpu.vector_store %arg17[%swap3A_882, %swap3A_883], %mul3A_881 {strides = array<i32>} : memref<64x144xf32, #tpu.memory_space<vmem>>, vector<16xf32>,
        %get3A_885 = arith.index_cast %scan3A_847 : i32 to index
        %get3A_886 = arith.constant 80 : index
        %get3A_887 = tpu.vector_load %arg17[%get3A_885, %get3A_886] {strides = array<i32>} : memref<64x144xf32, #tpu.memory_space<vmem>>, vector<16xf32>,
        %mul3A_888 = arith.mulf %get3A_887, %gather3A_849 : vector<16xf32>
        %swap3A_889 = arith.index_cast %scan3A_847 : i32 to index
        %swap3A_890 = arith.constant 80 : index
        %swap3A_891 = tpu.vector_load %arg17[%swap3A_889, %swap3A_890] {strides = array<i32>} : memref<64x144xf32, #tpu.memory_space<vmem>>, vector<16xf32>,
        tpu.vector_store %arg17[%swap3A_889, %swap3A_890], %mul3A_888 {strides = array<i32>} : memref<64x144xf32, #tpu.memory_space<vmem>>, vector<16xf32>,
        %get3A_892 = arith.index_cast %scan3A_847 : i32 to index
        %get3A_893 = arith.constant 96 : index
        %get3A_894 = tpu.vector_load %arg17[%get3A_892, %get3A_893] {strides = array<i32>} : memref<64x144xf32, #tpu.memory_space<vmem>>, vector<16xf32>,
        %mul3A_895 = arith.mulf %get3A_894, %gather3A_849 : vector<16xf32>
        %swap3A_896 = arith.index_cast %scan3A_847 : i32 to index
        %swap3A_897 = arith.constant 96 : index
        %swap3A_898 = tpu.vector_load %arg17[%swap3A_896, %swap3A_897] {strides = array<i32>} : memref<64x144xf32, #tpu.memory_space<vmem>>, vector<16xf32>,
        tpu.vector_store %arg17[%swap3A_896, %swap3A_897], %mul3A_895 {strides = array<i32>} : memref<64x144xf32, #tpu.memory_space<vmem>>, vector<16xf32>,
        %get3A_899 = arith.index_cast %scan3A_847 : i32 to index
        %get3A_900 = arith.constant 112 : index
        %get3A_901 = tpu.vector_load %arg17[%get3A_899, %get3A_900] {strides = array<i32>} : memref<64x144xf32, #tpu.memory_space<vmem>>, vector<16xf32>,
        %mul3A_902 = arith.mulf %get3A_901, %gather3A_849 : vector<16xf32>
        %swap3A_903 = arith.index_cast %scan3A_847 : i32 to index
        %swap3A_904 = arith.constant 112 : index
        %swap3A_905 = tpu.vector_load %arg17[%swap3A_903, %swap3A_904] {strides = array<i32>} : memref<64x144xf32, #tpu.memory_space<vmem>>, vector<16xf32>,
        tpu.vector_store %arg17[%swap3A_903, %swap3A_904], %mul3A_902 {strides = array<i32>} : memref<64x144xf32, #tpu.memory_space<vmem>>, vector<16xf32>,
        %get3A_906 = arith.index_cast %scan3A_847 : i32 to index
        %get3A_907 = arith.constant 128 : index
        %get3A_908 = tpu.vector_load %arg17[%get3A_906, %get3A_907] {strides = array<i32>} : memref<64x144xf32, #tpu.memory_space<vmem>>, vector<16xf32>,
        %mul3A_909 = arith.mulf %get3A_908, %gather3A_849 : vector<16xf32>
        %swap3A_910 = arith.index_cast %scan3A_847 : i32 to index
        %swap3A_911 = arith.constant 128 : index
        %swap3A_912 = tpu.vector_load %arg17[%swap3A_910, %swap3A_911] {strides = array<i32>} : memref<64x144xf32, #tpu.memory_space<vmem>>, vector<16xf32>,
        tpu.vector_store %arg17[%swap3A_910, %swap3A_911], %mul3A_909 {strides = array<i32>} : memref<64x144xf32, #tpu.memory_space<vmem>>, vector<16xf32>,
      }
      %scan3A_760 = arith.constant 64 : i32
      %run_scoped3A_761 = arith.constant 0 : i32
      "tpu.region"() ({
        %run_scoped3A_847 = tpu.sem_alloc : memref<!tpu.dma_semaphore, #tpu.memory_space<semaphore_mem>>
        %dma_start3A_848 = arith.constant 0 : i32
        %dma_start3A_849 = tpu.memref_slice %arg14[%run_scoped3A_761, %dma_start3A_848] : memref<4x64xi32, #tpu.memory_space<vmem>> -> memref<1x64xi32, #tpu.memory_space<vmem>>
        %dma_start3A_850 = tpu.memref_squeeze %dma_start3A_849 : memref<1x64xi32, #tpu.memory_space<vmem>> -> memref<64xi32, #tpu.memory_space<vmem>>
        %dma_start3A_851 = arith.constant 0 : i32
        %dma_start3A_852 = arith.constant 0 : i32
        %dma_start3A_853 = tpu.memref_slice %arg19[%dma_start3A_851, %dma_start3A_852] : memref<10000x144xf32, #tpu.memory_space<vmem_shared>> -> memref<10000x144xf32, #tpu.memory_space<vmem_shared>>
        tpu.enqueue_indirect_dma source(%arg17 : memref<64x144xf32, #tpu.memory_space<vmem>>) target(%dma_start3A_853 : memref<10000x144xf32, #tpu.memory_space<vmem_shared>>) offsets(%dma_start3A_850 : memref<64xi32, #tpu.memory_space<vmem>>) semaphore(%run_scoped3A_847 : memref<!tpu.dma_semaphore, #tpu.memory_space<semaphore_mem>>) {add = true}
        %dma_wait3A_854 = arith.constant 0 : i32
        %dma_wait3A_855 = tpu.memref_slice %arg14[%run_scoped3A_761, %dma_wait3A_854] : memref<4x64xi32, #tpu.memory_space<vmem>> -> memref<1x64xi32, #tpu.memory_space<vmem>>
        %dma_wait3A_856 = tpu.memref_squeeze %dma_wait3A_855 : memref<1x64xi32, #tpu.memory_space<vmem>> -> memref<64xi32, #tpu.memory_space<vmem>>
        %dma_wait3A_857 = arith.constant 0 : i32
        %dma_wait3A_858 = arith.constant 0 : i32
        %dma_wait3A_859 = tpu.memref_slice %arg19[%dma_wait3A_857, %dma_wait3A_858] : memref<10000x144xf32, #tpu.memory_space<vmem_shared>> -> memref<10000x144xf32, #tpu.memory_space<vmem_shared>>
        tpu.wait_indirect_dma semaphore(%run_scoped3A_847 : memref<!tpu.dma_semaphore, #tpu.memory_space<semaphore_mem>>) src(%arg17 : memref<64x144xf32, #tpu.memory_space<vmem>>) dst(%dma_wait3A_859 : memref<10000x144xf32, #tpu.memory_space<vmem_shared>>)
        tpu.yield
      }) : () -> ()
      %dma_start3A_762 = arith.constant 2 : i32
      %dma_start3A_763 = arith.constant 0 : i32
      %dma_start3A_764 = tpu.memref_slice %arg15[%dma_start3A_762, %dma_start3A_763] : memref<4x64xi32, #tpu.memory_space<vmem>> -> memref<1x64xi32, #tpu.memory_space<vmem>>
      %dma_start3A_765 = tpu.memref_squeeze %dma_start3A_764 : memref<1x64xi32, #tpu.memory_space<vmem>> -> memref<64xi32, #tpu.memory_space<vmem>>
      %dma_start3A_766 = arith.constant 0 : i32
      %dma_start3A_767 = arith.constant 0 : i32
      %dma_start3A_768 = tpu.memref_slice %arg6[%dma_start3A_766, %dma_start3A_767] : memref<10240x144xf32, #tpu.memory_space<hbm>> -> memref<10240x144xf32, #tpu.memory_space<hbm>>
      tpu.enqueue_indirect_dma source(%dma_start3A_768 : memref<10240x144xf32, #tpu.memory_space<hbm>>) target(%arg17 : memref<64x144xf32, #tpu.memory_space<vmem>>) offsets(%dma_start3A_765 : memref<64xi32, #tpu.memory_space<vmem>>) semaphore(%arg22 : memref<!tpu.dma_semaphore, #tpu.memory_space<semaphore_mem>>)
      %dma_wait3A_769 = arith.constant 1 : i32
      %dma_wait3A_770 = arith.constant 0 : i32
      %dma_wait3A_771 = tpu.memref_slice %arg15[%dma_wait3A_769, %dma_wait3A_770] : memref<4x64xi32, #tpu.memory_space<vmem>> -> memref<1x64xi32, #tpu.memory_space<vmem>>
      %dma_wait3A_772 = tpu.memref_squeeze %dma_wait3A_771 : memref<1x64xi32, #tpu.memory_space<vmem>> -> memref<64xi32, #tpu.memory_space<vmem>>
      %dma_wait3A_773 = arith.constant 0 : i32
      %dma_wait3A_774 = arith.constant 0 : i32
      %dma_wait3A_775 = tpu.memref_slice %arg6[%dma_wait3A_773, %dma_wait3A_774] : memref<10240x144xf32, #tpu.memory_space<hbm>> -> memref<10240x144xf32, #tpu.memory_space<hbm>>
      tpu.wait_indirect_dma semaphore(%arg23 : memref<!tpu.dma_semaphore, #tpu.memory_space<semaphore_mem>>) src(%dma_wait3A_775 : memref<10240x144xf32, #tpu.memory_space<hbm>>) dst(%arg18 : memref<64x144xf32, #tpu.memory_space<vmem>>)
      %broadcast_in_dim3A_776 = arith.constant 1 : i32
      %broadcast_in_dim3A_777 = vector.broadcast %broadcast_in_dim3A_776 : i32 to vector<16xi32>
      %scan3A_778 = arith.constant 0 : i32
      %scan3A_779 = arith.constant 0 : i32
      %scan3A_780 = arith.constant 64 : i32
      %scan3A_781 = arith.addi %scan3A_779, %scan3A_780 : i32
      %scan3A_782 = arith.constant 1 : i32
      scf.for %scan3A_847 = %scan3A_779 to %scan3A_781 step %scan3A_782  : i32 {
        %broadcast_in_dim3A_848 = vector.broadcast %scan3A_847 : i32 to vector<16xi32>
        %gather3A_849 = tpu.vector_load_idx %arg16[%broadcast_in_dim3A_777, %broadcast_in_dim3A_848] : memref<4x64xf32, #tpu.memory_space<vmem>>[vector<16xi32>, vector<16xi32>], vector<16xf32>,
        %get3A_850 = arith.index_cast %scan3A_847 : i32 to index
        %get3A_851 = arith.constant 0 : index
        %get3A_852 = tpu.vector_load %arg18[%get3A_850, %get3A_851] {strides = array<i32>} : memref<64x144xf32, #tpu.memory_space<vmem>>, vector<16xf32>,
        %mul3A_853 = arith.mulf %get3A_852, %gather3A_849 : vector<16xf32>
        %swap3A_854 = arith.index_cast %scan3A_847 : i32 to index
        %swap3A_855 = arith.constant 0 : index
        %swap3A_856 = tpu.vector_load %arg18[%swap3A_854, %swap3A_855] {strides = array<i32>} : memref<64x144xf32, #tpu.memory_space<vmem>>, vector<16xf32>,
        tpu.vector_store %arg18[%swap3A_854, %swap3A_855], %mul3A_853 {strides = array<i32>} : memref<64x144xf32, #tpu.memory_space<vmem>>, vector<16xf32>,
        %get3A_857 = arith.index_cast %scan3A_847 : i32 to index
        %get3A_858 = arith.constant 16 : index
        %get3A_859 = tpu.vector_load %arg18[%get3A_857, %get3A_858] {strides = array<i32>} : memref<64x144xf32, #tpu.memory_space<vmem>>, vector<16xf32>,
        %mul3A_860 = arith.mulf %get3A_859, %gather3A_849 : vector<16xf32>
        %swap3A_861 = arith.index_cast %scan3A_847 : i32 to index
        %swap3A_862 = arith.constant 16 : index
        %swap3A_863 = tpu.vector_load %arg18[%swap3A_861, %swap3A_862] {strides = array<i32>} : memref<64x144xf32, #tpu.memory_space<vmem>>, vector<16xf32>,
        tpu.vector_store %arg18[%swap3A_861, %swap3A_862], %mul3A_860 {strides = array<i32>} : memref<64x144xf32, #tpu.memory_space<vmem>>, vector<16xf32>,
        %get3A_864 = arith.index_cast %scan3A_847 : i32 to index
        %get3A_865 = arith.constant 32 : index
        %get3A_866 = tpu.vector_load %arg18[%get3A_864, %get3A_865] {strides = array<i32>} : memref<64x144xf32, #tpu.memory_space<vmem>>, vector<16xf32>,
        %mul3A_867 = arith.mulf %get3A_866, %gather3A_849 : vector<16xf32>
        %swap3A_868 = arith.index_cast %scan3A_847 : i32 to index
        %swap3A_869 = arith.constant 32 : index
        %swap3A_870 = tpu.vector_load %arg18[%swap3A_868, %swap3A_869] {strides = array<i32>} : memref<64x144xf32, #tpu.memory_space<vmem>>, vector<16xf32>,
        tpu.vector_store %arg18[%swap3A_868, %swap3A_869], %mul3A_867 {strides = array<i32>} : memref<64x144xf32, #tpu.memory_space<vmem>>, vector<16xf32>,
        %get3A_871 = arith.index_cast %scan3A_847 : i32 to index
        %get3A_872 = arith.constant 48 : index
        %get3A_873 = tpu.vector_load %arg18[%get3A_871, %get3A_872] {strides = array<i32>} : memref<64x144xf32, #tpu.memory_space<vmem>>, vector<16xf32>,
        %mul3A_874 = arith.mulf %get3A_873, %gather3A_849 : vector<16xf32>
        %swap3A_875 = arith.index_cast %scan3A_847 : i32 to index
        %swap3A_876 = arith.constant 48 : index
        %swap3A_877 = tpu.vector_load %arg18[%swap3A_875, %swap3A_876] {strides = array<i32>} : memref<64x144xf32, #tpu.memory_space<vmem>>, vector<16xf32>,
        tpu.vector_store %arg18[%swap3A_875, %swap3A_876], %mul3A_874 {strides = array<i32>} : memref<64x144xf32, #tpu.memory_space<vmem>>, vector<16xf32>,
        %get3A_878 = arith.index_cast %scan3A_847 : i32 to index
        %get3A_879 = arith.constant 64 : index
        %get3A_880 = tpu.vector_load %arg18[%get3A_878, %get3A_879] {strides = array<i32>} : memref<64x144xf32, #tpu.memory_space<vmem>>, vector<16xf32>,
        %mul3A_881 = arith.mulf %get3A_880, %gather3A_849 : vector<16xf32>
        %swap3A_882 = arith.index_cast %scan3A_847 : i32 to index
        %swap3A_883 = arith.constant 64 : index
        %swap3A_884 = tpu.vector_load %arg18[%swap3A_882, %swap3A_883] {strides = array<i32>} : memref<64x144xf32, #tpu.memory_space<vmem>>, vector<16xf32>,
        tpu.vector_store %arg18[%swap3A_882, %swap3A_883], %mul3A_881 {strides = array<i32>} : memref<64x144xf32, #tpu.memory_space<vmem>>, vector<16xf32>,
        %get3A_885 = arith.index_cast %scan3A_847 : i32 to index
        %get3A_886 = arith.constant 80 : index
        %get3A_887 = tpu.vector_load %arg18[%get3A_885, %get3A_886] {strides = array<i32>} : memref<64x144xf32, #tpu.memory_space<vmem>>, vector<16xf32>,
        %mul3A_888 = arith.mulf %get3A_887, %gather3A_849 : vector<16xf32>
        %swap3A_889 = arith.index_cast %scan3A_847 : i32 to index
        %swap3A_890 = arith.constant 80 : index
        %swap3A_891 = tpu.vector_load %arg18[%swap3A_889, %swap3A_890] {strides = array<i32>} : memref<64x144xf32, #tpu.memory_space<vmem>>, vector<16xf32>,
        tpu.vector_store %arg18[%swap3A_889, %swap3A_890], %mul3A_888 {strides = array<i32>} : memref<64x144xf32, #tpu.memory_space<vmem>>, vector<16xf32>,
        %get3A_892 = arith.index_cast %scan3A_847 : i32 to index
        %get3A_893 = arith.constant 96 : index
        %get3A_894 = tpu.vector_load %arg18[%get3A_892, %get3A_893] {strides = array<i32>} : memref<64x144xf32, #tpu.memory_space<vmem>>, vector<16xf32>,
        %mul3A_895 = arith.mulf %get3A_894, %gather3A_849 : vector<16xf32>
        %swap3A_896 = arith.index_cast %scan3A_847 : i32 to index
        %swap3A_897 = arith.constant 96 : index
        %swap3A_898 = tpu.vector_load %arg18[%swap3A_896, %swap3A_897] {strides = array<i32>} : memref<64x144xf32, #tpu.memory_space<vmem>>, vector<16xf32>,
        tpu.vector_store %arg18[%swap3A_896, %swap3A_897], %mul3A_895 {strides = array<i32>} : memref<64x144xf32, #tpu.memory_space<vmem>>, vector<16xf32>,
        %get3A_899 = arith.index_cast %scan3A_847 : i32 to index
        %get3A_900 = arith.constant 112 : index
        %get3A_901 = tpu.vector_load %arg18[%get3A_899, %get3A_900] {strides = array<i32>} : memref<64x144xf32, #tpu.memory_space<vmem>>, vector<16xf32>,
        %mul3A_902 = arith.mulf %get3A_901, %gather3A_849 : vector<16xf32>
        %swap3A_903 = arith.index_cast %scan3A_847 : i32 to index
        %swap3A_904 = arith.constant 112 : index
        %swap3A_905 = tpu.vector_load %arg18[%swap3A_903, %swap3A_904] {strides = array<i32>} : memref<64x144xf32, #tpu.memory_space<vmem>>, vector<16xf32>,
        tpu.vector_store %arg18[%swap3A_903, %swap3A_904], %mul3A_902 {strides = array<i32>} : memref<64x144xf32, #tpu.memory_space<vmem>>, vector<16xf32>,
        %get3A_906 = arith.index_cast %scan3A_847 : i32 to index
        %get3A_907 = arith.constant 128 : index
        %get3A_908 = tpu.vector_load %arg18[%get3A_906, %get3A_907] {strides = array<i32>} : memref<64x144xf32, #tpu.memory_space<vmem>>, vector<16xf32>,
        %mul3A_909 = arith.mulf %get3A_908, %gather3A_849 : vector<16xf32>
        %swap3A_910 = arith.index_cast %scan3A_847 : i32 to index
        %swap3A_911 = arith.constant 128 : index
        %swap3A_912 = tpu.vector_load %arg18[%swap3A_910, %swap3A_911] {strides = array<i32>} : memref<64x144xf32, #tpu.memory_space<vmem>>, vector<16xf32>,
        tpu.vector_store %arg18[%swap3A_910, %swap3A_911], %mul3A_909 {strides = array<i32>} : memref<64x144xf32, #tpu.memory_space<vmem>>, vector<16xf32>,
      }
      %scan3A_783 = arith.constant 64 : i32
      %run_scoped3A_784 = arith.constant 1 : i32
      "tpu.region"() ({
        %run_scoped3A_847 = tpu.sem_alloc : memref<!tpu.dma_semaphore, #tpu.memory_space<semaphore_mem>>
        %dma_start3A_848 = arith.constant 0 : i32
        %dma_start3A_849 = tpu.memref_slice %arg14[%run_scoped3A_784, %dma_start3A_848] : memref<4x64xi32, #tpu.memory_space<vmem>> -> memref<1x64xi32, #tpu.memory_space<vmem>>
        %dma_start3A_850 = tpu.memref_squeeze %dma_start3A_849 : memref<1x64xi32, #tpu.memory_space<vmem>> -> memref<64xi32, #tpu.memory_space<vmem>>
        %dma_start3A_851 = arith.constant 0 : i32
        %dma_start3A_852 = arith.constant 0 : i32
        %dma_start3A_853 = tpu.memref_slice %arg19[%dma_start3A_851, %dma_start3A_852] : memref<10000x144xf32, #tpu.memory_space<vmem_shared>> -> memref<10000x144xf32, #tpu.memory_space<vmem_shared>>
        tpu.enqueue_indirect_dma source(%arg18 : memref<64x144xf32, #tpu.memory_space<vmem>>) target(%dma_start3A_853 : memref<10000x144xf32, #tpu.memory_space<vmem_shared>>) offsets(%dma_start3A_850 : memref<64xi32, #tpu.memory_space<vmem>>) semaphore(%run_scoped3A_847 : memref<!tpu.dma_semaphore, #tpu.memory_space<semaphore_mem>>) {add = true}
        %dma_wait3A_854 = arith.constant 0 : i32
        %dma_wait3A_855 = tpu.memref_slice %arg14[%run_scoped3A_784, %dma_wait3A_854] : memref<4x64xi32, #tpu.memory_space<vmem>> -> memref<1x64xi32, #tpu.memory_space<vmem>>
        %dma_wait3A_856 = tpu.memref_squeeze %dma_wait3A_855 : memref<1x64xi32, #tpu.memory_space<vmem>> -> memref<64xi32, #tpu.memory_space<vmem>>
        %dma_wait3A_857 = arith.constant 0 : i32
        %dma_wait3A_858 = arith.constant 0 : i32
        %dma_wait3A_859 = tpu.memref_slice %arg19[%dma_wait3A_857, %dma_wait3A_858] : memref<10000x144xf32, #tpu.memory_space<vmem_shared>> -> memref<10000x144xf32, #tpu.memory_space<vmem_shared>>
        tpu.wait_indirect_dma semaphore(%run_scoped3A_847 : memref<!tpu.dma_semaphore, #tpu.memory_space<semaphore_mem>>) src(%arg18 : memref<64x144xf32, #tpu.memory_space<vmem>>) dst(%dma_wait3A_859 : memref<10000x144xf32, #tpu.memory_space<vmem_shared>>)
        tpu.yield
      }) : () -> ()
      %dma_start3A_785 = arith.constant 3 : i32
      %dma_start3A_786 = arith.constant 0 : i32
      %dma_start3A_787 = tpu.memref_slice %arg15[%dma_start3A_785, %dma_start3A_786] : memref<4x64xi32, #tpu.memory_space<vmem>> -> memref<1x64xi32, #tpu.memory_space<vmem>>
      %dma_start3A_788 = tpu.memref_squeeze %dma_start3A_787 : memref<1x64xi32, #tpu.memory_space<vmem>> -> memref<64xi32, #tpu.memory_space<vmem>>
      %dma_start3A_789 = arith.constant 0 : i32
      %dma_start3A_790 = arith.constant 0 : i32
      %dma_start3A_791 = tpu.memref_slice %arg6[%dma_start3A_789, %dma_start3A_790] : memref<10240x144xf32, #tpu.memory_space<hbm>> -> memref<10240x144xf32, #tpu.memory_space<hbm>>
      tpu.enqueue_indirect_dma source(%dma_start3A_791 : memref<10240x144xf32, #tpu.memory_space<hbm>>) target(%arg18 : memref<64x144xf32, #tpu.memory_space<vmem>>) offsets(%dma_start3A_788 : memref<64xi32, #tpu.memory_space<vmem>>) semaphore(%arg23 : memref<!tpu.dma_semaphore, #tpu.memory_space<semaphore_mem>>)
      %add3A_792 = arith.constant 1 : i32
      %add3A_793 = arith.addi %add3A_745, %add3A_792 : i32
      %lt3A_794 = arith.constant 40 : i32
      %lt3A_795 = arith.cmpi slt, %add3A_793, %lt3A_794 : i32
      %convert_element_type3A_796 = arith.extui %lt3A_795 : i1 to i32
      %cond3A_797 = arith.constant 0 : i32
      %cond3A_798 = arith.cmpi ne, %convert_element_type3A_796, %cond3A_797 : i32
      scf.if %cond3A_798 {
        %add3A_847 = arith.constant 1 : i32
        %add3A_848 = arith.addi %add3A_745, %add3A_847 : i32
        %mul3A_849 = arith.constant 4 : i32
        %mul3A_850 = arith.muli %add3A_848, %mul3A_849 : i32
        %dma_wait3A_851 = arith.constant 0 : i32
        %dma_wait3A_852 = tpu.memref_slice %arg2[%arg0, %arg1, %mul3A_850, %dma_wait3A_851] : memref<2x16x160x64xi32, #tpu.memory_space<hbm>> -> memref<1x1x4x64xi32, #tpu.memory_space<hbm>>
        %dma_wait3A_853 = tpu.memref_squeeze %dma_wait3A_852 : memref<1x1x4x64xi32, #tpu.memory_space<hbm>> -> memref<4x64xi32, #tpu.memory_space<hbm>>
        %dma_wait3A_854 = arith.constant 0 : i32
        %dma_wait3A_855 = tpu.memref_slice %arg2[%arg0, %arg1, %mul3A_850, %dma_wait3A_854] : memref<2x16x160x64xi32, #tpu.memory_space<hbm>> -> memref<1x1x4x64xi32, #tpu.memory_space<hbm>>
        %dma_wait3A_856 = tpu.memref_squeeze %dma_wait3A_855 : memref<1x1x4x64xi32, #tpu.memory_space<hbm>> -> memref<4x64xi32, #tpu.memory_space<hbm>>
        tpu.wait_dma2 semaphore(%arg20 : memref<!tpu.dma_semaphore, #tpu.memory_space<semaphore_mem>>) src(%dma_wait3A_856 : memref<4x64xi32, #tpu.memory_space<hbm>>) dst(%arg11 : memref<4x64xi32, #tpu.memory_space<vmem>>)
        %mul3A_857 = arith.constant 4 : i32
        %mul3A_858 = arith.muli %add3A_848, %mul3A_857 : i32
        %dma_wait3A_859 = arith.constant 0 : i32
        %dma_wait3A_860 = tpu.memref_slice %arg3[%arg0, %arg1, %mul3A_858, %dma_wait3A_859] : memref<2x16x160x64xi32, #tpu.memory_space<hbm>> -> memref<1x1x4x64xi32, #tpu.memory_space<hbm>>
        %dma_wait3A_861 = tpu.memref_squeeze %dma_wait3A_860 : memref<1x1x4x64xi32, #tpu.memory_space<hbm>> -> memref<4x64xi32, #tpu.memory_space<hbm>>
        %dma_wait3A_862 = arith.constant 0 : i32
        %dma_wait3A_863 = tpu.memref_slice %arg3[%arg0, %arg1, %mul3A_858, %dma_wait3A_862] : memref<2x16x160x64xi32, #tpu.memory_space<hbm>> -> memref<1x1x4x64xi32, #tpu.memory_space<hbm>>
        %dma_wait3A_864 = tpu.memref_squeeze %dma_wait3A_863 : memref<1x1x4x64xi32, #tpu.memory_space<hbm>> -> memref<4x64xi32, #tpu.memory_space<hbm>>
        tpu.wait_dma2 semaphore(%arg20 : memref<!tpu.dma_semaphore, #tpu.memory_space<semaphore_mem>>) src(%dma_wait3A_864 : memref<4x64xi32, #tpu.memory_space<hbm>>) dst(%arg12 : memref<4x64xi32, #tpu.memory_space<vmem>>)
      } else {
      }
      %dma_wait3A_799 = arith.constant 2 : i32
      %dma_wait3A_800 = arith.constant 0 : i32
      %dma_wait3A_801 = tpu.memref_slice %arg15[%dma_wait3A_799, %dma_wait3A_800] : memref<4x64xi32, #tpu.memory_space<vmem>> -> memref<1x64xi32, #tpu.memory_space<vmem>>
      %dma_wait3A_802 = tpu.memref_squeeze %dma_wait3A_801 : memref<1x64xi32, #tpu.memory_space<vmem>> -> memref<64xi32, #tpu.memory_space<vmem>>
      %dma_wait3A_803 = arith.constant 0 : i32
      %dma_wait3A_804 = arith.constant 0 : i32
      %dma_wait3A_805 = tpu.memref_slice %arg6[%dma_wait3A_803, %dma_wait3A_804] : memref<10240x144xf32, #tpu.memory_space<hbm>> -> memref<10240x144xf32, #tpu.memory_space<hbm>>
      tpu.wait_indirect_dma semaphore(%arg22 : memref<!tpu.dma_semaphore, #tpu.memory_space<semaphore_mem>>) src(%dma_wait3A_805 : memref<10240x144xf32, #tpu.memory_space<hbm>>) dst(%arg17 : memref<64x144xf32, #tpu.memory_space<vmem>>)
      %broadcast_in_dim3A_806 = arith.constant 2 : i32
      %broadcast_in_dim3A_807 = vector.broadcast %broadcast_in_dim3A_806 : i32 to vector<16xi32>
      %scan3A_808 = arith.constant 0 : i32
      %scan3A_809 = arith.constant 0 : i32
      %scan3A_810 = arith.constant 64 : i32
      %scan3A_811 = arith.addi %scan3A_809, %scan3A_810 : i32
      %scan3A_812 = arith.constant 1 : i32
      scf.for %scan3A_847 = %scan3A_809 to %scan3A_811 step %scan3A_812  : i32 {
        %broadcast_in_dim3A_848 = vector.broadcast %scan3A_847 : i32 to vector<16xi32>
        %gather3A_849 = tpu.vector_load_idx %arg16[%broadcast_in_dim3A_807, %broadcast_in_dim3A_848] : memref<4x64xf32, #tpu.memory_space<vmem>>[vector<16xi32>, vector<16xi32>], vector<16xf32>,
        %get3A_850 = arith.index_cast %scan3A_847 : i32 to index
        %get3A_851 = arith.constant 0 : index
        %get3A_852 = tpu.vector_load %arg17[%get3A_850, %get3A_851] {strides = array<i32>} : memref<64x144xf32, #tpu.memory_space<vmem>>, vector<16xf32>,
        %mul3A_853 = arith.mulf %get3A_852, %gather3A_849 : vector<16xf32>
        %swap3A_854 = arith.index_cast %scan3A_847 : i32 to index
        %swap3A_855 = arith.constant 0 : index
        %swap3A_856 = tpu.vector_load %arg17[%swap3A_854, %swap3A_855] {strides = array<i32>} : memref<64x144xf32, #tpu.memory_space<vmem>>, vector<16xf32>,
        tpu.vector_store %arg17[%swap3A_854, %swap3A_855], %mul3A_853 {strides = array<i32>} : memref<64x144xf32, #tpu.memory_space<vmem>>, vector<16xf32>,
        %get3A_857 = arith.index_cast %scan3A_847 : i32 to index
        %get3A_858 = arith.constant 16 : index
        %get3A_859 = tpu.vector_load %arg17[%get3A_857, %get3A_858] {strides = array<i32>} : memref<64x144xf32, #tpu.memory_space<vmem>>, vector<16xf32>,
        %mul3A_860 = arith.mulf %get3A_859, %gather3A_849 : vector<16xf32>
        %swap3A_861 = arith.index_cast %scan3A_847 : i32 to index
        %swap3A_862 = arith.constant 16 : index
        %swap3A_863 = tpu.vector_load %arg17[%swap3A_861, %swap3A_862] {strides = array<i32>} : memref<64x144xf32, #tpu.memory_space<vmem>>, vector<16xf32>,
        tpu.vector_store %arg17[%swap3A_861, %swap3A_862], %mul3A_860 {strides = array<i32>} : memref<64x144xf32, #tpu.memory_space<vmem>>, vector<16xf32>,
        %get3A_864 = arith.index_cast %scan3A_847 : i32 to index
        %get3A_865 = arith.constant 32 : index
        %get3A_866 = tpu.vector_load %arg17[%get3A_864, %get3A_865] {strides = array<i32>} : memref<64x144xf32, #tpu.memory_space<vmem>>, vector<16xf32>,
        %mul3A_867 = arith.mulf %get3A_866, %gather3A_849 : vector<16xf32>
        %swap3A_868 = arith.index_cast %scan3A_847 : i32 to index
        %swap3A_869 = arith.constant 32 : index
        %swap3A_870 = tpu.vector_load %arg17[%swap3A_868, %swap3A_869] {strides = array<i32>} : memref<64x144xf32, #tpu.memory_space<vmem>>, vector<16xf32>,
        tpu.vector_store %arg17[%swap3A_868, %swap3A_869], %mul3A_867 {strides = array<i32>} : memref<64x144xf32, #tpu.memory_space<vmem>>, vector<16xf32>,
        %get3A_871 = arith.index_cast %scan3A_847 : i32 to index
        %get3A_872 = arith.constant 48 : index
        %get3A_873 = tpu.vector_load %arg17[%get3A_871, %get3A_872] {strides = array<i32>} : memref<64x144xf32, #tpu.memory_space<vmem>>, vector<16xf32>,
        %mul3A_874 = arith.mulf %get3A_873, %gather3A_849 : vector<16xf32>
        %swap3A_875 = arith.index_cast %scan3A_847 : i32 to index
        %swap3A_876 = arith.constant 48 : index
        %swap3A_877 = tpu.vector_load %arg17[%swap3A_875, %swap3A_876] {strides = array<i32>} : memref<64x144xf32, #tpu.memory_space<vmem>>, vector<16xf32>,
        tpu.vector_store %arg17[%swap3A_875, %swap3A_876], %mul3A_874 {strides = array<i32>} : memref<64x144xf32, #tpu.memory_space<vmem>>, vector<16xf32>,
        %get3A_878 = arith.index_cast %scan3A_847 : i32 to index
        %get3A_879 = arith.constant 64 : index
        %get3A_880 = tpu.vector_load %arg17[%get3A_878, %get3A_879] {strides = array<i32>} : memref<64x144xf32, #tpu.memory_space<vmem>>, vector<16xf32>,
        %mul3A_881 = arith.mulf %get3A_880, %gather3A_849 : vector<16xf32>
        %swap3A_882 = arith.index_cast %scan3A_847 : i32 to index
        %swap3A_883 = arith.constant 64 : index
        %swap3A_884 = tpu.vector_load %arg17[%swap3A_882, %swap3A_883] {strides = array<i32>} : memref<64x144xf32, #tpu.memory_space<vmem>>, vector<16xf32>,
        tpu.vector_store %arg17[%swap3A_882, %swap3A_883], %mul3A_881 {strides = array<i32>} : memref<64x144xf32, #tpu.memory_space<vmem>>, vector<16xf32>,
        %get3A_885 = arith.index_cast %scan3A_847 : i32 to index
        %get3A_886 = arith.constant 80 : index
        %get3A_887 = tpu.vector_load %arg17[%get3A_885, %get3A_886] {strides = array<i32>} : memref<64x144xf32, #tpu.memory_space<vmem>>, vector<16xf32>,
        %mul3A_888 = arith.mulf %get3A_887, %gather3A_849 : vector<16xf32>
        %swap3A_889 = arith.index_cast %scan3A_847 : i32 to index
        %swap3A_890 = arith.constant 80 : index
        %swap3A_891 = tpu.vector_load %arg17[%swap3A_889, %swap3A_890] {strides = array<i32>} : memref<64x144xf32, #tpu.memory_space<vmem>>, vector<16xf32>,
        tpu.vector_store %arg17[%swap3A_889, %swap3A_890], %mul3A_888 {strides = array<i32>} : memref<64x144xf32, #tpu.memory_space<vmem>>, vector<16xf32>,
        %get3A_892 = arith.index_cast %scan3A_847 : i32 to index
        %get3A_893 = arith.constant 96 : index
        %get3A_894 = tpu.vector_load %arg17[%get3A_892, %get3A_893] {strides = array<i32>} : memref<64x144xf32, #tpu.memory_space<vmem>>, vector<16xf32>,
        %mul3A_895 = arith.mulf %get3A_894, %gather3A_849 : vector<16xf32>
        %swap3A_896 = arith.index_cast %scan3A_847 : i32 to index
        %swap3A_897 = arith.constant 96 : index
        %swap3A_898 = tpu.vector_load %arg17[%swap3A_896, %swap3A_897] {strides = array<i32>} : memref<64x144xf32, #tpu.memory_space<vmem>>, vector<16xf32>,
        tpu.vector_store %arg17[%swap3A_896, %swap3A_897], %mul3A_895 {strides = array<i32>} : memref<64x144xf32, #tpu.memory_space<vmem>>, vector<16xf32>,
        %get3A_899 = arith.index_cast %scan3A_847 : i32 to index
        %get3A_900 = arith.constant 112 : index
        %get3A_901 = tpu.vector_load %arg17[%get3A_899, %get3A_900] {strides = array<i32>} : memref<64x144xf32, #tpu.memory_space<vmem>>, vector<16xf32>,
        %mul3A_902 = arith.mulf %get3A_901, %gather3A_849 : vector<16xf32>
        %swap3A_903 = arith.index_cast %scan3A_847 : i32 to index
        %swap3A_904 = arith.constant 112 : index
        %swap3A_905 = tpu.vector_load %arg17[%swap3A_903, %swap3A_904] {strides = array<i32>} : memref<64x144xf32, #tpu.memory_space<vmem>>, vector<16xf32>,
        tpu.vector_store %arg17[%swap3A_903, %swap3A_904], %mul3A_902 {strides = array<i32>} : memref<64x144xf32, #tpu.memory_space<vmem>>, vector<16xf32>,
        %get3A_906 = arith.index_cast %scan3A_847 : i32 to index
        %get3A_907 = arith.constant 128 : index
        %get3A_908 = tpu.vector_load %arg17[%get3A_906, %get3A_907] {strides = array<i32>} : memref<64x144xf32, #tpu.memory_space<vmem>>, vector<16xf32>,
        %mul3A_909 = arith.mulf %get3A_908, %gather3A_849 : vector<16xf32>
        %swap3A_910 = arith.index_cast %scan3A_847 : i32 to index
        %swap3A_911 = arith.constant 128 : index
        %swap3A_912 = tpu.vector_load %arg17[%swap3A_910, %swap3A_911] {strides = array<i32>} : memref<64x144xf32, #tpu.memory_space<vmem>>, vector<16xf32>,
        tpu.vector_store %arg17[%swap3A_910, %swap3A_911], %mul3A_909 {strides = array<i32>} : memref<64x144xf32, #tpu.memory_space<vmem>>, vector<16xf32>,
      }
      %scan3A_813 = arith.constant 64 : i32
      %run_scoped3A_814 = arith.constant 2 : i32
      "tpu.region"() ({
        %run_scoped3A_847 = tpu.sem_alloc : memref<!tpu.dma_semaphore, #tpu.memory_space<semaphore_mem>>
        %dma_start3A_848 = arith.constant 0 : i32
        %dma_start3A_849 = tpu.memref_slice %arg14[%run_scoped3A_814, %dma_start3A_848] : memref<4x64xi32, #tpu.memory_space<vmem>> -> memref<1x64xi32, #tpu.memory_space<vmem>>
        %dma_start3A_850 = tpu.memref_squeeze %dma_start3A_849 : memref<1x64xi32, #tpu.memory_space<vmem>> -> memref<64xi32, #tpu.memory_space<vmem>>
        %dma_start3A_851 = arith.constant 0 : i32
        %dma_start3A_852 = arith.constant 0 : i32
        %dma_start3A_853 = tpu.memref_slice %arg19[%dma_start3A_851, %dma_start3A_852] : memref<10000x144xf32, #tpu.memory_space<vmem_shared>> -> memref<10000x144xf32, #tpu.memory_space<vmem_shared>>
        tpu.enqueue_indirect_dma source(%arg17 : memref<64x144xf32, #tpu.memory_space<vmem>>) target(%dma_start3A_853 : memref<10000x144xf32, #tpu.memory_space<vmem_shared>>) offsets(%dma_start3A_850 : memref<64xi32, #tpu.memory_space<vmem>>) semaphore(%run_scoped3A_847 : memref<!tpu.dma_semaphore, #tpu.memory_space<semaphore_mem>>) {add = true}
        %dma_wait3A_854 = arith.constant 0 : i32
        %dma_wait3A_855 = tpu.memref_slice %arg14[%run_scoped3A_814, %dma_wait3A_854] : memref<4x64xi32, #tpu.memory_space<vmem>> -> memref<1x64xi32, #tpu.memory_space<vmem>>
        %dma_wait3A_856 = tpu.memref_squeeze %dma_wait3A_855 : memref<1x64xi32, #tpu.memory_space<vmem>> -> memref<64xi32, #tpu.memory_space<vmem>>
        %dma_wait3A_857 = arith.constant 0 : i32
        %dma_wait3A_858 = arith.constant 0 : i32
        %dma_wait3A_859 = tpu.memref_slice %arg19[%dma_wait3A_857, %dma_wait3A_858] : memref<10000x144xf32, #tpu.memory_space<vmem_shared>> -> memref<10000x144xf32, #tpu.memory_space<vmem_shared>>
        tpu.wait_indirect_dma semaphore(%run_scoped3A_847 : memref<!tpu.dma_semaphore, #tpu.memory_space<semaphore_mem>>) src(%arg17 : memref<64x144xf32, #tpu.memory_space<vmem>>) dst(%dma_wait3A_859 : memref<10000x144xf32, #tpu.memory_space<vmem_shared>>)
        tpu.yield
      }) : () -> ()
      %convert_element_type3A_815 = arith.extui %lt3A_795 : i1 to i32
      %cond3A_816 = arith.constant 0 : i32
      %cond3A_817 = arith.cmpi ne, %convert_element_type3A_815, %cond3A_816 : i32
      scf.if %cond3A_817 {
        %dma_start3A_847 = arith.constant 0 : i32
        %dma_start3A_848 = arith.constant 0 : i32
        %dma_start3A_849 = tpu.memref_slice %arg12[%dma_start3A_847, %dma_start3A_848] : memref<4x64xi32, #tpu.memory_space<vmem>> -> memref<1x64xi32, #tpu.memory_space<vmem>>
        %dma_start3A_850 = tpu.memref_squeeze %dma_start3A_849 : memref<1x64xi32, #tpu.memory_space<vmem>> -> memref<64xi32, #tpu.memory_space<vmem>>
        %dma_start3A_851 = arith.constant 0 : i32
        %dma_start3A_852 = arith.constant 0 : i32
        %dma_start3A_853 = tpu.memref_slice %arg6[%dma_start3A_851, %dma_start3A_852] : memref<10240x144xf32, #tpu.memory_space<hbm>> -> memref<10240x144xf32, #tpu.memory_space<hbm>>
        tpu.enqueue_indirect_dma source(%dma_start3A_853 : memref<10240x144xf32, #tpu.memory_space<hbm>>) target(%arg17 : memref<64x144xf32, #tpu.memory_space<vmem>>) offsets(%dma_start3A_850 : memref<64xi32, #tpu.memory_space<vmem>>) semaphore(%arg22 : memref<!tpu.dma_semaphore, #tpu.memory_space<semaphore_mem>>)
      } else {
      }
      %dma_wait3A_818 = arith.constant 3 : i32
      %dma_wait3A_819 = arith.constant 0 : i32
      %dma_wait3A_820 = tpu.memref_slice %arg15[%dma_wait3A_818, %dma_wait3A_819] : memref<4x64xi32, #tpu.memory_space<vmem>> -> memref<1x64xi32, #tpu.memory_space<vmem>>
      %dma_wait3A_821 = tpu.memref_squeeze %dma_wait3A_820 : memref<1x64xi32, #tpu.memory_space<vmem>> -> memref<64xi32, #tpu.memory_space<vmem>>
      %dma_wait3A_822 = arith.constant 0 : i32
      %dma_wait3A_823 = arith.constant 0 : i32
      %dma_wait3A_824 = tpu.memref_slice %arg6[%dma_wait3A_822, %dma_wait3A_823] : memref<10240x144xf32, #tpu.memory_space<hbm>> -> memref<10240x144xf32, #tpu.memory_space<hbm>>
      tpu.wait_indirect_dma semaphore(%arg23 : memref<!tpu.dma_semaphore, #tpu.memory_space<semaphore_mem>>) src(%dma_wait3A_824 : memref<10240x144xf32, #tpu.memory_space<hbm>>) dst(%arg18 : memref<64x144xf32, #tpu.memory_space<vmem>>)
      %broadcast_in_dim3A_825 = arith.constant 3 : i32
      %broadcast_in_dim3A_826 = vector.broadcast %broadcast_in_dim3A_825 : i32 to vector<16xi32>
      %scan3A_827 = arith.constant 0 : i32
      %scan3A_828 = arith.constant 0 : i32
      %scan3A_829 = arith.constant 64 : i32
      %scan3A_830 = arith.addi %scan3A_828, %scan3A_829 : i32
      %scan3A_831 = arith.constant 1 : i32
      scf.for %scan3A_847 = %scan3A_828 to %scan3A_830 step %scan3A_831  : i32 {
        %broadcast_in_dim3A_848 = vector.broadcast %scan3A_847 : i32 to vector<16xi32>
        %gather3A_849 = tpu.vector_load_idx %arg16[%broadcast_in_dim3A_826, %broadcast_in_dim3A_848] : memref<4x64xf32, #tpu.memory_space<vmem>>[vector<16xi32>, vector<16xi32>], vector<16xf32>,
        %get3A_850 = arith.index_cast %scan3A_847 : i32 to index
        %get3A_851 = arith.constant 0 : index
        %get3A_852 = tpu.vector_load %arg18[%get3A_850, %get3A_851] {strides = array<i32>} : memref<64x144xf32, #tpu.memory_space<vmem>>, vector<16xf32>,
        %mul3A_853 = arith.mulf %get3A_852, %gather3A_849 : vector<16xf32>
        %swap3A_854 = arith.index_cast %scan3A_847 : i32 to index
        %swap3A_855 = arith.constant 0 : index
        %swap3A_856 = tpu.vector_load %arg18[%swap3A_854, %swap3A_855] {strides = array<i32>} : memref<64x144xf32, #tpu.memory_space<vmem>>, vector<16xf32>,
        tpu.vector_store %arg18[%swap3A_854, %swap3A_855], %mul3A_853 {strides = array<i32>} : memref<64x144xf32, #tpu.memory_space<vmem>>, vector<16xf32>,
        %get3A_857 = arith.index_cast %scan3A_847 : i32 to index
        %get3A_858 = arith.constant 16 : index
        %get3A_859 = tpu.vector_load %arg18[%get3A_857, %get3A_858] {strides = array<i32>} : memref<64x144xf32, #tpu.memory_space<vmem>>, vector<16xf32>,
        %mul3A_860 = arith.mulf %get3A_859, %gather3A_849 : vector<16xf32>
        %swap3A_861 = arith.index_cast %scan3A_847 : i32 to index
        %swap3A_862 = arith.constant 16 : index
        %swap3A_863 = tpu.vector_load %arg18[%swap3A_861, %swap3A_862] {strides = array<i32>} : memref<64x144xf32, #tpu.memory_space<vmem>>, vector<16xf32>,
        tpu.vector_store %arg18[%swap3A_861, %swap3A_862], %mul3A_860 {strides = array<i32>} : memref<64x144xf32, #tpu.memory_space<vmem>>, vector<16xf32>,
        %get3A_864 = arith.index_cast %scan3A_847 : i32 to index
        %get3A_865 = arith.constant 32 : index
        %get3A_866 = tpu.vector_load %arg18[%get3A_864, %get3A_865] {strides = array<i32>} : memref<64x144xf32, #tpu.memory_space<vmem>>, vector<16xf32>,
        %mul3A_867 = arith.mulf %get3A_866, %gather3A_849 : vector<16xf32>
        %swap3A_868 = arith.index_cast %scan3A_847 : i32 to index
        %swap3A_869 = arith.constant 32 : index
        %swap3A_870 = tpu.vector_load %arg18[%swap3A_868, %swap3A_869] {strides = array<i32>} : memref<64x144xf32, #tpu.memory_space<vmem>>, vector<16xf32>,
        tpu.vector_store %arg18[%swap3A_868, %swap3A_869], %mul3A_867 {strides = array<i32>} : memref<64x144xf32, #tpu.memory_space<vmem>>, vector<16xf32>,
        %get3A_871 = arith.index_cast %scan3A_847 : i32 to index
        %get3A_872 = arith.constant 48 : index
        %get3A_873 = tpu.vector_load %arg18[%get3A_871, %get3A_872] {strides = array<i32>} : memref<64x144xf32, #tpu.memory_space<vmem>>, vector<16xf32>,
        %mul3A_874 = arith.mulf %get3A_873, %gather3A_849 : vector<16xf32>
        %swap3A_875 = arith.index_cast %scan3A_847 : i32 to index
        %swap3A_876 = arith.constant 48 : index
        %swap3A_877 = tpu.vector_load %arg18[%swap3A_875, %swap3A_876] {strides = array<i32>} : memref<64x144xf32, #tpu.memory_space<vmem>>, vector<16xf32>,
        tpu.vector_store %arg18[%swap3A_875, %swap3A_876], %mul3A_874 {strides = array<i32>} : memref<64x144xf32, #tpu.memory_space<vmem>>, vector<16xf32>,
        %get3A_878 = arith.index_cast %scan3A_847 : i32 to index
        %get3A_879 = arith.constant 64 : index
        %get3A_880 = tpu.vector_load %arg18[%get3A_878, %get3A_879] {strides = array<i32>} : memref<64x144xf32, #tpu.memory_space<vmem>>, vector<16xf32>,
        %mul3A_881 = arith.mulf %get3A_880, %gather3A_849 : vector<16xf32>
        %swap3A_882 = arith.index_cast %scan3A_847 : i32 to index
        %swap3A_883 = arith.constant 64 : index
        %swap3A_884 = tpu.vector_load %arg18[%swap3A_882, %swap3A_883] {strides = array<i32>} : memref<64x144xf32, #tpu.memory_space<vmem>>, vector<16xf32>,
        tpu.vector_store %arg18[%swap3A_882, %swap3A_883], %mul3A_881 {strides = array<i32>} : memref<64x144xf32, #tpu.memory_space<vmem>>, vector<16xf32>,
        %get3A_885 = arith.index_cast %scan3A_847 : i32 to index
        %get3A_886 = arith.constant 80 : index
        %get3A_887 = tpu.vector_load %arg18[%get3A_885, %get3A_886] {strides = array<i32>} : memref<64x144xf32, #tpu.memory_space<vmem>>, vector<16xf32>,
        %mul3A_888 = arith.mulf %get3A_887, %gather3A_849 : vector<16xf32>
        %swap3A_889 = arith.index_cast %scan3A_847 : i32 to index
        %swap3A_890 = arith.constant 80 : index
        %swap3A_891 = tpu.vector_load %arg18[%swap3A_889, %swap3A_890] {strides = array<i32>} : memref<64x144xf32, #tpu.memory_space<vmem>>, vector<16xf32>,
        tpu.vector_store %arg18[%swap3A_889, %swap3A_890], %mul3A_888 {strides = array<i32>} : memref<64x144xf32, #tpu.memory_space<vmem>>, vector<16xf32>,
        %get3A_892 = arith.index_cast %scan3A_847 : i32 to index
        %get3A_893 = arith.constant 96 : index
        %get3A_894 = tpu.vector_load %arg18[%get3A_892, %get3A_893] {strides = array<i32>} : memref<64x144xf32, #tpu.memory_space<vmem>>, vector<16xf32>,
        %mul3A_895 = arith.mulf %get3A_894, %gather3A_849 : vector<16xf32>
        %swap3A_896 = arith.index_cast %scan3A_847 : i32 to index
        %swap3A_897 = arith.constant 96 : index
        %swap3A_898 = tpu.vector_load %arg18[%swap3A_896, %swap3A_897] {strides = array<i32>} : memref<64x144xf32, #tpu.memory_space<vmem>>, vector<16xf32>,
        tpu.vector_store %arg18[%swap3A_896, %swap3A_897], %mul3A_895 {strides = array<i32>} : memref<64x144xf32, #tpu.memory_space<vmem>>, vector<16xf32>,
        %get3A_899 = arith.index_cast %scan3A_847 : i32 to index
        %get3A_900 = arith.constant 112 : index
        %get3A_901 = tpu.vector_load %arg18[%get3A_899, %get3A_900] {strides = array<i32>} : memref<64x144xf32, #tpu.memory_space<vmem>>, vector<16xf32>,
        %mul3A_902 = arith.mulf %get3A_901, %gather3A_849 : vector<16xf32>
        %swap3A_903 = arith.index_cast %scan3A_847 : i32 to index
        %swap3A_904 = arith.constant 112 : index
        %swap3A_905 = tpu.vector_load %arg18[%swap3A_903, %swap3A_904] {strides = array<i32>} : memref<64x144xf32, #tpu.memory_space<vmem>>, vector<16xf32>,
        tpu.vector_store %arg18[%swap3A_903, %swap3A_904], %mul3A_902 {strides = array<i32>} : memref<64x144xf32, #tpu.memory_space<vmem>>, vector<16xf32>,
        %get3A_906 = arith.index_cast %scan3A_847 : i32 to index
        %get3A_907 = arith.constant 128 : index
        %get3A_908 = tpu.vector_load %arg18[%get3A_906, %get3A_907] {strides = array<i32>} : memref<64x144xf32, #tpu.memory_space<vmem>>, vector<16xf32>,
        %mul3A_909 = arith.mulf %get3A_908, %gather3A_849 : vector<16xf32>
        %swap3A_910 = arith.index_cast %scan3A_847 : i32 to index
        %swap3A_911 = arith.constant 128 : index
        %swap3A_912 = tpu.vector_load %arg18[%swap3A_910, %swap3A_911] {strides = array<i32>} : memref<64x144xf32, #tpu.memory_space<vmem>>, vector<16xf32>,
        tpu.vector_store %arg18[%swap3A_910, %swap3A_911], %mul3A_909 {strides = array<i32>} : memref<64x144xf32, #tpu.memory_space<vmem>>, vector<16xf32>,
      }
      %scan3A_832 = arith.constant 64 : i32
      %run_scoped3A_833 = arith.constant 3 : i32
      "tpu.region"() ({
        %run_scoped3A_847 = tpu.sem_alloc : memref<!tpu.dma_semaphore, #tpu.memory_space<semaphore_mem>>
        %dma_start3A_848 = arith.constant 0 : i32
        %dma_start3A_849 = tpu.memref_slice %arg14[%run_scoped3A_833, %dma_start3A_848] : memref<4x64xi32, #tpu.memory_space<vmem>> -> memref<1x64xi32, #tpu.memory_space<vmem>>
        %dma_start3A_850 = tpu.memref_squeeze %dma_start3A_849 : memref<1x64xi32, #tpu.memory_space<vmem>> -> memref<64xi32, #tpu.memory_space<vmem>>
        %dma_start3A_851 = arith.constant 0 : i32
        %dma_start3A_852 = arith.constant 0 : i32
        %dma_start3A_853 = tpu.memref_slice %arg19[%dma_start3A_851, %dma_start3A_852] : memref<10000x144xf32, #tpu.memory_space<vmem_shared>> -> memref<10000x144xf32, #tpu.memory_space<vmem_shared>>
        tpu.enqueue_indirect_dma source(%arg18 : memref<64x144xf32, #tpu.memory_space<vmem>>) target(%dma_start3A_853 : memref<10000x144xf32, #tpu.memory_space<vmem_shared>>) offsets(%dma_start3A_850 : memref<64xi32, #tpu.memory_space<vmem>>) semaphore(%run_scoped3A_847 : memref<!tpu.dma_semaphore, #tpu.memory_space<semaphore_mem>>) {add = true}
        %dma_wait3A_854 = arith.constant 0 : i32
        %dma_wait3A_855 = tpu.memref_slice %arg14[%run_scoped3A_833, %dma_wait3A_854] : memref<4x64xi32, #tpu.memory_space<vmem>> -> memref<1x64xi32, #tpu.memory_space<vmem>>
        %dma_wait3A_856 = tpu.memref_squeeze %dma_wait3A_855 : memref<1x64xi32, #tpu.memory_space<vmem>> -> memref<64xi32, #tpu.memory_space<vmem>>
        %dma_wait3A_857 = arith.constant 0 : i32
        %dma_wait3A_858 = arith.constant 0 : i32
        %dma_wait3A_859 = tpu.memref_slice %arg19[%dma_wait3A_857, %dma_wait3A_858] : memref<10000x144xf32, #tpu.memory_space<vmem_shared>> -> memref<10000x144xf32, #tpu.memory_space<vmem_shared>>
        tpu.wait_indirect_dma semaphore(%run_scoped3A_847 : memref<!tpu.dma_semaphore, #tpu.memory_space<semaphore_mem>>) src(%arg18 : memref<64x144xf32, #tpu.memory_space<vmem>>) dst(%dma_wait3A_859 : memref<10000x144xf32, #tpu.memory_space<vmem_shared>>)
        tpu.yield
      }) : () -> ()
      %convert_element_type3A_834 = arith.extui %lt3A_795 : i1 to i32
      %cond3A_835 = arith.constant 0 : i32
      %cond3A_836 = arith.cmpi ne, %convert_element_type3A_834, %cond3A_835 : i32
      scf.if %cond3A_836 {
        %dma_start3A_847 = arith.constant 1 : i32
        %dma_start3A_848 = arith.constant 0 : i32
        %dma_start3A_849 = tpu.memref_slice %arg12[%dma_start3A_847, %dma_start3A_848] : memref<4x64xi32, #tpu.memory_space<vmem>> -> memref<1x64xi32, #tpu.memory_space<vmem>>
        %dma_start3A_850 = tpu.memref_squeeze %dma_start3A_849 : memref<1x64xi32, #tpu.memory_space<vmem>> -> memref<64xi32, #tpu.memory_space<vmem>>
        %dma_start3A_851 = arith.constant 0 : i32
        %dma_start3A_852 = arith.constant 0 : i32
        %dma_start3A_853 = tpu.memref_slice %arg6[%dma_start3A_851, %dma_start3A_852] : memref<10240x144xf32, #tpu.memory_space<hbm>> -> memref<10240x144xf32, #tpu.memory_space<hbm>>
        tpu.enqueue_indirect_dma source(%dma_start3A_853 : memref<10240x144xf32, #tpu.memory_space<hbm>>) target(%arg18 : memref<64x144xf32, #tpu.memory_space<vmem>>) offsets(%dma_start3A_850 : memref<64xi32, #tpu.memory_space<vmem>>) semaphore(%arg23 : memref<!tpu.dma_semaphore, #tpu.memory_space<semaphore_mem>>)
      } else {
      }
      %convert_element_type3A_837 = arith.extui %lt3A_795 : i1 to i32
      %cond3A_838 = arith.constant 0 : i32
      %cond3A_839 = arith.cmpi ne, %convert_element_type3A_837, %cond3A_838 : i32
      scf.if %cond3A_839 {
        %add3A_847 = arith.constant 1 : i32
        %add3A_848 = arith.addi %add3A_745, %add3A_847 : i32
        %get3A_849 = arith.constant 0 : i32
        %get3A_850 = arith.index_cast %get3A_849 : i32 to index
        %get3A_851 = arith.constant 0 : index
        %get3A_852 = tpu.vector_load %arg11[%get3A_850, %get3A_851] {strides = array<i32>} : memref<4x64xi32, #tpu.memory_space<vmem>>, vector<16xi32>,
        %gather3A_853 = tpu.vector_load_idx %arg8[%get3A_852] : memref<10000xf32, #tpu.memory_space<vmem>>[vector<16xi32>], vector<16xf32>,
        %get3A_854 = arith.constant 0 : i32
        %get3A_855 = arith.index_cast %get3A_854 : i32 to index
        %get3A_856 = arith.constant 0 : index
        %get3A_857 = tpu.vector_load %arg12[%get3A_855, %get3A_856] {strides = array<i32>} : memref<4x64xi32, #tpu.memory_space<vmem>>, vector<16xi32>,
        %gather3A_858 = tpu.vector_load_idx %arg9[%get3A_857] : memref<10000xf32, #tpu.memory_space<vmem>>[vector<16xi32>], vector<16xf32>,
        %add3A_859 = arith.addf %gather3A_853, %gather3A_858 : vector<16xf32>
        %gt3A_860 = arith.constant 0.000000e+00 : f32
        %gt3A_861 = vector.broadcast %gt3A_860 : f32 to vector<16xf32>
        %gt3A_862 = arith.cmpf ogt, %add3A_859, %gt3A_861 : vector<16xf32>
        %mul3A_863 = arith.constant 2.000000e-01 : f32
        %mul3A_864 = vector.broadcast %mul3A_863 : f32 to vector<16xf32>
        %mul3A_865 = arith.mulf %mul3A_864, %add3A_859 : vector<16xf32>
        %select_n3A_866 = arith.select %gt3A_862, %add3A_859, %mul3A_865 : vector<16xi1>, vector<16xf32>
        %sub3A_867 = arith.subf %select_n3A_866, %select_n3A : vector<16xf32>
        %exp3A_868 = math.exp %sub3A_867 : vector<16xf32>
        %mul3A_869 = arith.constant 256 : i32
        %mul3A_870 = arith.muli %add3A_848, %mul3A_869 : i32
        %add3A_871 = arith.constant 0 : i32
        %add3A_872 = arith.addi %mul3A_870, %add3A_871 : i32
        %iota3A_873 = tpu.iota {dimensions = array<i32: 0>} : vector<16xi32>
        %add3A_874 = vector.broadcast %add3A_872 : i32 to vector<16xi32>
        %add3A_875 = arith.addi %add3A_874, %iota3A_873 : vector<16xi32>
        %lt3A_876 = arith.constant 10000 : i32
        %lt3A_877 = vector.broadcast %lt3A_876 : i32 to vector<16xi32>
        %lt3A_878 = arith.cmpi slt, %add3A_875, %lt3A_877 : vector<16xi32>
        %jit3A_879 = arith.constant 0.000000e+00 : f32
        %broadcast_in_dim3A_880 = vector.broadcast %jit3A_879 : f32 to vector<16xf32>
        %select_n3A_881 = arith.select %lt3A_878, %exp3A_868, %broadcast_in_dim3A_880 : vector<16xi1>, vector<16xf32>
        %swap3A_882 = arith.constant 0 : i32
        %swap3A_883 = arith.index_cast %swap3A_882 : i32 to index
        %swap3A_884 = arith.constant 0 : index
        %swap3A_885 = tpu.vector_load %arg13[%swap3A_883, %swap3A_884] {strides = array<i32>} : memref<4x64xf32, #tpu.memory_space<vmem>>, vector<16xf32>,
        tpu.vector_store %arg13[%swap3A_883, %swap3A_884], %select_n3A_881 {strides = array<i32>} : memref<4x64xf32, #tpu.memory_space<vmem>>, vector<16xf32>,
        %get3A_886 = arith.constant 0 : i32
        %get3A_887 = arith.index_cast %get3A_886 : i32 to index
        %get3A_888 = arith.constant 16 : index
        %get3A_889 = tpu.vector_load %arg11[%get3A_887, %get3A_888] {strides = array<i32>} : memref<4x64xi32, #tpu.memory_space<vmem>>, vector<16xi32>,
        %gather3A_890 = tpu.vector_load_idx %arg8[%get3A_889] : memref<10000xf32, #tpu.memory_space<vmem>>[vector<16xi32>], vector<16xf32>,
        %get3A_891 = arith.constant 0 : i32
        %get3A_892 = arith.index_cast %get3A_891 : i32 to index
        %get3A_893 = arith.constant 16 : index
        %get3A_894 = tpu.vector_load %arg12[%get3A_892, %get3A_893] {strides = array<i32>} : memref<4x64xi32, #tpu.memory_space<vmem>>, vector<16xi32>,
        %gather3A_895 = tpu.vector_load_idx %arg9[%get3A_894] : memref<10000xf32, #tpu.memory_space<vmem>>[vector<16xi32>], vector<16xf32>,
        %add3A_896 = arith.addf %gather3A_890, %gather3A_895 : vector<16xf32>
        %gt3A_897 = arith.constant 0.000000e+00 : f32
        %gt3A_898 = vector.broadcast %gt3A_897 : f32 to vector<16xf32>
        %gt3A_899 = arith.cmpf ogt, %add3A_896, %gt3A_898 : vector<16xf32>
        %mul3A_900 = arith.constant 2.000000e-01 : f32
        %mul3A_901 = vector.broadcast %mul3A_900 : f32 to vector<16xf32>
        %mul3A_902 = arith.mulf %mul3A_901, %add3A_896 : vector<16xf32>
        %select_n3A_903 = arith.select %gt3A_899, %add3A_896, %mul3A_902 : vector<16xi1>, vector<16xf32>
        %sub3A_904 = arith.subf %select_n3A_903, %select_n3A : vector<16xf32>
        %exp3A_905 = math.exp %sub3A_904 : vector<16xf32>
        %mul3A_906 = arith.constant 256 : i32
        %mul3A_907 = arith.muli %add3A_848, %mul3A_906 : i32
        %add3A_908 = arith.constant 16 : i32
        %add3A_909 = arith.addi %mul3A_907, %add3A_908 : i32
        %iota3A_910 = tpu.iota {dimensions = array<i32: 0>} : vector<16xi32>
        %add3A_911 = vector.broadcast %add3A_909 : i32 to vector<16xi32>
        %add3A_912 = arith.addi %add3A_911, %iota3A_910 : vector<16xi32>
        %lt3A_913 = arith.constant 10000 : i32
        %lt3A_914 = vector.broadcast %lt3A_913 : i32 to vector<16xi32>
        %lt3A_915 = arith.cmpi slt, %add3A_912, %lt3A_914 : vector<16xi32>
        %jit3A_916 = arith.constant 0.000000e+00 : f32
        %broadcast_in_dim3A_917 = vector.broadcast %jit3A_916 : f32 to vector<16xf32>
        %select_n3A_918 = arith.select %lt3A_915, %exp3A_905, %broadcast_in_dim3A_917 : vector<16xi1>, vector<16xf32>
        %swap3A_919 = arith.constant 0 : i32
        %swap3A_920 = arith.index_cast %swap3A_919 : i32 to index
        %swap3A_921 = arith.constant 16 : index
        %swap3A_922 = tpu.vector_load %arg13[%swap3A_920, %swap3A_921] {strides = array<i32>} : memref<4x64xf32, #tpu.memory_space<vmem>>, vector<16xf32>,
        tpu.vector_store %arg13[%swap3A_920, %swap3A_921], %select_n3A_918 {strides = array<i32>} : memref<4x64xf32, #tpu.memory_space<vmem>>, vector<16xf32>,
        %get3A_923 = arith.constant 0 : i32
        %get3A_924 = arith.index_cast %get3A_923 : i32 to index
        %get3A_925 = arith.constant 32 : index
        %get3A_926 = tpu.vector_load %arg11[%get3A_924, %get3A_925] {strides = array<i32>} : memref<4x64xi32, #tpu.memory_space<vmem>>, vector<16xi32>,
        %gather3A_927 = tpu.vector_load_idx %arg8[%get3A_926] : memref<10000xf32, #tpu.memory_space<vmem>>[vector<16xi32>], vector<16xf32>,
        %get3A_928 = arith.constant 0 : i32
        %get3A_929 = arith.index_cast %get3A_928 : i32 to index
        %get3A_930 = arith.constant 32 : index
        %get3A_931 = tpu.vector_load %arg12[%get3A_929, %get3A_930] {strides = array<i32>} : memref<4x64xi32, #tpu.memory_space<vmem>>, vector<16xi32>,
        %gather3A_932 = tpu.vector_load_idx %arg9[%get3A_931] : memref<10000xf32, #tpu.memory_space<vmem>>[vector<16xi32>], vector<16xf32>,
        %add3A_933 = arith.addf %gather3A_927, %gather3A_932 : vector<16xf32>
        %gt3A_934 = arith.constant 0.000000e+00 : f32
        %gt3A_935 = vector.broadcast %gt3A_934 : f32 to vector<16xf32>
        %gt3A_936 = arith.cmpf ogt, %add3A_933, %gt3A_935 : vector<16xf32>
        %mul3A_937 = arith.constant 2.000000e-01 : f32
        %mul3A_938 = vector.broadcast %mul3A_937 : f32 to vector<16xf32>
        %mul3A_939 = arith.mulf %mul3A_938, %add3A_933 : vector<16xf32>
        %select_n3A_940 = arith.select %gt3A_936, %add3A_933, %mul3A_939 : vector<16xi1>, vector<16xf32>
        %sub3A_941 = arith.subf %select_n3A_940, %select_n3A : vector<16xf32>
        %exp3A_942 = math.exp %sub3A_941 : vector<16xf32>
        %mul3A_943 = arith.constant 256 : i32
        %mul3A_944 = arith.muli %add3A_848, %mul3A_943 : i32
        %add3A_945 = arith.constant 32 : i32
        %add3A_946 = arith.addi %mul3A_944, %add3A_945 : i32
        %iota3A_947 = tpu.iota {dimensions = array<i32: 0>} : vector<16xi32>
        %add3A_948 = vector.broadcast %add3A_946 : i32 to vector<16xi32>
        %add3A_949 = arith.addi %add3A_948, %iota3A_947 : vector<16xi32>
        %lt3A_950 = arith.constant 10000 : i32
        %lt3A_951 = vector.broadcast %lt3A_950 : i32 to vector<16xi32>
        %lt3A_952 = arith.cmpi slt, %add3A_949, %lt3A_951 : vector<16xi32>
        %jit3A_953 = arith.constant 0.000000e+00 : f32
        %broadcast_in_dim3A_954 = vector.broadcast %jit3A_953 : f32 to vector<16xf32>
        %select_n3A_955 = arith.select %lt3A_952, %exp3A_942, %broadcast_in_dim3A_954 : vector<16xi1>, vector<16xf32>
        %swap3A_956 = arith.constant 0 : i32
        %swap3A_957 = arith.index_cast %swap3A_956 : i32 to index
        %swap3A_958 = arith.constant 32 : index
        %swap3A_959 = tpu.vector_load %arg13[%swap3A_957, %swap3A_958] {strides = array<i32>} : memref<4x64xf32, #tpu.memory_space<vmem>>, vector<16xf32>,
        tpu.vector_store %arg13[%swap3A_957, %swap3A_958], %select_n3A_955 {strides = array<i32>} : memref<4x64xf32, #tpu.memory_space<vmem>>, vector<16xf32>,
        %get3A_960 = arith.constant 0 : i32
        %get3A_961 = arith.index_cast %get3A_960 : i32 to index
        %get3A_962 = arith.constant 48 : index
        %get3A_963 = tpu.vector_load %arg11[%get3A_961, %get3A_962] {strides = array<i32>} : memref<4x64xi32, #tpu.memory_space<vmem>>, vector<16xi32>,
        %gather3A_964 = tpu.vector_load_idx %arg8[%get3A_963] : memref<10000xf32, #tpu.memory_space<vmem>>[vector<16xi32>], vector<16xf32>,
        %get3A_965 = arith.constant 0 : i32
        %get3A_966 = arith.index_cast %get3A_965 : i32 to index
        %get3A_967 = arith.constant 48 : index
        %get3A_968 = tpu.vector_load %arg12[%get3A_966, %get3A_967] {strides = array<i32>} : memref<4x64xi32, #tpu.memory_space<vmem>>, vector<16xi32>,
        %gather3A_969 = tpu.vector_load_idx %arg9[%get3A_968] : memref<10000xf32, #tpu.memory_space<vmem>>[vector<16xi32>], vector<16xf32>,
        %add3A_970 = arith.addf %gather3A_964, %gather3A_969 : vector<16xf32>
        %gt3A_971 = arith.constant 0.000000e+00 : f32
        %gt3A_972 = vector.broadcast %gt3A_971 : f32 to vector<16xf32>
        %gt3A_973 = arith.cmpf ogt, %add3A_970, %gt3A_972 : vector<16xf32>
        %mul3A_974 = arith.constant 2.000000e-01 : f32
        %mul3A_975 = vector.broadcast %mul3A_974 : f32 to vector<16xf32>
        %mul3A_976 = arith.mulf %mul3A_975, %add3A_970 : vector<16xf32>
        %select_n3A_977 = arith.select %gt3A_973, %add3A_970, %mul3A_976 : vector<16xi1>, vector<16xf32>
        %sub3A_978 = arith.subf %select_n3A_977, %select_n3A : vector<16xf32>
        %exp3A_979 = math.exp %sub3A_978 : vector<16xf32>
        %mul3A_980 = arith.constant 256 : i32
        %mul3A_981 = arith.muli %add3A_848, %mul3A_980 : i32
        %add3A_982 = arith.constant 48 : i32
        %add3A_983 = arith.addi %mul3A_981, %add3A_982 : i32
        %iota3A_984 = tpu.iota {dimensions = array<i32: 0>} : vector<16xi32>
        %add3A_985 = vector.broadcast %add3A_983 : i32 to vector<16xi32>
        %add3A_986 = arith.addi %add3A_985, %iota3A_984 : vector<16xi32>
        %lt3A_987 = arith.constant 10000 : i32
        %lt3A_988 = vector.broadcast %lt3A_987 : i32 to vector<16xi32>
        %lt3A_989 = arith.cmpi slt, %add3A_986, %lt3A_988 : vector<16xi32>
        %jit3A_990 = arith.constant 0.000000e+00 : f32
        %broadcast_in_dim3A_991 = vector.broadcast %jit3A_990 : f32 to vector<16xf32>
        %select_n3A_992 = arith.select %lt3A_989, %exp3A_979, %broadcast_in_dim3A_991 : vector<16xi1>, vector<16xf32>
        %swap3A_993 = arith.constant 0 : i32
        %swap3A_994 = arith.index_cast %swap3A_993 : i32 to index
        %swap3A_995 = arith.constant 48 : index
        %swap3A_996 = tpu.vector_load %arg13[%swap3A_994, %swap3A_995] {strides = array<i32>} : memref<4x64xf32, #tpu.memory_space<vmem>>, vector<16xf32>,
        tpu.vector_store %arg13[%swap3A_994, %swap3A_995], %select_n3A_992 {strides = array<i32>} : memref<4x64xf32, #tpu.memory_space<vmem>>, vector<16xf32>,
        %get3A_997 = arith.constant 1 : i32
        %get3A_998 = arith.index_cast %get3A_997 : i32 to index
        %get3A_999 = arith.constant 0 : index
        %get3A_1000 = tpu.vector_load %arg11[%get3A_998, %get3A_999] {strides = array<i32>} : memref<4x64xi32, #tpu.memory_space<vmem>>, vector<16xi32>,
        %gather3A_1001 = tpu.vector_load_idx %arg8[%get3A_1000] : memref<10000xf32, #tpu.memory_space<vmem>>[vector<16xi32>], vector<16xf32>,
        %get3A_1002 = arith.constant 1 : i32
        %get3A_1003 = arith.index_cast %get3A_1002 : i32 to index
        %get3A_1004 = arith.constant 0 : index
        %get3A_1005 = tpu.vector_load %arg12[%get3A_1003, %get3A_1004] {strides = array<i32>} : memref<4x64xi32, #tpu.memory_space<vmem>>, vector<16xi32>,
        %gather3A_1006 = tpu.vector_load_idx %arg9[%get3A_1005] : memref<10000xf32, #tpu.memory_space<vmem>>[vector<16xi32>], vector<16xf32>,
        %add3A_1007 = arith.addf %gather3A_1001, %gather3A_1006 : vector<16xf32>
        %gt3A_1008 = arith.constant 0.000000e+00 : f32
        %gt3A_1009 = vector.broadcast %gt3A_1008 : f32 to vector<16xf32>
        %gt3A_1010 = arith.cmpf ogt, %add3A_1007, %gt3A_1009 : vector<16xf32>
        %mul3A_1011 = arith.constant 2.000000e-01 : f32
        %mul3A_1012 = vector.broadcast %mul3A_1011 : f32 to vector<16xf32>
        %mul3A_1013 = arith.mulf %mul3A_1012, %add3A_1007 : vector<16xf32>
        %select_n3A_1014 = arith.select %gt3A_1010, %add3A_1007, %mul3A_1013 : vector<16xi1>, vector<16xf32>
        %sub3A_1015 = arith.subf %select_n3A_1014, %select_n3A : vector<16xf32>
        %exp3A_1016 = math.exp %sub3A_1015 : vector<16xf32>
        %mul3A_1017 = arith.constant 256 : i32
        %mul3A_1018 = arith.muli %add3A_848, %mul3A_1017 : i32
        %add3A_1019 = arith.constant 64 : i32
        %add3A_1020 = arith.addi %mul3A_1018, %add3A_1019 : i32
        %iota3A_1021 = tpu.iota {dimensions = array<i32: 0>} : vector<16xi32>
        %add3A_1022 = vector.broadcast %add3A_1020 : i32 to vector<16xi32>
        %add3A_1023 = arith.addi %add3A_1022, %iota3A_1021 : vector<16xi32>
        %lt3A_1024 = arith.constant 10000 : i32
        %lt3A_1025 = vector.broadcast %lt3A_1024 : i32 to vector<16xi32>
        %lt3A_1026 = arith.cmpi slt, %add3A_1023, %lt3A_1025 : vector<16xi32>
        %jit3A_1027 = arith.constant 0.000000e+00 : f32
        %broadcast_in_dim3A_1028 = vector.broadcast %jit3A_1027 : f32 to vector<16xf32>
        %select_n3A_1029 = arith.select %lt3A_1026, %exp3A_1016, %broadcast_in_dim3A_1028 : vector<16xi1>, vector<16xf32>
        %swap3A_1030 = arith.constant 1 : i32
        %swap3A_1031 = arith.index_cast %swap3A_1030 : i32 to index
        %swap3A_1032 = arith.constant 0 : index
        %swap3A_1033 = tpu.vector_load %arg13[%swap3A_1031, %swap3A_1032] {strides = array<i32>} : memref<4x64xf32, #tpu.memory_space<vmem>>, vector<16xf32>,
        tpu.vector_store %arg13[%swap3A_1031, %swap3A_1032], %select_n3A_1029 {strides = array<i32>} : memref<4x64xf32, #tpu.memory_space<vmem>>, vector<16xf32>,
        %get3A_1034 = arith.constant 1 : i32
        %get3A_1035 = arith.index_cast %get3A_1034 : i32 to index
        %get3A_1036 = arith.constant 16 : index
        %get3A_1037 = tpu.vector_load %arg11[%get3A_1035, %get3A_1036] {strides = array<i32>} : memref<4x64xi32, #tpu.memory_space<vmem>>, vector<16xi32>,
        %gather3A_1038 = tpu.vector_load_idx %arg8[%get3A_1037] : memref<10000xf32, #tpu.memory_space<vmem>>[vector<16xi32>], vector<16xf32>,
        %get3A_1039 = arith.constant 1 : i32
        %get3A_1040 = arith.index_cast %get3A_1039 : i32 to index
        %get3A_1041 = arith.constant 16 : index
        %get3A_1042 = tpu.vector_load %arg12[%get3A_1040, %get3A_1041] {strides = array<i32>} : memref<4x64xi32, #tpu.memory_space<vmem>>, vector<16xi32>,
        %gather3A_1043 = tpu.vector_load_idx %arg9[%get3A_1042] : memref<10000xf32, #tpu.memory_space<vmem>>[vector<16xi32>], vector<16xf32>,
        %add3A_1044 = arith.addf %gather3A_1038, %gather3A_1043 : vector<16xf32>
        %gt3A_1045 = arith.constant 0.000000e+00 : f32
        %gt3A_1046 = vector.broadcast %gt3A_1045 : f32 to vector<16xf32>
        %gt3A_1047 = arith.cmpf ogt, %add3A_1044, %gt3A_1046 : vector<16xf32>
        %mul3A_1048 = arith.constant 2.000000e-01 : f32
        %mul3A_1049 = vector.broadcast %mul3A_1048 : f32 to vector<16xf32>
        %mul3A_1050 = arith.mulf %mul3A_1049, %add3A_1044 : vector<16xf32>
        %select_n3A_1051 = arith.select %gt3A_1047, %add3A_1044, %mul3A_1050 : vector<16xi1>, vector<16xf32>
        %sub3A_1052 = arith.subf %select_n3A_1051, %select_n3A : vector<16xf32>
        %exp3A_1053 = math.exp %sub3A_1052 : vector<16xf32>
        %mul3A_1054 = arith.constant 256 : i32
        %mul3A_1055 = arith.muli %add3A_848, %mul3A_1054 : i32
        %add3A_1056 = arith.constant 80 : i32
        %add3A_1057 = arith.addi %mul3A_1055, %add3A_1056 : i32
        %iota3A_1058 = tpu.iota {dimensions = array<i32: 0>} : vector<16xi32>
        %add3A_1059 = vector.broadcast %add3A_1057 : i32 to vector<16xi32>
        %add3A_1060 = arith.addi %add3A_1059, %iota3A_1058 : vector<16xi32>
        %lt3A_1061 = arith.constant 10000 : i32
        %lt3A_1062 = vector.broadcast %lt3A_1061 : i32 to vector<16xi32>
        %lt3A_1063 = arith.cmpi slt, %add3A_1060, %lt3A_1062 : vector<16xi32>
        %jit3A_1064 = arith.constant 0.000000e+00 : f32
        %broadcast_in_dim3A_1065 = vector.broadcast %jit3A_1064 : f32 to vector<16xf32>
        %select_n3A_1066 = arith.select %lt3A_1063, %exp3A_1053, %broadcast_in_dim3A_1065 : vector<16xi1>, vector<16xf32>
        %swap3A_1067 = arith.constant 1 : i32
        %swap3A_1068 = arith.index_cast %swap3A_1067 : i32 to index
        %swap3A_1069 = arith.constant 16 : index
        %swap3A_1070 = tpu.vector_load %arg13[%swap3A_1068, %swap3A_1069] {strides = array<i32>} : memref<4x64xf32, #tpu.memory_space<vmem>>, vector<16xf32>,
        tpu.vector_store %arg13[%swap3A_1068, %swap3A_1069], %select_n3A_1066 {strides = array<i32>} : memref<4x64xf32, #tpu.memory_space<vmem>>, vector<16xf32>,
        %get3A_1071 = arith.constant 1 : i32
        %get3A_1072 = arith.index_cast %get3A_1071 : i32 to index
        %get3A_1073 = arith.constant 32 : index
        %get3A_1074 = tpu.vector_load %arg11[%get3A_1072, %get3A_1073] {strides = array<i32>} : memref<4x64xi32, #tpu.memory_space<vmem>>, vector<16xi32>,
        %gather3A_1075 = tpu.vector_load_idx %arg8[%get3A_1074] : memref<10000xf32, #tpu.memory_space<vmem>>[vector<16xi32>], vector<16xf32>,
        %get3A_1076 = arith.constant 1 : i32
        %get3A_1077 = arith.index_cast %get3A_1076 : i32 to index
        %get3A_1078 = arith.constant 32 : index
        %get3A_1079 = tpu.vector_load %arg12[%get3A_1077, %get3A_1078] {strides = array<i32>} : memref<4x64xi32, #tpu.memory_space<vmem>>, vector<16xi32>,
        %gather3A_1080 = tpu.vector_load_idx %arg9[%get3A_1079] : memref<10000xf32, #tpu.memory_space<vmem>>[vector<16xi32>], vector<16xf32>,
        %add3A_1081 = arith.addf %gather3A_1075, %gather3A_1080 : vector<16xf32>
        %gt3A_1082 = arith.constant 0.000000e+00 : f32
        %gt3A_1083 = vector.broadcast %gt3A_1082 : f32 to vector<16xf32>
        %gt3A_1084 = arith.cmpf ogt, %add3A_1081, %gt3A_1083 : vector<16xf32>
        %mul3A_1085 = arith.constant 2.000000e-01 : f32
        %mul3A_1086 = vector.broadcast %mul3A_1085 : f32 to vector<16xf32>
        %mul3A_1087 = arith.mulf %mul3A_1086, %add3A_1081 : vector<16xf32>
        %select_n3A_1088 = arith.select %gt3A_1084, %add3A_1081, %mul3A_1087 : vector<16xi1>, vector<16xf32>
        %sub3A_1089 = arith.subf %select_n3A_1088, %select_n3A : vector<16xf32>
        %exp3A_1090 = math.exp %sub3A_1089 : vector<16xf32>
        %mul3A_1091 = arith.constant 256 : i32
        %mul3A_1092 = arith.muli %add3A_848, %mul3A_1091 : i32
        %add3A_1093 = arith.constant 96 : i32
        %add3A_1094 = arith.addi %mul3A_1092, %add3A_1093 : i32
        %iota3A_1095 = tpu.iota {dimensions = array<i32: 0>} : vector<16xi32>
        %add3A_1096 = vector.broadcast %add3A_1094 : i32 to vector<16xi32>
        %add3A_1097 = arith.addi %add3A_1096, %iota3A_1095 : vector<16xi32>
        %lt3A_1098 = arith.constant 10000 : i32
        %lt3A_1099 = vector.broadcast %lt3A_1098 : i32 to vector<16xi32>
        %lt3A_1100 = arith.cmpi slt, %add3A_1097, %lt3A_1099 : vector<16xi32>
        %jit3A_1101 = arith.constant 0.000000e+00 : f32
        %broadcast_in_dim3A_1102 = vector.broadcast %jit3A_1101 : f32 to vector<16xf32>
        %select_n3A_1103 = arith.select %lt3A_1100, %exp3A_1090, %broadcast_in_dim3A_1102 : vector<16xi1>, vector<16xf32>
        %swap3A_1104 = arith.constant 1 : i32
        %swap3A_1105 = arith.index_cast %swap3A_1104 : i32 to index
        %swap3A_1106 = arith.constant 32 : index
        %swap3A_1107 = tpu.vector_load %arg13[%swap3A_1105, %swap3A_1106] {strides = array<i32>} : memref<4x64xf32, #tpu.memory_space<vmem>>, vector<16xf32>,
        tpu.vector_store %arg13[%swap3A_1105, %swap3A_1106], %select_n3A_1103 {strides = array<i32>} : memref<4x64xf32, #tpu.memory_space<vmem>>, vector<16xf32>,
        %get3A_1108 = arith.constant 1 : i32
        %get3A_1109 = arith.index_cast %get3A_1108 : i32 to index
        %get3A_1110 = arith.constant 48 : index
        %get3A_1111 = tpu.vector_load %arg11[%get3A_1109, %get3A_1110] {strides = array<i32>} : memref<4x64xi32, #tpu.memory_space<vmem>>, vector<16xi32>,
        %gather3A_1112 = tpu.vector_load_idx %arg8[%get3A_1111] : memref<10000xf32, #tpu.memory_space<vmem>>[vector<16xi32>], vector<16xf32>,
        %get3A_1113 = arith.constant 1 : i32
        %get3A_1114 = arith.index_cast %get3A_1113 : i32 to index
        %get3A_1115 = arith.constant 48 : index
        %get3A_1116 = tpu.vector_load %arg12[%get3A_1114, %get3A_1115] {strides = array<i32>} : memref<4x64xi32, #tpu.memory_space<vmem>>, vector<16xi32>,
        %gather3A_1117 = tpu.vector_load_idx %arg9[%get3A_1116] : memref<10000xf32, #tpu.memory_space<vmem>>[vector<16xi32>], vector<16xf32>,
        %add3A_1118 = arith.addf %gather3A_1112, %gather3A_1117 : vector<16xf32>
        %gt3A_1119 = arith.constant 0.000000e+00 : f32
        %gt3A_1120 = vector.broadcast %gt3A_1119 : f32 to vector<16xf32>
        %gt3A_1121 = arith.cmpf ogt, %add3A_1118, %gt3A_1120 : vector<16xf32>
        %mul3A_1122 = arith.constant 2.000000e-01 : f32
        %mul3A_1123 = vector.broadcast %mul3A_1122 : f32 to vector<16xf32>
        %mul3A_1124 = arith.mulf %mul3A_1123, %add3A_1118 : vector<16xf32>
        %select_n3A_1125 = arith.select %gt3A_1121, %add3A_1118, %mul3A_1124 : vector<16xi1>, vector<16xf32>
        %sub3A_1126 = arith.subf %select_n3A_1125, %select_n3A : vector<16xf32>
        %exp3A_1127 = math.exp %sub3A_1126 : vector<16xf32>
        %mul3A_1128 = arith.constant 256 : i32
        %mul3A_1129 = arith.muli %add3A_848, %mul3A_1128 : i32
        %add3A_1130 = arith.constant 112 : i32
        %add3A_1131 = arith.addi %mul3A_1129, %add3A_1130 : i32
        %iota3A_1132 = tpu.iota {dimensions = array<i32: 0>} : vector<16xi32>
        %add3A_1133 = vector.broadcast %add3A_1131 : i32 to vector<16xi32>
        %add3A_1134 = arith.addi %add3A_1133, %iota3A_1132 : vector<16xi32>
        %lt3A_1135 = arith.constant 10000 : i32
        %lt3A_1136 = vector.broadcast %lt3A_1135 : i32 to vector<16xi32>
        %lt3A_1137 = arith.cmpi slt, %add3A_1134, %lt3A_1136 : vector<16xi32>
        %jit3A_1138 = arith.constant 0.000000e+00 : f32
        %broadcast_in_dim3A_1139 = vector.broadcast %jit3A_1138 : f32 to vector<16xf32>
        %select_n3A_1140 = arith.select %lt3A_1137, %exp3A_1127, %broadcast_in_dim3A_1139 : vector<16xi1>, vector<16xf32>
        %swap3A_1141 = arith.constant 1 : i32
        %swap3A_1142 = arith.index_cast %swap3A_1141 : i32 to index
        %swap3A_1143 = arith.constant 48 : index
        %swap3A_1144 = tpu.vector_load %arg13[%swap3A_1142, %swap3A_1143] {strides = array<i32>} : memref<4x64xf32, #tpu.memory_space<vmem>>, vector<16xf32>,
        tpu.vector_store %arg13[%swap3A_1142, %swap3A_1143], %select_n3A_1140 {strides = array<i32>} : memref<4x64xf32, #tpu.memory_space<vmem>>, vector<16xf32>,
        %get3A_1145 = arith.constant 2 : i32
        %get3A_1146 = arith.index_cast %get3A_1145 : i32 to index
        %get3A_1147 = arith.constant 0 : index
        %get3A_1148 = tpu.vector_load %arg11[%get3A_1146, %get3A_1147] {strides = array<i32>} : memref<4x64xi32, #tpu.memory_space<vmem>>, vector<16xi32>,
        %gather3A_1149 = tpu.vector_load_idx %arg8[%get3A_1148] : memref<10000xf32, #tpu.memory_space<vmem>>[vector<16xi32>], vector<16xf32>,
        %get3A_1150 = arith.constant 2 : i32
        %get3A_1151 = arith.index_cast %get3A_1150 : i32 to index
        %get3A_1152 = arith.constant 0 : index
        %get3A_1153 = tpu.vector_load %arg12[%get3A_1151, %get3A_1152] {strides = array<i32>} : memref<4x64xi32, #tpu.memory_space<vmem>>, vector<16xi32>,
        %gather3A_1154 = tpu.vector_load_idx %arg9[%get3A_1153] : memref<10000xf32, #tpu.memory_space<vmem>>[vector<16xi32>], vector<16xf32>,
        %add3A_1155 = arith.addf %gather3A_1149, %gather3A_1154 : vector<16xf32>
        %gt3A_1156 = arith.constant 0.000000e+00 : f32
        %gt3A_1157 = vector.broadcast %gt3A_1156 : f32 to vector<16xf32>
        %gt3A_1158 = arith.cmpf ogt, %add3A_1155, %gt3A_1157 : vector<16xf32>
        %mul3A_1159 = arith.constant 2.000000e-01 : f32
        %mul3A_1160 = vector.broadcast %mul3A_1159 : f32 to vector<16xf32>
        %mul3A_1161 = arith.mulf %mul3A_1160, %add3A_1155 : vector<16xf32>
        %select_n3A_1162 = arith.select %gt3A_1158, %add3A_1155, %mul3A_1161 : vector<16xi1>, vector<16xf32>
        %sub3A_1163 = arith.subf %select_n3A_1162, %select_n3A : vector<16xf32>
        %exp3A_1164 = math.exp %sub3A_1163 : vector<16xf32>
        %mul3A_1165 = arith.constant 256 : i32
        %mul3A_1166 = arith.muli %add3A_848, %mul3A_1165 : i32
        %add3A_1167 = arith.constant 128 : i32
        %add3A_1168 = arith.addi %mul3A_1166, %add3A_1167 : i32
        %iota3A_1169 = tpu.iota {dimensions = array<i32: 0>} : vector<16xi32>
        %add3A_1170 = vector.broadcast %add3A_1168 : i32 to vector<16xi32>
        %add3A_1171 = arith.addi %add3A_1170, %iota3A_1169 : vector<16xi32>
        %lt3A_1172 = arith.constant 10000 : i32
        %lt3A_1173 = vector.broadcast %lt3A_1172 : i32 to vector<16xi32>
        %lt3A_1174 = arith.cmpi slt, %add3A_1171, %lt3A_1173 : vector<16xi32>
        %jit3A_1175 = arith.constant 0.000000e+00 : f32
        %broadcast_in_dim3A_1176 = vector.broadcast %jit3A_1175 : f32 to vector<16xf32>
        %select_n3A_1177 = arith.select %lt3A_1174, %exp3A_1164, %broadcast_in_dim3A_1176 : vector<16xi1>, vector<16xf32>
        %swap3A_1178 = arith.constant 2 : i32
        %swap3A_1179 = arith.index_cast %swap3A_1178 : i32 to index
        %swap3A_1180 = arith.constant 0 : index
        %swap3A_1181 = tpu.vector_load %arg13[%swap3A_1179, %swap3A_1180] {strides = array<i32>} : memref<4x64xf32, #tpu.memory_space<vmem>>, vector<16xf32>,
        tpu.vector_store %arg13[%swap3A_1179, %swap3A_1180], %select_n3A_1177 {strides = array<i32>} : memref<4x64xf32, #tpu.memory_space<vmem>>, vector<16xf32>,
        %get3A_1182 = arith.constant 2 : i32
        %get3A_1183 = arith.index_cast %get3A_1182 : i32 to index
        %get3A_1184 = arith.constant 16 : index
        %get3A_1185 = tpu.vector_load %arg11[%get3A_1183, %get3A_1184] {strides = array<i32>} : memref<4x64xi32, #tpu.memory_space<vmem>>, vector<16xi32>,
        %gather3A_1186 = tpu.vector_load_idx %arg8[%get3A_1185] : memref<10000xf32, #tpu.memory_space<vmem>>[vector<16xi32>], vector<16xf32>,
        %get3A_1187 = arith.constant 2 : i32
        %get3A_1188 = arith.index_cast %get3A_1187 : i32 to index
        %get3A_1189 = arith.constant 16 : index
        %get3A_1190 = tpu.vector_load %arg12[%get3A_1188, %get3A_1189] {strides = array<i32>} : memref<4x64xi32, #tpu.memory_space<vmem>>, vector<16xi32>,
        %gather3A_1191 = tpu.vector_load_idx %arg9[%get3A_1190] : memref<10000xf32, #tpu.memory_space<vmem>>[vector<16xi32>], vector<16xf32>,
        %add3A_1192 = arith.addf %gather3A_1186, %gather3A_1191 : vector<16xf32>
        %gt3A_1193 = arith.constant 0.000000e+00 : f32
        %gt3A_1194 = vector.broadcast %gt3A_1193 : f32 to vector<16xf32>
        %gt3A_1195 = arith.cmpf ogt, %add3A_1192, %gt3A_1194 : vector<16xf32>
        %mul3A_1196 = arith.constant 2.000000e-01 : f32
        %mul3A_1197 = vector.broadcast %mul3A_1196 : f32 to vector<16xf32>
        %mul3A_1198 = arith.mulf %mul3A_1197, %add3A_1192 : vector<16xf32>
        %select_n3A_1199 = arith.select %gt3A_1195, %add3A_1192, %mul3A_1198 : vector<16xi1>, vector<16xf32>
        %sub3A_1200 = arith.subf %select_n3A_1199, %select_n3A : vector<16xf32>
        %exp3A_1201 = math.exp %sub3A_1200 : vector<16xf32>
        %mul3A_1202 = arith.constant 256 : i32
        %mul3A_1203 = arith.muli %add3A_848, %mul3A_1202 : i32
        %add3A_1204 = arith.constant 144 : i32
        %add3A_1205 = arith.addi %mul3A_1203, %add3A_1204 : i32
        %iota3A_1206 = tpu.iota {dimensions = array<i32: 0>} : vector<16xi32>
        %add3A_1207 = vector.broadcast %add3A_1205 : i32 to vector<16xi32>
        %add3A_1208 = arith.addi %add3A_1207, %iota3A_1206 : vector<16xi32>
        %lt3A_1209 = arith.constant 10000 : i32
        %lt3A_1210 = vector.broadcast %lt3A_1209 : i32 to vector<16xi32>
        %lt3A_1211 = arith.cmpi slt, %add3A_1208, %lt3A_1210 : vector<16xi32>
        %jit3A_1212 = arith.constant 0.000000e+00 : f32
        %broadcast_in_dim3A_1213 = vector.broadcast %jit3A_1212 : f32 to vector<16xf32>
        %select_n3A_1214 = arith.select %lt3A_1211, %exp3A_1201, %broadcast_in_dim3A_1213 : vector<16xi1>, vector<16xf32>
        %swap3A_1215 = arith.constant 2 : i32
        %swap3A_1216 = arith.index_cast %swap3A_1215 : i32 to index
        %swap3A_1217 = arith.constant 16 : index
        %swap3A_1218 = tpu.vector_load %arg13[%swap3A_1216, %swap3A_1217] {strides = array<i32>} : memref<4x64xf32, #tpu.memory_space<vmem>>, vector<16xf32>,
        tpu.vector_store %arg13[%swap3A_1216, %swap3A_1217], %select_n3A_1214 {strides = array<i32>} : memref<4x64xf32, #tpu.memory_space<vmem>>, vector<16xf32>,
        %get3A_1219 = arith.constant 2 : i32
        %get3A_1220 = arith.index_cast %get3A_1219 : i32 to index
        %get3A_1221 = arith.constant 32 : index
        %get3A_1222 = tpu.vector_load %arg11[%get3A_1220, %get3A_1221] {strides = array<i32>} : memref<4x64xi32, #tpu.memory_space<vmem>>, vector<16xi32>,
        %gather3A_1223 = tpu.vector_load_idx %arg8[%get3A_1222] : memref<10000xf32, #tpu.memory_space<vmem>>[vector<16xi32>], vector<16xf32>,
        %get3A_1224 = arith.constant 2 : i32
        %get3A_1225 = arith.index_cast %get3A_1224 : i32 to index
        %get3A_1226 = arith.constant 32 : index
        %get3A_1227 = tpu.vector_load %arg12[%get3A_1225, %get3A_1226] {strides = array<i32>} : memref<4x64xi32, #tpu.memory_space<vmem>>, vector<16xi32>,
        %gather3A_1228 = tpu.vector_load_idx %arg9[%get3A_1227] : memref<10000xf32, #tpu.memory_space<vmem>>[vector<16xi32>], vector<16xf32>,
        %add3A_1229 = arith.addf %gather3A_1223, %gather3A_1228 : vector<16xf32>
        %gt3A_1230 = arith.constant 0.000000e+00 : f32
        %gt3A_1231 = vector.broadcast %gt3A_1230 : f32 to vector<16xf32>
        %gt3A_1232 = arith.cmpf ogt, %add3A_1229, %gt3A_1231 : vector<16xf32>
        %mul3A_1233 = arith.constant 2.000000e-01 : f32
        %mul3A_1234 = vector.broadcast %mul3A_1233 : f32 to vector<16xf32>
        %mul3A_1235 = arith.mulf %mul3A_1234, %add3A_1229 : vector<16xf32>
        %select_n3A_1236 = arith.select %gt3A_1232, %add3A_1229, %mul3A_1235 : vector<16xi1>, vector<16xf32>
        %sub3A_1237 = arith.subf %select_n3A_1236, %select_n3A : vector<16xf32>
        %exp3A_1238 = math.exp %sub3A_1237 : vector<16xf32>
        %mul3A_1239 = arith.constant 256 : i32
        %mul3A_1240 = arith.muli %add3A_848, %mul3A_1239 : i32
        %add3A_1241 = arith.constant 160 : i32
        %add3A_1242 = arith.addi %mul3A_1240, %add3A_1241 : i32
        %iota3A_1243 = tpu.iota {dimensions = array<i32: 0>} : vector<16xi32>
        %add3A_1244 = vector.broadcast %add3A_1242 : i32 to vector<16xi32>
        %add3A_1245 = arith.addi %add3A_1244, %iota3A_1243 : vector<16xi32>
        %lt3A_1246 = arith.constant 10000 : i32
        %lt3A_1247 = vector.broadcast %lt3A_1246 : i32 to vector<16xi32>
        %lt3A_1248 = arith.cmpi slt, %add3A_1245, %lt3A_1247 : vector<16xi32>
        %jit3A_1249 = arith.constant 0.000000e+00 : f32
        %broadcast_in_dim3A_1250 = vector.broadcast %jit3A_1249 : f32 to vector<16xf32>
        %select_n3A_1251 = arith.select %lt3A_1248, %exp3A_1238, %broadcast_in_dim3A_1250 : vector<16xi1>, vector<16xf32>
        %swap3A_1252 = arith.constant 2 : i32
        %swap3A_1253 = arith.index_cast %swap3A_1252 : i32 to index
        %swap3A_1254 = arith.constant 32 : index
        %swap3A_1255 = tpu.vector_load %arg13[%swap3A_1253, %swap3A_1254] {strides = array<i32>} : memref<4x64xf32, #tpu.memory_space<vmem>>, vector<16xf32>,
        tpu.vector_store %arg13[%swap3A_1253, %swap3A_1254], %select_n3A_1251 {strides = array<i32>} : memref<4x64xf32, #tpu.memory_space<vmem>>, vector<16xf32>,
        %get3A_1256 = arith.constant 2 : i32
        %get3A_1257 = arith.index_cast %get3A_1256 : i32 to index
        %get3A_1258 = arith.constant 48 : index
        %get3A_1259 = tpu.vector_load %arg11[%get3A_1257, %get3A_1258] {strides = array<i32>} : memref<4x64xi32, #tpu.memory_space<vmem>>, vector<16xi32>,
        %gather3A_1260 = tpu.vector_load_idx %arg8[%get3A_1259] : memref<10000xf32, #tpu.memory_space<vmem>>[vector<16xi32>], vector<16xf32>,
        %get3A_1261 = arith.constant 2 : i32
        %get3A_1262 = arith.index_cast %get3A_1261 : i32 to index
        %get3A_1263 = arith.constant 48 : index
        %get3A_1264 = tpu.vector_load %arg12[%get3A_1262, %get3A_1263] {strides = array<i32>} : memref<4x64xi32, #tpu.memory_space<vmem>>, vector<16xi32>,
        %gather3A_1265 = tpu.vector_load_idx %arg9[%get3A_1264] : memref<10000xf32, #tpu.memory_space<vmem>>[vector<16xi32>], vector<16xf32>,
        %add3A_1266 = arith.addf %gather3A_1260, %gather3A_1265 : vector<16xf32>
        %gt3A_1267 = arith.constant 0.000000e+00 : f32
        %gt3A_1268 = vector.broadcast %gt3A_1267 : f32 to vector<16xf32>
        %gt3A_1269 = arith.cmpf ogt, %add3A_1266, %gt3A_1268 : vector<16xf32>
        %mul3A_1270 = arith.constant 2.000000e-01 : f32
        %mul3A_1271 = vector.broadcast %mul3A_1270 : f32 to vector<16xf32>
        %mul3A_1272 = arith.mulf %mul3A_1271, %add3A_1266 : vector<16xf32>
        %select_n3A_1273 = arith.select %gt3A_1269, %add3A_1266, %mul3A_1272 : vector<16xi1>, vector<16xf32>
        %sub3A_1274 = arith.subf %select_n3A_1273, %select_n3A : vector<16xf32>
        %exp3A_1275 = math.exp %sub3A_1274 : vector<16xf32>
        %mul3A_1276 = arith.constant 256 : i32
        %mul3A_1277 = arith.muli %add3A_848, %mul3A_1276 : i32
        %add3A_1278 = arith.constant 176 : i32
        %add3A_1279 = arith.addi %mul3A_1277, %add3A_1278 : i32
        %iota3A_1280 = tpu.iota {dimensions = array<i32: 0>} : vector<16xi32>
        %add3A_1281 = vector.broadcast %add3A_1279 : i32 to vector<16xi32>
        %add3A_1282 = arith.addi %add3A_1281, %iota3A_1280 : vector<16xi32>
        %lt3A_1283 = arith.constant 10000 : i32
        %lt3A_1284 = vector.broadcast %lt3A_1283 : i32 to vector<16xi32>
        %lt3A_1285 = arith.cmpi slt, %add3A_1282, %lt3A_1284 : vector<16xi32>
        %jit3A_1286 = arith.constant 0.000000e+00 : f32
        %broadcast_in_dim3A_1287 = vector.broadcast %jit3A_1286 : f32 to vector<16xf32>
        %select_n3A_1288 = arith.select %lt3A_1285, %exp3A_1275, %broadcast_in_dim3A_1287 : vector<16xi1>, vector<16xf32>
        %swap3A_1289 = arith.constant 2 : i32
        %swap3A_1290 = arith.index_cast %swap3A_1289 : i32 to index
        %swap3A_1291 = arith.constant 48 : index
        %swap3A_1292 = tpu.vector_load %arg13[%swap3A_1290, %swap3A_1291] {strides = array<i32>} : memref<4x64xf32, #tpu.memory_space<vmem>>, vector<16xf32>,
        tpu.vector_store %arg13[%swap3A_1290, %swap3A_1291], %select_n3A_1288 {strides = array<i32>} : memref<4x64xf32, #tpu.memory_space<vmem>>, vector<16xf32>,
        %get3A_1293 = arith.constant 3 : i32
        %get3A_1294 = arith.index_cast %get3A_1293 : i32 to index
        %get3A_1295 = arith.constant 0 : index
        %get3A_1296 = tpu.vector_load %arg11[%get3A_1294, %get3A_1295] {strides = array<i32>} : memref<4x64xi32, #tpu.memory_space<vmem>>, vector<16xi32>,
        %gather3A_1297 = tpu.vector_load_idx %arg8[%get3A_1296] : memref<10000xf32, #tpu.memory_space<vmem>>[vector<16xi32>], vector<16xf32>,
        %get3A_1298 = arith.constant 3 : i32
        %get3A_1299 = arith.index_cast %get3A_1298 : i32 to index
        %get3A_1300 = arith.constant 0 : index
        %get3A_1301 = tpu.vector_load %arg12[%get3A_1299, %get3A_1300] {strides = array<i32>} : memref<4x64xi32, #tpu.memory_space<vmem>>, vector<16xi32>,
        %gather3A_1302 = tpu.vector_load_idx %arg9[%get3A_1301] : memref<10000xf32, #tpu.memory_space<vmem>>[vector<16xi32>], vector<16xf32>,
        %add3A_1303 = arith.addf %gather3A_1297, %gather3A_1302 : vector<16xf32>
        %gt3A_1304 = arith.constant 0.000000e+00 : f32
        %gt3A_1305 = vector.broadcast %gt3A_1304 : f32 to vector<16xf32>
        %gt3A_1306 = arith.cmpf ogt, %add3A_1303, %gt3A_1305 : vector<16xf32>
        %mul3A_1307 = arith.constant 2.000000e-01 : f32
        %mul3A_1308 = vector.broadcast %mul3A_1307 : f32 to vector<16xf32>
        %mul3A_1309 = arith.mulf %mul3A_1308, %add3A_1303 : vector<16xf32>
        %select_n3A_1310 = arith.select %gt3A_1306, %add3A_1303, %mul3A_1309 : vector<16xi1>, vector<16xf32>
        %sub3A_1311 = arith.subf %select_n3A_1310, %select_n3A : vector<16xf32>
        %exp3A_1312 = math.exp %sub3A_1311 : vector<16xf32>
        %mul3A_1313 = arith.constant 256 : i32
        %mul3A_1314 = arith.muli %add3A_848, %mul3A_1313 : i32
        %add3A_1315 = arith.constant 192 : i32
        %add3A_1316 = arith.addi %mul3A_1314, %add3A_1315 : i32
        %iota3A_1317 = tpu.iota {dimensions = array<i32: 0>} : vector<16xi32>
        %add3A_1318 = vector.broadcast %add3A_1316 : i32 to vector<16xi32>
        %add3A_1319 = arith.addi %add3A_1318, %iota3A_1317 : vector<16xi32>
        %lt3A_1320 = arith.constant 10000 : i32
        %lt3A_1321 = vector.broadcast %lt3A_1320 : i32 to vector<16xi32>
        %lt3A_1322 = arith.cmpi slt, %add3A_1319, %lt3A_1321 : vector<16xi32>
        %jit3A_1323 = arith.constant 0.000000e+00 : f32
        %broadcast_in_dim3A_1324 = vector.broadcast %jit3A_1323 : f32 to vector<16xf32>
        %select_n3A_1325 = arith.select %lt3A_1322, %exp3A_1312, %broadcast_in_dim3A_1324 : vector<16xi1>, vector<16xf32>
        %swap3A_1326 = arith.constant 3 : i32
        %swap3A_1327 = arith.index_cast %swap3A_1326 : i32 to index
        %swap3A_1328 = arith.constant 0 : index
        %swap3A_1329 = tpu.vector_load %arg13[%swap3A_1327, %swap3A_1328] {strides = array<i32>} : memref<4x64xf32, #tpu.memory_space<vmem>>, vector<16xf32>,
        tpu.vector_store %arg13[%swap3A_1327, %swap3A_1328], %select_n3A_1325 {strides = array<i32>} : memref<4x64xf32, #tpu.memory_space<vmem>>, vector<16xf32>,
        %get3A_1330 = arith.constant 3 : i32
        %get3A_1331 = arith.index_cast %get3A_1330 : i32 to index
        %get3A_1332 = arith.constant 16 : index
        %get3A_1333 = tpu.vector_load %arg11[%get3A_1331, %get3A_1332] {strides = array<i32>} : memref<4x64xi32, #tpu.memory_space<vmem>>, vector<16xi32>,
        %gather3A_1334 = tpu.vector_load_idx %arg8[%get3A_1333] : memref<10000xf32, #tpu.memory_space<vmem>>[vector<16xi32>], vector<16xf32>,
        %get3A_1335 = arith.constant 3 : i32
        %get3A_1336 = arith.index_cast %get3A_1335 : i32 to index
        %get3A_1337 = arith.constant 16 : index
        %get3A_1338 = tpu.vector_load %arg12[%get3A_1336, %get3A_1337] {strides = array<i32>} : memref<4x64xi32, #tpu.memory_space<vmem>>, vector<16xi32>,
        %gather3A_1339 = tpu.vector_load_idx %arg9[%get3A_1338] : memref<10000xf32, #tpu.memory_space<vmem>>[vector<16xi32>], vector<16xf32>,
        %add3A_1340 = arith.addf %gather3A_1334, %gather3A_1339 : vector<16xf32>
        %gt3A_1341 = arith.constant 0.000000e+00 : f32
        %gt3A_1342 = vector.broadcast %gt3A_1341 : f32 to vector<16xf32>
        %gt3A_1343 = arith.cmpf ogt, %add3A_1340, %gt3A_1342 : vector<16xf32>
        %mul3A_1344 = arith.constant 2.000000e-01 : f32
        %mul3A_1345 = vector.broadcast %mul3A_1344 : f32 to vector<16xf32>
        %mul3A_1346 = arith.mulf %mul3A_1345, %add3A_1340 : vector<16xf32>
        %select_n3A_1347 = arith.select %gt3A_1343, %add3A_1340, %mul3A_1346 : vector<16xi1>, vector<16xf32>
        %sub3A_1348 = arith.subf %select_n3A_1347, %select_n3A : vector<16xf32>
        %exp3A_1349 = math.exp %sub3A_1348 : vector<16xf32>
        %mul3A_1350 = arith.constant 256 : i32
        %mul3A_1351 = arith.muli %add3A_848, %mul3A_1350 : i32
        %add3A_1352 = arith.constant 208 : i32
        %add3A_1353 = arith.addi %mul3A_1351, %add3A_1352 : i32
        %iota3A_1354 = tpu.iota {dimensions = array<i32: 0>} : vector<16xi32>
        %add3A_1355 = vector.broadcast %add3A_1353 : i32 to vector<16xi32>
        %add3A_1356 = arith.addi %add3A_1355, %iota3A_1354 : vector<16xi32>
        %lt3A_1357 = arith.constant 10000 : i32
        %lt3A_1358 = vector.broadcast %lt3A_1357 : i32 to vector<16xi32>
        %lt3A_1359 = arith.cmpi slt, %add3A_1356, %lt3A_1358 : vector<16xi32>
        %jit3A_1360 = arith.constant 0.000000e+00 : f32
        %broadcast_in_dim3A_1361 = vector.broadcast %jit3A_1360 : f32 to vector<16xf32>
        %select_n3A_1362 = arith.select %lt3A_1359, %exp3A_1349, %broadcast_in_dim3A_1361 : vector<16xi1>, vector<16xf32>
        %swap3A_1363 = arith.constant 3 : i32
        %swap3A_1364 = arith.index_cast %swap3A_1363 : i32 to index
        %swap3A_1365 = arith.constant 16 : index
        %swap3A_1366 = tpu.vector_load %arg13[%swap3A_1364, %swap3A_1365] {strides = array<i32>} : memref<4x64xf32, #tpu.memory_space<vmem>>, vector<16xf32>,
        tpu.vector_store %arg13[%swap3A_1364, %swap3A_1365], %select_n3A_1362 {strides = array<i32>} : memref<4x64xf32, #tpu.memory_space<vmem>>, vector<16xf32>,
        %get3A_1367 = arith.constant 3 : i32
        %get3A_1368 = arith.index_cast %get3A_1367 : i32 to index
        %get3A_1369 = arith.constant 32 : index
        %get3A_1370 = tpu.vector_load %arg11[%get3A_1368, %get3A_1369] {strides = array<i32>} : memref<4x64xi32, #tpu.memory_space<vmem>>, vector<16xi32>,
        %gather3A_1371 = tpu.vector_load_idx %arg8[%get3A_1370] : memref<10000xf32, #tpu.memory_space<vmem>>[vector<16xi32>], vector<16xf32>,
        %get3A_1372 = arith.constant 3 : i32
        %get3A_1373 = arith.index_cast %get3A_1372 : i32 to index
        %get3A_1374 = arith.constant 32 : index
        %get3A_1375 = tpu.vector_load %arg12[%get3A_1373, %get3A_1374] {strides = array<i32>} : memref<4x64xi32, #tpu.memory_space<vmem>>, vector<16xi32>,
        %gather3A_1376 = tpu.vector_load_idx %arg9[%get3A_1375] : memref<10000xf32, #tpu.memory_space<vmem>>[vector<16xi32>], vector<16xf32>,
        %add3A_1377 = arith.addf %gather3A_1371, %gather3A_1376 : vector<16xf32>
        %gt3A_1378 = arith.constant 0.000000e+00 : f32
        %gt3A_1379 = vector.broadcast %gt3A_1378 : f32 to vector<16xf32>
        %gt3A_1380 = arith.cmpf ogt, %add3A_1377, %gt3A_1379 : vector<16xf32>
        %mul3A_1381 = arith.constant 2.000000e-01 : f32
        %mul3A_1382 = vector.broadcast %mul3A_1381 : f32 to vector<16xf32>
        %mul3A_1383 = arith.mulf %mul3A_1382, %add3A_1377 : vector<16xf32>
        %select_n3A_1384 = arith.select %gt3A_1380, %add3A_1377, %mul3A_1383 : vector<16xi1>, vector<16xf32>
        %sub3A_1385 = arith.subf %select_n3A_1384, %select_n3A : vector<16xf32>
        %exp3A_1386 = math.exp %sub3A_1385 : vector<16xf32>
        %mul3A_1387 = arith.constant 256 : i32
        %mul3A_1388 = arith.muli %add3A_848, %mul3A_1387 : i32
        %add3A_1389 = arith.constant 224 : i32
        %add3A_1390 = arith.addi %mul3A_1388, %add3A_1389 : i32
        %iota3A_1391 = tpu.iota {dimensions = array<i32: 0>} : vector<16xi32>
        %add3A_1392 = vector.broadcast %add3A_1390 : i32 to vector<16xi32>
        %add3A_1393 = arith.addi %add3A_1392, %iota3A_1391 : vector<16xi32>
        %lt3A_1394 = arith.constant 10000 : i32
        %lt3A_1395 = vector.broadcast %lt3A_1394 : i32 to vector<16xi32>
        %lt3A_1396 = arith.cmpi slt, %add3A_1393, %lt3A_1395 : vector<16xi32>
        %jit3A_1397 = arith.constant 0.000000e+00 : f32
        %broadcast_in_dim3A_1398 = vector.broadcast %jit3A_1397 : f32 to vector<16xf32>
        %select_n3A_1399 = arith.select %lt3A_1396, %exp3A_1386, %broadcast_in_dim3A_1398 : vector<16xi1>, vector<16xf32>
        %swap3A_1400 = arith.constant 3 : i32
        %swap3A_1401 = arith.index_cast %swap3A_1400 : i32 to index
        %swap3A_1402 = arith.constant 32 : index
        %swap3A_1403 = tpu.vector_load %arg13[%swap3A_1401, %swap3A_1402] {strides = array<i32>} : memref<4x64xf32, #tpu.memory_space<vmem>>, vector<16xf32>,
        tpu.vector_store %arg13[%swap3A_1401, %swap3A_1402], %select_n3A_1399 {strides = array<i32>} : memref<4x64xf32, #tpu.memory_space<vmem>>, vector<16xf32>,
        %get3A_1404 = arith.constant 3 : i32
        %get3A_1405 = arith.index_cast %get3A_1404 : i32 to index
        %get3A_1406 = arith.constant 48 : index
        %get3A_1407 = tpu.vector_load %arg11[%get3A_1405, %get3A_1406] {strides = array<i32>} : memref<4x64xi32, #tpu.memory_space<vmem>>, vector<16xi32>,
        %gather3A_1408 = tpu.vector_load_idx %arg8[%get3A_1407] : memref<10000xf32, #tpu.memory_space<vmem>>[vector<16xi32>], vector<16xf32>,
        %get3A_1409 = arith.constant 3 : i32
        %get3A_1410 = arith.index_cast %get3A_1409 : i32 to index
        %get3A_1411 = arith.constant 48 : index
        %get3A_1412 = tpu.vector_load %arg12[%get3A_1410, %get3A_1411] {strides = array<i32>} : memref<4x64xi32, #tpu.memory_space<vmem>>, vector<16xi32>,
        %gather3A_1413 = tpu.vector_load_idx %arg9[%get3A_1412] : memref<10000xf32, #tpu.memory_space<vmem>>[vector<16xi32>], vector<16xf32>,
        %add3A_1414 = arith.addf %gather3A_1408, %gather3A_1413 : vector<16xf32>
        %gt3A_1415 = arith.constant 0.000000e+00 : f32
        %gt3A_1416 = vector.broadcast %gt3A_1415 : f32 to vector<16xf32>
        %gt3A_1417 = arith.cmpf ogt, %add3A_1414, %gt3A_1416 : vector<16xf32>
        %mul3A_1418 = arith.constant 2.000000e-01 : f32
        %mul3A_1419 = vector.broadcast %mul3A_1418 : f32 to vector<16xf32>
        %mul3A_1420 = arith.mulf %mul3A_1419, %add3A_1414 : vector<16xf32>
        %select_n3A_1421 = arith.select %gt3A_1417, %add3A_1414, %mul3A_1420 : vector<16xi1>, vector<16xf32>
        %sub3A_1422 = arith.subf %select_n3A_1421, %select_n3A : vector<16xf32>
        %exp3A_1423 = math.exp %sub3A_1422 : vector<16xf32>
        %mul3A_1424 = arith.constant 256 : i32
        %mul3A_1425 = arith.muli %add3A_848, %mul3A_1424 : i32
        %add3A_1426 = arith.constant 240 : i32
        %add3A_1427 = arith.addi %mul3A_1425, %add3A_1426 : i32
        %iota3A_1428 = tpu.iota {dimensions = array<i32: 0>} : vector<16xi32>
        %add3A_1429 = vector.broadcast %add3A_1427 : i32 to vector<16xi32>
        %add3A_1430 = arith.addi %add3A_1429, %iota3A_1428 : vector<16xi32>
        %lt3A_1431 = arith.constant 10000 : i32
        %lt3A_1432 = vector.broadcast %lt3A_1431 : i32 to vector<16xi32>
        %lt3A_1433 = arith.cmpi slt, %add3A_1430, %lt3A_1432 : vector<16xi32>
        %jit3A_1434 = arith.constant 0.000000e+00 : f32
        %broadcast_in_dim3A_1435 = vector.broadcast %jit3A_1434 : f32 to vector<16xf32>
        %select_n3A_1436 = arith.select %lt3A_1433, %exp3A_1423, %broadcast_in_dim3A_1435 : vector<16xi1>, vector<16xf32>
        %swap3A_1437 = arith.constant 3 : i32
        %swap3A_1438 = arith.index_cast %swap3A_1437 : i32 to index
        %swap3A_1439 = arith.constant 48 : index
        %swap3A_1440 = tpu.vector_load %arg13[%swap3A_1438, %swap3A_1439] {strides = array<i32>} : memref<4x64xf32, #tpu.memory_space<vmem>>, vector<16xf32>,
        tpu.vector_store %arg13[%swap3A_1438, %swap3A_1439], %select_n3A_1436 {strides = array<i32>} : memref<4x64xf32, #tpu.memory_space<vmem>>, vector<16xf32>,
      } else {
      }
      %add3A_840 = arith.constant 2 : i32
      %add3A_841 = arith.addi %add3A_745, %add3A_840 : i32
      %lt3A_842 = arith.constant 40 : i32
      %lt3A_843 = arith.cmpi slt, %add3A_841, %lt3A_842 : i32
      %convert_element_type3A_844 = arith.extui %lt3A_843 : i1 to i32
      %cond3A_845 = arith.constant 0 : i32
      %cond3A_846 = arith.cmpi ne, %convert_element_type3A_844, %cond3A_845 : i32
      scf.if %cond3A_846 {
        %add3A_847 = arith.constant 2 : i32
        %add3A_848 = arith.addi %add3A_745, %add3A_847 : i32
        %mul3A_849 = arith.constant 4 : i32
        %mul3A_850 = arith.muli %add3A_848, %mul3A_849 : i32
        %dma_start3A_851 = arith.constant 0 : i32
        %dma_start3A_852 = tpu.memref_slice %arg2[%arg0, %arg1, %mul3A_850, %dma_start3A_851] : memref<2x16x160x64xi32, #tpu.memory_space<hbm>> -> memref<1x1x4x64xi32, #tpu.memory_space<hbm>>
        %dma_start3A_853 = tpu.memref_squeeze %dma_start3A_852 : memref<1x1x4x64xi32, #tpu.memory_space<hbm>> -> memref<4x64xi32, #tpu.memory_space<hbm>>
        %dma_start3A_854 = arith.constant 0 : i32
        %dma_start3A_855 = tpu.memref_slice %arg2[%arg0, %arg1, %mul3A_850, %dma_start3A_854] : memref<2x16x160x64xi32, #tpu.memory_space<hbm>> -> memref<1x1x4x64xi32, #tpu.memory_space<hbm>>
        %dma_start3A_856 = tpu.memref_squeeze %dma_start3A_855 : memref<1x1x4x64xi32, #tpu.memory_space<hbm>> -> memref<4x64xi32, #tpu.memory_space<hbm>>
        tpu.enqueue_dma source(%dma_start3A_856 : memref<4x64xi32, #tpu.memory_space<hbm>>) target(%arg14 : memref<4x64xi32, #tpu.memory_space<vmem>>) target_semaphore(%arg21 : memref<!tpu.dma_semaphore, #tpu.memory_space<semaphore_mem>>)
        %mul3A_857 = arith.constant 4 : i32
        %mul3A_858 = arith.muli %add3A_848, %mul3A_857 : i32
        %dma_start3A_859 = arith.constant 0 : i32
        %dma_start3A_860 = tpu.memref_slice %arg3[%arg0, %arg1, %mul3A_858, %dma_start3A_859] : memref<2x16x160x64xi32, #tpu.memory_space<hbm>> -> memref<1x1x4x64xi32, #tpu.memory_space<hbm>>
        %dma_start3A_861 = tpu.memref_squeeze %dma_start3A_860 : memref<1x1x4x64xi32, #tpu.memory_space<hbm>> -> memref<4x64xi32, #tpu.memory_space<hbm>>
        %dma_start3A_862 = arith.constant 0 : i32
        %dma_start3A_863 = tpu.memref_slice %arg3[%arg0, %arg1, %mul3A_858, %dma_start3A_862] : memref<2x16x160x64xi32, #tpu.memory_space<hbm>> -> memref<1x1x4x64xi32, #tpu.memory_space<hbm>>
        %dma_start3A_864 = tpu.memref_squeeze %dma_start3A_863 : memref<1x1x4x64xi32, #tpu.memory_space<hbm>> -> memref<4x64xi32, #tpu.memory_space<hbm>>
        tpu.enqueue_dma source(%dma_start3A_864 : memref<4x64xi32, #tpu.memory_space<hbm>>) target(%arg15 : memref<4x64xi32, #tpu.memory_space<vmem>>) target_semaphore(%arg21 : memref<!tpu.dma_semaphore, #tpu.memory_space<semaphore_mem>>)
      } else {
      }
    }
    %scan3A_639 = arith.constant 20 : i32
    %barrier3A_640 = arith.constant 0 : index
    tpu.barrier barrier_id(%barrier3A_640)
    "tpu.region"() ({
      %run_scoped3A = tpu.sem_alloc : memref<!tpu.dma_semaphore, #tpu.memory_space<semaphore_mem>>
      %dma_start3A_641 = arith.constant 0 : i32
      %dma_start3A_642 = tpu.memref_slice %arg7[%arg0, %mul3A_14, %dma_start3A_641] : memref<2x10000x144xf32, #tpu.memory_space<hbm>> -> memref<1x625x144xf32, #tpu.memory_space<hbm>>
      %dma_start3A_643 = tpu.memref_squeeze %dma_start3A_642 : memref<1x625x144xf32, #tpu.memory_space<hbm>> -> memref<625x144xf32, #tpu.memory_space<hbm>>
      %dma_start3A_644 = arith.constant 0 : i32
      %dma_start3A_645 = tpu.memref_slice %arg19[%mul3A_14, %dma_start3A_644] : memref<10000x144xf32, #tpu.memory_space<vmem_shared>> -> memref<625x144xf32, #tpu.memory_space<vmem_shared>>
      tpu.enqueue_dma source(%dma_start3A_645 : memref<625x144xf32, #tpu.memory_space<vmem_shared>>) target(%dma_start3A_643 : memref<625x144xf32, #tpu.memory_space<hbm>>) target_semaphore(%run_scoped3A : memref<!tpu.dma_semaphore, #tpu.memory_space<semaphore_mem>>)
      %dma_wait3A_646 = arith.constant 0 : i32
      %dma_wait3A_647 = tpu.memref_slice %arg7[%arg0, %mul3A_14, %dma_wait3A_646] : memref<2x10000x144xf32, #tpu.memory_space<hbm>> -> memref<1x625x144xf32, #tpu.memory_space<hbm>>
      %dma_wait3A_648 = tpu.memref_squeeze %dma_wait3A_647 : memref<1x625x144xf32, #tpu.memory_space<hbm>> -> memref<625x144xf32, #tpu.memory_space<hbm>>
      %dma_wait3A_649 = arith.constant 0 : i32
      %dma_wait3A_650 = tpu.memref_slice %arg19[%mul3A_14, %dma_wait3A_649] : memref<10000x144xf32, #tpu.memory_space<vmem_shared>> -> memref<625x144xf32, #tpu.memory_space<vmem_shared>>
      tpu.wait_dma2 semaphore(%run_scoped3A : memref<!tpu.dma_semaphore, #tpu.memory_space<semaphore_mem>>) src(%dma_wait3A_650 : memref<625x144xf32, #tpu.memory_space<vmem_shared>>) dst(%dma_wait3A_648 : memref<625x144xf32, #tpu.memory_space<hbm>>)
      tpu.yield
    }) : () -> ()
    return
  }
}

module attributes {stable_mosaic.version = 14 : i64} {
  func.func @_tc1_body(%arg0: i32, %arg1: memref<1024x128xf32, #tpu.memory_space<vmem>>, %arg2: memref<128x128xf32, #tpu.memory_space<vmem>>, %arg3: memref<1x128xf32, #tpu.memory_space<vmem>>, %arg4: memref<2x128xf32, #tpu.memory_space<vmem>>, %arg5: memref<2x1xf32, #tpu.memory_space<vmem>>, %arg6: memref<1024x144xf32, #tpu.memory_space<vmem>>, %arg7: memref<1024xf32, #tpu.memory_space<vmem>>, %arg8: memref<1024xf32, #tpu.memory_space<vmem>>, %arg9: memref<2xf32, #tpu.memory_space<smem>>) attributes {dimension_semantics = [#tpu.dimension_semantics<arbitrary>], iteration_bounds = array<i64: 10>, scalar_prefetch = 0 : i64, scratch_operands = 1 : i64, tpu.core_type = #tpu.core_type<tc>, window_params = [{transform_indices = @transform_0, window_bounds = array<i64: 1024, 128>}, {pipeline_mode = #tpu.pipeline_mode<synchronous>, transform_indices = @transform_1, window_bounds = array<i64: 128, 128>}, {pipeline_mode = #tpu.pipeline_mode<synchronous>, transform_indices = @transform_2, window_bounds = array<i64: 1, 128>}, {pipeline_mode = #tpu.pipeline_mode<synchronous>, transform_indices = @transform_3, window_bounds = array<i64: 2, 128>}, {pipeline_mode = #tpu.pipeline_mode<synchronous>, transform_indices = @transform_4, window_bounds = array<i64: 2, 1>}, {transform_indices = @transform_5, window_bounds = array<i64: 1024, 144>}, {transform_indices = @transform_6, window_bounds = array<i64: 1024>}, {transform_indices = @transform_7, window_bounds = array<i64: 1024>}]} {
    %get3A = arith.constant 0 : index
    %get3A_0 = arith.constant 0 : index
    %get3A_1 = vector.load %arg1[%get3A, %get3A_0] : memref<1024x128xf32, #tpu.memory_space<vmem>>, vector<1024x128xf32>
    %get3A_2 = arith.constant 0 : index
    %get3A_3 = arith.constant 0 : index
    %get3A_4 = vector.load %arg2[%get3A_2, %get3A_3] : memref<128x128xf32, #tpu.memory_space<vmem>>, vector<128x128xf32>
    %dot_general3A = arith.constant dense<0.000000e+00> : vector<1024x128xf32>
    %dot_general3A_5 = tpu.matmul %get3A_1, %get3A_4, %dot_general3A {dimension_numbers = #tpu.dot_dimension_numbers<[1], [1], [0], [0], [0, 0, 1, 0], [], []>, precision = #tpu.contract_precision<fp32>, transpose_lhs_hint = false} : vector<1024x128xf32>, vector<128x128xf32>, vector<1024x128xf32> -> vector<1024x128xf32>
    %get3A_6 = arith.constant 0 : index
    %get3A_7 = arith.constant 0 : index
    %get3A_8 = vector.load %arg3[%get3A_6, %get3A_7] : memref<1x128xf32, #tpu.memory_space<vmem>>, vector<1x128xf32>
    %add3A = vector.broadcast %get3A_8 : vector<1x128xf32> to vector<1024x128xf32>
    %add3A_9 = arith.addf %dot_general3A_5, %add3A : vector<1024x128xf32>
    %iota3A = tpu.iota {dimensions = array<i32: 1>} : vector<1024x16xi32>
    %eq3A = arith.constant 0 : i32
    %eq3A_10 = vector.broadcast %eq3A : i32 to vector<1024x16xi32>
    %eq3A_11 = arith.cmpi eq, %iota3A, %eq3A_10 : vector<1024x16xi32>
    %convert_element_type3A = arith.extui %eq3A_11 : vector<1024x16xi1> to vector<1024x16xi32>
    %convert_element_type3A_12 = arith.sitofp %convert_element_type3A : vector<1024x16xi32> to vector<1024x16xf32>
    %concatenate3A = tpu.concatenate %add3A_9, %convert_element_type3A_12 in 1 : vector<1024x128xf32>, vector<1024x16xf32> -> vector<1024x144xf32>
    %swap3A = arith.constant 0 : index
    %swap3A_13 = arith.constant 0 : index
    %swap3A_14 = vector.load %arg6[%swap3A, %swap3A_13] : memref<1024x144xf32, #tpu.memory_space<vmem>>, vector<1024x144xf32>
    tpu.vector_store %arg6[%swap3A, %swap3A_13], %concatenate3A {strides = array<i32>} : memref<1024x144xf32, #tpu.memory_space<vmem>>, vector<1024x144xf32>,
    %get3A_15 = arith.constant 0 : index
    %get3A_16 = arith.constant 0 : index
    %get3A_17 = vector.load %arg4[%get3A_15, %get3A_16] : memref<2x128xf32, #tpu.memory_space<vmem>>, vector<2x128xf32>
    %dot_general3A_18 = arith.constant dense<0.000000e+00> : vector<2x1024xf32>
    %dot_general3A_19 = tpu.matmul %get3A_17, %add3A_9, %dot_general3A_18 {dimension_numbers = #tpu.dot_dimension_numbers<[1], [1], [0], [0], [0, 0, 1, 0], [], []>, precision = #tpu.contract_precision<fp32>, transpose_lhs_hint = false} : vector<2x128xf32>, vector<1024x128xf32>, vector<2x1024xf32> -> vector<2x1024xf32>
    %get3A_20 = arith.constant 0 : index
    %get3A_21 = arith.constant 0 : index
    %get3A_22 = vector.load %arg5[%get3A_20, %get3A_21] : memref<2x1xf32, #tpu.memory_space<vmem>>, vector<2x1xf32>
    %add3A_23 = vector.broadcast %get3A_22 : vector<2x1xf32> to vector<2x1024xf32>
    %add3A_24 = arith.addf %dot_general3A_19, %add3A_23 : vector<2x1024xf32>
    %slice3A = vector.extract_strided_slice %add3A_24 {offsets = [0, 0], sizes = [1, 1024], strides = [1, 1]} : vector<2x1024xf32> to vector<1x1024xf32>
    %squeeze3A = vector.shape_cast %slice3A : vector<1x1024xf32> to vector<1024xf32>
    %swap3A_25 = arith.constant 0 : index
    %swap3A_26 = vector.load %arg7[%swap3A_25] : memref<1024xf32, #tpu.memory_space<vmem>>, vector<1024xf32>
    tpu.vector_store %arg7[%swap3A_25], %squeeze3A {strides = array<i32>} : memref<1024xf32, #tpu.memory_space<vmem>>, vector<1024xf32>,
    %slice3A_27 = vector.extract_strided_slice %add3A_24 {offsets = [1, 0], sizes = [1, 1024], strides = [1, 1]} : vector<2x1024xf32> to vector<1x1024xf32>
    %squeeze3A_28 = vector.shape_cast %slice3A_27 : vector<1x1024xf32> to vector<1024xf32>
    %swap3A_29 = arith.constant 0 : index
    %swap3A_30 = vector.load %arg8[%swap3A_29] : memref<1024xf32, #tpu.memory_space<vmem>>, vector<1024xf32>
    tpu.vector_store %arg8[%swap3A_29], %squeeze3A_28 {strides = array<i32>} : memref<1024xf32, #tpu.memory_space<vmem>>, vector<1024xf32>,
    %mul3A = arith.constant 1024 : i32
    %mul3A_31 = arith.muli %arg0, %mul3A : i32
    %iota3A_32 = tpu.iota {dimensions = array<i32: 1>} : vector<2x1024xi32>
    %add3A_33 = vector.broadcast %mul3A_31 : i32 to vector<2x1024xi32>
    %add3A_34 = arith.addi %add3A_33, %iota3A_32 : vector<2x1024xi32>
    %lt3A = arith.constant 10000 : i32
    %lt3A_35 = vector.broadcast %lt3A : i32 to vector<2x1024xi32>
    %lt3A_36 = arith.cmpi slt, %add3A_34, %lt3A_35 : vector<2x1024xi32>
    %jit3A = arith.constant 0xFF800000 : f32
    %broadcast_in_dim3A = vector.broadcast %jit3A : f32 to vector<2x1024xf32>
    %select_n3A = arith.select %lt3A_36, %add3A_24, %broadcast_in_dim3A : vector<2x1024xi1>, vector<2x1024xf32>
    %reduce_max3A = arith.constant dense<0xFF800000> : vector<2xf32>
    %reduce_max3A_37 = vector.multi_reduction <maximumf>, %select_n3A, %reduce_max3A [1] : vector<2x1024xf32> to vector<2xf32>
    %eq3A_38 = arith.constant 0 : i32
    %eq3A_39 = arith.cmpi eq, %arg0, %eq3A_38 : i32
    %convert_element_type3A_40 = arith.extui %eq3A_39 : i1 to i32
    %cond3A = arith.constant 0 : i32
    %cond3A_41 = arith.cmpi ne, %convert_element_type3A_40, %cond3A : i32
    scf.if %cond3A_41 {
      %swap3A_60 = arith.constant 0xFF800000 : f32
      %swap3A_61 = arith.constant 0 : index
      %swap3A_62 = memref.load %arg9[%swap3A_61] : memref<2xf32, #tpu.memory_space<smem>>
      memref.store %swap3A_60, %arg9[%swap3A_61] : memref<2xf32, #tpu.memory_space<smem>>
      %swap3A_63 = arith.constant 0xFF800000 : f32
      %swap3A_64 = arith.constant 1 : index
      %swap3A_65 = memref.load %arg9[%swap3A_64] : memref<2xf32, #tpu.memory_space<smem>>
      memref.store %swap3A_63, %arg9[%swap3A_64] : memref<2xf32, #tpu.memory_space<smem>>
    } else {
    }
    %get3A_42 = arith.constant 0 : index
    %get3A_43 = memref.load %arg9[%get3A_42] : memref<2xf32, #tpu.memory_space<smem>>
    %slice3A_44 = vector.extract_strided_slice %reduce_max3A_37 {offsets = [0], sizes = [1], strides = [1]} : vector<2xf32> to vector<1xf32>
    %squeeze3A_45 = vector.extract %slice3A_44[0] : f32 from vector<1xf32>
    %max3A = arith.maximumf %get3A_43, %squeeze3A_45 : f32
    %swap3A_46 = arith.constant 0 : index
    %swap3A_47 = memref.load %arg9[%swap3A_46] : memref<2xf32, #tpu.memory_space<smem>>
    memref.store %max3A, %arg9[%swap3A_46] : memref<2xf32, #tpu.memory_space<smem>>
    %get3A_48 = arith.constant 1 : index
    %get3A_49 = memref.load %arg9[%get3A_48] : memref<2xf32, #tpu.memory_space<smem>>
    %slice3A_50 = vector.extract_strided_slice %reduce_max3A_37 {offsets = [1], sizes = [1], strides = [1]} : vector<2xf32> to vector<1xf32>
    %squeeze3A_51 = vector.extract %slice3A_50[0] : f32 from vector<1xf32>
    %max3A_52 = arith.maximumf %get3A_49, %squeeze3A_51 : f32
    %swap3A_53 = arith.constant 1 : index
    %swap3A_54 = memref.load %arg9[%swap3A_53] : memref<2xf32, #tpu.memory_space<smem>>
    memref.store %max3A_52, %arg9[%swap3A_53] : memref<2xf32, #tpu.memory_space<smem>>
    %eq3A_55 = arith.constant 9 : i32
    %eq3A_56 = arith.cmpi eq, %arg0, %eq3A_55 : i32
    %convert_element_type3A_57 = arith.extui %eq3A_56 : i1 to i32
    %cond3A_58 = arith.constant 0 : i32
    %cond3A_59 = arith.cmpi ne, %convert_element_type3A_57, %cond3A_58 : i32
    scf.if %cond3A_59 {
      %mul3A_60 = arith.constant 1024 : i32
      %mul3A_61 = arith.muli %arg0, %mul3A_60 : i32
      %sub3A = arith.constant 10112 : i32
      %sub3A_62 = arith.subi %sub3A, %mul3A_61 : i32
      %multiple_of3A = tpu.assume_multiple %sub3A_62, 128 : i32
      %get3A_63 = arith.constant 0 : index
      %get3A_64 = memref.load %arg9[%get3A_63] : memref<2xf32, #tpu.memory_space<smem>>
      %broadcast_in_dim3A_65 = vector.broadcast %get3A_64 : f32 to vector<128xf32>
      %swap3A_66 = arith.index_cast %multiple_of3A : i32 to index
      %swap3A_67 = vector.load %arg7[%swap3A_66] : memref<1024xf32, #tpu.memory_space<vmem>>, vector<128xf32>
      tpu.vector_store %arg7[%swap3A_66], %broadcast_in_dim3A_65 {strides = array<i32>} : memref<1024xf32, #tpu.memory_space<vmem>>, vector<128xf32>,
      %get3A_68 = arith.constant 1 : index
      %get3A_69 = memref.load %arg9[%get3A_68] : memref<2xf32, #tpu.memory_space<smem>>
      %broadcast_in_dim3A_70 = vector.broadcast %get3A_69 : f32 to vector<128xf32>
      %swap3A_71 = arith.index_cast %multiple_of3A : i32 to index
      %swap3A_72 = vector.load %arg8[%swap3A_71] : memref<1024xf32, #tpu.memory_space<vmem>>, vector<128xf32>
      tpu.vector_store %arg8[%swap3A_71], %broadcast_in_dim3A_70 {strides = array<i32>} : memref<1024xf32, #tpu.memory_space<vmem>>, vector<128xf32>,
    } else {
    }
    return
  }
  func.func @transform_0(%arg0: i32) -> (i32, i32) {
    %c0_i32 = arith.constant 0 : i32
    %c0_i32_0 = arith.constant 0 : i32
    return %arg0, %c0_i32 : i32, i32
  }
  func.func @transform_1(%arg0: i32) -> (i32, i32) {
    %c0_i32 = arith.constant 0 : i32
    %c0_i32_0 = arith.constant 0 : i32
    %c0_i32_1 = arith.constant 0 : i32
    return %c0_i32, %c0_i32_0 : i32, i32
  }
  func.func @transform_2(%arg0: i32) -> (i32, i32) {
    %c0_i32 = arith.constant 0 : i32
    %c0_i32_0 = arith.constant 0 : i32
    %c0_i32_1 = arith.constant 0 : i32
    return %c0_i32, %c0_i32_0 : i32, i32
  }
  func.func @transform_3(%arg0: i32) -> (i32, i32) {
    %c0_i32 = arith.constant 0 : i32
    %c0_i32_0 = arith.constant 0 : i32
    %c0_i32_1 = arith.constant 0 : i32
    return %c0_i32, %c0_i32_0 : i32, i32
  }
  func.func @transform_4(%arg0: i32) -> (i32, i32) {
    %c0_i32 = arith.constant 0 : i32
    %c0_i32_0 = arith.constant 0 : i32
    %c0_i32_1 = arith.constant 0 : i32
    return %c0_i32, %c0_i32_0 : i32, i32
  }
  func.func @transform_5(%arg0: i32) -> (i32, i32) {
    %c0_i32 = arith.constant 0 : i32
    %c0_i32_0 = arith.constant 0 : i32
    return %arg0, %c0_i32 : i32, i32
  }
  func.func @transform_6(%arg0: i32) -> i32 {
    %c0_i32 = arith.constant 0 : i32
    return %arg0 : i32
  }
  func.func @transform_7(%arg0: i32) -> i32 {
    %c0_i32 = arith.constant 0 : i32
    return %arg0 : i32
  }
}

module attributes {stable_mosaic.version = 14 : i64} {
  func.func @_tc2_body(%arg0: i32, %arg1: memref<2x1000x144xf32, #tpu.memory_space<vmem>>, %arg2: memref<1000x144xf32, #tpu.memory_space<vmem>>, %arg3: memref<1x128xf32, #tpu.memory_space<vmem>>, %arg4: memref<1x128xf32, #tpu.memory_space<vmem>>, %arg5: memref<1000x128xf32, #tpu.memory_space<vmem>>) attributes {dimension_semantics = [#tpu.dimension_semantics<arbitrary>], iteration_bounds = array<i64: 10>, scalar_prefetch = 0 : i64, scratch_operands = 0 : i64, tpu.core_type = #tpu.core_type<tc>, window_params = [{transform_indices = @transform_0, window_bounds = array<i64: 2, 1000, 144>}, {transform_indices = @transform_1, window_bounds = array<i64: 1000, 144>}, {pipeline_mode = #tpu.pipeline_mode<synchronous>, transform_indices = @transform_2, window_bounds = array<i64: 1, 128>}, {pipeline_mode = #tpu.pipeline_mode<synchronous>, transform_indices = @transform_3, window_bounds = array<i64: 1, 128>}, {transform_indices = @transform_4, window_bounds = array<i64: 1000, 128>}]} {
    %get3A = arith.constant 0 : index
    %get3A_0 = arith.constant 0 : index
    %get3A_1 = arith.constant 0 : index
    %get3A_2 = vector.load %arg1[%get3A, %get3A_0, %get3A_1] : memref<2x1000x144xf32, #tpu.memory_space<vmem>>, vector<1x1000x144xf32>
    %get3A_3 = vector.shape_cast %get3A_2 : vector<1x1000x144xf32> to vector<1000x144xf32>
    %get3A_4 = arith.constant 1 : index
    %get3A_5 = arith.constant 0 : index
    %get3A_6 = arith.constant 0 : index
    %get3A_7 = vector.load %arg1[%get3A_4, %get3A_5, %get3A_6] : memref<2x1000x144xf32, #tpu.memory_space<vmem>>, vector<1x1000x144xf32>
    %get3A_8 = vector.shape_cast %get3A_7 : vector<1x1000x144xf32> to vector<1000x144xf32>
    %add3A = arith.addf %get3A_3, %get3A_8 : vector<1000x144xf32>
    %slice3A = vector.extract_strided_slice %add3A {offsets = [0, 128], sizes = [1000, 1], strides = [1, 1]} : vector<1000x144xf32> to vector<1000x1xf32>
    %add3A_9 = arith.constant 1.000000e-16 : f32
    %add3A_10 = vector.broadcast %add3A_9 : f32 to vector<1000x1xf32>
    %add3A_11 = arith.addf %slice3A, %add3A_10 : vector<1000x1xf32>
    %slice3A_12 = vector.extract_strided_slice %add3A {offsets = [0, 0], sizes = [1000, 128], strides = [1, 1]} : vector<1000x144xf32> to vector<1000x128xf32>
    %div3A = vector.broadcast %add3A_11 : vector<1000x1xf32> to vector<1000x128xf32>
    %div3A_13 = arith.divf %slice3A_12, %div3A : vector<1000x128xf32>
    %get3A_14 = arith.constant 0 : index
    %get3A_15 = arith.constant 0 : index
    %get3A_16 = vector.load %arg2[%get3A_14, %get3A_15] : memref<1000x144xf32, #tpu.memory_space<vmem>>, vector<1000x128xf32>
    %add3A_17 = arith.addf %div3A_13, %get3A_16 : vector<1000x128xf32>
    %gt3A = arith.constant 0.000000e+00 : f32
    %gt3A_18 = vector.broadcast %gt3A : f32 to vector<1000x128xf32>
    %gt3A_19 = arith.cmpf ogt, %add3A_17, %gt3A_18 : vector<1000x128xf32>
    %min3A = arith.constant 0.000000e+00 : f32
    %min3A_20 = vector.broadcast %min3A : f32 to vector<1000x128xf32>
    %min3A_21 = arith.minimumf %add3A_17, %min3A_20 : vector<1000x128xf32>
    %exp3A = math.exp %min3A_21 : vector<1000x128xf32>
    %sub3A = arith.constant 1.000000e+00 : f32
    %sub3A_22 = vector.broadcast %sub3A : f32 to vector<1000x128xf32>
    %sub3A_23 = arith.subf %exp3A, %sub3A_22 : vector<1000x128xf32>
    %select_n3A = arith.select %gt3A_19, %add3A_17, %sub3A_23 : vector<1000x128xi1>, vector<1000x128xf32>
    %reduce_sum3A = arith.constant dense<0.000000e+00> : vector<1000xf32>
    %reduce_sum3A_24 = vector.multi_reduction <add>, %select_n3A, %reduce_sum3A [1] : vector<1000x128xf32> to vector<1000xf32>
    %broadcast_in_dim3A = vector.shape_cast %reduce_sum3A_24 : vector<1000xf32> to vector<1000x1xf32>
    %div3A_25 = arith.constant 1.280000e+02 : f32
    %div3A_26 = vector.broadcast %div3A_25 : f32 to vector<1000x1xf32>
    %div3A_27 = arith.divf %broadcast_in_dim3A, %div3A_26 : vector<1000x1xf32>
    %sub3A_28 = vector.broadcast %div3A_27 : vector<1000x1xf32> to vector<1000x128xf32>
    %sub3A_29 = arith.subf %select_n3A, %sub3A_28 : vector<1000x128xf32>
    %mul3A = arith.mulf %sub3A_29, %sub3A_29 : vector<1000x128xf32>
    %reduce_sum3A_30 = arith.constant dense<0.000000e+00> : vector<1000xf32>
    %reduce_sum3A_31 = vector.multi_reduction <add>, %mul3A, %reduce_sum3A_30 [1] : vector<1000x128xf32> to vector<1000xf32>
    %broadcast_in_dim3A_32 = vector.shape_cast %reduce_sum3A_31 : vector<1000xf32> to vector<1000x1xf32>
    %div3A_33 = arith.constant 1.280000e+02 : f32
    %div3A_34 = vector.broadcast %div3A_33 : f32 to vector<1000x1xf32>
    %div3A_35 = arith.divf %broadcast_in_dim3A_32, %div3A_34 : vector<1000x1xf32>
    %add3A_36 = arith.constant 9.99999974E-6 : f32
    %add3A_37 = vector.broadcast %add3A_36 : f32 to vector<1000x1xf32>
    %add3A_38 = arith.addf %div3A_35, %add3A_37 : vector<1000x1xf32>
    %rsqrt3A = math.rsqrt %add3A_38 : vector<1000x1xf32>
    %mul3A_39 = vector.broadcast %rsqrt3A : vector<1000x1xf32> to vector<1000x128xf32>
    %mul3A_40 = arith.mulf %sub3A_29, %mul3A_39 : vector<1000x128xf32>
    %get3A_41 = arith.constant 0 : index
    %get3A_42 = arith.constant 0 : index
    %get3A_43 = vector.load %arg3[%get3A_41, %get3A_42] : memref<1x128xf32, #tpu.memory_space<vmem>>, vector<1x128xf32>
    %mul3A_44 = vector.broadcast %get3A_43 : vector<1x128xf32> to vector<1000x128xf32>
    %mul3A_45 = arith.mulf %mul3A_40, %mul3A_44 : vector<1000x128xf32>
    %get3A_46 = arith.constant 0 : index
    %get3A_47 = arith.constant 0 : index
    %get3A_48 = vector.load %arg4[%get3A_46, %get3A_47] : memref<1x128xf32, #tpu.memory_space<vmem>>, vector<1x128xf32>
    %add3A_49 = vector.broadcast %get3A_48 : vector<1x128xf32> to vector<1000x128xf32>
    %add3A_50 = arith.addf %mul3A_45, %add3A_49 : vector<1000x128xf32>
    %swap3A = arith.constant 0 : index
    %swap3A_51 = arith.constant 0 : index
    %swap3A_52 = vector.load %arg5[%swap3A, %swap3A_51] : memref<1000x128xf32, #tpu.memory_space<vmem>>, vector<1000x128xf32>
    tpu.vector_store %arg5[%swap3A, %swap3A_51], %add3A_50 {strides = array<i32>} : memref<1000x128xf32, #tpu.memory_space<vmem>>, vector<1000x128xf32>,
    return
  }
  func.func @transform_0(%arg0: i32) -> (i32, i32, i32) {
    %c0_i32 = arith.constant 0 : i32
    %c0_i32_0 = arith.constant 0 : i32
    %c0_i32_1 = arith.constant 0 : i32
    return %c0_i32, %arg0, %c0_i32_0 : i32, i32, i32
  }
  func.func @transform_1(%arg0: i32) -> (i32, i32) {
    %c0_i32 = arith.constant 0 : i32
    %c0_i32_0 = arith.constant 0 : i32
    return %arg0, %c0_i32 : i32, i32
  }
  func.func @transform_2(%arg0: i32) -> (i32, i32) {
    %c0_i32 = arith.constant 0 : i32
    %c0_i32_0 = arith.constant 0 : i32
    %c0_i32_1 = arith.constant 0 : i32
    return %c0_i32, %c0_i32_0 : i32, i32
  }
  func.func @transform_3(%arg0: i32) -> (i32, i32) {
    %c0_i32 = arith.constant 0 : i32
    %c0_i32_0 = arith.constant 0 : i32
    %c0_i32_1 = arith.constant 0 : i32
    return %c0_i32, %c0_i32_0 : i32, i32
  }
  func.func @transform_4(%arg0: i32) -> (i32, i32) {
    %c0_i32 = arith.constant 0 : i32
    %c0_i32_0 = arith.constant 0 : i32
    return %arg0, %c0_i32 : i32, i32
  }
}

</mosaic_0001>

<sc_bundles>
// kernel: kernel.5.cloned.1.call-start
scs
__scs_entry_jumppad:
0x0: {  	(pc) =	sbr.rel $0x88, $3  }
0x1: {  	(tag) =	ssettag $0x0;
	lr =	simm.s32 $0x1  }
0x2: {  	[smem:$0x3F99] =	sst lr;
	_ =	strace $0xD0000000  }
0x3: {  	_ = 	snop  }
0x4: {  	_ = 	snop  }
0x5: {  	_ = 	snop  }
0x6: {  	_ = 	snop  }
0x7: {  	_ = 	snop  }
__scs_overlays_trampoline_lowered:
0x8: {  	[smem:$0x3FA8] =	sst s0  }
0x9: {  	[smem:$0x3FA9] =	sst s1  }
0xa: {  	[smem:$0x3FAA] =	sst s2  }
0xb: {  	[smem:$0x3FAB] =	sst s3  }
0xc: {  	[smem:$0x3FAC] =	sst s4  }
0xd: {  	[smem:$0x3FAD] =	sst s5  }
0xe: {  	[smem:$0x3FAE] =	sst s6  }
0xf: {  	[smem:$0x3FAF] =	sst s7  }
0x10: {  	[smem:$0x3FB0] =	sst s8  }
0x11: {  	[smem:$0x3FB1] =	sst s9;
	s0 =	simm.s32 @!p0 $0x0  }
0x12: {  	s1 =	sld [smem:$0x3F97];
	s0 =	simm.s32 @p0 $0x1  }
0x13: {  	[smem:$0x3FB2] =	sst s0;
	s0 =	simm.s32 @!p1 $0x0  }
0x14: {  	s2 =	sld [smem:$0x3F96];
	s0 =	simm.s32 @p1 $0x1  }
0x15: {  	[smem:$0x3FB3] =	sst s0;
	s0 =	simm.s32 @!p2 $0x0  }
0x16: {  	s3 =	sld [smem:$0x3FDB];
	s0 =	simm.s32 @p2 $0x1  }
0x17: {  	s4 =	simm.s32 $0x1BF5;
	[smem:$0x3FB5] =	sst s0  }
0x18: {  	s0 =	sld [smem:$0x3F98];
	_ =	swait.ge [sflag:s4], $0x0  }
0x19: {  	s7 =	sld [smem:$0x3F99]  }
0x1a: {  	s8 =	sadd.s32 $0xFFFFE003, lr  }
0x1b: {  	s9 =	sadd.s32 $0xFFFFFEF7, lr;
	s5 =	simm.s32 $0xFFFFFFFF;
	p2 =	slt.u32 s8, $0xFFFFF086  }
0x1c: {  	p1 =	slt.u32 s9, $0xF7A;
	s5 =	simm.s32 @!p2 $0x0  }
0x1d: {  	s5 =	simm.s32 @p1 $0x1;
	p0 =	seq.s32 s7, s2  }
0x1e: {  	s7 =	smul.u32 @!p0 $0xF7A, s2;
	p2 =	seq.s32 @!p0 s5, $0x0  }
0x1f: {  	s9 =	smul.u32 $0xF7A, s1;
	s8 =	simm.s32 @!p0 $0x1BF5;
	p2 =	por !p2, p0  }
0x20: {  	[sflag:s8] =	ssyncset.s32 @!p0 $0xFFFFF086;
	s6 =	sadd.s32 @!p0 s3, s7;
	s7 =	simm.s32 @!p0 $0x108  }
0x21: {  	s3 =	sadd.s32 s3, s9;
	s6 =	sadd.s32 @!p0 $0x88, s6;
	s7 =	simm.s32 @p2 $0x1082  }
0x22: {  	[simem:s7], [sflag:s8] =	dma.local @!p0 [hbm:s6], $0xF7A  }
0x23: {  	s9 =	sor.u32 $0xD0000000, s2;
	s6 =	simm.s32 $0x108;
	_ =	swait.ge @!p0 [sflag:s8], $0x0  }
0x24: {  	s3 =	sadd.s32 $0x88, s3;
	s6 =	simm.s32 @!p1 $0x1082;
	[sflag:s4] =	ssyncset.s32 $0xFFFFF086  }
0x25: {  	[simem:s6], [sflag:s4] =	dma.local [hbm:s3], $0xF7A  }
0x26: {  	[smem:$0x3F99] =	sst s1;
	(tag) =	ssettag s2;
	_ =	strace s9  }
0x27: {  	s1 =	sld [smem:$0x3FA9]  }
0x28: {  	s2 =	sld [smem:$0x3FAA]  }
0x29: {  	s4 =	sld [smem:$0x3FAC]  }
0x2a: {  	p0 =	seq.s32 s5, $0x0;
	s5 =	sld [smem:$0x3FAD]  }
0x2b: {  	s6 =	sld [smem:$0x3FAE]  }
0x2c: {  	s7 =	sld [smem:$0x3FAF]  }
0x2d: {  	s3 =	simm.s32 $0x108;
	s8 =	sld [smem:$0x3FB0]  }
0x2e: {  	s3 =	simm.s32 @!p0 $0x1082;
	s9 =	sld [smem:$0x3FB1]  }
0x2f: {  	lr =	sadd.s32 s0, s3;
	s0 =	sld [smem:$0x3FA8]  }
0x30: {  	s3 =	sld [smem:$0x3FAB]  }
0x31: {  	[smem:$0x3FB4] =	sst s10  }
0x32: {  	s10 =	sld [smem:$0x3FB2];
	_ =	sdelay $0x3  }
0x33: {  	p0 =	seq.s32 s10, $0x1;
	s10 =	sld [smem:$0x3FB4];
	_ =	sdelay $0x3  }
0x34: {  	[smem:$0x3FB4] =	sst s10  }
0x35: {  	s10 =	sld [smem:$0x3FB3];
	_ =	sdelay $0x3  }
0x36: {  	p1 =	seq.s32 s10, $0x1;
	s10 =	sld [smem:$0x3FB4];
	_ =	sdelay $0x3  }
0x37: {  	[smem:$0x3FB4] =	sst s10  }
0x38: {  	s10 =	sld [smem:$0x3FB5]  }
0x39: {  	_ = 	snop;
	(pc) =	sbr.ind lr, $3  }
0x3a: {  	_ = 	snop  }
0x3b: {  	_ = 	snop  }
0x3c: {  	p2 =	seq.s32 s10, $0x1;
	s10 =	sld [smem:$0x3FB4]  }
0x3d: {  	_ =	shalt  }
0x3e: {  	_ =	shalt  }
0x3f: {  	_ =	shalt  }
0x40: {  	_ =	shalt  }
0x41: {  	_ =	shalt  }
0x42: {  	_ =	shalt  }
0x43: {  	_ =	shalt  }
0x44: {  	_ =	shalt  }
0x45: {  	_ =	shalt  }
0x46: {  	_ =	shalt  }
0x47: {  	_ =	shalt  }
0x48: {  	_ =	shalt  }
0x49: {  	_ =	shalt  }
0x4a: {  	_ =	shalt  }
0x4b: {  	_ =	shalt  }
0x4c: {  	_ =	shalt  }
0x4d: {  	_ =	shalt  }
0x4e: {  	_ =	shalt  }
0x4f: {  	_ =	shalt  }
0x50: {  	_ =	shalt  }
0x51: {  	_ =	shalt  }
0x52: {  	_ =	shalt  }
0x53: {  	_ =	shalt  }
0x54: {  	_ =	shalt  }
0x55: {  	_ =	shalt  }
0x56: {  	_ =	shalt  }
0x57: {  	_ =	shalt  }
0x58: {  	_ =	shalt  }
0x59: {  	_ =	shalt  }
0x5a: {  	_ =	shalt  }
0x5b: {  	_ =	shalt  }
0x5c: {  	_ =	shalt  }
0x5d: {  	_ =	shalt  }
0x5e: {  	_ =	shalt  }
0x5f: {  	_ =	shalt  }
0x60: {  	_ =	shalt  }
0x61: {  	_ =	shalt  }
0x62: {  	_ =	shalt  }
0x63: {  	_ =	shalt  }
0x64: {  	_ =	shalt  }
0x65: {  	_ =	shalt  }
0x66: {  	_ =	shalt  }
0x67: {  	_ =	shalt  }
0x68: {  	_ =	shalt  }
0x69: {  	_ =	shalt  }
0x6a: {  	_ =	shalt  }
0x6b: {  	_ =	shalt  }
0x6c: {  	_ =	shalt  }
0x6d: {  	_ =	shalt  }
0x6e: {  	_ =	shalt  }
0x6f: {  	_ =	shalt  }
0x70: {  	_ =	shalt  }
0x71: {  	_ =	shalt  }
0x72: {  	_ =	shalt  }
0x73: {  	_ =	shalt  }
0x74: {  	_ =	shalt  }
0x75: {  	_ =	shalt  }
0x76: {  	_ =	shalt  }
0x77: {  	_ =	shalt  }
0x78: {  	_ =	shalt  }
0x79: {  	_ =	shalt  }
0x7a: {  	_ =	shalt  }
0x7b: {  	_ =	shalt  }
0x7c: {  	_ =	shalt  }
0x7d: {  	_ =	shalt  }
0x7e: {  	_ =	shalt  }
0x7f: {  	_ =	shalt  }
0x80: {  	_ =	shalt  }
0x81: {  	_ =	shalt  }
0x82: {  	_ =	shalt  }
0x83: {  	_ =	shalt  }
0x84: {  	_ =	shalt  }
0x85: {  	_ =	shalt  }
0x86: {  	_ =	shalt  }
0x87: {  	_ =	shalt  }
.Lfunc_end0:
.L_simem_size_0:
called_computation_lowered:
.L_overlay_start_0:
0x88: {  	s2 =	sld [smem:$0x3FD9]  }
0x89: {  	s3 =	sld [smem:$0x3FFE];
	_ =	sdelay $0x1  }
0x8a: {  	s1 =	srdreg.scid  }
0x8b: {  	s0 =	sand.u32 $0x1, s1  }
0x8c: {  	s17 =	sshll.u32 s0, $0xA;
	s2 =	sadd.s32 s3, s2  }
0x8d: {  	s2 =	sadd.s32 s2, s17  }
0x8e: {  	[smem:$0x3FC0] =	sst s2  }
0x8f: {  	_ = 	snop  }
0x90: {  	s2 =	sld [smem:$0x3FD0];
	(tm) =	ssettm $0x1  }
0x91: {  	s18 =	sld [smem:$0x3FFB];
	_ =	sdelay $0x3  }
0x92: {  	_ =	strace s18  }
0x93: {  	s3 =	sld [smem:$0x3FFC];
	_ =	sdelay $0x3  }
0x94: {  	_ =	strace s3  }
0x95: {  	s3 =	sld [smem:$0x3FFD];
	_ =	sdelay $0x3  }
0x96: {  	_ =	strace s3  }
0x97: {  	_ =	strace $0x8FFFFFFF  }
0x98: {  	s19 =	sld [smem:$0x3FDB];
	_ =	sdelay $0x1  }
0x99: {  	s4 =	simm.s32 $_scs_section_size  }
0x9a: {  	s5 =	simm.s32 $_size__tile_overlayer_lowered;
	s6 =	simm.s32 $_tile_overlayer_lowered  }
0x9b: {  	s22 =	simm.s32 $0x1BFF;
	s21 =	sshll.u32 s6, $0x1;
	s3 =	sadd.s32 s4, s19  }
0x9c: {  	s7 =	simm.s32 $0x0;
	s20 =	sshll.u32 s5, $0x1;
	s5 =	sadd.s32 s21, s3  }
0x9d: {  	[timem:s7], [sflag:s22] =	dma.local [hbm:s5], s20  }
0x9e: {  	_ =	swait.ge [sflag:s22], s20  }
0x9f: {  	s4 =	ssub.s32 $0x0, s20;
	[sflag:s22] =	ssyncset.done $0x0  }
0xa0: {  	[sflag:s22] =	ssyncadd.s32 s4;
	_ =	sdelay $0x1  }
0xa1: {  	s23 =	simm.s32 $0x1B8B  }
0xa2: {  	_ =	swait.ge [sflag:s23], $0x1  }
0xa3: {  	[sflag:s23] =	ssyncset.done $0x0  }
0xa4: {  	s25 =	simm.s32 $0x1B8E;
	s24 =	sld [smem:$0x3FFE];
	[sflag:s23] =	ssyncadd.s32 $0xFFFFFFFF  }
0xa5: {  	s26 =	simm.s32 $execute0_lowered;
	[smem:$0x3FD2] =	sst s25  }
0xa6: {  	s5 =	sshll.u32 s26, $0x1;
	_ =	strace $0x80000046;
	[dreg:$0x1] =	wrdreg $0xFFFFFFFF  }
0xa7: {  	s28 =	simm.s32 $_size_execute0_lowered;
	s3 =	sadd.s32 s3, s5;
	[dreg:$0x0] =	wrdreg $0x0  }
0xa8: {  	s5 =	sshll.u32 s28, $0x1;
	[dreg:$0x2] =	wrdreg s3  }
0xa9: {  	[dreg:$0x3] =	wrdreg s5  }
0xaa: {  	[dreg:$0x4] =	wrdreg $0xC0  }
0xab: {  	_ =	task [dreg:s7], $0x5FFFF  }
0xac: {  	[dreg:$0x1] =	wrdreg $0xFFFFFFFF  }
0xad: {  	[dreg:$0x0] =	wrdreg $0x60  }
0xae: {  	[dreg:$0x2] =	wrdreg s2  }
0xaf: {  	[dreg:$0x3] =	wrdreg s24  }
0xb0: {  	[dreg:$0x4] =	wrdreg $0x9C300  }
0xb1: {  	[dreg:$0x5] =	wrdreg $0x9  }
0xb2: {  	_ =	task.clear_ibuf [dreg:s7], $0x6FFFF;
	_ =	strace $0x90000046  }
0xb3: {  	s29 =	simm.s32 $0x9;
	_ =	strace $0x80000048  }
0xb4: {  	_ =	swait.ge [sflag:s29], $0x1  }
0xb5: {  	[sflag:s29] =	ssyncadd.s32 $0xFFFFFFFF  }
0xb6: {  	_ =	strace $0x90000048  }
0xb7: {  	_ =	sfence  }
0xb8: {  	s30 =	sld [smem:$0x0];
	_ =	sdelay $0x2  }
0xb9: {  	s31 =	sshll.u32 s1, $0xD;
	s1 =	sshrl.u32 s1, $0x2  }
0xba: {  	s3 =	sand.u32 $0x4000, s31;
	s1 =	sadd.s32 s1, s30  }
0xbb: {  	s0 =	sor.u32 s3, s0;
	s1 =	sshll.u32 s1, $0x11  }
0xbc: {  	s0 =	sor.u32 s1, s0  }
0xbd: {  	s0 =	sadd.s32 $0x8F2B, s0  }
0xbe: {  	[sflag:s0] =	ssyncadd.remote.s32 $0x1  }
0xbf: {  	_ =	sfence.sel $0xFFFF  }
0xc0: {  	[dreg:$0x0] =	wrdreg $0xFFFFFFFF;
	(pc) =	sbr.abs _section_cstart, $3  }
0xc1: {  	[dreg:$0x1] =	wrdreg $0xFFFFFFFF  }
0xc2: {  	_ =	task.clear_ibuf [dreg:s7], $0x2FFFF;
	_ =	strace $0x9FFFFFFF  }
0xc3: {  	(tm) =	ssettm $0x7FFFFFFF  }
tec
execute0_lowered:
.L_overlay_start_1:
0x0: {  	(tag) =	ssettag $0x1  }
0x1: {  	s1 =	rddreg [dreg:$0x0]  }
0x2: {  	s0 =	rddreg [dreg:$0x1]  }
0x3: {  	s3 =	rddreg [dreg:$0x2];
	s4 =	simm.s32 $0x0;
	s2 =	srdreg.scid  }
0x4: {  	s12 =	stileid.u32;
	[smem:$0x7FF] =	sst s4;
	s2 =	sand.u32 $0x1, s2  }
0x5: {  	s6 =	smul.u32 $0x15F90, s12;
	s5 =	sadd.s32 $0x1400, s0;
	s8 =	sadd.s32 $0xB400, s0  }
0x6: {  	s26 =	sadd.s32 $0xBA00, s0;
	s11 =	smul.u32 $0x57E40, s12;
	s28 =	sadd.s32 $0xB8F0, s0  }
0x7: {  	_ =	strace $0x80000047;
	s7 =	smul.u32 $0x15F900, s2;
	[dreg:$0x4] =	wrdreg s8  }
0x8: {  	[dreg:$0x5] =	wrdreg s26;
	s8 =	sadd.s32 $0xC000, s0;
	s9 =	ssub.s32 $0x2, s2  }
0x9: {  	[dreg:$0x6] =	wrdreg s28;
	s10 =	sshrl.u32 s9, $0x1;
	s11 =	sshrl.u32 s11, $0x2  }
0xa: {  	s20 =	sadd.s32 s6, s3;
	s7 =	sadd.s32 s6, s7;
	s9 =	ssub.s32 s9, s10  }
0xb: {  	[dreg:$0x8] =	wrdreg s20;
	s7 =	sshrl.u32 s7, $0x3;
	s28 =	smax.u32 s9, $0x1  }
0xc: {  	s7 =	sadd.s32 s7, s0;
	s0 =	sadd.s32 $0xBEF0, s0;
	[dreg:$0x17] =	wrdreg s28  }
0xd: {  	[dreg:$0x7] =	wrdreg s0;
	s0 =	sadd.s32 s11, s3;
	s26 =	sadd.s32 $0x39000, s7  }
0xe: {  	s30 =	simm.s32 $0x5;
	s13 =	sadd.s32 $0x2400, s0;
	[dreg:$0x16] =	wrdreg s26  }
0xf: {  	s31 =	simm.s32 $0x2710;
	s14 =	sadd.s32 $0x4800, s0;
	[dreg:$0x9] =	wrdreg s13  }
0x10: {  	s12 =	smul.u32 $0x2800, s12;
	s15 =	sadd.s32 $0x6C00, s0;
	[dreg:$0xa] =	wrdreg s14  }
0x11: {  	s2 =	smul.u32 $0x28000, s2;
	s16 =	sadd.s32 $0x9000, s0;
	[dreg:$0xb] =	wrdreg s15  }
0x12: {  	s6 =	simm.s32 $0x4E30;
	s17 =	sadd.s32 $0xB400, s0;
	[dreg:$0xc] =	wrdreg s16  }
0x13: {  	s10 =	simm.s32 $0x51B0;
	s18 =	sadd.s32 $0xD800, s0;
	[dreg:$0xd] =	wrdreg s17  }
0x14: {  	s9 =	simm.s32 $0x5230;
	s19 =	sadd.s32 $0xFC00, s0;
	[dreg:$0xe] =	wrdreg s18  }
0x15: {  	s7 =	simm.s32 $0x40;
	s22 =	sadd.s32 $0x12000, s0;
	[dreg:$0xf] =	wrdreg s19  }
0x16: {  	s11 =	simm.s32 $0x52F0;
	s0 =	sadd.s32 $0x14400, s0;
	[dreg:$0x10] =	wrdreg s22  }
0x17: {  	s17 =	sadd.s32 s12, s2;
	[dreg:$0x11] =	wrdreg s0;
	s13 =	simm.s32 $0x7830  }
0x18: {  	s14 =	simm.s32 $0x3;
	s15 =	simm.s32 $0x5030;
	s18 =	simm.s32 $0x4  }
0x19: {  	s12 =	simm.s32 $0x51F0;
	s19 =	simm.s32 $0x0;
	s21 =	sshrl.u32 s17, $0x3  }
.Ltmp0:
0x1a: {  	s29 =	sor.u32 $0x300, s17;
	s24 =	sadd.s32 s1, s21;
	(pc) =	sbr.rel .LBB2_1-.Ltmp0, $4  }
0x1b: {  	s23 =	sor.u32 $0x20, s21;
	s2 =	sadd.s32 s5, s21;
	[dreg:$0x12] =	wrdreg s24  }
0x1c: {  	s21 =	simm.s32 $0x2;
	[dreg:$0x13] =	wrdreg s2;
	s25 =	sadd.s32 s1, s23  }
0x1d: {  	s0 =	sadd.s32 s5, s23;
	s2 =	simm.s32 $0x5430;
	[dreg:$0x14] =	wrdreg s25  }
0x1e: {  	v0 =	vimm.f32 $0.0e+00;
	[dreg:$0x15] =	wrdreg s0;
	s0 =	simm.s32 $0x5130;
	s25 =	simm.s32 $0x5330  }
.LBB2_22:
0x1f: {  	s16 =	stileid.u32;
	[bflag:$0x0] =	sbarrier.arrive $0xFFFF  }
0x20: {  	s16 =	sshll.u32 s16, $0x6;
	s20 =	rddreg [dreg:$0x8]  }
0x21: {  	s22 =	rddreg [dreg:$0x16];
	s16 =	sor.u32 $0x1C05, s16;
	s19 =	sshrl.u32 s20, $0x3  }
0x22: {  	[hbm:s22], [sflag:s16] =	dma.local [spmem:s19], $0x2BF2  }
0x23: {  	_ =	swait.ge [sflag:s30], $0x2BF2  }
0x24: {  	s26 =	rddreg [dreg:$0x18]  }
0x25: {  	s28 =	rddreg [dreg:$0x17];
	s19 =	sadd.s32 $0x1, s26  }
0x26: {  	p0 =	sne.s32 s19, s28  }
.Ltmp1:
0x27: {  	_ = 	snop;
	(pc) =	sbr.rel @!p0 .LBB2_23-.Ltmp1, $3  }
0x28: {  	_ =	sdelay $0x1  }
0x29: {  	[sflag:s30] =	ssyncset.done $0x0  }
0x2a: {  	[sflag:s30] =	ssyncadd.s32 $0xFFFFD40E  }
.LBB2_1:
0x2b: {  	[dreg:$0x18] =	wrdreg s19  }
0x2c: {  	s16 =	rddreg [dreg:$0x4]  }
0x2d: {  	[tilespmem:s4], [sflag:$0x5] =	stream.linear.gather [hbm4b:s16+s4], $0x2710, $0x38;
	[tilespmem:$0x1FBC0] =	vst v63  }
0x2e: {  	_ =	swait.ge [sflag:s30], $0x2710  }
0x2f: {  	[sflag:s30] =	ssyncset.done $0x0  }
0x30: {  	s23 =	rddreg [dreg:$0x5];
	[sflag:s30] =	ssyncadd.s32 $0xFFFFD8F0  }
0x31: {  	[tilespmem:s31], [sflag:$0x5] =	stream.linear.gather [hbm4b:s23+s4], $0x2710, $0x38;
	[tilespmem:$0x1FBC0] =	vst v63  }
0x32: {  	_ =	swait.ge [sflag:s30], $0x2710  }
0x33: {  	[sflag:s30] =	ssyncset.done $0x0  }
0x34: {  	s26 =	simm.s32 $0x4E20;
	s24 =	rddreg [dreg:$0x6];
	[sflag:s30] =	ssyncadd.s32 $0xFFFFD8F0  }
0x35: {  	[tilespmem:s26], [sflag:$0x5] =	stream.linear.gather [hbm4b:s24+s4], $0x10, $0x38;
	[tilespmem:$0x1FBC0] =	vst v63  }
0x36: {  	_ =	swait.ge [sflag:s30], $0x10  }
0x37: {  	[sflag:s30] =	ssyncset.done $0x0  }
0x38: {  	s28 =	rddreg [dreg:$0x7];
	[sflag:s30] =	ssyncadd.s32 $0xFFFFFFF0  }
0x39: {  	v1 =	vld [tilespmem:$0x4E20];
	[tilespmem:s26], [sflag:$0x5] =	stream.linear.gather [hbm4b:s28+s4], $0x10, $0x38  }
0x3a: {  	_ =	swait.ge [sflag:s30], $0x10  }
0x3b: {  	[sflag:s30] =	ssyncset.done $0x0  }
0x3c: {  	[sflag:s30] =	ssyncadd.s32 $0xFFFFFFF0  }
0x3d: {  	s19 =	simm.s32 $0x240;
	s16 =	simm.s32 $0x0;
	v2 =	vld [tilespmem:$0x4E20]  }
.LBB2_2:
0x3e: {  	p0 =	sne.s32 s19, $0x8DC0;
	[tilespmem:s16+$0x54B0] =	vst v0  }
0x3f: {  	[tilespmem:s16+$0x5430] =	vst v0  }
0x40: {  	[tilespmem:s16+$0x5440] =	vst v0  }
0x41: {  	[tilespmem:s16+$0x5450] =	vst v0  }
.Ltmp2:
0x42: {  	[tilespmem:s16+$0x5460] =	vst v0;
	(pc) =	sbr.rel @p0 .LBB2_2-.Ltmp2, $4  }
0x43: {  	[tilespmem:s16+$0x5470] =	vst v0  }
0x44: {  	[tilespmem:s16+$0x5480] =	vst v0  }
0x45: {  	[tilespmem:s16+$0x5490] =	vst v0  }
0x46: {  	[tilespmem:s16+$0x54A0] =	vst v0;
	s16 =	sshra.s32 s19, $0x2;
	s19 =	sadd.s32 $0x240, s19  }
0x47: {  	[tilespmem:s16+$0x54B0] =	vst v0  }
0x48: {  	[tilespmem:s16+$0x5430] =	vst v0  }
0x49: {  	[tilespmem:s16+$0x5440] =	vst v0  }
0x4a: {  	[tilespmem:s16+$0x5450] =	vst v0  }
0x4b: {  	[tilespmem:s16+$0x5460] =	vst v0  }
0x4c: {  	[tilespmem:s16+$0x5470] =	vst v0  }
0x4d: {  	[tilespmem:s16+$0x5480] =	vst v0  }
0x4e: {  	[tilespmem:s16+$0x5490] =	vst v0  }
0x4f: {  	[tilespmem:s16+$0x54A0] =	vst v0  }
0x50: {  	[spmem:s20] =	stream.linear.scatter [tilespmem:s2], [sflag:$0x5], $0x2400, $0x38;
	[tilespmem:$0x1FBC0] =	vst v63  }
0x51: {  	_ =	swait.ge [sflag:s30], $0x2400  }
0x52: {  	[sflag:s30] =	ssyncset.done $0x0  }
0x53: {  	s28 =	rddreg [dreg:$0x9];
	[sflag:s30] =	ssyncadd.s32 $0xFFFFDC00  }
0x54: {  	[spmem:s28] =	stream.linear.scatter [tilespmem:s2], [sflag:$0x5], $0x2400, $0x38;
	[tilespmem:$0x1FBC0] =	vst v63  }
0x55: {  	_ =	swait.ge [sflag:s30], $0x2400  }
0x56: {  	[sflag:s30] =	ssyncset.done $0x0  }
0x57: {  	s19 =	rddreg [dreg:$0xa];
	[sflag:s30] =	ssyncadd.s32 $0xFFFFDC00  }
0x58: {  	[spmem:s19] =	stream.linear.scatter [tilespmem:s2], [sflag:$0x5], $0x2400, $0x38;
	[tilespmem:$0x1FBC0] =	vst v63  }
0x59: {  	_ =	swait.ge [sflag:s30], $0x2400  }
0x5a: {  	[sflag:s30] =	ssyncset.done $0x0  }
0x5b: {  	s20 =	rddreg [dreg:$0xb];
	[sflag:s30] =	ssyncadd.s32 $0xFFFFDC00  }
0x5c: {  	[spmem:s20] =	stream.linear.scatter [tilespmem:s2], [sflag:$0x5], $0x2400, $0x38;
	[tilespmem:$0x1FBC0] =	vst v63  }
0x5d: {  	_ =	swait.ge [sflag:s30], $0x2400  }
0x5e: {  	[sflag:s30] =	ssyncset.done $0x0  }
0x5f: {  	s22 =	rddreg [dreg:$0xc];
	[sflag:s30] =	ssyncadd.s32 $0xFFFFDC00  }
0x60: {  	[spmem:s22] =	stream.linear.scatter [tilespmem:s2], [sflag:$0x5], $0x2400, $0x38;
	[tilespmem:$0x1FBC0] =	vst v63  }
0x61: {  	_ =	swait.ge [sflag:s30], $0x2400  }
0x62: {  	[sflag:s30] =	ssyncset.done $0x0  }
0x63: {  	s23 =	rddreg [dreg:$0xd];
	[sflag:s30] =	ssyncadd.s32 $0xFFFFDC00  }
0x64: {  	[spmem:s23] =	stream.linear.scatter [tilespmem:s2], [sflag:$0x5], $0x2400, $0x38;
	[tilespmem:$0x1FBC0] =	vst v63  }
0x65: {  	_ =	swait.ge [sflag:s30], $0x2400  }
0x66: {  	[sflag:s30] =	ssyncset.done $0x0  }
0x67: {  	s24 =	rddreg [dreg:$0xe];
	[sflag:s30] =	ssyncadd.s32 $0xFFFFDC00  }
0x68: {  	[spmem:s24] =	stream.linear.scatter [tilespmem:s2], [sflag:$0x5], $0x2400, $0x38;
	[tilespmem:$0x1FBC0] =	vst v63  }
0x69: {  	_ =	swait.ge [sflag:s30], $0x2400  }
0x6a: {  	[sflag:s30] =	ssyncset.done $0x0  }
0x6b: {  	s26 =	rddreg [dreg:$0xf];
	[sflag:s30] =	ssyncadd.s32 $0xFFFFDC00  }
0x6c: {  	[spmem:s26] =	stream.linear.scatter [tilespmem:s2], [sflag:$0x5], $0x2400, $0x38;
	[tilespmem:$0x1FBC0] =	vst v63  }
0x6d: {  	_ =	swait.ge [sflag:s30], $0x2400  }
0x6e: {  	[sflag:s30] =	ssyncset.done $0x0  }
0x6f: {  	s28 =	rddreg [dreg:$0x10];
	[sflag:s30] =	ssyncadd.s32 $0xFFFFDC00  }
0x70: {  	[spmem:s28] =	stream.linear.scatter [tilespmem:s2], [sflag:$0x5], $0x2400, $0x38;
	[tilespmem:$0x1FBC0] =	vst v63  }
0x71: {  	_ =	swait.ge [sflag:s30], $0x2400  }
0x72: {  	[sflag:s30] =	ssyncset.done $0x0  }
0x73: {  	s19 =	rddreg [dreg:$0x11];
	[sflag:s30] =	ssyncadd.s32 $0xFFFFDC00  }
0x74: {  	[spmem:s19] =	stream.linear.scatter [tilespmem:s2], [sflag:$0x5], $0x1B90, $0x38;
	[tilespmem:$0x1FBC0] =	vst v63  }
0x75: {  	_ =	swait.ge [sflag:s30], $0x1B90  }
0x76: {  	[sflag:s30] =	ssyncset.done $0x0  }
0x77: {  	s16 =	simm.s32 $0x0;
	s19 =	rddreg [dreg:$0x12];
	[sflag:s30] =	ssyncadd.s32 $0xFFFFE470  }
0x78: {  	[tilespmem:s6], [sflag:$0x1] =	stream.linear.gather [hbm4b:s19+s16], $0x100, $0x38;
	[tilespmem:$0x1FBC0] =	vst v63  }
0x79: {  	s22 =	simm.s32 $0x4F30;
	s20 =	rddreg [dreg:$0x13]  }
0x7a: {  	[tilespmem:s22], [sflag:$0x1] =	stream.linear.gather [hbm4b:s20+s16], $0x100, $0x38;
	[tilespmem:$0x1FBC0] =	vst v63  }
0x7b: {  	s23 =	rddreg [dreg:$0x14]  }
0x7c: {  	[tilespmem:s0], [sflag:$0x2] =	stream.linear.gather [hbm4b:s23+s16], $0x100, $0x38;
	[tilespmem:$0x1FBC0] =	vst v63  }
0x7d: {  	s26 =	simm.s32 $0x1;
	s24 =	rddreg [dreg:$0x15]  }
0x7e: {  	[tilespmem:s9], [sflag:$0x2] =	stream.linear.gather [hbm4b:s24+s16], $0x100, $0x38;
	[tilespmem:$0x1FBC0] =	vst v63  }
0x7f: {  	_ =	swait.ge [sflag:s26], $0x100  }
0x80: {  	[sflag:s26] =	ssyncset.done $0x0  }
0x81: {  	[sflag:s26] =	ssyncadd.s32 $0xFFFFFF00  }
0x82: {  	_ =	swait.ge [sflag:s26], $0x100  }
0x83: {  	[sflag:s26] =	ssyncset.done $0x0  }
0x84: {  	[sflag:s26] =	ssyncadd.s32 $0xFFFFFF00  }
0x85: {  	v3 =	vld [tilespmem:$0x4E30]  }
0x86: {  	v4 =	vld [tilespmem:$0x4F30];
	_ =	sdelay $0x6  }
0x87: {  	v3 =	vld.idx.msk [tilespmem:v3+s16+$0x0], $0xffff  }
0x88: {  	v4 =	vld.idx.msk [tilespmem:v4+s31+$0x0], $0xffff;
	_ =	sdelay $0x4  }
0x89: {  	v1 =	vadd.f32 v2, v1;
	v2 =	vadd.f32 v4, v3;
	_ =	sdelay $0x1  }
0x8a: {  	v3 =	vmul.f32 $2.000000030e-01, v1;
	v4 =	vmul.f32 $2.000000030e-01, v2  }
0x8b: {  	vm0 =	vgt.f32 v1, $0.0e+00;
	vm1 =	vgt.f32 v2, $0.0e+00  }
0x8c: {  	v1 =	vsel vm0, v1, v3;
	v2 =	vsel vm1, v2, v4  }
0x8d: {  	v2 =	vsub.f32 v2, v1;
	_ =	sdelay $0x1  }
0x8e: {  	v2 =	vmul.f32 $1.442695020e+00, v2;
	_ =	sdelay $0x1  }
0x8f: {  	(erf) = vpow2.f32 v2;
	_ =	sdelay $0x2  }
0x90: {  	v2 =	vld [tilespmem:$0x4E40]  }
0x91: {  	v3 =	vld [tilespmem:$0x4F40];
	_ =	sdelay $0x4  }
0x92: {  	v49 =	vpop (erf)  }
0x93: {  	[tilespmem:$0x5030] =	vst v49  }
0x94: {  	v2 =	vld.idx.msk [tilespmem:v2+s16+$0x0], $0xffff  }
0x95: {  	v3 =	vld.idx.msk [tilespmem:v3+s31+$0x0], $0xffff;
	_ =	sdelay $0x4  }
0x96: {  	v2 =	vadd.f32 v3, v2;
	_ =	sdelay $0x1  }
0x97: {  	v3 =	vmul.f32 $2.000000030e-01, v2  }
0x98: {  	vm13 =	vgt.f32 v2, $0.0e+00  }
0x99: {  	v2 =	vsel vm13, v2, v3  }
0x9a: {  	v2 =	vsub.f32 v2, v1;
	_ =	sdelay $0x1  }
0x9b: {  	v2 =	vmul.f32 $1.442695020e+00, v2;
	_ =	sdelay $0x1  }
0x9c: {  	(erf) = vpow2.f32 v2;
	_ =	sdelay $0x2  }
0x9d: {  	v2 =	vld [tilespmem:$0x4E50]  }
0x9e: {  	v3 =	vld [tilespmem:$0x4F50];
	_ =	sdelay $0x4  }
0x9f: {  	v50 =	vpop (erf)  }
0xa0: {  	[tilespmem:$0x5040] =	vst v50  }
0xa1: {  	v2 =	vld.idx.msk [tilespmem:v2+s16+$0x0], $0xffff  }
0xa2: {  	v3 =	vld.idx.msk [tilespmem:v3+s31+$0x0], $0xffff;
	_ =	sdelay $0x4  }
0xa3: {  	v2 =	vadd.f32 v3, v2;
	_ =	sdelay $0x1  }
0xa4: {  	v3 =	vmul.f32 $2.000000030e-01, v2  }
0xa5: {  	vm14 =	vgt.f32 v2, $0.0e+00  }
0xa6: {  	v2 =	vsel vm14, v2, v3  }
0xa7: {  	v2 =	vsub.f32 v2, v1;
	_ =	sdelay $0x1  }
0xa8: {  	v2 =	vmul.f32 $1.442695020e+00, v2;
	_ =	sdelay $0x1  }
0xa9: {  	(erf) = vpow2.f32 v2;
	_ =	sdelay $0x2  }
0xaa: {  	v2 =	vld [tilespmem:$0x4E60]  }
0xab: {  	v3 =	vld [tilespmem:$0x4F60];
	_ =	sdelay $0x4  }
0xac: {  	v51 =	vpop (erf)  }
0xad: {  	[tilespmem:$0x5050] =	vst v51  }
0xae: {  	v2 =	vld.idx.msk [tilespmem:v2+s16+$0x0], $0xffff  }
0xaf: {  	v3 =	vld.idx.msk [tilespmem:v3+s31+$0x0], $0xffff;
	_ =	sdelay $0x4  }
0xb0: {  	v2 =	vadd.f32 v3, v2;
	_ =	sdelay $0x1  }
0xb1: {  	v3 =	vmul.f32 $2.000000030e-01, v2  }
0xb2: {  	vm15 =	vgt.f32 v2, $0.0e+00  }
0xb3: {  	v2 =	vsel vm15, v2, v3  }
0xb4: {  	v2 =	vsub.f32 v2, v1;
	_ =	sdelay $0x1  }
0xb5: {  	v2 =	vmul.f32 $1.442695020e+00, v2;
	_ =	sdelay $0x1  }
0xb6: {  	(erf) = vpow2.f32 v2;
	_ =	sdelay $0x2  }
0xb7: {  	v2 =	vld [tilespmem:$0x4E70]  }
0xb8: {  	v3 =	vld [tilespmem:$0x4F70];
	_ =	sdelay $0x4  }
0xb9: {  	v52 =	vpop (erf)  }
0xba: {  	[tilespmem:$0x5060] =	vst v52  }
0xbb: {  	v2 =	vld.idx.msk [tilespmem:v2+s16+$0x0], $0xffff  }
0xbc: {  	v3 =	vld.idx.msk [tilespmem:v3+s31+$0x0], $0xffff;
	_ =	sdelay $0x4  }
0xbd: {  	v2 =	vadd.f32 v3, v2;
	_ =	sdelay $0x1  }
0xbe: {  	v3 =	vmul.f32 $2.000000030e-01, v2  }
0xbf: {  	vm4 =	vgt.f32 v2, $0.0e+00  }
0xc0: {  	v2 =	vsel vm4, v2, v3  }
0xc1: {  	v2 =	vsub.f32 v2, v1;
	_ =	sdelay $0x1  }
0xc2: {  	v2 =	vmul.f32 $1.442695020e+00, v2;
	_ =	sdelay $0x1  }
0xc3: {  	(erf) = vpow2.f32 v2;
	_ =	sdelay $0x2  }
0xc4: {  	v2 =	vld [tilespmem:$0x4E80]  }
0xc5: {  	v3 =	vld [tilespmem:$0x4F80];
	_ =	sdelay $0x4  }
0xc6: {  	v53 =	vpop (erf)  }
0xc7: {  	[tilespmem:$0x5070] =	vst v53  }
0xc8: {  	v2 =	vld.idx.msk [tilespmem:v2+s16+$0x0], $0xffff  }
0xc9: {  	v3 =	vld.idx.msk [tilespmem:v3+s31+$0x0], $0xffff;
	_ =	sdelay $0x4  }
0xca: {  	v2 =	vadd.f32 v3, v2;
	_ =	sdelay $0x1  }
0xcb: {  	v3 =	vmul.f32 $2.000000030e-01, v2  }
0xcc: {  	vm5 =	vgt.f32 v2, $0.0e+00  }
0xcd: {  	v2 =	vsel vm5, v2, v3  }
0xce: {  	v2 =	vsub.f32 v2, v1;
	_ =	sdelay $0x1  }
0xcf: {  	v2 =	vmul.f32 $1.442695020e+00, v2;
	_ =	sdelay $0x1  }
0xd0: {  	(erf) = vpow2.f32 v2;
	_ =	sdelay $0x2  }
0xd1: {  	v2 =	vld [tilespmem:$0x4E90]  }
0xd2: {  	v3 =	vld [tilespmem:$0x4F90];
	_ =	sdelay $0x4  }
0xd3: {  	v54 =	vpop (erf)  }
0xd4: {  	[tilespmem:$0x5080] =	vst v54  }
0xd5: {  	v2 =	vld.idx.msk [tilespmem:v2+s16+$0x0], $0xffff  }
0xd6: {  	v3 =	vld.idx.msk [tilespmem:v3+s31+$0x0], $0xffff;
	_ =	sdelay $0x4  }
0xd7: {  	v2 =	vadd.f32 v3, v2;
	_ =	sdelay $0x1  }
0xd8: {  	v3 =	vmul.f32 $2.000000030e-01, v2  }
0xd9: {  	vm6 =	vgt.f32 v2, $0.0e+00  }
0xda: {  	v2 =	vsel vm6, v2, v3  }
0xdb: {  	v2 =	vsub.f32 v2, v1;
	_ =	sdelay $0x1  }
0xdc: {  	v2 =	vmul.f32 $1.442695020e+00, v2;
	_ =	sdelay $0x1  }
0xdd: {  	(erf) = vpow2.f32 v2;
	_ =	sdelay $0x2  }
0xde: {  	v2 =	vld [tilespmem:$0x4EA0]  }
0xdf: {  	v3 =	vld [tilespmem:$0x4FA0];
	_ =	sdelay $0x4  }
0xe0: {  	v55 =	vpop (erf)  }
0xe1: {  	[tilespmem:$0x5090] =	vst v55  }
0xe2: {  	v2 =	vld.idx.msk [tilespmem:v2+s16+$0x0], $0xffff  }
0xe3: {  	v3 =	vld.idx.msk [tilespmem:v3+s31+$0x0], $0xffff;
	_ =	sdelay $0x4  }
0xe4: {  	v2 =	vadd.f32 v3, v2;
	_ =	sdelay $0x1  }
0xe5: {  	v3 =	vmul.f32 $2.000000030e-01, v2  }
0xe6: {  	vm7 =	vgt.f32 v2, $0.0e+00  }
0xe7: {  	v2 =	vsel vm7, v2, v3  }
0xe8: {  	v2 =	vsub.f32 v2, v1;
	_ =	sdelay $0x1  }
0xe9: {  	v2 =	vmul.f32 $1.442695020e+00, v2;
	_ =	sdelay $0x1  }
0xea: {  	(erf) = vpow2.f32 v2;
	_ =	sdelay $0x2  }
0xeb: {  	v2 =	vld [tilespmem:$0x4EB0]  }
0xec: {  	v3 =	vld [tilespmem:$0x4FB0];
	_ =	sdelay $0x4  }
0xed: {  	v56 =	vpop (erf)  }
0xee: {  	[tilespmem:$0x50A0] =	vst v56  }
0xef: {  	v2 =	vld.idx.msk [tilespmem:v2+s16+$0x0], $0xffff  }
0xf0: {  	v3 =	vld.idx.msk [tilespmem:v3+s31+$0x0], $0xffff;
	_ =	sdelay $0x4  }
0xf1: {  	v2 =	vadd.f32 v3, v2;
	_ =	sdelay $0x1  }
0xf2: {  	v3 =	vmul.f32 $2.000000030e-01, v2  }
0xf3: {  	vm8 =	vgt.f32 v2, $0.0e+00  }
0xf4: {  	v2 =	vsel vm8, v2, v3  }
0xf5: {  	v2 =	vsub.f32 v2, v1;
	_ =	sdelay $0x1  }
0xf6: {  	v2 =	vmul.f32 $1.442695020e+00, v2;
	_ =	sdelay $0x1  }
0xf7: {  	(erf) = vpow2.f32 v2;
	_ =	sdelay $0x2  }
0xf8: {  	v2 =	vld [tilespmem:$0x4EC0]  }
0xf9: {  	v3 =	vld [tilespmem:$0x4FC0];
	_ =	sdelay $0x4  }
0xfa: {  	v57 =	vpop (erf)  }
0xfb: {  	[tilespmem:$0x50B0] =	vst v57  }
0xfc: {  	v2 =	vld.idx.msk [tilespmem:v2+s16+$0x0], $0xffff  }
0xfd: {  	v3 =	vld.idx.msk [tilespmem:v3+s31+$0x0], $0xffff;
	_ =	sdelay $0x4  }
0xfe: {  	v2 =	vadd.f32 v3, v2;
	_ =	sdelay $0x1  }
0xff: {  	v3 =	vmul.f32 $2.000000030e-01, v2  }
0x100: {  	vm9 =	vgt.f32 v2, $0.0e+00  }
0x101: {  	v2 =	vsel vm9, v2, v3  }
0x102: {  	v2 =	vsub.f32 v2, v1;
	_ =	sdelay $0x1  }
0x103: {  	v2 =	vmul.f32 $1.442695020e+00, v2;
	_ =	sdelay $0x1  }
0x104: {  	(erf) = vpow2.f32 v2;
	_ =	sdelay $0x2  }
0x105: {  	v2 =	vld [tilespmem:$0x4ED0]  }
0x106: {  	v3 =	vld [tilespmem:$0x4FD0];
	_ =	sdelay $0x4  }
0x107: {  	v58 =	vpop (erf)  }
0x108: {  	[tilespmem:$0x50C0] =	vst v58  }
0x109: {  	v2 =	vld.idx.msk [tilespmem:v2+s16+$0x0], $0xffff  }
0x10a: {  	v3 =	vld.idx.msk [tilespmem:v3+s31+$0x0], $0xffff;
	_ =	sdelay $0x4  }
0x10b: {  	v2 =	vadd.f32 v3, v2;
	_ =	sdelay $0x1  }
0x10c: {  	v3 =	vmul.f32 $2.000000030e-01, v2  }
0x10d: {  	vm10 =	vgt.f32 v2, $0.0e+00  }
0x10e: {  	v2 =	vsel vm10, v2, v3  }
0x10f: {  	v2 =	vsub.f32 v2, v1;
	_ =	sdelay $0x1  }
0x110: {  	v2 =	vmul.f32 $1.442695020e+00, v2;
	_ =	sdelay $0x1  }
0x111: {  	(erf) = vpow2.f32 v2;
	_ =	sdelay $0x2  }
0x112: {  	v2 =	vld [tilespmem:$0x4EE0]  }
0x113: {  	v3 =	vld [tilespmem:$0x4FE0];
	_ =	sdelay $0x4  }
0x114: {  	v59 =	vpop (erf)  }
0x115: {  	[tilespmem:$0x50D0] =	vst v59  }
0x116: {  	v2 =	vld.idx.msk [tilespmem:v2+s16+$0x0], $0xffff  }
0x117: {  	v3 =	vld.idx.msk [tilespmem:v3+s31+$0x0], $0xffff;
	_ =	sdelay $0x4  }
0x118: {  	v2 =	vadd.f32 v3, v2;
	_ =	sdelay $0x1  }
0x119: {  	v3 =	vmul.f32 $2.000000030e-01, v2  }
0x11a: {  	vm11 =	vgt.f32 v2, $0.0e+00  }
0x11b: {  	v2 =	vsel vm11, v2, v3  }
0x11c: {  	v2 =	vsub.f32 v2, v1;
	_ =	sdelay $0x1  }
0x11d: {  	v2 =	vmul.f32 $1.442695020e+00, v2;
	_ =	sdelay $0x1  }
0x11e: {  	(erf) = vpow2.f32 v2;
	_ =	sdelay $0x2  }
0x11f: {  	v2 =	vld [tilespmem:$0x4EF0]  }
0x120: {  	v3 =	vld [tilespmem:$0x4FF0];
	_ =	sdelay $0x4  }
0x121: {  	v60 =	vpop (erf)  }
0x122: {  	[tilespmem:$0x50E0] =	vst v60  }
0x123: {  	v2 =	vld.idx.msk [tilespmem:v2+s16+$0x0], $0xffff  }
0x124: {  	v3 =	vld.idx.msk [tilespmem:v3+s31+$0x0], $0xffff;
	_ =	sdelay $0x4  }
0x125: {  	v2 =	vadd.f32 v3, v2;
	_ =	sdelay $0x1  }
0x126: {  	v3 =	vmul.f32 $2.000000030e-01, v2  }
0x127: {  	vm12 =	vgt.f32 v2, $0.0e+00  }
0x128: {  	v2 =	vsel vm12, v2, v3  }
0x129: {  	v2 =	vsub.f32 v2, v1;
	_ =	sdelay $0x1  }
0x12a: {  	v2 =	vmul.f32 $1.442695020e+00, v2;
	_ =	sdelay $0x1  }
0x12b: {  	(erf) = vpow2.f32 v2;
	_ =	sdelay $0x2  }
0x12c: {  	v2 =	vld [tilespmem:$0x4F00]  }
0x12d: {  	v3 =	vld [tilespmem:$0x5000];
	_ =	sdelay $0x4  }
0x12e: {  	v61 =	vpop (erf)  }
0x12f: {  	[tilespmem:$0x50F0] =	vst v61  }
0x130: {  	v2 =	vld.idx.msk [tilespmem:v2+s16+$0x0], $0xffff  }
0x131: {  	v3 =	vld.idx.msk [tilespmem:v3+s31+$0x0], $0xffff;
	_ =	sdelay $0x4  }
0x132: {  	v2 =	vadd.f32 v3, v2;
	_ =	sdelay $0x1  }
0x133: {  	v3 =	vmul.f32 $2.000000030e-01, v2  }
0x134: {  	vm13 =	vgt.f32 v2, $0.0e+00  }
0x135: {  	v2 =	vsel vm13, v2, v3  }
0x136: {  	v2 =	vsub.f32 v2, v1;
	_ =	sdelay $0x1  }
0x137: {  	v2 =	vmul.f32 $1.442695020e+00, v2;
	_ =	sdelay $0x1  }
0x138: {  	(erf) = vpow2.f32 v2;
	_ =	sdelay $0x2  }
0x139: {  	v2 =	vld [tilespmem:$0x4F10]  }
0x13a: {  	v3 =	vld [tilespmem:$0x5010];
	_ =	sdelay $0x4  }
0x13b: {  	v62 =	vpop (erf)  }
0x13c: {  	[tilespmem:$0x5100] =	vst v62  }
0x13d: {  	v2 =	vld.idx.msk [tilespmem:v2+s16+$0x0], $0xffff  }
0x13e: {  	v3 =	vld.idx.msk [tilespmem:v3+s31+$0x0], $0xffff;
	_ =	sdelay $0x4  }
0x13f: {  	v2 =	vadd.f32 v3, v2;
	_ =	sdelay $0x1  }
0x140: {  	v3 =	vmul.f32 $2.000000030e-01, v2  }
0x141: {  	vm14 =	vgt.f32 v2, $0.0e+00  }
0x142: {  	v2 =	vsel vm14, v2, v3  }
0x143: {  	v2 =	vsub.f32 v2, v1;
	_ =	sdelay $0x1  }
0x144: {  	v2 =	vmul.f32 $1.442695020e+00, v2;
	_ =	sdelay $0x1  }
0x145: {  	(erf) = vpow2.f32 v2;
	_ =	sdelay $0x2  }
0x146: {  	v2 =	vld [tilespmem:$0x4F20]  }
0x147: {  	v3 =	vld [tilespmem:$0x5020];
	_ =	sdelay $0x4  }
0x148: {  	v63 =	vpop (erf)  }
0x149: {  	[tilespmem:$0x5110] =	vst v63  }
0x14a: {  	v2 =	vld.idx.msk [tilespmem:v2+s16+$0x0], $0xffff  }
0x14b: {  	v3 =	vld.idx.msk [tilespmem:v3+s31+$0x0], $0xffff;
	_ =	sdelay $0x4  }
0x14c: {  	v2 =	vadd.f32 v3, v2;
	_ =	sdelay $0x1  }
0x14d: {  	v3 =	vmul.f32 $2.000000030e-01, v2  }
0x14e: {  	vm15 =	vgt.f32 v2, $0.0e+00  }
0x14f: {  	v2 =	vsel vm15, v2, v3  }
0x150: {  	v2 =	vsub.f32 v2, v1;
	_ =	sdelay $0x1  }
0x151: {  	v2 =	vmul.f32 $1.442695020e+00, v2;
	_ =	sdelay $0x1  }
0x152: {  	(erf) = vpow2.f32 v2;
	_ =	sdelay $0x8  }
0x153: {  	v2 =	vpop (erf)  }
0x154: {  	[tilespmem:$0x5120] =	vst v2  }
0x155: {  	[tilespmem:s2], [sflag:$0x3] =	stream.indirect.gather [hbm4b:s8+s7], $0x90, s22, s7, $0xb8;
	[tilespmem:$0x1FBC0] =	vst v63  }
0x156: {  	s28 =	simm.s32 $0x4F70  }
0x157: {  	[tilespmem:s13], [sflag:$0x4] =	stream.indirect.gather [hbm4b:s8+s7], $0x90, s28, s7, $0xb8;
	[tilespmem:$0x1FBC0] =	vst v63  }
0x158: {  	s19 =	simm.s32 $0x0;
	[bflag:$0x0] =	sbarrier.arrive $0xFFFF  }
.LBB2_4:
0x159: {  	_ =	swait.ge [sflag:s14], $0x2400  }
0x15a: {  	[sflag:s14] =	ssyncset.done $0x0  }
0x15b: {  	v2 =	vmov s16;
	s20 =	simm.s32 $0x5470;
	[sflag:s14] =	ssyncadd.s32 $0xFFFFDC00  }
0x15c: {  	v7 =	vld [tilespmem:s20+$0xFFFFFFC0]  }
0x15d: {  	v10 =	vld [tilespmem:s20+$0x30]  }
0x15e: {  	v8 =	vld [tilespmem:s20+$0x40]  }
0x15f: {  	v12 =	vld [tilespmem:s20+$0xFFFFFFE0]  }
0x160: {  	v3 =	vld.idx.msk [tilespmem:v2+s15+$0x0], $0xffff  }
0x161: {  	v4 =	vld [tilespmem:s20+$0x20]  }
0x162: {  	v5 =	vld [tilespmem:s20+$0xFFFFFFD0]  }
0x163: {  	v6 =	vld [tilespmem:s20+$0x10]  }
0x164: {  	v2 =	vld [tilespmem:s20+$0xFFFFFFF0]  }
0x165: {  	v11 =	vmul.f32 v7, v3;
	v9 =	vmul.f32 v8, v3;
	v7 =	vld [tilespmem:s20+$0x0]  }
0x166: {  	s22 =	simm.s32 $0x1;
	s23 =	simm.s32 $0x5470;
	v8 =	vmul.f32 v12, v3;
	v10 =	vmul.f32 v10, v3  }
.LBB2_5:
0x167: {  	p0 =	sne.s32 s22, $0x3F  }
0x168: {  	[tilespmem:s20+$0xFFFFFFC0] =	vst v11;
	v5 =	vmul.f32 v5, v3;
	v4 =	vmul.f32 v4, v3;
	s23 =	sadd.s32 $0x90, s23;
	s24 =	smov.u32 s22;
	s22 =	sadd.s32 $0x1, s22  }
0x169: {  	v11 =	vmul.f32 v2, v3;
	v2 =	vmul.f32 v6, v3;
	[tilespmem:s20+$0x40] =	vst v9  }
0x16a: {  	v3 =	vmul.f32 v7, v3;
	[tilespmem:s20+$0x30] =	vst v10  }
0x16b: {  	[tilespmem:s20+$0xFFFFFFE0] =	vst v8  }
0x16c: {  	v6 =	vmov s24;
	[tilespmem:s20+$0x10] =	vst v2  }
0x16d: {  	v2 =	vld [tilespmem:s23+$0xFFFFFFF0];
	[tilespmem:s20+$0x0] =	vst v3  }
0x16e: {  	v8 =	vld [tilespmem:s23+$0xFFFFFFC0];
	[tilespmem:s20+$0xFFFFFFF0] =	vst v11  }
0x16f: {  	v10 =	vld [tilespmem:s23+$0x30];
	[tilespmem:s20+$0x20] =	vst v4  }
0x170: {  	v9 =	vld [tilespmem:s23+$0x40];
	[tilespmem:s20+$0xFFFFFFD0] =	vst v5;
	s20 =	smov.u32 s23  }
0x171: {  	v3 =	vld.idx.msk [tilespmem:v6+s15+$0x0], $0xffff  }
0x172: {  	v12 =	vld [tilespmem:s23+$0xFFFFFFE0]  }
0x173: {  	v4 =	vld [tilespmem:s23+$0x20]  }
.Ltmp3:
0x174: {  	v5 =	vld [tilespmem:s23+$0xFFFFFFD0];
	(pc) =	sbr.rel @p0 .LBB2_5-.Ltmp3, $4  }
0x175: {  	v6 =	vld [tilespmem:s23+$0x10]  }
0x176: {  	v7 =	vld [tilespmem:s23+$0x0]  }
0x177: {  	v11 =	vmul.f32 v8, v3;
	v9 =	vmul.f32 v9, v3  }
0x178: {  	v10 =	vmul.f32 v10, v3;
	v8 =	vmul.f32 v12, v3  }
0x179: {  	[tilespmem:s20+$0xFFFFFFC0] =	vst v11  }
0x17a: {  	[tilespmem:s20+$0x40] =	vst v9  }
0x17b: {  	v2 =	vmul.f32 v2, v3;
	[tilespmem:s20+$0x30] =	vst v10  }
0x17c: {  	v4 =	vmul.f32 v4, v3;
	[tilespmem:s20+$0xFFFFFFE0] =	vst v8  }
0x17d: {  	v6 =	vmul.f32 v6, v3;
	[tilespmem:s20+$0xFFFFFFF0] =	vst v2  }
0x17e: {  	v7 =	vmul.f32 v7, v3;
	[tilespmem:s20+$0x20] =	vst v4  }
0x17f: {  	v3 =	vmul.f32 v5, v3;
	[tilespmem:s20+$0x10] =	vst v6  }
0x180: {  	[tilespmem:s20+$0x0] =	vst v7  }
0x181: {  	[tilespmem:s20+$0xFFFFFFD0] =	vst v3  }
0x182: {  	[spmem:s3] =	stream.indirect.scatter.add.f32 [tilespmem:s2], [sflag:$0x5], $0x90, s6, s7, $0xb8;
	[tilespmem:$0x1FBC0] =	vst v63  }
0x183: {  	s26 =	simm.s32 $0x0;
	_ =	swait.ge [sflag:s30], $0x2400  }
0x184: {  	v2 =	vmov s26;
	[sflag:s30] =	ssyncset.done $0x0  }
0x185: {  	s28 =	simm.s32 $0x4FB0;
	v2 =	vand.u32 $0x3F, v2;
	[sflag:s30] =	ssyncadd.s32 $0xFFFFDC00  }
0x186: {  	v2 =	vor.u32 $0x40, v2;
	[tilespmem:s2], [sflag:$0x3] =	stream.indirect.gather [hbm4b:s8+s7], $0x90, s28, s7, $0xb8;
	[tilespmem:$0x1FBC0] =	vst v63  }
0x187: {  	v2 =	vbroadcast v2, $0x0;
	_ =	swait.ge [sflag:s18], $0x2400  }
0x188: {  	[sflag:s18] =	ssyncset.done $0x0  }
0x189: {  	s20 =	simm.s32 $0x7870;
	[sflag:s18] =	ssyncadd.s32 $0xFFFFDC00  }
0x18a: {  	v6 =	vld [tilespmem:s20+$0xFFFFFFC0]  }
0x18b: {  	v10 =	vld [tilespmem:s20+$0x30]  }
0x18c: {  	v8 =	vld [tilespmem:s20+$0x40]  }
0x18d: {  	v3 =	vld.idx.msk [tilespmem:v2+s15+$0x0], $0xffff  }
0x18e: {  	v12 =	vld [tilespmem:s20+$0xFFFFFFE0]  }
0x18f: {  	v2 =	vld [tilespmem:s20+$0xFFFFFFF0]  }
0x190: {  	v4 =	vld [tilespmem:s20+$0x20]  }
0x191: {  	v5 =	vld [tilespmem:s20+$0xFFFFFFD0]  }
0x192: {  	v7 =	vld [tilespmem:s20+$0x10]  }
0x193: {  	v11 =	vmul.f32 v6, v3;
	v9 =	vmul.f32 v8, v3;
	v6 =	vld [tilespmem:s20+$0x0]  }
0x194: {  	s24 =	simm.s32 $0x1;
	s23 =	simm.s32 $0x2;
	s22 =	simm.s32 $0x7870;
	v8 =	vmul.f32 v12, v3;
	v10 =	vmul.f32 v10, v3  }
.LBB2_7:
0x195: {  	p0 =	sne.s32 s23, $0x3F  }
0x196: {  	v12 =	vmov s24;
	[tilespmem:s20+$0xFFFFFFC0] =	vst v11;
	v5 =	vmul.f32 v5, v3;
	v4 =	vmul.f32 v4, v3;
	s22 =	sadd.s32 $0x90, s22;
	s24 =	smov.u32 s23;
	s23 =	sadd.s32 $0x1, s23  }
0x197: {  	v11 =	vand.u32 $0x3F, v12;
	v12 =	vmul.f32 v2, v3;
	v2 =	vmul.f32 v7, v3;
	[tilespmem:s20+$0x40] =	vst v9  }
0x198: {  	v7 =	vor.u32 $0x40, v11;
	v3 =	vmul.f32 v6, v3;
	[tilespmem:s20+$0x30] =	vst v10  }
0x199: {  	v6 =	vbroadcast v7, $0x0;
	[tilespmem:s20+$0xFFFFFFE0] =	vst v8  }
0x19a: {  	[tilespmem:s20+$0x10] =	vst v2  }
0x19b: {  	v2 =	vld [tilespmem:s22+$0xFFFFFFF0];
	[tilespmem:s20+$0x0] =	vst v3  }
0x19c: {  	v8 =	vld [tilespmem:s22+$0xFFFFFFC0];
	[tilespmem:s20+$0xFFFFFFF0] =	vst v12  }
0x19d: {  	v10 =	vld [tilespmem:s22+$0x30];
	[tilespmem:s20+$0x20] =	vst v4  }
0x19e: {  	v9 =	vld [tilespmem:s22+$0x40];
	[tilespmem:s20+$0xFFFFFFD0] =	vst v5;
	s20 =	smov.u32 s22  }
0x19f: {  	v3 =	vld.idx.msk [tilespmem:v6+s15+$0x0], $0xffff  }
0x1a0: {  	v12 =	vld [tilespmem:s22+$0xFFFFFFE0]  }
0x1a1: {  	v4 =	vld [tilespmem:s22+$0x20]  }
.Ltmp4:
0x1a2: {  	v5 =	vld [tilespmem:s22+$0xFFFFFFD0];
	(pc) =	sbr.rel @p0 .LBB2_7-.Ltmp4, $4  }
0x1a3: {  	v7 =	vld [tilespmem:s22+$0x10]  }
0x1a4: {  	v6 =	vld [tilespmem:s22+$0x0]  }
0x1a5: {  	v11 =	vmul.f32 v8, v3;
	v9 =	vmul.f32 v9, v3  }
0x1a6: {  	v10 =	vmul.f32 v10, v3;
	v8 =	vmul.f32 v12, v3  }
0x1a7: {  	[tilespmem:s20+$0xFFFFFFC0] =	vst v11;
	v11 =	vmov s24  }
0x1a8: {  	[tilespmem:s20+$0x40] =	vst v9;
	v9 =	vand.u32 $0x3F, v11  }
0x1a9: {  	v7 =	vmul.f32 v7, v3;
	[tilespmem:s20+$0x30] =	vst v10;
	v9 =	vor.u32 $0x40, v9  }
0x1aa: {  	[tilespmem:s20+$0xFFFFFFE0] =	vst v8;
	v6 =	vmul.f32 v6, v3;
	v8 =	vbroadcast v9, $0x0  }
0x1ab: {  	s22 =	sadd.s32 $0x90, s22;
	v2 =	vmul.f32 v2, v3;
	[tilespmem:s20+$0x10] =	vst v7  }
0x1ac: {  	v4 =	vmul.f32 v4, v3;
	v3 =	vmul.f32 v5, v3;
	v7 =	vld [tilespmem:s22+$0xFFFFFFF0];
	[tilespmem:s20+$0x0] =	vst v6  }
0x1ad: {  	v6 =	vld [tilespmem:s22+$0xFFFFFFC0];
	[tilespmem:s20+$0xFFFFFFF0] =	vst v2  }
0x1ae: {  	[tilespmem:s20+$0xFFFFFFD0] =	vst v3  }
0x1af: {  	v2 =	vld [tilespmem:s22+$0x30];
	[tilespmem:s20+$0x20] =	vst v4  }
0x1b0: {  	v3 =	vld.idx.msk [tilespmem:v8+s15+$0x0], $0xffff  }
0x1b1: {  	v4 =	vld [tilespmem:s22+$0x40];
	_ =	sdelay $0x1  }
0x1b2: {  	v5 =	vld [tilespmem:s22+$0xFFFFFFE0]  }
0x1b3: {  	v8 =	vld [tilespmem:s22+$0x10]  }
0x1b4: {  	v9 =	vld [tilespmem:s22+$0x0];
	v6 =	vmul.f32 v6, v3  }
0x1b5: {  	v4 =	vmul.f32 v4, v3  }
0x1b6: {  	v10 =	vld [tilespmem:s22+$0x20];
	v2 =	vmul.f32 v2, v3;
	[tilespmem:s22+$0xFFFFFFC0] =	vst v6  }
0x1b7: {  	v5 =	vmul.f32 v5, v3;
	v6 =	vld [tilespmem:s22+$0xFFFFFFD0];
	[tilespmem:s22+$0x40] =	vst v4  }
0x1b8: {  	v4 =	vmul.f32 v8, v3;
	[tilespmem:s22+$0x30] =	vst v2  }
0x1b9: {  	v2 =	vmul.f32 v9, v3;
	[tilespmem:s22+$0xFFFFFFE0] =	vst v5  }
0x1ba: {  	v5 =	vmul.f32 v7, v3;
	[tilespmem:s22+$0x10] =	vst v4  }
0x1bb: {  	v4 =	vmul.f32 v10, v3;
	[tilespmem:s22+$0x0] =	vst v2  }
0x1bc: {  	[tilespmem:s22+$0xFFFFFFF0] =	vst v5;
	v2 =	vmul.f32 v6, v3  }
0x1bd: {  	[tilespmem:s22+$0x20] =	vst v4  }
0x1be: {  	s24 =	simm.s32 $0x4E70;
	[tilespmem:s22+$0xFFFFFFD0] =	vst v2  }
0x1bf: {  	[spmem:s3] =	stream.indirect.scatter.add.f32 [tilespmem:s13], [sflag:$0x5], $0x90, s24, s7, $0xb8;
	[tilespmem:$0x1FBC0] =	vst v63  }
0x1c0: {  	_ =	swait.ge [sflag:s30], $0x2400  }
0x1c1: {  	[sflag:s30] =	ssyncset.done $0x0  }
0x1c2: {  	s26 =	simm.s32 $0x4FF0;
	[sflag:s30] =	ssyncadd.s32 $0xFFFFDC00  }
0x1c3: {  	[tilespmem:s13], [sflag:$0x4] =	stream.indirect.gather [hbm4b:s8+s7], $0x90, s26, s7, $0xb8;
	[tilespmem:$0x1FBC0] =	vst v63  }
0x1c4: {  	_ =	swait.ge [sflag:s21], $0x100  }
0x1c5: {  	[sflag:s21] =	ssyncset.done $0x0  }
0x1c6: {  	s28 =	simm.s32 $0x0;
	[sflag:s21] =	ssyncadd.s32 $0xFFFFFF00  }
0x1c7: {  	v2 =	vmov s28;
	_ =	swait.ge [sflag:s21], $0x100  }
0x1c8: {  	v2 =	vand.u32 $0x3F, v2;
	[sflag:s21] =	ssyncset.done $0x0  }
0x1c9: {  	v2 =	vor.u32 $0x80, v2;
	[sflag:s21] =	ssyncadd.s32 $0xFFFFFF00  }
0x1ca: {  	v2 =	vbroadcast v2, $0x0;
	_ =	swait.ge [sflag:s14], $0x2400  }
0x1cb: {  	[sflag:s14] =	ssyncset.done $0x0  }
0x1cc: {  	s20 =	simm.s32 $0x5470;
	[sflag:s14] =	ssyncadd.s32 $0xFFFFDC00  }
0x1cd: {  	v6 =	vld [tilespmem:s20+$0xFFFFFFC0]  }
0x1ce: {  	v10 =	vld [tilespmem:s20+$0x30]  }
0x1cf: {  	v8 =	vld [tilespmem:s20+$0x40]  }
0x1d0: {  	v3 =	vld.idx.msk [tilespmem:v2+s15+$0x0], $0xffff  }
0x1d1: {  	v12 =	vld [tilespmem:s20+$0xFFFFFFE0]  }
0x1d2: {  	v2 =	vld [tilespmem:s20+$0xFFFFFFF0]  }
0x1d3: {  	v4 =	vld [tilespmem:s20+$0x20]  }
0x1d4: {  	v5 =	vld [tilespmem:s20+$0xFFFFFFD0]  }
0x1d5: {  	v7 =	vld [tilespmem:s20+$0x10]  }
0x1d6: {  	v11 =	vmul.f32 v6, v3;
	v9 =	vmul.f32 v8, v3;
	v6 =	vld [tilespmem:s20+$0x0]  }
0x1d7: {  	s23 =	simm.s32 $0x2;
	s22 =	simm.s32 $0x5470;
	s24 =	simm.s32 $0x1;
	v8 =	vmul.f32 v12, v3;
	v10 =	vmul.f32 v10, v3  }
.LBB2_9:
0x1d8: {  	p0 =	sne.s32 s23, $0x3F  }
0x1d9: {  	v12 =	vmov s24;
	[tilespmem:s20+$0xFFFFFFC0] =	vst v11;
	v5 =	vmul.f32 v5, v3;
	v4 =	vmul.f32 v4, v3;
	s22 =	sadd.s32 $0x90, s22;
	s24 =	smov.u32 s23;
	s23 =	sadd.s32 $0x1, s23  }
0x1da: {  	v11 =	vand.u32 $0x3F, v12;
	v12 =	vmul.f32 v2, v3;
	v2 =	vmul.f32 v7, v3;
	[tilespmem:s20+$0x40] =	vst v9  }
0x1db: {  	v7 =	vor.u32 $0x80, v11;
	v3 =	vmul.f32 v6, v3;
	[tilespmem:s20+$0x30] =	vst v10  }
0x1dc: {  	v6 =	vbroadcast v7, $0x0;
	[tilespmem:s20+$0xFFFFFFE0] =	vst v8  }
0x1dd: {  	[tilespmem:s20+$0x10] =	vst v2  }
0x1de: {  	v2 =	vld [tilespmem:s22+$0xFFFFFFF0];
	[tilespmem:s20+$0x0] =	vst v3  }
0x1df: {  	v8 =	vld [tilespmem:s22+$0xFFFFFFC0];
	[tilespmem:s20+$0xFFFFFFF0] =	vst v12  }
0x1e0: {  	v10 =	vld [tilespmem:s22+$0x30];
	[tilespmem:s20+$0x20] =	vst v4  }
0x1e1: {  	v9 =	vld [tilespmem:s22+$0x40];
	[tilespmem:s20+$0xFFFFFFD0] =	vst v5;
	s20 =	smov.u32 s22  }
0x1e2: {  	v3 =	vld.idx.msk [tilespmem:v6+s15+$0x0], $0xffff  }
0x1e3: {  	v12 =	vld [tilespmem:s22+$0xFFFFFFE0]  }
0x1e4: {  	v4 =	vld [tilespmem:s22+$0x20]  }
.Ltmp5:
0x1e5: {  	v5 =	vld [tilespmem:s22+$0xFFFFFFD0];
	(pc) =	sbr.rel @p0 .LBB2_9-.Ltmp5, $4  }
0x1e6: {  	v7 =	vld [tilespmem:s22+$0x10]  }
0x1e7: {  	v6 =	vld [tilespmem:s22+$0x0]  }
0x1e8: {  	v11 =	vmul.f32 v8, v3;
	v9 =	vmul.f32 v9, v3  }
0x1e9: {  	v10 =	vmul.f32 v10, v3;
	v8 =	vmul.f32 v12, v3  }
0x1ea: {  	[tilespmem:s20+$0xFFFFFFC0] =	vst v11;
	v11 =	vmov s24  }
0x1eb: {  	[tilespmem:s20+$0x40] =	vst v9;
	v9 =	vand.u32 $0x3F, v11  }
0x1ec: {  	v7 =	vmul.f32 v7, v3;
	[tilespmem:s20+$0x30] =	vst v10;
	v9 =	vor.u32 $0x80, v9  }
0x1ed: {  	[tilespmem:s20+$0xFFFFFFE0] =	vst v8;
	v6 =	vmul.f32 v6, v3;
	v8 =	vbroadcast v9, $0x0  }
0x1ee: {  	s22 =	sadd.s32 $0x90, s22;
	v2 =	vmul.f32 v2, v3;
	[tilespmem:s20+$0x10] =	vst v7  }
0x1ef: {  	v4 =	vmul.f32 v4, v3;
	v3 =	vmul.f32 v5, v3;
	v7 =	vld [tilespmem:s22+$0xFFFFFFF0];
	[tilespmem:s20+$0x0] =	vst v6  }
0x1f0: {  	v6 =	vld [tilespmem:s22+$0xFFFFFFC0];
	[tilespmem:s20+$0xFFFFFFF0] =	vst v2  }
0x1f1: {  	[tilespmem:s20+$0xFFFFFFD0] =	vst v3  }
0x1f2: {  	v2 =	vld [tilespmem:s22+$0x30];
	[tilespmem:s20+$0x20] =	vst v4  }
0x1f3: {  	v3 =	vld.idx.msk [tilespmem:v8+s15+$0x0], $0xffff  }
0x1f4: {  	v4 =	vld [tilespmem:s22+$0x40];
	_ =	sdelay $0x1  }
0x1f5: {  	v5 =	vld [tilespmem:s22+$0xFFFFFFE0]  }
0x1f6: {  	v8 =	vld [tilespmem:s22+$0x10]  }
0x1f7: {  	v9 =	vld [tilespmem:s22+$0x0];
	v6 =	vmul.f32 v6, v3  }
0x1f8: {  	v4 =	vmul.f32 v4, v3  }
0x1f9: {  	v10 =	vld [tilespmem:s22+$0x20];
	v2 =	vmul.f32 v2, v3;
	[tilespmem:s22+$0xFFFFFFC0] =	vst v6  }
0x1fa: {  	v5 =	vmul.f32 v5, v3;
	v6 =	vld [tilespmem:s22+$0xFFFFFFD0];
	[tilespmem:s22+$0x40] =	vst v4  }
0x1fb: {  	v4 =	vmul.f32 v8, v3;
	[tilespmem:s22+$0x30] =	vst v2  }
0x1fc: {  	v2 =	vmul.f32 v9, v3;
	[tilespmem:s22+$0xFFFFFFE0] =	vst v5  }
0x1fd: {  	v5 =	vmul.f32 v7, v3;
	[tilespmem:s22+$0x10] =	vst v4  }
0x1fe: {  	v4 =	vmul.f32 v10, v3;
	[tilespmem:s22+$0x0] =	vst v2  }
0x1ff: {  	[tilespmem:s22+$0xFFFFFFF0] =	vst v5;
	v2 =	vmul.f32 v6, v3  }
0x200: {  	[tilespmem:s22+$0x20] =	vst v4  }
0x201: {  	s26 =	simm.s32 $0x4EB0;
	[tilespmem:s22+$0xFFFFFFD0] =	vst v2  }
0x202: {  	[spmem:s3] =	stream.indirect.scatter.add.f32 [tilespmem:s2], [sflag:$0x5], $0x90, s26, s7, $0xb8;
	[tilespmem:$0x1FBC0] =	vst v63  }
0x203: {  	s28 =	simm.s32 $0x0;
	_ =	swait.ge [sflag:s30], $0x2400  }
0x204: {  	v2 =	vmov s28;
	[sflag:s30] =	ssyncset.done $0x0  }
0x205: {  	v2 =	vand.u32 $0x3F, v2;
	[sflag:s30] =	ssyncadd.s32 $0xFFFFDC00  }
0x206: {  	v2 =	vor.u32 $0xC0, v2;
	[tilespmem:s2], [sflag:$0x3] =	stream.indirect.gather [hbm4b:s8+s7], $0x90, s9, s7, $0xb8;
	[tilespmem:$0x1FBC0] =	vst v63  }
0x207: {  	v2 =	vbroadcast v2, $0x0;
	_ =	swait.ge [sflag:s18], $0x2400  }
0x208: {  	[sflag:s18] =	ssyncset.done $0x0  }
0x209: {  	s20 =	simm.s32 $0x7870;
	[sflag:s18] =	ssyncadd.s32 $0xFFFFDC00  }
0x20a: {  	v6 =	vld [tilespmem:s20+$0xFFFFFFC0]  }
0x20b: {  	v10 =	vld [tilespmem:s20+$0x30]  }
0x20c: {  	v8 =	vld [tilespmem:s20+$0x40]  }
0x20d: {  	v3 =	vld.idx.msk [tilespmem:v2+s15+$0x0], $0xffff  }
0x20e: {  	v12 =	vld [tilespmem:s20+$0xFFFFFFE0]  }
0x20f: {  	v2 =	vld [tilespmem:s20+$0xFFFFFFF0]  }
0x210: {  	v4 =	vld [tilespmem:s20+$0x20]  }
0x211: {  	v5 =	vld [tilespmem:s20+$0xFFFFFFD0]  }
0x212: {  	v7 =	vld [tilespmem:s20+$0x10]  }
0x213: {  	v11 =	vmul.f32 v6, v3;
	v9 =	vmul.f32 v8, v3;
	v6 =	vld [tilespmem:s20+$0x0]  }
0x214: {  	s24 =	simm.s32 $0x1;
	s23 =	simm.s32 $0x2;
	s22 =	simm.s32 $0x7870;
	v8 =	vmul.f32 v12, v3;
	v10 =	vmul.f32 v10, v3  }
.LBB2_11:
0x215: {  	p0 =	sne.s32 s23, $0x3F  }
0x216: {  	v12 =	vmov s24;
	[tilespmem:s20+$0xFFFFFFC0] =	vst v11;
	v5 =	vmul.f32 v5, v3;
	v4 =	vmul.f32 v4, v3;
	s22 =	sadd.s32 $0x90, s22;
	s24 =	smov.u32 s23;
	s23 =	sadd.s32 $0x1, s23  }
0x217: {  	v11 =	vand.u32 $0x3F, v12;
	v12 =	vmul.f32 v2, v3;
	v2 =	vmul.f32 v7, v3;
	[tilespmem:s20+$0x40] =	vst v9  }
0x218: {  	v7 =	vor.u32 $0xC0, v11;
	v3 =	vmul.f32 v6, v3;
	[tilespmem:s20+$0x30] =	vst v10  }
0x219: {  	v6 =	vbroadcast v7, $0x0;
	[tilespmem:s20+$0xFFFFFFE0] =	vst v8  }
0x21a: {  	[tilespmem:s20+$0x10] =	vst v2  }
0x21b: {  	v2 =	vld [tilespmem:s22+$0xFFFFFFF0];
	[tilespmem:s20+$0x0] =	vst v3  }
0x21c: {  	v8 =	vld [tilespmem:s22+$0xFFFFFFC0];
	[tilespmem:s20+$0xFFFFFFF0] =	vst v12  }
0x21d: {  	v10 =	vld [tilespmem:s22+$0x30];
	[tilespmem:s20+$0x20] =	vst v4  }
0x21e: {  	v9 =	vld [tilespmem:s22+$0x40];
	[tilespmem:s20+$0xFFFFFFD0] =	vst v5;
	s20 =	smov.u32 s22  }
0x21f: {  	v3 =	vld.idx.msk [tilespmem:v6+s15+$0x0], $0xffff  }
0x220: {  	v12 =	vld [tilespmem:s22+$0xFFFFFFE0]  }
0x221: {  	v4 =	vld [tilespmem:s22+$0x20]  }
.Ltmp6:
0x222: {  	v5 =	vld [tilespmem:s22+$0xFFFFFFD0];
	(pc) =	sbr.rel @p0 .LBB2_11-.Ltmp6, $4  }
0x223: {  	v7 =	vld [tilespmem:s22+$0x10]  }
0x224: {  	v6 =	vld [tilespmem:s22+$0x0]  }
0x225: {  	v11 =	vmul.f32 v8, v3;
	v9 =	vmul.f32 v9, v3  }
0x226: {  	v10 =	vmul.f32 v10, v3;
	v8 =	vmul.f32 v12, v3  }
0x227: {  	[tilespmem:s20+$0xFFFFFFC0] =	vst v11;
	v11 =	vmov s24  }
0x228: {  	[tilespmem:s20+$0x40] =	vst v9;
	v9 =	vand.u32 $0x3F, v11  }
0x229: {  	v7 =	vmul.f32 v7, v3;
	[tilespmem:s20+$0x30] =	vst v10;
	v9 =	vor.u32 $0xC0, v9  }
0x22a: {  	[tilespmem:s20+$0xFFFFFFE0] =	vst v8;
	v6 =	vmul.f32 v6, v3;
	v8 =	vbroadcast v9, $0x0  }
0x22b: {  	s22 =	sadd.s32 $0x90, s22;
	v2 =	vmul.f32 v2, v3;
	[tilespmem:s20+$0x10] =	vst v7  }
0x22c: {  	v4 =	vmul.f32 v4, v3;
	v3 =	vmul.f32 v5, v3;
	v7 =	vld [tilespmem:s22+$0xFFFFFFF0];
	[tilespmem:s20+$0x0] =	vst v6  }
0x22d: {  	v6 =	vld [tilespmem:s22+$0xFFFFFFC0];
	[tilespmem:s20+$0xFFFFFFF0] =	vst v2  }
0x22e: {  	[tilespmem:s20+$0xFFFFFFD0] =	vst v3  }
0x22f: {  	v2 =	vld [tilespmem:s22+$0x30];
	[tilespmem:s20+$0x20] =	vst v4  }
0x230: {  	v3 =	vld.idx.msk [tilespmem:v8+s15+$0x0], $0xffff  }
0x231: {  	v4 =	vld [tilespmem:s22+$0x40];
	_ =	sdelay $0x1  }
0x232: {  	v5 =	vld [tilespmem:s22+$0xFFFFFFE0]  }
0x233: {  	v8 =	vld [tilespmem:s22+$0x10]  }
0x234: {  	v9 =	vld [tilespmem:s22+$0x0];
	v6 =	vmul.f32 v6, v3  }
0x235: {  	v4 =	vmul.f32 v4, v3  }
0x236: {  	v10 =	vld [tilespmem:s22+$0x20];
	v2 =	vmul.f32 v2, v3;
	[tilespmem:s22+$0xFFFFFFC0] =	vst v6  }
0x237: {  	v5 =	vmul.f32 v5, v3;
	v6 =	vld [tilespmem:s22+$0xFFFFFFD0];
	[tilespmem:s22+$0x40] =	vst v4  }
0x238: {  	v4 =	vmul.f32 v8, v3;
	[tilespmem:s22+$0x30] =	vst v2  }
0x239: {  	v2 =	vmul.f32 v9, v3;
	[tilespmem:s22+$0xFFFFFFE0] =	vst v5  }
0x23a: {  	v5 =	vmul.f32 v7, v3;
	[tilespmem:s22+$0x10] =	vst v4  }
0x23b: {  	v4 =	vmul.f32 v10, v3;
	[tilespmem:s22+$0x0] =	vst v2  }
0x23c: {  	[tilespmem:s22+$0xFFFFFFF0] =	vst v5;
	v2 =	vmul.f32 v6, v3  }
0x23d: {  	[tilespmem:s22+$0x20] =	vst v4  }
0x23e: {  	s24 =	simm.s32 $0x4EF0;
	[tilespmem:s22+$0xFFFFFFD0] =	vst v2  }
0x23f: {  	[spmem:s3] =	stream.indirect.scatter.add.f32 [tilespmem:s13], [sflag:$0x5], $0x90, s24, s7, $0xb8;
	[tilespmem:$0x1FBC0] =	vst v63  }
0x240: {  	_ =	swait.ge [sflag:s30], $0x2400  }
0x241: {  	[sflag:s30] =	ssyncset.done $0x0  }
0x242: {  	s26 =	simm.s32 $0x5270;
	[sflag:s30] =	ssyncadd.s32 $0xFFFFDC00  }
0x243: {  	[tilespmem:s13], [sflag:$0x4] =	stream.indirect.gather [hbm4b:s8+s7], $0x90, s26, s7, $0xb8;
	[tilespmem:$0x1FBC0] =	vst v63  }
0x244: {  	v2 =	vld [tilespmem:$0x5130]  }
0x245: {  	v3 =	vld [tilespmem:$0x5230];
	_ =	sdelay $0x6  }
0x246: {  	v2 =	vld.idx.msk [tilespmem:v2+s4+$0x0], $0xffff  }
0x247: {  	v3 =	vld.idx.msk [tilespmem:v3+s31+$0x0], $0xffff;
	_ =	sdelay $0x4  }
0x248: {  	v2 =	vadd.f32 v3, v2;
	_ =	sdelay $0x1  }
0x249: {  	v3 =	vmul.f32 $2.000000030e-01, v2  }
0x24a: {  	vm0 =	vgt.f32 v2, $0.0e+00  }
0x24b: {  	v2 =	vsel vm0, v2, v3  }
0x24c: {  	v2 =	vsub.f32 v2, v1;
	_ =	sdelay $0x1  }
0x24d: {  	v2 =	vmul.f32 $1.442695020e+00, v2;
	_ =	sdelay $0x1  }
0x24e: {  	(erf) = vpow2.f32 v2;
	_ =	sdelay $0x3  }
0x24f: {  	v2 =	vld [tilespmem:$0x5140]  }
0x250: {  	v3 =	vld [tilespmem:$0x5240];
	_ =	sdelay $0x1  }
0x251: {  	s20 =	sshll.u32 s19, $0x9  }
0x252: {  	s28 =	sor.u32 $0x100, s20  }
0x253: {  	p0 =	slt.u32 s28, $0x2710;
	v4 =	vpop (erf)  }
0x254: {  	v4 =	vpsel !p0, $0x0, v4  }
0x255: {  	[tilespmem:$0x5330] =	vst v4  }
0x256: {  	v2 =	vld.idx.msk [tilespmem:v2+s4+$0x0], $0xffff  }
0x257: {  	v3 =	vld.idx.msk [tilespmem:v3+s31+$0x0], $0xffff;
	_ =	sdelay $0x4  }
0x258: {  	v2 =	vadd.f32 v3, v2;
	_ =	sdelay $0x1  }
0x259: {  	v3 =	vmul.f32 $2.000000030e-01, v2  }
0x25a: {  	vm13 =	vgt.f32 v2, $0.0e+00  }
0x25b: {  	v2 =	vsel vm13, v2, v3  }
0x25c: {  	v2 =	vsub.f32 v2, v1;
	_ =	sdelay $0x1  }
0x25d: {  	v2 =	vmul.f32 $1.442695020e+00, v2;
	_ =	sdelay $0x1  }
0x25e: {  	(erf) = vpow2.f32 v2;
	_ =	sdelay $0x3  }
0x25f: {  	v2 =	vld [tilespmem:$0x5150]  }
0x260: {  	v3 =	vld [tilespmem:$0x5250];
	_ =	sdelay $0x2  }
0x261: {  	s23 =	sor.u32 $0x110, s20  }
0x262: {  	p5 =	slt.u32 s23, $0x2710;
	v4 =	vpop (erf)  }
0x263: {  	v4 =	vpsel !p5, $0x0, v4  }
0x264: {  	[tilespmem:$0x5340] =	vst v4  }
0x265: {  	v2 =	vld.idx.msk [tilespmem:v2+s4+$0x0], $0xffff  }
0x266: {  	v3 =	vld.idx.msk [tilespmem:v3+s31+$0x0], $0xffff;
	_ =	sdelay $0x4  }
0x267: {  	v2 =	vadd.f32 v3, v2;
	_ =	sdelay $0x1  }
0x268: {  	v3 =	vmul.f32 $2.000000030e-01, v2  }
0x269: {  	vm14 =	vgt.f32 v2, $0.0e+00  }
0x26a: {  	v2 =	vsel vm14, v2, v3  }
0x26b: {  	v2 =	vsub.f32 v2, v1;
	_ =	sdelay $0x1  }
0x26c: {  	v2 =	vmul.f32 $1.442695020e+00, v2;
	_ =	sdelay $0x1  }
0x26d: {  	(erf) = vpow2.f32 v2;
	_ =	sdelay $0x3  }
0x26e: {  	v2 =	vld [tilespmem:$0x5160]  }
0x26f: {  	v3 =	vld [tilespmem:$0x5260];
	_ =	sdelay $0x2  }
0x270: {  	s24 =	sor.u32 $0x120, s20  }
0x271: {  	p6 =	slt.u32 s24, $0x2710;
	v4 =	vpop (erf)  }
0x272: {  	v4 =	vpsel !p6, $0x0, v4  }
0x273: {  	[tilespmem:$0x5350] =	vst v4  }
0x274: {  	v2 =	vld.idx.msk [tilespmem:v2+s4+$0x0], $0xffff  }
0x275: {  	v3 =	vld.idx.msk [tilespmem:v3+s31+$0x0], $0xffff;
	_ =	sdelay $0x4  }
0x276: {  	v2 =	vadd.f32 v3, v2;
	_ =	sdelay $0x1  }
0x277: {  	v3 =	vmul.f32 $2.000000030e-01, v2  }
0x278: {  	vm15 =	vgt.f32 v2, $0.0e+00  }
0x279: {  	v2 =	vsel vm15, v2, v3  }
0x27a: {  	v2 =	vsub.f32 v2, v1;
	_ =	sdelay $0x1  }
0x27b: {  	v2 =	vmul.f32 $1.442695020e+00, v2;
	_ =	sdelay $0x1  }
0x27c: {  	(erf) = vpow2.f32 v2;
	_ =	sdelay $0x3  }
0x27d: {  	v2 =	vld [tilespmem:$0x5170]  }
0x27e: {  	v3 =	vld [tilespmem:$0x5270];
	_ =	sdelay $0x2  }
0x27f: {  	s26 =	sor.u32 $0x130, s20  }
0x280: {  	p1 =	slt.u32 s26, $0x2710;
	v4 =	vpop (erf)  }
0x281: {  	v4 =	vpsel !p1, $0x0, v4  }
0x282: {  	[tilespmem:$0x5360] =	vst v4  }
0x283: {  	v2 =	vld.idx.msk [tilespmem:v2+s4+$0x0], $0xffff  }
0x284: {  	v3 =	vld.idx.msk [tilespmem:v3+s31+$0x0], $0xffff;
	_ =	sdelay $0x4  }
0x285: {  	v2 =	vadd.f32 v3, v2;
	_ =	sdelay $0x1  }
0x286: {  	v3 =	vmul.f32 $2.000000030e-01, v2  }
0x287: {  	vm4 =	vgt.f32 v2, $0.0e+00  }
0x288: {  	v2 =	vsel vm4, v2, v3  }
0x289: {  	v2 =	vsub.f32 v2, v1;
	_ =	sdelay $0x1  }
0x28a: {  	v2 =	vmul.f32 $1.442695020e+00, v2;
	_ =	sdelay $0x1  }
0x28b: {  	(erf) = vpow2.f32 v2;
	_ =	sdelay $0x3  }
0x28c: {  	v2 =	vld [tilespmem:$0x5180]  }
0x28d: {  	v3 =	vld [tilespmem:$0x5280];
	_ =	sdelay $0x2  }
0x28e: {  	s28 =	sor.u32 $0x140, s20  }
0x28f: {  	p2 =	slt.u32 s28, $0x2710;
	v4 =	vpop (erf)  }
0x290: {  	v4 =	vpsel !p2, $0x0, v4  }
0x291: {  	[tilespmem:$0x5370] =	vst v4  }
0x292: {  	v2 =	vld.idx.msk [tilespmem:v2+s4+$0x0], $0xffff  }
0x293: {  	v3 =	vld.idx.msk [tilespmem:v3+s31+$0x0], $0xffff;
	_ =	sdelay $0x4  }
0x294: {  	v2 =	vadd.f32 v3, v2;
	_ =	sdelay $0x1  }
0x295: {  	v3 =	vmul.f32 $2.000000030e-01, v2  }
0x296: {  	vm5 =	vgt.f32 v2, $0.0e+00  }
0x297: {  	v2 =	vsel vm5, v2, v3  }
0x298: {  	v2 =	vsub.f32 v2, v1;
	_ =	sdelay $0x1  }
0x299: {  	v2 =	vmul.f32 $1.442695020e+00, v2;
	_ =	sdelay $0x1  }
0x29a: {  	(erf) = vpow2.f32 v2;
	_ =	sdelay $0x3  }
0x29b: {  	v2 =	vld [tilespmem:$0x5190]  }
0x29c: {  	v3 =	vld [tilespmem:$0x5290];
	_ =	sdelay $0x2  }
0x29d: {  	s23 =	sor.u32 $0x150, s20  }
0x29e: {  	p3 =	slt.u32 s23, $0x2710;
	v4 =	vpop (erf)  }
0x29f: {  	v4 =	vpsel !p3, $0x0, v4  }
0x2a0: {  	[tilespmem:$0x5380] =	vst v4  }
0x2a1: {  	v2 =	vld.idx.msk [tilespmem:v2+s4+$0x0], $0xffff  }
0x2a2: {  	v3 =	vld.idx.msk [tilespmem:v3+s31+$0x0], $0xffff;
	_ =	sdelay $0x4  }
0x2a3: {  	v2 =	vadd.f32 v3, v2;
	_ =	sdelay $0x1  }
0x2a4: {  	v3 =	vmul.f32 $2.000000030e-01, v2  }
0x2a5: {  	vm6 =	vgt.f32 v2, $0.0e+00  }
0x2a6: {  	v2 =	vsel vm6, v2, v3  }
0x2a7: {  	v2 =	vsub.f32 v2, v1;
	_ =	sdelay $0x1  }
0x2a8: {  	v2 =	vmul.f32 $1.442695020e+00, v2;
	_ =	sdelay $0x1  }
0x2a9: {  	(erf) = vpow2.f32 v2;
	_ =	sdelay $0x3  }
0x2aa: {  	v2 =	vld [tilespmem:$0x51A0]  }
0x2ab: {  	v3 =	vld [tilespmem:$0x52A0];
	_ =	sdelay $0x2  }
0x2ac: {  	s24 =	sor.u32 $0x160, s20  }
0x2ad: {  	p4 =	slt.u32 s24, $0x2710;
	v4 =	vpop (erf)  }
0x2ae: {  	v4 =	vpsel !p4, $0x0, v4  }
0x2af: {  	[tilespmem:$0x5390] =	vst v4  }
0x2b0: {  	v2 =	vld.idx.msk [tilespmem:v2+s4+$0x0], $0xffff  }
0x2b1: {  	v3 =	vld.idx.msk [tilespmem:v3+s31+$0x0], $0xffff;
	_ =	sdelay $0x4  }
0x2b2: {  	v2 =	vadd.f32 v3, v2;
	_ =	sdelay $0x1  }
0x2b3: {  	v3 =	vmul.f32 $2.000000030e-01, v2  }
0x2b4: {  	vm7 =	vgt.f32 v2, $0.0e+00  }
0x2b5: {  	v2 =	vsel vm7, v2, v3  }
0x2b6: {  	v2 =	vsub.f32 v2, v1;
	_ =	sdelay $0x1  }
0x2b7: {  	v2 =	vmul.f32 $1.442695020e+00, v2;
	_ =	sdelay $0x1  }
0x2b8: {  	(erf) = vpow2.f32 v2;
	_ =	sdelay $0x3  }
0x2b9: {  	v2 =	vld [tilespmem:$0x51B0]  }
0x2ba: {  	v3 =	vld [tilespmem:$0x52B0];
	_ =	sdelay $0x2  }
0x2bb: {  	s26 =	sor.u32 $0x170, s20  }
0x2bc: {  	p5 =	slt.u32 s26, $0x2710;
	v4 =	vpop (erf)  }
0x2bd: {  	v4 =	vpsel !p5, $0x0, v4  }
0x2be: {  	[tilespmem:$0x53A0] =	vst v4  }
0x2bf: {  	v2 =	vld.idx.msk [tilespmem:v2+s4+$0x0], $0xffff  }
0x2c0: {  	v3 =	vld.idx.msk [tilespmem:v3+s31+$0x0], $0xffff;
	_ =	sdelay $0x4  }
0x2c1: {  	v2 =	vadd.f32 v3, v2;
	_ =	sdelay $0x1  }
0x2c2: {  	v3 =	vmul.f32 $2.000000030e-01, v2  }
0x2c3: {  	vm8 =	vgt.f32 v2, $0.0e+00  }
0x2c4: {  	v2 =	vsel vm8, v2, v3  }
0x2c5: {  	v2 =	vsub.f32 v2, v1;
	_ =	sdelay $0x1  }
0x2c6: {  	v2 =	vmul.f32 $1.442695020e+00, v2;
	_ =	sdelay $0x1  }
0x2c7: {  	(erf) = vpow2.f32 v2;
	_ =	sdelay $0x3  }
0x2c8: {  	v2 =	vld [tilespmem:$0x51C0]  }
0x2c9: {  	v3 =	vld [tilespmem:$0x52C0];
	_ =	sdelay $0x2  }
0x2ca: {  	s28 =	sor.u32 $0x180, s20  }
0x2cb: {  	p6 =	slt.u32 s28, $0x2710;
	v4 =	vpop (erf)  }
0x2cc: {  	v4 =	vpsel !p6, $0x0, v4  }
0x2cd: {  	[tilespmem:$0x53B0] =	vst v4  }
0x2ce: {  	v2 =	vld.idx.msk [tilespmem:v2+s4+$0x0], $0xffff  }
0x2cf: {  	v3 =	vld.idx.msk [tilespmem:v3+s31+$0x0], $0xffff;
	_ =	sdelay $0x4  }
0x2d0: {  	v2 =	vadd.f32 v3, v2;
	_ =	sdelay $0x1  }
0x2d1: {  	v3 =	vmul.f32 $2.000000030e-01, v2  }
0x2d2: {  	vm9 =	vgt.f32 v2, $0.0e+00  }
0x2d3: {  	v2 =	vsel vm9, v2, v3  }
0x2d4: {  	v2 =	vsub.f32 v2, v1;
	_ =	sdelay $0x1  }
0x2d5: {  	v2 =	vmul.f32 $1.442695020e+00, v2;
	_ =	sdelay $0x1  }
0x2d6: {  	(erf) = vpow2.f32 v2;
	_ =	sdelay $0x3  }
0x2d7: {  	v2 =	vld [tilespmem:$0x51D0]  }
0x2d8: {  	v3 =	vld [tilespmem:$0x52D0];
	_ =	sdelay $0x2  }
0x2d9: {  	s23 =	sor.u32 $0x190, s20  }
0x2da: {  	p1 =	slt.u32 s23, $0x2710;
	v4 =	vpop (erf)  }
0x2db: {  	v4 =	vpsel !p1, $0x0, v4  }
0x2dc: {  	[tilespmem:$0x53C0] =	vst v4  }
0x2dd: {  	v2 =	vld.idx.msk [tilespmem:v2+s4+$0x0], $0xffff  }
0x2de: {  	v3 =	vld.idx.msk [tilespmem:v3+s31+$0x0], $0xffff;
	_ =	sdelay $0x4  }
0x2df: {  	v2 =	vadd.f32 v3, v2;
	_ =	sdelay $0x1  }
0x2e0: {  	v3 =	vmul.f32 $2.000000030e-01, v2  }
0x2e1: {  	vm10 =	vgt.f32 v2, $0.0e+00  }
0x2e2: {  	v2 =	vsel vm10, v2, v3  }
0x2e3: {  	v2 =	vsub.f32 v2, v1;
	_ =	sdelay $0x1  }
0x2e4: {  	v2 =	vmul.f32 $1.442695020e+00, v2;
	_ =	sdelay $0x1  }
0x2e5: {  	(erf) = vpow2.f32 v2;
	_ =	sdelay $0x3  }
0x2e6: {  	v2 =	vld [tilespmem:$0x51E0]  }
0x2e7: {  	v3 =	vld [tilespmem:$0x52E0];
	_ =	sdelay $0x2  }
0x2e8: {  	s24 =	sor.u32 $0x1A0, s20  }
0x2e9: {  	p2 =	slt.u32 s24, $0x2710;
	v4 =	vpop (erf)  }
0x2ea: {  	v4 =	vpsel !p2, $0x0, v4  }
0x2eb: {  	[tilespmem:$0x53D0] =	vst v4  }
0x2ec: {  	v2 =	vld.idx.msk [tilespmem:v2+s4+$0x0], $0xffff  }
0x2ed: {  	v3 =	vld.idx.msk [tilespmem:v3+s31+$0x0], $0xffff;
	_ =	sdelay $0x4  }
0x2ee: {  	v2 =	vadd.f32 v3, v2;
	_ =	sdelay $0x1  }
0x2ef: {  	v3 =	vmul.f32 $2.000000030e-01, v2  }
0x2f0: {  	vm11 =	vgt.f32 v2, $0.0e+00  }
0x2f1: {  	v2 =	vsel vm11, v2, v3  }
0x2f2: {  	v2 =	vsub.f32 v2, v1;
	_ =	sdelay $0x1  }
0x2f3: {  	v2 =	vmul.f32 $1.442695020e+00, v2;
	_ =	sdelay $0x1  }
0x2f4: {  	(erf) = vpow2.f32 v2;
	_ =	sdelay $0x3  }
0x2f5: {  	v2 =	vld [tilespmem:$0x51F0]  }
0x2f6: {  	v3 =	vld [tilespmem:$0x52F0];
	_ =	sdelay $0x2  }
0x2f7: {  	s26 =	sor.u32 $0x1B0, s20  }
0x2f8: {  	p3 =	slt.u32 s26, $0x2710;
	v4 =	vpop (erf)  }
0x2f9: {  	v4 =	vpsel !p3, $0x0, v4  }
0x2fa: {  	[tilespmem:$0x53E0] =	vst v4  }
0x2fb: {  	v2 =	vld.idx.msk [tilespmem:v2+s4+$0x0], $0xffff  }
0x2fc: {  	v3 =	vld.idx.msk [tilespmem:v3+s31+$0x0], $0xffff;
	_ =	sdelay $0x4  }
0x2fd: {  	v2 =	vadd.f32 v3, v2;
	_ =	sdelay $0x1  }
0x2fe: {  	v3 =	vmul.f32 $2.000000030e-01, v2  }
0x2ff: {  	vm12 =	vgt.f32 v2, $0.0e+00  }
0x300: {  	v2 =	vsel vm12, v2, v3  }
0x301: {  	v2 =	vsub.f32 v2, v1;
	_ =	sdelay $0x1  }
0x302: {  	v2 =	vmul.f32 $1.442695020e+00, v2;
	_ =	sdelay $0x1  }
0x303: {  	(erf) = vpow2.f32 v2;
	_ =	sdelay $0x3  }
0x304: {  	v2 =	vld [tilespmem:$0x5200]  }
0x305: {  	v3 =	vld [tilespmem:$0x5300];
	_ =	sdelay $0x2  }
0x306: {  	s28 =	sor.u32 $0x1C0, s20  }
0x307: {  	p4 =	slt.u32 s28, $0x2710;
	v4 =	vpop (erf)  }
0x308: {  	v4 =	vpsel !p4, $0x0, v4  }
0x309: {  	[tilespmem:$0x53F0] =	vst v4  }
0x30a: {  	v2 =	vld.idx.msk [tilespmem:v2+s4+$0x0], $0xffff  }
0x30b: {  	v3 =	vld.idx.msk [tilespmem:v3+s31+$0x0], $0xffff;
	_ =	sdelay $0x4  }
0x30c: {  	v2 =	vadd.f32 v3, v2;
	_ =	sdelay $0x1  }
0x30d: {  	v3 =	vmul.f32 $2.000000030e-01, v2  }
0x30e: {  	vm13 =	vgt.f32 v2, $0.0e+00  }
0x30f: {  	v2 =	vsel vm13, v2, v3  }
0x310: {  	v2 =	vsub.f32 v2, v1;
	_ =	sdelay $0x1  }
0x311: {  	v2 =	vmul.f32 $1.442695020e+00, v2;
	_ =	sdelay $0x1  }
0x312: {  	(erf) = vpow2.f32 v2;
	_ =	sdelay $0x3  }
0x313: {  	v2 =	vld [tilespmem:$0x5210]  }
0x314: {  	v3 =	vld [tilespmem:$0x5310];
	_ =	sdelay $0x2  }
0x315: {  	s23 =	sor.u32 $0x1D0, s20  }
0x316: {  	p5 =	slt.u32 s23, $0x2710;
	v4 =	vpop (erf)  }
0x317: {  	v4 =	vpsel !p5, $0x0, v4  }
0x318: {  	[tilespmem:$0x5400] =	vst v4  }
0x319: {  	v2 =	vld.idx.msk [tilespmem:v2+s4+$0x0], $0xffff  }
0x31a: {  	v3 =	vld.idx.msk [tilespmem:v3+s31+$0x0], $0xffff;
	_ =	sdelay $0x4  }
0x31b: {  	v2 =	vadd.f32 v3, v2;
	_ =	sdelay $0x1  }
0x31c: {  	v3 =	vmul.f32 $2.000000030e-01, v2  }
0x31d: {  	vm14 =	vgt.f32 v2, $0.0e+00  }
0x31e: {  	v2 =	vsel vm14, v2, v3  }
0x31f: {  	v2 =	vsub.f32 v2, v1;
	_ =	sdelay $0x1  }
0x320: {  	v2 =	vmul.f32 $1.442695020e+00, v2;
	_ =	sdelay $0x1  }
0x321: {  	(erf) = vpow2.f32 v2;
	_ =	sdelay $0x3  }
0x322: {  	v2 =	vld [tilespmem:$0x5220]  }
0x323: {  	v3 =	vld [tilespmem:$0x5320];
	_ =	sdelay $0x2  }
0x324: {  	s24 =	sor.u32 $0x1E0, s20  }
0x325: {  	p6 =	slt.u32 s24, $0x2710;
	v4 =	vpop (erf)  }
0x326: {  	v4 =	vpsel !p6, $0x0, v4  }
0x327: {  	[tilespmem:$0x5410] =	vst v4  }
0x328: {  	v2 =	vld.idx.msk [tilespmem:v2+s4+$0x0], $0xffff  }
0x329: {  	v3 =	vld.idx.msk [tilespmem:v3+s31+$0x0], $0xffff;
	_ =	sdelay $0x4  }
0x32a: {  	v2 =	vadd.f32 v3, v2;
	_ =	sdelay $0x1  }
0x32b: {  	v3 =	vmul.f32 $2.000000030e-01, v2  }
0x32c: {  	vm15 =	vgt.f32 v2, $0.0e+00  }
0x32d: {  	v2 =	vsel vm15, v2, v3  }
0x32e: {  	v2 =	vsub.f32 v2, v1;
	_ =	sdelay $0x1  }
0x32f: {  	v2 =	vmul.f32 $1.442695020e+00, v2;
	_ =	sdelay $0x1  }
0x330: {  	(erf) = vpow2.f32 v2;
	_ =	sdelay $0x5  }
0x331: {  	s26 =	sshll.u32 s19, $0x1  }
0x332: {  	p0 =	seq.s32 s19, $0x13;
	s22 =	sadd.s32 $0x2, s26  }
0x333: {  	s23 =	sor.u32 $0x1F0, s20;
	s24 =	sshll.u32 @!p0 s22, $0x8  }
0x334: {  	p1 =	slt.u32 s23, $0x2710;
	s23 =	sadd.s32 @!p0 s17, s24;
	v2 =	vpop (erf)  }
0x335: {  	s23 =	sshrl.u32 @!p0 s23, $0x3;
	v2 =	vpsel !p1, $0x0, v2  }
0x336: {  	s26 =	simm.s32 @!p0 $0x0;
	s28 =	simm.s32 @!p0 $0x4E30;
	s24 =	sadd.s32 @!p0 s1, s23;
	[tilespmem:$0x5420] =	vst v2  }
0x337: {  	[tilespmem:s28], [sflag:$0x1] =	stream.linear.gather @!p0 [hbm4b:s24+s26], $0x100, $0x38;
	[tilespmem:$0x1FBC0] =	vst v63  }
0x338: {  	s23 =	sadd.s32 @!p0 s5, s23;
	s24 =	simm.s32 @!p0 $0x4F30  }
0x339: {  	[tilespmem:s24], [sflag:$0x1] =	stream.linear.gather @!p0 [hbm4b:s23+s26], $0x100, $0x38;
	[tilespmem:$0x1FBC0] =	vst v63  }
0x33a: {  	s28 =	simm.s32 $0x0;
	_ =	swait.ge [sflag:s14], $0x2400  }
0x33b: {  	v2 =	vmov s28;
	[sflag:s14] =	ssyncset.done $0x0  }
0x33c: {  	s23 =	simm.s32 $0x5470;
	[sflag:s14] =	ssyncadd.s32 $0xFFFFDC00  }
0x33d: {  	v7 =	vld [tilespmem:s23+$0xFFFFFFC0]  }
0x33e: {  	v10 =	vld [tilespmem:s23+$0x30]  }
0x33f: {  	v8 =	vld [tilespmem:s23+$0x40]  }
0x340: {  	v3 =	vld.idx.msk [tilespmem:v2+s25+$0x0], $0xffff  }
0x341: {  	v12 =	vld [tilespmem:s23+$0xFFFFFFE0]  }
0x342: {  	v2 =	vld [tilespmem:s23+$0xFFFFFFF0]  }
0x343: {  	v4 =	vld [tilespmem:s23+$0x20]  }
0x344: {  	v5 =	vld [tilespmem:s23+$0xFFFFFFD0]  }
0x345: {  	v6 =	vld [tilespmem:s23+$0x10]  }
0x346: {  	v11 =	vmul.f32 v7, v3;
	v9 =	vmul.f32 v8, v3;
	v7 =	vld [tilespmem:s23+$0x0]  }
0x347: {  	s24 =	simm.s32 $0x1;
	s26 =	simm.s32 $0x5470;
	v8 =	vmul.f32 v12, v3;
	v10 =	vmul.f32 v10, v3  }
.LBB2_13:
0x348: {  	p1 =	sne.s32 s24, $0x3F  }
0x349: {  	[tilespmem:s23+$0xFFFFFFC0] =	vst v11;
	v5 =	vmul.f32 v5, v3;
	v4 =	vmul.f32 v4, v3;
	s26 =	sadd.s32 $0x90, s26;
	s28 =	smov.u32 s24;
	s24 =	sadd.s32 $0x1, s24  }
0x34a: {  	v11 =	vmul.f32 v2, v3;
	v2 =	vmul.f32 v6, v3;
	[tilespmem:s23+$0x40] =	vst v9  }
0x34b: {  	v3 =	vmul.f32 v7, v3;
	[tilespmem:s23+$0x30] =	vst v10  }
0x34c: {  	[tilespmem:s23+$0xFFFFFFE0] =	vst v8  }
0x34d: {  	v6 =	vmov s28;
	[tilespmem:s23+$0x10] =	vst v2  }
0x34e: {  	v2 =	vld [tilespmem:s26+$0xFFFFFFF0];
	[tilespmem:s23+$0x0] =	vst v3  }
0x34f: {  	v8 =	vld [tilespmem:s26+$0xFFFFFFC0];
	[tilespmem:s23+$0xFFFFFFF0] =	vst v11  }
0x350: {  	v10 =	vld [tilespmem:s26+$0x30];
	[tilespmem:s23+$0x20] =	vst v4  }
0x351: {  	v9 =	vld [tilespmem:s26+$0x40];
	[tilespmem:s23+$0xFFFFFFD0] =	vst v5;
	s23 =	smov.u32 s26  }
0x352: {  	v3 =	vld.idx.msk [tilespmem:v6+s25+$0x0], $0xffff  }
0x353: {  	v12 =	vld [tilespmem:s26+$0xFFFFFFE0]  }
0x354: {  	v4 =	vld [tilespmem:s26+$0x20]  }
.Ltmp7:
0x355: {  	v5 =	vld [tilespmem:s26+$0xFFFFFFD0];
	(pc) =	sbr.rel @p1 .LBB2_13-.Ltmp7, $4  }
0x356: {  	v6 =	vld [tilespmem:s26+$0x10]  }
0x357: {  	v7 =	vld [tilespmem:s26+$0x0]  }
0x358: {  	v11 =	vmul.f32 v8, v3;
	v9 =	vmul.f32 v9, v3  }
0x359: {  	v10 =	vmul.f32 v10, v3;
	v8 =	vmul.f32 v12, v3  }
0x35a: {  	[tilespmem:s23+$0xFFFFFFC0] =	vst v11  }
0x35b: {  	[tilespmem:s23+$0x40] =	vst v9  }
0x35c: {  	v2 =	vmul.f32 v2, v3;
	[tilespmem:s23+$0x30] =	vst v10  }
0x35d: {  	v4 =	vmul.f32 v4, v3;
	[tilespmem:s23+$0xFFFFFFE0] =	vst v8  }
0x35e: {  	v6 =	vmul.f32 v6, v3;
	[tilespmem:s23+$0xFFFFFFF0] =	vst v2  }
0x35f: {  	v7 =	vmul.f32 v7, v3;
	[tilespmem:s23+$0x20] =	vst v4  }
0x360: {  	v3 =	vmul.f32 v5, v3;
	[tilespmem:s23+$0x10] =	vst v6  }
0x361: {  	[tilespmem:s23+$0x0] =	vst v7  }
0x362: {  	[tilespmem:s23+$0xFFFFFFD0] =	vst v3  }
0x363: {  	[spmem:s3] =	stream.indirect.scatter.add.f32 [tilespmem:s2], [sflag:$0x5], $0x90, s0, s7, $0xb8;
	[tilespmem:$0x1FBC0] =	vst v63  }
0x364: {  	s24 =	simm.s32 $0x0;
	_ =	swait.ge [sflag:s30], $0x2400  }
0x365: {  	v2 =	vmov s24;
	[sflag:s30] =	ssyncset.done $0x0  }
0x366: {  	s26 =	simm.s32 $0x52B0;
	v2 =	vand.u32 $0x3F, v2;
	[sflag:s30] =	ssyncadd.s32 $0xFFFFDC00  }
0x367: {  	v2 =	vor.u32 $0x40, v2;
	[tilespmem:s2], [sflag:$0x3] =	stream.indirect.gather [hbm4b:s8+s7], $0x90, s26, s7, $0xb8;
	[tilespmem:$0x1FBC0] =	vst v63  }
0x368: {  	v2 =	vbroadcast v2, $0x0;
	_ =	swait.ge [sflag:s18], $0x2400  }
0x369: {  	[sflag:s18] =	ssyncset.done $0x0  }
0x36a: {  	s23 =	simm.s32 $0x7870;
	[sflag:s18] =	ssyncadd.s32 $0xFFFFDC00  }
0x36b: {  	v6 =	vld [tilespmem:s23+$0xFFFFFFC0]  }
0x36c: {  	v10 =	vld [tilespmem:s23+$0x30]  }
0x36d: {  	v8 =	vld [tilespmem:s23+$0x40]  }
0x36e: {  	v3 =	vld.idx.msk [tilespmem:v2+s25+$0x0], $0xffff  }
0x36f: {  	v12 =	vld [tilespmem:s23+$0xFFFFFFE0]  }
0x370: {  	v2 =	vld [tilespmem:s23+$0xFFFFFFF0]  }
0x371: {  	v4 =	vld [tilespmem:s23+$0x20]  }
0x372: {  	v5 =	vld [tilespmem:s23+$0xFFFFFFD0]  }
0x373: {  	v7 =	vld [tilespmem:s23+$0x10]  }
0x374: {  	v11 =	vmul.f32 v6, v3;
	v9 =	vmul.f32 v8, v3;
	v6 =	vld [tilespmem:s23+$0x0]  }
0x375: {  	s28 =	simm.s32 $0x1;
	s24 =	simm.s32 $0x7870;
	s26 =	simm.s32 $0x2;
	v8 =	vmul.f32 v12, v3;
	v10 =	vmul.f32 v10, v3  }
.LBB2_15:
0x376: {  	p1 =	sne.s32 s26, $0x3F  }
0x377: {  	v12 =	vmov s28;
	[tilespmem:s23+$0xFFFFFFC0] =	vst v11;
	v5 =	vmul.f32 v5, v3;
	v4 =	vmul.f32 v4, v3;
	s24 =	sadd.s32 $0x90, s24;
	s28 =	smov.u32 s26;
	s26 =	sadd.s32 $0x1, s26  }
0x378: {  	v11 =	vand.u32 $0x3F, v12;
	v12 =	vmul.f32 v2, v3;
	v2 =	vmul.f32 v7, v3;
	[tilespmem:s23+$0x40] =	vst v9  }
0x379: {  	v7 =	vor.u32 $0x40, v11;
	v3 =	vmul.f32 v6, v3;
	[tilespmem:s23+$0x30] =	vst v10  }
0x37a: {  	v6 =	vbroadcast v7, $0x0;
	[tilespmem:s23+$0xFFFFFFE0] =	vst v8  }
0x37b: {  	[tilespmem:s23+$0x10] =	vst v2  }
0x37c: {  	v2 =	vld [tilespmem:s24+$0xFFFFFFF0];
	[tilespmem:s23+$0x0] =	vst v3  }
0x37d: {  	v8 =	vld [tilespmem:s24+$0xFFFFFFC0];
	[tilespmem:s23+$0xFFFFFFF0] =	vst v12  }
0x37e: {  	v10 =	vld [tilespmem:s24+$0x30];
	[tilespmem:s23+$0x20] =	vst v4  }
0x37f: {  	v9 =	vld [tilespmem:s24+$0x40];
	[tilespmem:s23+$0xFFFFFFD0] =	vst v5;
	s23 =	smov.u32 s24  }
0x380: {  	v3 =	vld.idx.msk [tilespmem:v6+s25+$0x0], $0xffff  }
0x381: {  	v12 =	vld [tilespmem:s24+$0xFFFFFFE0]  }
0x382: {  	v4 =	vld [tilespmem:s24+$0x20]  }
.Ltmp8:
0x383: {  	v5 =	vld [tilespmem:s24+$0xFFFFFFD0];
	(pc) =	sbr.rel @p1 .LBB2_15-.Ltmp8, $4  }
0x384: {  	v7 =	vld [tilespmem:s24+$0x10]  }
0x385: {  	v6 =	vld [tilespmem:s24+$0x0]  }
0x386: {  	v11 =	vmul.f32 v8, v3;
	v9 =	vmul.f32 v9, v3  }
0x387: {  	v10 =	vmul.f32 v10, v3;
	v8 =	vmul.f32 v12, v3  }
0x388: {  	[tilespmem:s23+$0xFFFFFFC0] =	vst v11;
	v11 =	vmov s28  }
0x389: {  	[tilespmem:s23+$0x40] =	vst v9;
	v9 =	vand.u32 $0x3F, v11  }
0x38a: {  	v7 =	vmul.f32 v7, v3;
	[tilespmem:s23+$0x30] =	vst v10;
	v9 =	vor.u32 $0x40, v9  }
0x38b: {  	[tilespmem:s23+$0xFFFFFFE0] =	vst v8;
	v6 =	vmul.f32 v6, v3;
	v8 =	vbroadcast v9, $0x0  }
0x38c: {  	s24 =	sadd.s32 $0x90, s24;
	v2 =	vmul.f32 v2, v3;
	[tilespmem:s23+$0x10] =	vst v7  }
0x38d: {  	v4 =	vmul.f32 v4, v3;
	v3 =	vmul.f32 v5, v3;
	v7 =	vld [tilespmem:s24+$0xFFFFFFF0];
	[tilespmem:s23+$0x0] =	vst v6  }
0x38e: {  	v6 =	vld [tilespmem:s24+$0xFFFFFFC0];
	[tilespmem:s23+$0xFFFFFFF0] =	vst v2  }
0x38f: {  	[tilespmem:s23+$0xFFFFFFD0] =	vst v3  }
0x390: {  	v2 =	vld [tilespmem:s24+$0x30];
	[tilespmem:s23+$0x20] =	vst v4  }
0x391: {  	v3 =	vld.idx.msk [tilespmem:v8+s25+$0x0], $0xffff  }
0x392: {  	v4 =	vld [tilespmem:s24+$0x40];
	_ =	sdelay $0x1  }
0x393: {  	v5 =	vld [tilespmem:s24+$0xFFFFFFE0]  }
0x394: {  	v8 =	vld [tilespmem:s24+$0x10]  }
0x395: {  	v9 =	vld [tilespmem:s24+$0x0];
	v6 =	vmul.f32 v6, v3  }
0x396: {  	v4 =	vmul.f32 v4, v3  }
0x397: {  	v10 =	vld [tilespmem:s24+$0x20];
	v2 =	vmul.f32 v2, v3;
	[tilespmem:s24+$0xFFFFFFC0] =	vst v6  }
0x398: {  	v5 =	vmul.f32 v5, v3;
	v6 =	vld [tilespmem:s24+$0xFFFFFFD0];
	[tilespmem:s24+$0x40] =	vst v4  }
0x399: {  	v4 =	vmul.f32 v8, v3;
	[tilespmem:s24+$0x30] =	vst v2  }
0x39a: {  	v2 =	vmul.f32 v9, v3;
	[tilespmem:s24+$0xFFFFFFE0] =	vst v5  }
0x39b: {  	v5 =	vmul.f32 v7, v3;
	[tilespmem:s24+$0x10] =	vst v4  }
0x39c: {  	v4 =	vmul.f32 v10, v3;
	[tilespmem:s24+$0x0] =	vst v2  }
0x39d: {  	[tilespmem:s24+$0xFFFFFFF0] =	vst v5;
	v2 =	vmul.f32 v6, v3  }
0x39e: {  	[tilespmem:s24+$0x20] =	vst v4  }
0x39f: {  	[tilespmem:s24+$0xFFFFFFD0] =	vst v2;
	s24 =	simm.s32 $0x5170  }
0x3a0: {  	[spmem:s3] =	stream.indirect.scatter.add.f32 [tilespmem:s13], [sflag:$0x5], $0x90, s24, s7, $0xb8;
	[tilespmem:$0x1FBC0] =	vst v63  }
0x3a1: {  	_ =	swait.ge [sflag:s30], $0x2400  }
0x3a2: {  	[sflag:s30] =	ssyncset.done $0x0  }
0x3a3: {  	s23 =	simm.s32 @!p0 $0x1;
	[sflag:s30] =	ssyncadd.s32 $0xFFFFDC00  }
0x3a4: {  	[tilespmem:s13], [sflag:$0x4] =	stream.indirect.gather [hbm4b:s8+s7], $0x90, s11, s7, $0xb8;
	[tilespmem:$0x1FBC0] =	vst v63  }
0x3a5: {  	_ =	swait.ge @!p0 [sflag:s23], $0x100  }
0x3a6: {  	[sflag:s23] =	ssyncset.done @!p0 $0x0  }
0x3a7: {  	s26 =	simm.s32 $0x0;
	[sflag:s23] =	ssyncadd.s32 @!p0 $0xFFFFFF00  }
0x3a8: {  	v2 =	vmov s26;
	_ =	swait.ge @!p0 [sflag:s23], $0x100  }
0x3a9: {  	v2 =	vand.u32 $0x3F, v2;
	[sflag:s23] =	ssyncset.done @!p0 $0x0  }
0x3aa: {  	v2 =	vor.u32 $0x80, v2;
	[sflag:s23] =	ssyncadd.s32 @!p0 $0xFFFFFF00  }
0x3ab: {  	v2 =	vbroadcast v2, $0x0;
	_ =	swait.ge [sflag:s14], $0x2400  }
0x3ac: {  	[sflag:s14] =	ssyncset.done $0x0  }
0x3ad: {  	s23 =	simm.s32 $0x5470;
	[sflag:s14] =	ssyncadd.s32 $0xFFFFDC00  }
0x3ae: {  	v6 =	vld [tilespmem:s23+$0xFFFFFFC0]  }
0x3af: {  	v10 =	vld [tilespmem:s23+$0x30]  }
0x3b0: {  	v8 =	vld [tilespmem:s23+$0x40]  }
0x3b1: {  	v3 =	vld.idx.msk [tilespmem:v2+s25+$0x0], $0xffff  }
0x3b2: {  	v12 =	vld [tilespmem:s23+$0xFFFFFFE0]  }
0x3b3: {  	v2 =	vld [tilespmem:s23+$0xFFFFFFF0]  }
0x3b4: {  	v4 =	vld [tilespmem:s23+$0x20]  }
0x3b5: {  	v5 =	vld [tilespmem:s23+$0xFFFFFFD0]  }
0x3b6: {  	v7 =	vld [tilespmem:s23+$0x10]  }
0x3b7: {  	v11 =	vmul.f32 v6, v3;
	v9 =	vmul.f32 v8, v3;
	v6 =	vld [tilespmem:s23+$0x0]  }
0x3b8: {  	s28 =	simm.s32 $0x1;
	s26 =	simm.s32 $0x2;
	s24 =	simm.s32 $0x5470;
	v8 =	vmul.f32 v12, v3;
	v10 =	vmul.f32 v10, v3  }
.LBB2_17:
0x3b9: {  	p1 =	sne.s32 s26, $0x3F  }
0x3ba: {  	v12 =	vmov s28;
	[tilespmem:s23+$0xFFFFFFC0] =	vst v11;
	v5 =	vmul.f32 v5, v3;
	v4 =	vmul.f32 v4, v3;
	s24 =	sadd.s32 $0x90, s24;
	s28 =	smov.u32 s26;
	s26 =	sadd.s32 $0x1, s26  }
0x3bb: {  	v11 =	vand.u32 $0x3F, v12;
	v12 =	vmul.f32 v2, v3;
	v2 =	vmul.f32 v7, v3;
	[tilespmem:s23+$0x40] =	vst v9  }
0x3bc: {  	v7 =	vor.u32 $0x80, v11;
	v3 =	vmul.f32 v6, v3;
	[tilespmem:s23+$0x30] =	vst v10  }
0x3bd: {  	v6 =	vbroadcast v7, $0x0;
	[tilespmem:s23+$0xFFFFFFE0] =	vst v8  }
0x3be: {  	[tilespmem:s23+$0x10] =	vst v2  }
0x3bf: {  	v2 =	vld [tilespmem:s24+$0xFFFFFFF0];
	[tilespmem:s23+$0x0] =	vst v3  }
0x3c0: {  	v8 =	vld [tilespmem:s24+$0xFFFFFFC0];
	[tilespmem:s23+$0xFFFFFFF0] =	vst v12  }
0x3c1: {  	v10 =	vld [tilespmem:s24+$0x30];
	[tilespmem:s23+$0x20] =	vst v4  }
0x3c2: {  	v9 =	vld [tilespmem:s24+$0x40];
	[tilespmem:s23+$0xFFFFFFD0] =	vst v5;
	s23 =	smov.u32 s24  }
0x3c3: {  	v3 =	vld.idx.msk [tilespmem:v6+s25+$0x0], $0xffff  }
0x3c4: {  	v12 =	vld [tilespmem:s24+$0xFFFFFFE0]  }
0x3c5: {  	v4 =	vld [tilespmem:s24+$0x20]  }
.Ltmp9:
0x3c6: {  	v5 =	vld [tilespmem:s24+$0xFFFFFFD0];
	(pc) =	sbr.rel @p1 .LBB2_17-.Ltmp9, $4  }
0x3c7: {  	v7 =	vld [tilespmem:s24+$0x10]  }
0x3c8: {  	v6 =	vld [tilespmem:s24+$0x0]  }
0x3c9: {  	v11 =	vmul.f32 v8, v3;
	v9 =	vmul.f32 v9, v3  }
0x3ca: {  	v10 =	vmul.f32 v10, v3;
	v8 =	vmul.f32 v12, v3  }
0x3cb: {  	[tilespmem:s23+$0xFFFFFFC0] =	vst v11;
	v11 =	vmov s28  }
0x3cc: {  	[tilespmem:s23+$0x40] =	vst v9;
	v9 =	vand.u32 $0x3F, v11  }
0x3cd: {  	v7 =	vmul.f32 v7, v3;
	[tilespmem:s23+$0x30] =	vst v10;
	v9 =	vor.u32 $0x80, v9  }
0x3ce: {  	[tilespmem:s23+$0xFFFFFFE0] =	vst v8;
	v6 =	vmul.f32 v6, v3;
	v8 =	vbroadcast v9, $0x0  }
0x3cf: {  	s24 =	sadd.s32 $0x90, s24;
	v2 =	vmul.f32 v2, v3;
	[tilespmem:s23+$0x10] =	vst v7  }
0x3d0: {  	v4 =	vmul.f32 v4, v3;
	v3 =	vmul.f32 v5, v3;
	v7 =	vld [tilespmem:s24+$0xFFFFFFF0];
	[tilespmem:s23+$0x0] =	vst v6  }
0x3d1: {  	v6 =	vld [tilespmem:s24+$0xFFFFFFC0];
	[tilespmem:s23+$0xFFFFFFF0] =	vst v2  }
0x3d2: {  	[tilespmem:s23+$0xFFFFFFD0] =	vst v3  }
0x3d3: {  	v2 =	vld [tilespmem:s24+$0x30];
	[tilespmem:s23+$0x20] =	vst v4  }
0x3d4: {  	v3 =	vld.idx.msk [tilespmem:v8+s25+$0x0], $0xffff  }
0x3d5: {  	v4 =	vld [tilespmem:s24+$0x40];
	_ =	sdelay $0x1  }
0x3d6: {  	v5 =	vld [tilespmem:s24+$0xFFFFFFE0]  }
0x3d7: {  	v8 =	vld [tilespmem:s24+$0x10]  }
0x3d8: {  	v9 =	vld [tilespmem:s24+$0x0];
	v6 =	vmul.f32 v6, v3  }
0x3d9: {  	v4 =	vmul.f32 v4, v3  }
0x3da: {  	v10 =	vld [tilespmem:s24+$0x20];
	v2 =	vmul.f32 v2, v3;
	[tilespmem:s24+$0xFFFFFFC0] =	vst v6  }
0x3db: {  	v5 =	vmul.f32 v5, v3;
	v6 =	vld [tilespmem:s24+$0xFFFFFFD0];
	[tilespmem:s24+$0x40] =	vst v4  }
0x3dc: {  	v4 =	vmul.f32 v8, v3;
	[tilespmem:s24+$0x30] =	vst v2  }
0x3dd: {  	v2 =	vmul.f32 v9, v3;
	[tilespmem:s24+$0xFFFFFFE0] =	vst v5  }
0x3de: {  	v5 =	vmul.f32 v7, v3;
	[tilespmem:s24+$0x10] =	vst v4  }
0x3df: {  	v4 =	vmul.f32 v10, v3;
	[tilespmem:s24+$0x0] =	vst v2  }
0x3e0: {  	[tilespmem:s24+$0xFFFFFFF0] =	vst v5;
	v2 =	vmul.f32 v6, v3  }
0x3e1: {  	[tilespmem:s24+$0x20] =	vst v4  }
0x3e2: {  	[tilespmem:s24+$0xFFFFFFD0] =	vst v2  }
0x3e3: {  	[spmem:s3] =	stream.indirect.scatter.add.f32 [tilespmem:s2], [sflag:$0x5], $0x90, s10, s7, $0xb8;
	[tilespmem:$0x1FBC0] =	vst v63  }
0x3e4: {  	s26 =	simm.s32 $0x0;
	_ =	swait.ge [sflag:s30], $0x2400  }
0x3e5: {  	s23 =	simm.s32 @!p0 $0x40;
	v2 =	vmov s26;
	[sflag:s30] =	ssyncset.done $0x0  }
0x3e6: {  	s24 =	simm.s32 @!p0 $0x4F30;
	s26 =	simm.s32 @!p0 $0x5430;
	v2 =	vand.u32 $0x3F, v2;
	[sflag:s30] =	ssyncadd.s32 $0xFFFFDC00  }
0x3e7: {  	v2 =	vor.u32 $0xC0, v2;
	[tilespmem:s26], [sflag:$0x3] =	stream.indirect.gather @!p0 [hbm4b:s8+s23], $0x90, s24, s23, $0xb8;
	[tilespmem:$0x1FBC0] =	vst v63  }
0x3e8: {  	v2 =	vbroadcast v2, $0x0;
	_ =	swait.ge [sflag:s18], $0x2400  }
0x3e9: {  	[sflag:s18] =	ssyncset.done $0x0  }
0x3ea: {  	s23 =	simm.s32 $0x7870;
	[sflag:s18] =	ssyncadd.s32 $0xFFFFDC00  }
0x3eb: {  	v6 =	vld [tilespmem:s23+$0xFFFFFFC0]  }
0x3ec: {  	v10 =	vld [tilespmem:s23+$0x30]  }
0x3ed: {  	v8 =	vld [tilespmem:s23+$0x40]  }
0x3ee: {  	v3 =	vld.idx.msk [tilespmem:v2+s25+$0x0], $0xffff  }
0x3ef: {  	v12 =	vld [tilespmem:s23+$0xFFFFFFE0]  }
0x3f0: {  	v2 =	vld [tilespmem:s23+$0xFFFFFFF0]  }
0x3f1: {  	v4 =	vld [tilespmem:s23+$0x20]  }
0x3f2: {  	v5 =	vld [tilespmem:s23+$0xFFFFFFD0]  }
0x3f3: {  	v7 =	vld [tilespmem:s23+$0x10]  }
0x3f4: {  	v11 =	vmul.f32 v6, v3;
	v9 =	vmul.f32 v8, v3;
	v6 =	vld [tilespmem:s23+$0x0]  }
0x3f5: {  	s28 =	simm.s32 $0x1;
	s26 =	simm.s32 $0x2;
	s24 =	simm.s32 $0x7870;
	v8 =	vmul.f32 v12, v3;
	v10 =	vmul.f32 v10, v3  }
.LBB2_19:
0x3f6: {  	p1 =	sne.s32 s26, $0x3F  }
0x3f7: {  	v12 =	vmov s28;
	[tilespmem:s23+$0xFFFFFFC0] =	vst v11;
	v5 =	vmul.f32 v5, v3;
	v4 =	vmul.f32 v4, v3;
	s24 =	sadd.s32 $0x90, s24;
	s28 =	smov.u32 s26;
	s26 =	sadd.s32 $0x1, s26  }
0x3f8: {  	v11 =	vand.u32 $0x3F, v12;
	v12 =	vmul.f32 v2, v3;
	v2 =	vmul.f32 v7, v3;
	[tilespmem:s23+$0x40] =	vst v9  }
0x3f9: {  	v7 =	vor.u32 $0xC0, v11;
	v3 =	vmul.f32 v6, v3;
	[tilespmem:s23+$0x30] =	vst v10  }
0x3fa: {  	v6 =	vbroadcast v7, $0x0;
	[tilespmem:s23+$0xFFFFFFE0] =	vst v8  }
0x3fb: {  	[tilespmem:s23+$0x10] =	vst v2  }
0x3fc: {  	v2 =	vld [tilespmem:s24+$0xFFFFFFF0];
	[tilespmem:s23+$0x0] =	vst v3  }
0x3fd: {  	v8 =	vld [tilespmem:s24+$0xFFFFFFC0];
	[tilespmem:s23+$0xFFFFFFF0] =	vst v12  }
0x3fe: {  	v10 =	vld [tilespmem:s24+$0x30];
	[tilespmem:s23+$0x20] =	vst v4  }
0x3ff: {  	v9 =	vld [tilespmem:s24+$0x40];
	[tilespmem:s23+$0xFFFFFFD0] =	vst v5;
	s23 =	smov.u32 s24  }
0x400: {  	v3 =	vld.idx.msk [tilespmem:v6+s25+$0x0], $0xffff  }
0x401: {  	v12 =	vld [tilespmem:s24+$0xFFFFFFE0]  }
0x402: {  	v4 =	vld [tilespmem:s24+$0x20]  }
.Ltmp10:
0x403: {  	v5 =	vld [tilespmem:s24+$0xFFFFFFD0];
	(pc) =	sbr.rel @p1 .LBB2_19-.Ltmp10, $4  }
0x404: {  	v7 =	vld [tilespmem:s24+$0x10]  }
0x405: {  	v6 =	vld [tilespmem:s24+$0x0]  }
0x406: {  	v11 =	vmul.f32 v8, v3;
	v9 =	vmul.f32 v9, v3  }
0x407: {  	v10 =	vmul.f32 v10, v3;
	v8 =	vmul.f32 v12, v3  }
0x408: {  	[tilespmem:s23+$0xFFFFFFC0] =	vst v11;
	v53 =	vmov s28  }
0x409: {  	[tilespmem:s23+$0x40] =	vst v9;
	v54 =	vand.u32 $0x3F, v53  }
0x40a: {  	v7 =	vmul.f32 v7, v3;
	[tilespmem:s23+$0x30] =	vst v10;
	v9 =	vor.u32 $0xC0, v54  }
0x40b: {  	[tilespmem:s23+$0xFFFFFFE0] =	vst v8;
	v6 =	vmul.f32 v6, v3;
	v55 =	vbroadcast v9, $0x0  }
0x40c: {  	s24 =	sadd.s32 $0x90, s24;
	v2 =	vmul.f32 v2, v3;
	[tilespmem:s23+$0x10] =	vst v7  }
0x40d: {  	v4 =	vmul.f32 v4, v3;
	v3 =	vmul.f32 v5, v3;
	v7 =	vld [tilespmem:s24+$0xFFFFFFF0];
	[tilespmem:s23+$0x0] =	vst v6  }
0x40e: {  	v56 =	vld [tilespmem:s24+$0xFFFFFFC0];
	[tilespmem:s23+$0xFFFFFFF0] =	vst v2  }
0x40f: {  	[tilespmem:s23+$0xFFFFFFD0] =	vst v3  }
0x410: {  	v2 =	vld [tilespmem:s24+$0x30];
	[tilespmem:s23+$0x20] =	vst v4  }
0x411: {  	v3 =	vld.idx.msk [tilespmem:v55+s25+$0x0], $0xffff  }
0x412: {  	v4 =	vld [tilespmem:s24+$0x40];
	_ =	sdelay $0x1  }
0x413: {  	v57 =	vld [tilespmem:s24+$0xFFFFFFE0]  }
0x414: {  	v58 =	vld [tilespmem:s24+$0x10]  }
0x415: {  	v6 =	vmul.f32 v56, v3  }
0x416: {  	v59 =	vld [tilespmem:s24+$0x0];
	v4 =	vmul.f32 v4, v3  }
0x417: {  	v10 =	vld [tilespmem:s24+$0x20];
	v2 =	vmul.f32 v2, v3;
	[tilespmem:s24+$0xFFFFFFC0] =	vst v6  }
0x418: {  	v60 =	vld [tilespmem:s24+$0xFFFFFFD0];
	v5 =	vmul.f32 v57, v3;
	[tilespmem:s24+$0x40] =	vst v4  }
0x419: {  	v61 =	vmul.f32 v58, v3;
	[tilespmem:s24+$0x30] =	vst v2  }
0x41a: {  	v62 =	vmul.f32 v7, v3;
	[tilespmem:s24+$0xFFFFFFE0] =	vst v5  }
0x41b: {  	v2 =	vmul.f32 v59, v3;
	[tilespmem:s24+$0x10] =	vst v61  }
0x41c: {  	v63 =	vmul.f32 v10, v3;
	[tilespmem:s24+$0xFFFFFFF0] =	vst v62  }
0x41d: {  	[tilespmem:s24+$0x0] =	vst v2;
	v2 =	vmul.f32 v60, v3  }
0x41e: {  	[tilespmem:s24+$0x20] =	vst v63  }
.Ltmp11:
0x41f: {  	[tilespmem:s24+$0xFFFFFFD0] =	vst v2;
	(pc) =	sbr.rel @p0 .LBB2_22-.Ltmp11, $4  }
0x420: {  	[spmem:s3] =	stream.indirect.scatter.add.f32 [tilespmem:s13], [sflag:$0x5], $0x90, s12, s7, $0xb8;
	[tilespmem:$0x1FBC0] =	vst v63  }
0x421: {  	_ =	swait.ge [sflag:s30], $0x2400  }
0x422: {  	[sflag:s30] =	ssyncset.done $0x0  }
0x423: {  	[sflag:s30] =	ssyncadd.s32 $0xFFFFDC00  }
0x424: {  	s23 =	simm.s32 $0x4F70  }
0x425: {  	[tilespmem:s13], [sflag:$0x4] =	stream.indirect.gather [hbm4b:s8+s7], $0x90, s23, s7, $0xb8;
	[tilespmem:$0x1FBC0] =	vst v63  }
0x426: {  	v2 =	vld [tilespmem:$0x4E30]  }
0x427: {  	v3 =	vld [tilespmem:$0x4F30];
	_ =	sdelay $0x6  }
0x428: {  	v2 =	vld.idx.msk [tilespmem:v2+s4+$0x0], $0xffff  }
0x429: {  	v3 =	vld.idx.msk [tilespmem:v3+s31+$0x0], $0xffff;
	_ =	sdelay $0x4  }
0x42a: {  	v2 =	vadd.f32 v3, v2;
	_ =	sdelay $0x1  }
0x42b: {  	v3 =	vmul.f32 $2.000000030e-01, v2  }
0x42c: {  	vm0 =	vgt.f32 v2, $0.0e+00  }
0x42d: {  	v2 =	vsel vm0, v2, v3  }
0x42e: {  	v2 =	vsub.f32 v2, v1;
	_ =	sdelay $0x1  }
0x42f: {  	v2 =	vmul.f32 $1.442695020e+00, v2;
	_ =	sdelay $0x1  }
0x430: {  	(erf) = vpow2.f32 v2;
	_ =	sdelay $0x3  }
0x431: {  	v2 =	vld [tilespmem:$0x4E40]  }
0x432: {  	v3 =	vld [tilespmem:$0x4F40];
	_ =	sdelay $0x2  }
0x433: {  	s22 =	sshll.u32 s22, $0x8  }
0x434: {  	p0 =	slt.u32 s22, $0x2710;
	v4 =	vpop (erf)  }
0x435: {  	v4 =	vpsel !p0, $0x0, v4  }
0x436: {  	[tilespmem:$0x5030] =	vst v4  }
0x437: {  	v2 =	vld.idx.msk [tilespmem:v2+s4+$0x0], $0xffff  }
0x438: {  	v3 =	vld.idx.msk [tilespmem:v3+s31+$0x0], $0xffff;
	_ =	sdelay $0x4  }
0x439: {  	v2 =	vadd.f32 v3, v2;
	_ =	sdelay $0x1  }
0x43a: {  	v3 =	vmul.f32 $2.000000030e-01, v2  }
0x43b: {  	vm13 =	vgt.f32 v2, $0.0e+00  }
0x43c: {  	v2 =	vsel vm13, v2, v3  }
0x43d: {  	v2 =	vsub.f32 v2, v1;
	_ =	sdelay $0x1  }
0x43e: {  	v2 =	vmul.f32 $1.442695020e+00, v2;
	_ =	sdelay $0x1  }
0x43f: {  	(erf) = vpow2.f32 v2;
	_ =	sdelay $0x3  }
0x440: {  	v2 =	vld [tilespmem:$0x4E50]  }
0x441: {  	v3 =	vld [tilespmem:$0x4F50];
	_ =	sdelay $0x2  }
0x442: {  	s24 =	sor.u32 $0x10, s22  }
0x443: {  	p4 =	slt.u32 s24, $0x2710;
	v50 =	vpop (erf)  }
0x444: {  	v4 =	vpsel !p4, $0x0, v50  }
0x445: {  	[tilespmem:$0x5040] =	vst v4  }
0x446: {  	v2 =	vld.idx.msk [tilespmem:v2+s4+$0x0], $0xffff  }
0x447: {  	v3 =	vld.idx.msk [tilespmem:v3+s31+$0x0], $0xffff;
	_ =	sdelay $0x4  }
0x448: {  	v2 =	vadd.f32 v3, v2;
	_ =	sdelay $0x1  }
0x449: {  	v3 =	vmul.f32 $2.000000030e-01, v2  }
0x44a: {  	vm14 =	vgt.f32 v2, $0.0e+00  }
0x44b: {  	v2 =	vsel vm14, v2, v3  }
0x44c: {  	v2 =	vsub.f32 v2, v1;
	_ =	sdelay $0x1  }
0x44d: {  	v2 =	vmul.f32 $1.442695020e+00, v2;
	_ =	sdelay $0x1  }
0x44e: {  	(erf) = vpow2.f32 v2;
	_ =	sdelay $0x3  }
0x44f: {  	v2 =	vld [tilespmem:$0x4E60]  }
0x450: {  	v3 =	vld [tilespmem:$0x4F60];
	_ =	sdelay $0x2  }
0x451: {  	s26 =	sor.u32 $0x20, s22  }
0x452: {  	p5 =	slt.u32 s26, $0x2710;
	v51 =	vpop (erf)  }
0x453: {  	v4 =	vpsel !p5, $0x0, v51  }
0x454: {  	[tilespmem:$0x5050] =	vst v4  }
0x455: {  	v2 =	vld.idx.msk [tilespmem:v2+s4+$0x0], $0xffff  }
0x456: {  	v3 =	vld.idx.msk [tilespmem:v3+s31+$0x0], $0xffff;
	_ =	sdelay $0x4  }
0x457: {  	v2 =	vadd.f32 v3, v2;
	_ =	sdelay $0x1  }
0x458: {  	v3 =	vmul.f32 $2.000000030e-01, v2  }
0x459: {  	vm15 =	vgt.f32 v2, $0.0e+00  }
0x45a: {  	v2 =	vsel vm15, v2, v3  }
0x45b: {  	v2 =	vsub.f32 v2, v1;
	_ =	sdelay $0x1  }
0x45c: {  	v2 =	vmul.f32 $1.442695020e+00, v2;
	_ =	sdelay $0x1  }
0x45d: {  	(erf) = vpow2.f32 v2;
	_ =	sdelay $0x3  }
0x45e: {  	v2 =	vld [tilespmem:$0x4E70]  }
0x45f: {  	v3 =	vld [tilespmem:$0x4F70];
	_ =	sdelay $0x2  }
0x460: {  	s28 =	sor.u32 $0x30, s22  }
0x461: {  	p6 =	slt.u32 s28, $0x2710;
	v52 =	vpop (erf)  }
0x462: {  	v4 =	vpsel !p6, $0x0, v52  }
0x463: {  	[tilespmem:$0x5060] =	vst v4  }
0x464: {  	v2 =	vld.idx.msk [tilespmem:v2+s4+$0x0], $0xffff  }
0x465: {  	v3 =	vld.idx.msk [tilespmem:v3+s31+$0x0], $0xffff;
	_ =	sdelay $0x4  }
0x466: {  	v2 =	vadd.f32 v3, v2;
	_ =	sdelay $0x1  }
0x467: {  	v3 =	vmul.f32 $2.000000030e-01, v2  }
0x468: {  	vm4 =	vgt.f32 v2, $0.0e+00  }
0x469: {  	v2 =	vsel vm4, v2, v3  }
0x46a: {  	v2 =	vsub.f32 v2, v1;
	_ =	sdelay $0x1  }
0x46b: {  	v2 =	vmul.f32 $1.442695020e+00, v2;
	_ =	sdelay $0x1  }
0x46c: {  	(erf) = vpow2.f32 v2;
	_ =	sdelay $0x3  }
0x46d: {  	v2 =	vld [tilespmem:$0x4E80]  }
0x46e: {  	v3 =	vld [tilespmem:$0x4F80];
	_ =	sdelay $0x2  }
0x46f: {  	s24 =	sor.u32 $0x40, s22  }
0x470: {  	p1 =	slt.u32 s24, $0x2710;
	v53 =	vpop (erf)  }
0x471: {  	v4 =	vpsel !p1, $0x0, v53  }
0x472: {  	[tilespmem:$0x5070] =	vst v4  }
0x473: {  	v2 =	vld.idx.msk [tilespmem:v2+s4+$0x0], $0xffff  }
0x474: {  	v3 =	vld.idx.msk [tilespmem:v3+s31+$0x0], $0xffff;
	_ =	sdelay $0x4  }
0x475: {  	v2 =	vadd.f32 v3, v2;
	_ =	sdelay $0x1  }
0x476: {  	v3 =	vmul.f32 $2.000000030e-01, v2  }
0x477: {  	vm5 =	vgt.f32 v2, $0.0e+00  }
0x478: {  	v2 =	vsel vm5, v2, v3  }
0x479: {  	v2 =	vsub.f32 v2, v1;
	_ =	sdelay $0x1  }
0x47a: {  	v2 =	vmul.f32 $1.442695020e+00, v2;
	_ =	sdelay $0x1  }
0x47b: {  	(erf) = vpow2.f32 v2;
	_ =	sdelay $0x3  }
0x47c: {  	v2 =	vld [tilespmem:$0x4E90]  }
0x47d: {  	v3 =	vld [tilespmem:$0x4F90];
	_ =	sdelay $0x2  }
0x47e: {  	s26 =	sor.u32 $0x50, s22  }
0x47f: {  	p2 =	slt.u32 s26, $0x2710;
	v54 =	vpop (erf)  }
0x480: {  	v4 =	vpsel !p2, $0x0, v54  }
0x481: {  	[tilespmem:$0x5080] =	vst v4  }
0x482: {  	v2 =	vld.idx.msk [tilespmem:v2+s4+$0x0], $0xffff  }
0x483: {  	v3 =	vld.idx.msk [tilespmem:v3+s31+$0x0], $0xffff;
	_ =	sdelay $0x4  }
0x484: {  	v2 =	vadd.f32 v3, v2;
	_ =	sdelay $0x1  }
0x485: {  	v3 =	vmul.f32 $2.000000030e-01, v2  }
0x486: {  	vm6 =	vgt.f32 v2, $0.0e+00  }
0x487: {  	v2 =	vsel vm6, v2, v3  }
0x488: {  	v2 =	vsub.f32 v2, v1;
	_ =	sdelay $0x1  }
0x489: {  	v2 =	vmul.f32 $1.442695020e+00, v2;
	_ =	sdelay $0x1  }
0x48a: {  	(erf) = vpow2.f32 v2;
	_ =	sdelay $0x3  }
0x48b: {  	v2 =	vld [tilespmem:$0x4EA0]  }
0x48c: {  	v3 =	vld [tilespmem:$0x4FA0];
	_ =	sdelay $0x2  }
0x48d: {  	s28 =	sor.u32 $0x60, s22  }
0x48e: {  	p3 =	slt.u32 s28, $0x2710;
	v55 =	vpop (erf)  }
0x48f: {  	v4 =	vpsel !p3, $0x0, v55  }
0x490: {  	[tilespmem:$0x5090] =	vst v4  }
0x491: {  	v2 =	vld.idx.msk [tilespmem:v2+s4+$0x0], $0xffff  }
0x492: {  	v3 =	vld.idx.msk [tilespmem:v3+s31+$0x0], $0xffff;
	_ =	sdelay $0x4  }
0x493: {  	v2 =	vadd.f32 v3, v2;
	_ =	sdelay $0x1  }
0x494: {  	v3 =	vmul.f32 $2.000000030e-01, v2  }
0x495: {  	vm7 =	vgt.f32 v2, $0.0e+00  }
0x496: {  	v2 =	vsel vm7, v2, v3  }
0x497: {  	v2 =	vsub.f32 v2, v1;
	_ =	sdelay $0x1  }
0x498: {  	v2 =	vmul.f32 $1.442695020e+00, v2;
	_ =	sdelay $0x1  }
0x499: {  	(erf) = vpow2.f32 v2;
	_ =	sdelay $0x3  }
0x49a: {  	v2 =	vld [tilespmem:$0x4EB0]  }
0x49b: {  	v3 =	vld [tilespmem:$0x4FB0];
	_ =	sdelay $0x2  }
0x49c: {  	s24 =	sor.u32 $0x70, s22  }
0x49d: {  	p4 =	slt.u32 s24, $0x2710;
	v56 =	vpop (erf)  }
0x49e: {  	v4 =	vpsel !p4, $0x0, v56  }
0x49f: {  	[tilespmem:$0x50A0] =	vst v4  }
0x4a0: {  	v2 =	vld.idx.msk [tilespmem:v2+s4+$0x0], $0xffff  }
0x4a1: {  	v3 =	vld.idx.msk [tilespmem:v3+s31+$0x0], $0xffff;
	_ =	sdelay $0x4  }
0x4a2: {  	v2 =	vadd.f32 v3, v2;
	_ =	sdelay $0x1  }
0x4a3: {  	v3 =	vmul.f32 $2.000000030e-01, v2  }
0x4a4: {  	vm8 =	vgt.f32 v2, $0.0e+00  }
0x4a5: {  	v2 =	vsel vm8, v2, v3  }
0x4a6: {  	v2 =	vsub.f32 v2, v1;
	_ =	sdelay $0x1  }
0x4a7: {  	v2 =	vmul.f32 $1.442695020e+00, v2;
	_ =	sdelay $0x1  }
0x4a8: {  	(erf) = vpow2.f32 v2;
	_ =	sdelay $0x3  }
0x4a9: {  	v2 =	vld [tilespmem:$0x4EC0]  }
0x4aa: {  	v3 =	vld [tilespmem:$0x4FC0];
	_ =	sdelay $0x2  }
0x4ab: {  	s26 =	sor.u32 $0x80, s22  }
0x4ac: {  	p5 =	slt.u32 s26, $0x2710;
	v57 =	vpop (erf)  }
0x4ad: {  	v4 =	vpsel !p5, $0x0, v57  }
0x4ae: {  	[tilespmem:$0x50B0] =	vst v4  }
0x4af: {  	v2 =	vld.idx.msk [tilespmem:v2+s4+$0x0], $0xffff  }
0x4b0: {  	v3 =	vld.idx.msk [tilespmem:v3+s31+$0x0], $0xffff;
	_ =	sdelay $0x4  }
0x4b1: {  	v2 =	vadd.f32 v3, v2;
	_ =	sdelay $0x1  }
0x4b2: {  	v3 =	vmul.f32 $2.000000030e-01, v2  }
0x4b3: {  	vm9 =	vgt.f32 v2, $0.0e+00  }
0x4b4: {  	v2 =	vsel vm9, v2, v3  }
0x4b5: {  	v2 =	vsub.f32 v2, v1;
	_ =	sdelay $0x1  }
0x4b6: {  	v2 =	vmul.f32 $1.442695020e+00, v2;
	_ =	sdelay $0x1  }
0x4b7: {  	(erf) = vpow2.f32 v2;
	_ =	sdelay $0x3  }
0x4b8: {  	v2 =	vld [tilespmem:$0x4ED0]  }
0x4b9: {  	v3 =	vld [tilespmem:$0x4FD0];
	_ =	sdelay $0x2  }
0x4ba: {  	s28 =	sor.u32 $0x90, s22  }
0x4bb: {  	p6 =	slt.u32 s28, $0x2710;
	v58 =	vpop (erf)  }
0x4bc: {  	v4 =	vpsel !p6, $0x0, v58  }
0x4bd: {  	[tilespmem:$0x50C0] =	vst v4  }
0x4be: {  	v2 =	vld.idx.msk [tilespmem:v2+s4+$0x0], $0xffff  }
0x4bf: {  	v3 =	vld.idx.msk [tilespmem:v3+s31+$0x0], $0xffff;
	_ =	sdelay $0x4  }
0x4c0: {  	v2 =	vadd.f32 v3, v2;
	_ =	sdelay $0x1  }
0x4c1: {  	v3 =	vmul.f32 $2.000000030e-01, v2  }
0x4c2: {  	vm10 =	vgt.f32 v2, $0.0e+00  }
0x4c3: {  	v2 =	vsel vm10, v2, v3  }
0x4c4: {  	v2 =	vsub.f32 v2, v1;
	_ =	sdelay $0x1  }
0x4c5: {  	v2 =	vmul.f32 $1.442695020e+00, v2;
	_ =	sdelay $0x1  }
0x4c6: {  	(erf) = vpow2.f32 v2;
	_ =	sdelay $0x3  }
0x4c7: {  	v2 =	vld [tilespmem:$0x4EE0]  }
0x4c8: {  	v3 =	vld [tilespmem:$0x4FE0];
	_ =	sdelay $0x2  }
0x4c9: {  	s24 =	sor.u32 $0xA0, s22  }
0x4ca: {  	p1 =	slt.u32 s24, $0x2710;
	v59 =	vpop (erf)  }
0x4cb: {  	v4 =	vpsel !p1, $0x0, v59  }
0x4cc: {  	[tilespmem:$0x50D0] =	vst v4  }
0x4cd: {  	v2 =	vld.idx.msk [tilespmem:v2+s4+$0x0], $0xffff  }
0x4ce: {  	v3 =	vld.idx.msk [tilespmem:v3+s31+$0x0], $0xffff;
	_ =	sdelay $0x4  }
0x4cf: {  	v2 =	vadd.f32 v3, v2;
	_ =	sdelay $0x1  }
0x4d0: {  	v3 =	vmul.f32 $2.000000030e-01, v2  }
0x4d1: {  	vm11 =	vgt.f32 v2, $0.0e+00  }
0x4d2: {  	v2 =	vsel vm11, v2, v3  }
0x4d3: {  	v2 =	vsub.f32 v2, v1;
	_ =	sdelay $0x1  }
0x4d4: {  	v2 =	vmul.f32 $1.442695020e+00, v2;
	_ =	sdelay $0x1  }
0x4d5: {  	(erf) = vpow2.f32 v2;
	_ =	sdelay $0x3  }
0x4d6: {  	v2 =	vld [tilespmem:$0x4EF0]  }
0x4d7: {  	v3 =	vld [tilespmem:$0x4FF0];
	_ =	sdelay $0x2  }
0x4d8: {  	s26 =	sor.u32 $0xB0, s22  }
0x4d9: {  	p2 =	slt.u32 s26, $0x2710;
	v60 =	vpop (erf)  }
0x4da: {  	v4 =	vpsel !p2, $0x0, v60  }
0x4db: {  	[tilespmem:$0x50E0] =	vst v4  }
0x4dc: {  	v2 =	vld.idx.msk [tilespmem:v2+s4+$0x0], $0xffff  }
0x4dd: {  	v3 =	vld.idx.msk [tilespmem:v3+s31+$0x0], $0xffff;
	_ =	sdelay $0x4  }
0x4de: {  	v2 =	vadd.f32 v3, v2;
	_ =	sdelay $0x1  }
0x4df: {  	v3 =	vmul.f32 $2.000000030e-01, v2  }
0x4e0: {  	vm12 =	vgt.f32 v2, $0.0e+00  }
0x4e1: {  	v2 =	vsel vm12, v2, v3  }
0x4e2: {  	v2 =	vsub.f32 v2, v1;
	_ =	sdelay $0x1  }
0x4e3: {  	v2 =	vmul.f32 $1.442695020e+00, v2;
	_ =	sdelay $0x1  }
0x4e4: {  	(erf) = vpow2.f32 v2;
	_ =	sdelay $0x3  }
0x4e5: {  	v2 =	vld [tilespmem:$0x4F00]  }
0x4e6: {  	v3 =	vld [tilespmem:$0x5000];
	_ =	sdelay $0x2  }
0x4e7: {  	s28 =	sor.u32 $0xC0, s22  }
0x4e8: {  	p3 =	slt.u32 s28, $0x2710;
	v61 =	vpop (erf)  }
0x4e9: {  	v4 =	vpsel !p3, $0x0, v61  }
0x4ea: {  	[tilespmem:$0x50F0] =	vst v4  }
0x4eb: {  	v2 =	vld.idx.msk [tilespmem:v2+s4+$0x0], $0xffff  }
0x4ec: {  	v3 =	vld.idx.msk [tilespmem:v3+s31+$0x0], $0xffff;
	_ =	sdelay $0x4  }
0x4ed: {  	v2 =	vadd.f32 v3, v2;
	_ =	sdelay $0x1  }
0x4ee: {  	v3 =	vmul.f32 $2.000000030e-01, v2  }
0x4ef: {  	vm13 =	vgt.f32 v2, $0.0e+00  }
0x4f0: {  	v2 =	vsel vm13, v2, v3  }
0x4f1: {  	v2 =	vsub.f32 v2, v1;
	_ =	sdelay $0x1  }
0x4f2: {  	v2 =	vmul.f32 $1.442695020e+00, v2;
	_ =	sdelay $0x1  }
0x4f3: {  	(erf) = vpow2.f32 v2;
	_ =	sdelay $0x3  }
0x4f4: {  	v2 =	vld [tilespmem:$0x4F10]  }
0x4f5: {  	v3 =	vld [tilespmem:$0x5010];
	_ =	sdelay $0x2  }
0x4f6: {  	s24 =	sor.u32 $0xD0, s22  }
0x4f7: {  	p4 =	slt.u32 s24, $0x2710;
	v62 =	vpop (erf)  }
0x4f8: {  	v4 =	vpsel !p4, $0x0, v62  }
0x4f9: {  	[tilespmem:$0x5100] =	vst v4  }
0x4fa: {  	v2 =	vld.idx.msk [tilespmem:v2+s4+$0x0], $0xffff  }
0x4fb: {  	v3 =	vld.idx.msk [tilespmem:v3+s31+$0x0], $0xffff;
	_ =	sdelay $0x4  }
0x4fc: {  	v2 =	vadd.f32 v3, v2;
	_ =	sdelay $0x1  }
0x4fd: {  	v3 =	vmul.f32 $2.000000030e-01, v2  }
0x4fe: {  	vm14 =	vgt.f32 v2, $0.0e+00  }
0x4ff: {  	v2 =	vsel vm14, v2, v3  }
0x500: {  	v2 =	vsub.f32 v2, v1;
	_ =	sdelay $0x1  }
0x501: {  	v2 =	vmul.f32 $1.442695020e+00, v2;
	_ =	sdelay $0x1  }
0x502: {  	(erf) = vpow2.f32 v2;
	_ =	sdelay $0x3  }
0x503: {  	v2 =	vld [tilespmem:$0x4F20]  }
0x504: {  	v3 =	vld [tilespmem:$0x5020];
	_ =	sdelay $0x2  }
0x505: {  	s26 =	sor.u32 $0xE0, s22  }
0x506: {  	p5 =	slt.u32 s26, $0x2710;
	v63 =	vpop (erf)  }
0x507: {  	v4 =	vpsel !p5, $0x0, v63  }
0x508: {  	[tilespmem:$0x5110] =	vst v4  }
0x509: {  	v2 =	vld.idx.msk [tilespmem:v2+s4+$0x0], $0xffff  }
0x50a: {  	v3 =	vld.idx.msk [tilespmem:v3+s31+$0x0], $0xffff;
	_ =	sdelay $0x4  }
0x50b: {  	v2 =	vadd.f32 v3, v2;
	_ =	sdelay $0x1  }
0x50c: {  	v3 =	vmul.f32 $2.000000030e-01, v2  }
0x50d: {  	vm15 =	vgt.f32 v2, $0.0e+00  }
0x50e: {  	v2 =	vsel vm15, v2, v3  }
0x50f: {  	v2 =	vsub.f32 v2, v1;
	_ =	sdelay $0x1  }
0x510: {  	v2 =	vmul.f32 $1.442695020e+00, v2;
	_ =	sdelay $0x1  }
0x511: {  	(erf) = vpow2.f32 v2;
	_ =	sdelay $0x7  }
0x512: {  	s22 =	sor.u32 $0xF0, s22  }
0x513: {  	s20 =	sadd.s32 s20, s29;
	p6 =	slt.u32 s22, $0x2710;
	v2 =	vpop (erf)  }
.Ltmp12:
0x514: {  	s20 =	sshrl.u32 s20, $0x3;
	v2 =	vpsel !p6, $0x0, v2;
	(pc) =	sbr.rel .LBB2_4-.Ltmp12, $4  }
0x515: {  	s28 =	sadd.s32 s1, s20;
	[tilespmem:$0x5120] =	vst v2  }
0x516: {  	[tilespmem:s0], [sflag:$0x2] =	stream.linear.gather [hbm4b:s28+s4], $0x100, $0x38;
	[tilespmem:$0x1FBC0] =	vst v63  }
0x517: {  	s19 =	sadd.s32 $0x1, s19;
	s20 =	sadd.s32 s5, s20  }
0x518: {  	[tilespmem:s9], [sflag:$0x2] =	stream.linear.gather [hbm4b:s20+s4], $0x100, $0x38;
	[tilespmem:$0x1FBC0] =	vst v63  }
.LBB2_23:
0x519: {  	_ =	sfence.sel $0x180000  }
0x51a: {  	[bflag:$0x0] =	sbarrier.arrive $0xFFFF  }
0x51b: {  	_ =	strace $0x90000047  }
0x51c: {  	s0 =	stileid.u32;
	[bflag:$0x2] =	sbarrier.arrive $0xFFFF  }
0x51d: {  	p0 =	sne.s32 s0, $0x0;
	s0 =	rddreg [dreg:$0x3]  }
0x51e: {  	s0 =	sadd.s32 @!p0 $0x100000, s0  }
0x51f: {  	[sflag:s0] =	ssyncadd.tile.s32 @!p0 $0x1;
	_ =	shalt  }
.Lfunc_end2:
_tile_overlayer_lowered:
.L_overlay_start_2:
0x520: {  	(tag) =	ssettag $0x2  }
0x521: {  	s0 =	rddreg [dreg:$0x0];
	s2 =	stileid.u32  }
0x522: {  	s1 =	rddreg [dreg:$0x1];
	p0 =	sne.s32 s2, $0x0  }
0x523: {  	s3 =	rddreg [dreg:$0x2];
	[bflag:$0x3] =	sbarrier.arrive $0xFFFF;
	s2 =	simm.s32 @!p0 $0x1C05  }
0x524: {  	[timem:s3], [sflag:s2] =	dma.local @!p0 [hbm:s0], s1  }
0x525: {  	s0 =	simm.s32 @!p0 $0x5  }
0x526: {  	_ =	swait.ge @!p0 [sflag:s0], s1  }
0x527: {  	s1 =	ssub.s32 @!p0 $0x0, s1;
	[sflag:s0] =	ssyncset.done @!p0 $0x0  }
0x528: {  	[sflag:s0] =	ssyncadd.s32 @!p0 s1  }
0x529: {  	[bflag:$0x3] =	sbarrier.arrive $0xFFFF  }
0x52a: {  	_ =	shalt  }

</sc_bundles>
